<compile_context>
chip_gen: v7x
topology: tpu7x:2x2x1
jax: 0.10.2.dev20260603
libtpu: 0.0.44.dev20260713+nightly
codegen_flags: <defaults>
</compile_context>

<pallas_src>
import functools

import jax
import jax.numpy as jnp
from jax import lax
from jax.experimental import pallas as pl
from jax.experimental.pallas import tpu as pltpu
from jax.experimental.pallas import tpu_sc as plsc

N = 1048576
C = 13
NT = 32
PT = N // NT
CH = 2048
NCH = PT // CH
NB = 2048
SHIFT = 15
BASE = (127 - 8) << 8
HROW = C * NB
HTOT = 2 * HROW
HALF = C * CH

_mesh = plsc.VectorSubcoreMesh(core_axis_name="c", subcore_axis_name="s")


@functools.partial(
    pl.kernel,
    out_type=jax.ShapeDtypeStruct((NT, HTOT), jnp.float32),
    mesh=_mesh,
    compiler_params=pltpu.CompilerParams(needs_layout_passes=False),
    scratch_types=[
        pltpu.VMEM((2 * HALF,), jnp.float32),
        pltpu.VMEM((2 * CH,), jnp.int32),
        pltpu.VMEM((HTOT,), jnp.float32),
        pltpu.SemaphoreType.DMA,
        pltpu.SemaphoreType.DMA,
    ],
)
def _hist_kernel(*args):
    (*cls_hbm, targets_hbm, out_hbm, lbuf, tbuf, hist, sem0, sem1) = args
    wid = lax.axis_index("s") * 2 + lax.axis_index("c")
    pix0 = wid * PT
    zeros16 = jnp.zeros((16,), jnp.float32)
    ones16 = jnp.ones((16,), jnp.float32)
    shiftv = jnp.full((16,), SHIFT, jnp.int32)
    sems = (sem0, sem1)

    @pl.loop(0, HTOT // 16, unroll=8)
    def _zero(i):
        hist[pl.ds(i * 16, 16)] = zeros16

    def issue(ch, slot):
        base = pix0 + ch * CH
        sem = sems[slot]
        for c in range(C):
            pltpu.async_copy(
                cls_hbm[c].at[pl.ds(base, CH)],
                lbuf.at[pl.ds(slot * HALF + c * CH, CH)], sem)
        pltpu.async_copy(targets_hbm.at[pl.ds(base, CH)],
                         tbuf.at[pl.ds(slot * CH, CH)], sem)

    def wait(slot):
        sem = sems[slot]
        for c in range(C):
            pltpu.make_async_copy(
                cls_hbm[c].at[pl.ds(0, CH)],
                lbuf.at[pl.ds(slot * HALF + c * CH, CH)], sem).wait()
        pltpu.make_async_copy(targets_hbm.at[pl.ds(0, CH)],
                              tbuf.at[pl.ds(slot * CH, CH)], sem).wait()

    def process(slot):
        @pl.loop(0, CH // 16, unroll=4)
        def _grp(g):
            tgt = tbuf[pl.ds(slot * CH + g * 16, 16)]
            vs = [lbuf[pl.ds(slot * HALF + c * CH + g * 16, 16)]
                  for c in range(C)]
            es = [jnp.exp(v) for v in vs]
            acc = list(es)
            while len(acc) > 1:
                acc = [acc[i] + acc[i + 1] for i in range(0, len(acc) - 1, 2)] \
                    + acc[len(acc) - (len(acc) % 2):]
            inv = 1.0 / acc[0]
            for c in range(C):
                p = es[c] * inv
                isfg = tgt == c
                e = jnp.where(isfg, 1.0 - p, p)
                bits = plsc.bitcast(e, jnp.int32)
                braw = lax.shift_right_logical(bits, shiftv)
                braw = jnp.minimum(jnp.maximum(braw, BASE), BASE + NB - 1)
                off = jnp.where(isfg, c * NB - BASE + HROW, c * NB - BASE)
                plsc.addupdate_scatter(hist, [braw + off], ones16)

    issue(0, 0)

    @pl.loop(0, NCH // 2)
    def _pair(pr):
        ch0 = pr * 2

        wait(0)

        @pl.when(ch0 + 1 < NCH)
        def _():
            issue(ch0 + 1, 1)

        process(0)
        wait(1)

        @pl.when(ch0 + 2 < NCH)
        def _():
            issue(ch0 + 2, 0)

        process(1)

    pltpu.sync_copy(hist, out_hbm.at[wid])


def _finish_body(hist_ref, out_ref):
    hs = jnp.sum(hist_ref[...], axis=0)
    fcn = hs[1]
    cnt = hs[0] + fcn
    row = lax.broadcasted_iota(jnp.int32, (NB, NB), 0)
    col = lax.broadcasted_iota(jnp.int32, (NB, NB), 1)
    m = (row > col).astype(jnp.float32)
    n_above = jnp.dot(cnt, m, preferred_element_type=jnp.float32,
                      precision=lax.Precision.HIGHEST)
    f_above = jnp.dot(fcn, m, preferred_element_type=jnp.float32,
                      precision=lax.Precision.HIGHEST)
    g = jnp.sum(fcn, axis=1, keepdims=True)

    def jac(n, f):
        den = g + n - f
        return jnp.where(den > 0, 1.0 - (g - f) / jnp.where(den > 0, den, 1.0),
                         0.0)

    dj = jac(n_above + cnt, f_above + fcn) - jac(n_above, f_above)
    k = lax.broadcasted_iota(jnp.int32, (1, NB), 1)
    r = k + BASE
    mant = (r & 255).astype(jnp.float32)
    scale = jnp.exp2(((r >> 8) - 127).astype(jnp.float32))
    center = scale * (1.0 + (mant + 0.5) * (1.0 / 256.0))
    center = jnp.where(k == 0, 2.0 ** -9, center)
    losses = jnp.sum(center * dj, axis=1)
    present = g[:, 0] > 0
    countp = jnp.sum(present.astype(jnp.float32))
    total = jnp.sum(jnp.where(present, losses, 0.0))
    res = jnp.where(countp > 0, total / jnp.maximum(countp, 1.0), 0.0)
    out_ref[...] = res.reshape(1, 1)


_finish_kernel = pl.pallas_call(
    _finish_body,
    out_shape=jax.ShapeDtypeStruct((1, 1), jnp.float32),
)


def kernel(logits, targets):
    cols = [logits[:, c] for c in range(C)]
    hist = _hist_kernel(*cols, targets)
    out = _finish_kernel(hist.reshape(NT, 2, C, NB))
    return out.reshape(())

# --- scband reference (transcript-rebuilt; emitter-appended) ---
"""Pipeline reference for scband-lovasz-softmax-loss-46076409151793 (READ-ONLY COPY).

The authoritative reference and input builder live on the scoring server;
editing this copy changes nothing except your own understanding.
"""

import jax, jax.numpy as jnp
import numpy as np

N = 1048576
C = 13
IGNORE_INDEX = -100


def _lovasz_grad(gt_sorted):
    gts = jnp.sum(gt_sorted)
    intersection = gts - jnp.cumsum(gt_sorted.astype(jnp.float32), 0)
    union = gts + jnp.cumsum((1.0 - gt_sorted).astype(jnp.float32), 0)
    jaccard = 1.0 - intersection / union
    jaccard = jnp.concatenate([jaccard[:1], jaccard[1:] - jaccard[:-1]])
    return jaccard


def setup_inputs(seed: int = 0) -> dict:
    key = jax.random.key(seed)
    k1, k2 = jax.random.split(key)
    logits = jax.random.normal(k1, (N, C), dtype=jnp.float32)
    targets = jax.random.randint(k2, (N,), 0, C, dtype=jnp.int32)
    return {"logits": logits, "targets": targets}


def reference(logits, targets):
    valid = targets != IGNORE_INDEX
    num_classes = logits.shape[1]
    probs = jax.nn.softmax(logits, axis=1)
    losses = []
    presents = []
    for c in range(num_classes):
        fg = ((targets == c) & valid).astype(jnp.float32)
        presents.append(jnp.sum(fg) > 0)
        class_p = probs[:, c]
        errors = jnp.where(valid, jnp.abs(fg - class_p), 0.0)
        perm = jnp.argsort(-errors)
        errors_sorted = errors[perm]
        fg_sorted = fg[perm]
        grad = _lovasz_grad(fg_sorted)
        losses.append(jnp.dot(errors_sorted, grad))
    losses = jnp.stack(losses)
    present = jnp.stack(presents)
    count = jnp.sum(present.astype(jnp.float32))
    total = jnp.sum(jnp.where(present, losses, 0.0))
    mean_loss = total / jnp.maximum(count, 1.0)
    return jnp.where(count > 0, mean_loss, jnp.sum(logits) * 0.0)

if __name__ == "__main__":
    import jax
    _d = setup_inputs()
    print(jax.jit(kernel)(*tuple(_d.values())))

</pallas_src>

<mosaic_0001>
#map = affine_map<(d0, d1) -> (0)>
#map1 = affine_map<(d0, d1) -> (0, 0)>
module attributes {stable_mosaic.version = 14 : i64} {
  func.func @_hist_kernel(%arg0: i32, %arg1: i32, %arg2: memref<1048576xf32, #tpu.memory_space<hbm>>, %arg3: memref<1048576xf32, #tpu.memory_space<hbm>>, %arg4: memref<1048576xf32, #tpu.memory_space<hbm>>, %arg5: memref<1048576xf32, #tpu.memory_space<hbm>>, %arg6: memref<1048576xf32, #tpu.memory_space<hbm>>, %arg7: memref<1048576xf32, #tpu.memory_space<hbm>>, %arg8: memref<1048576xf32, #tpu.memory_space<hbm>>, %arg9: memref<1048576xf32, #tpu.memory_space<hbm>>, %arg10: memref<1048576xf32, #tpu.memory_space<hbm>>, %arg11: memref<1048576xf32, #tpu.memory_space<hbm>>, %arg12: memref<1048576xf32, #tpu.memory_space<hbm>>, %arg13: memref<1048576xf32, #tpu.memory_space<hbm>>, %arg14: memref<1048576xf32, #tpu.memory_space<hbm>>, %arg15: memref<1048576xi32, #tpu.memory_space<hbm>>, %arg16: memref<32x53248xf32, #tpu.memory_space<hbm>>, %arg17: memref<53248xf32, #tpu.memory_space<vmem>>, %arg18: memref<4096xi32, #tpu.memory_space<vmem>>, %arg19: memref<53248xf32, #tpu.memory_space<vmem>>, %arg20: memref<!tpu.dma_semaphore, #tpu.memory_space<semaphore_mem>>, %arg21: memref<!tpu.dma_semaphore, #tpu.memory_space<semaphore_mem>>) attributes {dimension_semantics = [#tpu.dimension_semantics<core_parallel>, #tpu.dimension_semantics<subcore_parallel>], iteration_bounds = array<i64: 2, 16>, scalar_prefetch = 0 : i64, scratch_operands = 5 : i64, tpu.core_type = #tpu.core_type<sc_vector_subcore>, window_params = [{transform_indices = #map}, {transform_indices = #map}, {transform_indices = #map}, {transform_indices = #map}, {transform_indices = #map}, {transform_indices = #map}, {transform_indices = #map}, {transform_indices = #map}, {transform_indices = #map}, {transform_indices = #map}, {transform_indices = #map}, {transform_indices = #map}, {transform_indices = #map}, {transform_indices = #map}, {transform_indices = #map1}]} {
    %mul3A = arith.constant 2 : i32
    %mul3A_0 = arith.muli %arg1, %mul3A : i32
    %add3A = arith.addi %mul3A_0, %arg0 : i32
    %mul3A_1 = arith.constant 32768 : i32
    %mul3A_2 = arith.muli %add3A, %mul3A_1 : i32
    %broadcast_in_dim3A = arith.constant 0.000000e+00 : f32
    %broadcast_in_dim3A_3 = vector.broadcast %broadcast_in_dim3A : f32 to vector<16xf32>
    %broadcast_in_dim3A_4 = arith.constant 1.000000e+00 : f32
    %broadcast_in_dim3A_5 = vector.broadcast %broadcast_in_dim3A_4 : f32 to vector<16xf32>
    %broadcast_in_dim3A_6 = arith.constant 15 : i32
    %broadcast_in_dim3A_7 = vector.broadcast %broadcast_in_dim3A_6 : i32 to vector<16xi32>
    %scan3A = arith.constant 0 : i32
    %scan3A_8 = arith.constant 3328 : i32
    %scan3A_9 = arith.addi %scan3A, %scan3A_8 : i32
    %scan3A_10 = arith.constant 8 : i32
    scf.for %scan3A_102 = %scan3A to %scan3A_9 step %scan3A_10  : i32 {
      %mul3A_103 = arith.constant 1 : i32
      %mul3A_104 = arith.muli %scan3A_102, %mul3A_103 : i32
      %add3A_105 = arith.constant 0 : i32
      %add3A_106 = arith.addi %add3A_105, %mul3A_104 : i32
      %mul3A_107 = arith.constant 16 : i32
      %mul3A_108 = arith.muli %add3A_106, %mul3A_107 : i32
      %swap3A = arith.index_cast %mul3A_108 : i32 to index
      %swap3A_109 = tpu.vector_load %arg19[%swap3A] {strides = array<i32>} : memref<53248xf32, #tpu.memory_space<vmem>>, vector<16xf32>,
      tpu.vector_store %arg19[%swap3A], %broadcast_in_dim3A_3 {strides = array<i32>} : memref<53248xf32, #tpu.memory_space<vmem>>, vector<16xf32>,
      %scan3A_110 = arith.constant 1 : i32
      %scan3A_111 = arith.addi %scan3A_102, %scan3A_110 : i32
      %mul3A_112 = arith.constant 1 : i32
      %mul3A_113 = arith.muli %scan3A_111, %mul3A_112 : i32
      %add3A_114 = arith.constant 0 : i32
      %add3A_115 = arith.addi %add3A_114, %mul3A_113 : i32
      %mul3A_116 = arith.constant 16 : i32
      %mul3A_117 = arith.muli %add3A_115, %mul3A_116 : i32
      %swap3A_118 = arith.index_cast %mul3A_117 : i32 to index
      %swap3A_119 = tpu.vector_load %arg19[%swap3A_118] {strides = array<i32>} : memref<53248xf32, #tpu.memory_space<vmem>>, vector<16xf32>,
      tpu.vector_store %arg19[%swap3A_118], %broadcast_in_dim3A_3 {strides = array<i32>} : memref<53248xf32, #tpu.memory_space<vmem>>, vector<16xf32>,
      %scan3A_120 = arith.constant 2 : i32
      %scan3A_121 = arith.addi %scan3A_102, %scan3A_120 : i32
      %mul3A_122 = arith.constant 1 : i32
      %mul3A_123 = arith.muli %scan3A_121, %mul3A_122 : i32
      %add3A_124 = arith.constant 0 : i32
      %add3A_125 = arith.addi %add3A_124, %mul3A_123 : i32
      %mul3A_126 = arith.constant 16 : i32
      %mul3A_127 = arith.muli %add3A_125, %mul3A_126 : i32
      %swap3A_128 = arith.index_cast %mul3A_127 : i32 to index
      %swap3A_129 = tpu.vector_load %arg19[%swap3A_128] {strides = array<i32>} : memref<53248xf32, #tpu.memory_space<vmem>>, vector<16xf32>,
      tpu.vector_store %arg19[%swap3A_128], %broadcast_in_dim3A_3 {strides = array<i32>} : memref<53248xf32, #tpu.memory_space<vmem>>, vector<16xf32>,
      %scan3A_130 = arith.constant 3 : i32
      %scan3A_131 = arith.addi %scan3A_102, %scan3A_130 : i32
      %mul3A_132 = arith.constant 1 : i32
      %mul3A_133 = arith.muli %scan3A_131, %mul3A_132 : i32
      %add3A_134 = arith.constant 0 : i32
      %add3A_135 = arith.addi %add3A_134, %mul3A_133 : i32
      %mul3A_136 = arith.constant 16 : i32
      %mul3A_137 = arith.muli %add3A_135, %mul3A_136 : i32
      %swap3A_138 = arith.index_cast %mul3A_137 : i32 to index
      %swap3A_139 = tpu.vector_load %arg19[%swap3A_138] {strides = array<i32>} : memref<53248xf32, #tpu.memory_space<vmem>>, vector<16xf32>,
      tpu.vector_store %arg19[%swap3A_138], %broadcast_in_dim3A_3 {strides = array<i32>} : memref<53248xf32, #tpu.memory_space<vmem>>, vector<16xf32>,
      %scan3A_140 = arith.constant 4 : i32
      %scan3A_141 = arith.addi %scan3A_102, %scan3A_140 : i32
      %mul3A_142 = arith.constant 1 : i32
      %mul3A_143 = arith.muli %scan3A_141, %mul3A_142 : i32
      %add3A_144 = arith.constant 0 : i32
      %add3A_145 = arith.addi %add3A_144, %mul3A_143 : i32
      %mul3A_146 = arith.constant 16 : i32
      %mul3A_147 = arith.muli %add3A_145, %mul3A_146 : i32
      %swap3A_148 = arith.index_cast %mul3A_147 : i32 to index
      %swap3A_149 = tpu.vector_load %arg19[%swap3A_148] {strides = array<i32>} : memref<53248xf32, #tpu.memory_space<vmem>>, vector<16xf32>,
      tpu.vector_store %arg19[%swap3A_148], %broadcast_in_dim3A_3 {strides = array<i32>} : memref<53248xf32, #tpu.memory_space<vmem>>, vector<16xf32>,
      %scan3A_150 = arith.constant 5 : i32
      %scan3A_151 = arith.addi %scan3A_102, %scan3A_150 : i32
      %mul3A_152 = arith.constant 1 : i32
      %mul3A_153 = arith.muli %scan3A_151, %mul3A_152 : i32
      %add3A_154 = arith.constant 0 : i32
      %add3A_155 = arith.addi %add3A_154, %mul3A_153 : i32
      %mul3A_156 = arith.constant 16 : i32
      %mul3A_157 = arith.muli %add3A_155, %mul3A_156 : i32
      %swap3A_158 = arith.index_cast %mul3A_157 : i32 to index
      %swap3A_159 = tpu.vector_load %arg19[%swap3A_158] {strides = array<i32>} : memref<53248xf32, #tpu.memory_space<vmem>>, vector<16xf32>,
      tpu.vector_store %arg19[%swap3A_158], %broadcast_in_dim3A_3 {strides = array<i32>} : memref<53248xf32, #tpu.memory_space<vmem>>, vector<16xf32>,
      %scan3A_160 = arith.constant 6 : i32
      %scan3A_161 = arith.addi %scan3A_102, %scan3A_160 : i32
      %mul3A_162 = arith.constant 1 : i32
      %mul3A_163 = arith.muli %scan3A_161, %mul3A_162 : i32
      %add3A_164 = arith.constant 0 : i32
      %add3A_165 = arith.addi %add3A_164, %mul3A_163 : i32
      %mul3A_166 = arith.constant 16 : i32
      %mul3A_167 = arith.muli %add3A_165, %mul3A_166 : i32
      %swap3A_168 = arith.index_cast %mul3A_167 : i32 to index
      %swap3A_169 = tpu.vector_load %arg19[%swap3A_168] {strides = array<i32>} : memref<53248xf32, #tpu.memory_space<vmem>>, vector<16xf32>,
      tpu.vector_store %arg19[%swap3A_168], %broadcast_in_dim3A_3 {strides = array<i32>} : memref<53248xf32, #tpu.memory_space<vmem>>, vector<16xf32>,
      %scan3A_170 = arith.constant 7 : i32
      %scan3A_171 = arith.addi %scan3A_102, %scan3A_170 : i32
      %mul3A_172 = arith.constant 1 : i32
      %mul3A_173 = arith.muli %scan3A_171, %mul3A_172 : i32
      %add3A_174 = arith.constant 0 : i32
      %add3A_175 = arith.addi %add3A_174, %mul3A_173 : i32
      %mul3A_176 = arith.constant 16 : i32
      %mul3A_177 = arith.muli %add3A_175, %mul3A_176 : i32
      %swap3A_178 = arith.index_cast %mul3A_177 : i32 to index
      %swap3A_179 = tpu.vector_load %arg19[%swap3A_178] {strides = array<i32>} : memref<53248xf32, #tpu.memory_space<vmem>>, vector<16xf32>,
      tpu.vector_store %arg19[%swap3A_178], %broadcast_in_dim3A_3 {strides = array<i32>} : memref<53248xf32, #tpu.memory_space<vmem>>, vector<16xf32>,
    }
    %scan3A_11 = arith.constant 3328 : i32
    %add3A_12 = arith.constant 0 : i32
    %add3A_13 = arith.addi %mul3A_2, %add3A_12 : i32
    %dma_start3A = arith.constant 0 : i32
    %dma_start3A_14 = tpu.memref_slice %arg17[%dma_start3A] : memref<53248xf32, #tpu.memory_space<vmem>> -> memref<2048xf32, #tpu.memory_space<vmem>>
    %dma_start3A_15 = tpu.memref_slice %arg2[%add3A_13] : memref<1048576xf32, #tpu.memory_space<hbm>> -> memref<2048xf32, #tpu.memory_space<hbm>>
    %dma_start3A_16 = arith.constant 0 : i32
    %dma_start3A_17 = tpu.memref_slice %arg17[%dma_start3A_16] : memref<53248xf32, #tpu.memory_space<vmem>> -> memref<2048xf32, #tpu.memory_space<vmem>>
    %dma_start3A_18 = tpu.memref_slice %arg2[%add3A_13] : memref<1048576xf32, #tpu.memory_space<hbm>> -> memref<2048xf32, #tpu.memory_space<hbm>>
    tpu.enqueue_dma source(%dma_start3A_18 : memref<2048xf32, #tpu.memory_space<hbm>>) target(%dma_start3A_17 : memref<2048xf32, #tpu.memory_space<vmem>>) target_semaphore(%arg20 : memref<!tpu.dma_semaphore, #tpu.memory_space<semaphore_mem>>)
    %dma_start3A_19 = arith.constant 2048 : i32
    %dma_start3A_20 = tpu.memref_slice %arg17[%dma_start3A_19] : memref<53248xf32, #tpu.memory_space<vmem>> -> memref<2048xf32, #tpu.memory_space<vmem>>
    %dma_start3A_21 = tpu.memref_slice %arg3[%add3A_13] : memref<1048576xf32, #tpu.memory_space<hbm>> -> memref<2048xf32, #tpu.memory_space<hbm>>
    %dma_start3A_22 = arith.constant 2048 : i32
    %dma_start3A_23 = tpu.memref_slice %arg17[%dma_start3A_22] : memref<53248xf32, #tpu.memory_space<vmem>> -> memref<2048xf32, #tpu.memory_space<vmem>>
    %dma_start3A_24 = tpu.memref_slice %arg3[%add3A_13] : memref<1048576xf32, #tpu.memory_space<hbm>> -> memref<2048xf32, #tpu.memory_space<hbm>>
    tpu.enqueue_dma source(%dma_start3A_24 : memref<2048xf32, #tpu.memory_space<hbm>>) target(%dma_start3A_23 : memref<2048xf32, #tpu.memory_space<vmem>>) target_semaphore(%arg20 : memref<!tpu.dma_semaphore, #tpu.memory_space<semaphore_mem>>)
    %dma_start3A_25 = arith.constant 4096 : i32
    %dma_start3A_26 = tpu.memref_slice %arg17[%dma_start3A_25] : memref<53248xf32, #tpu.memory_space<vmem>> -> memref<2048xf32, #tpu.memory_space<vmem>>
    %dma_start3A_27 = tpu.memref_slice %arg4[%add3A_13] : memref<1048576xf32, #tpu.memory_space<hbm>> -> memref<2048xf32, #tpu.memory_space<hbm>>
    %dma_start3A_28 = arith.constant 4096 : i32
    %dma_start3A_29 = tpu.memref_slice %arg17[%dma_start3A_28] : memref<53248xf32, #tpu.memory_space<vmem>> -> memref<2048xf32, #tpu.memory_space<vmem>>
    %dma_start3A_30 = tpu.memref_slice %arg4[%add3A_13] : memref<1048576xf32, #tpu.memory_space<hbm>> -> memref<2048xf32, #tpu.memory_space<hbm>>
    tpu.enqueue_dma source(%dma_start3A_30 : memref<2048xf32, #tpu.memory_space<hbm>>) target(%dma_start3A_29 : memref<2048xf32, #tpu.memory_space<vmem>>) target_semaphore(%arg20 : memref<!tpu.dma_semaphore, #tpu.memory_space<semaphore_mem>>)
    %dma_start3A_31 = arith.constant 6144 : i32
    %dma_start3A_32 = tpu.memref_slice %arg17[%dma_start3A_31] : memref<53248xf32, #tpu.memory_space<vmem>> -> memref<2048xf32, #tpu.memory_space<vmem>>
    %dma_start3A_33 = tpu.memref_slice %arg5[%add3A_13] : memref<1048576xf32, #tpu.memory_space<hbm>> -> memref<2048xf32, #tpu.memory_space<hbm>>
    %dma_start3A_34 = arith.constant 6144 : i32
    %dma_start3A_35 = tpu.memref_slice %arg17[%dma_start3A_34] : memref<53248xf32, #tpu.memory_space<vmem>> -> memref<2048xf32, #tpu.memory_space<vmem>>
    %dma_start3A_36 = tpu.memref_slice %arg5[%add3A_13] : memref<1048576xf32, #tpu.memory_space<hbm>> -> memref<2048xf32, #tpu.memory_space<hbm>>
    tpu.enqueue_dma source(%dma_start3A_36 : memref<2048xf32, #tpu.memory_space<hbm>>) target(%dma_start3A_35 : memref<2048xf32, #tpu.memory_space<vmem>>) target_semaphore(%arg20 : memref<!tpu.dma_semaphore, #tpu.memory_space<semaphore_mem>>)
    %dma_start3A_37 = arith.constant 8192 : i32
    %dma_start3A_38 = tpu.memref_slice %arg17[%dma_start3A_37] : memref<53248xf32, #tpu.memory_space<vmem>> -> memref<2048xf32, #tpu.memory_space<vmem>>
    %dma_start3A_39 = tpu.memref_slice %arg6[%add3A_13] : memref<1048576xf32, #tpu.memory_space<hbm>> -> memref<2048xf32, #tpu.memory_space<hbm>>
    %dma_start3A_40 = arith.constant 8192 : i32
    %dma_start3A_41 = tpu.memref_slice %arg17[%dma_start3A_40] : memref<53248xf32, #tpu.memory_space<vmem>> -> memref<2048xf32, #tpu.memory_space<vmem>>
    %dma_start3A_42 = tpu.memref_slice %arg6[%add3A_13] : memref<1048576xf32, #tpu.memory_space<hbm>> -> memref<2048xf32, #tpu.memory_space<hbm>>
    tpu.enqueue_dma source(%dma_start3A_42 : memref<2048xf32, #tpu.memory_space<hbm>>) target(%dma_start3A_41 : memref<2048xf32, #tpu.memory_space<vmem>>) target_semaphore(%arg20 : memref<!tpu.dma_semaphore, #tpu.memory_space<semaphore_mem>>)
    %dma_start3A_43 = arith.constant 10240 : i32
    %dma_start3A_44 = tpu.memref_slice %arg17[%dma_start3A_43] : memref<53248xf32, #tpu.memory_space<vmem>> -> memref<2048xf32, #tpu.memory_space<vmem>>
    %dma_start3A_45 = tpu.memref_slice %arg7[%add3A_13] : memref<1048576xf32, #tpu.memory_space<hbm>> -> memref<2048xf32, #tpu.memory_space<hbm>>
    %dma_start3A_46 = arith.constant 10240 : i32
    %dma_start3A_47 = tpu.memref_slice %arg17[%dma_start3A_46] : memref<53248xf32, #tpu.memory_space<vmem>> -> memref<2048xf32, #tpu.memory_space<vmem>>
    %dma_start3A_48 = tpu.memref_slice %arg7[%add3A_13] : memref<1048576xf32, #tpu.memory_space<hbm>> -> memref<2048xf32, #tpu.memory_space<hbm>>
    tpu.enqueue_dma source(%dma_start3A_48 : memref<2048xf32, #tpu.memory_space<hbm>>) target(%dma_start3A_47 : memref<2048xf32, #tpu.memory_space<vmem>>) target_semaphore(%arg20 : memref<!tpu.dma_semaphore, #tpu.memory_space<semaphore_mem>>)
    %dma_start3A_49 = arith.constant 12288 : i32
    %dma_start3A_50 = tpu.memref_slice %arg17[%dma_start3A_49] : memref<53248xf32, #tpu.memory_space<vmem>> -> memref<2048xf32, #tpu.memory_space<vmem>>
    %dma_start3A_51 = tpu.memref_slice %arg8[%add3A_13] : memref<1048576xf32, #tpu.memory_space<hbm>> -> memref<2048xf32, #tpu.memory_space<hbm>>
    %dma_start3A_52 = arith.constant 12288 : i32
    %dma_start3A_53 = tpu.memref_slice %arg17[%dma_start3A_52] : memref<53248xf32, #tpu.memory_space<vmem>> -> memref<2048xf32, #tpu.memory_space<vmem>>
    %dma_start3A_54 = tpu.memref_slice %arg8[%add3A_13] : memref<1048576xf32, #tpu.memory_space<hbm>> -> memref<2048xf32, #tpu.memory_space<hbm>>
    tpu.enqueue_dma source(%dma_start3A_54 : memref<2048xf32, #tpu.memory_space<hbm>>) target(%dma_start3A_53 : memref<2048xf32, #tpu.memory_space<vmem>>) target_semaphore(%arg20 : memref<!tpu.dma_semaphore, #tpu.memory_space<semaphore_mem>>)
    %dma_start3A_55 = arith.constant 14336 : i32
    %dma_start3A_56 = tpu.memref_slice %arg17[%dma_start3A_55] : memref<53248xf32, #tpu.memory_space<vmem>> -> memref<2048xf32, #tpu.memory_space<vmem>>
    %dma_start3A_57 = tpu.memref_slice %arg9[%add3A_13] : memref<1048576xf32, #tpu.memory_space<hbm>> -> memref<2048xf32, #tpu.memory_space<hbm>>
    %dma_start3A_58 = arith.constant 14336 : i32
    %dma_start3A_59 = tpu.memref_slice %arg17[%dma_start3A_58] : memref<53248xf32, #tpu.memory_space<vmem>> -> memref<2048xf32, #tpu.memory_space<vmem>>
    %dma_start3A_60 = tpu.memref_slice %arg9[%add3A_13] : memref<1048576xf32, #tpu.memory_space<hbm>> -> memref<2048xf32, #tpu.memory_space<hbm>>
    tpu.enqueue_dma source(%dma_start3A_60 : memref<2048xf32, #tpu.memory_space<hbm>>) target(%dma_start3A_59 : memref<2048xf32, #tpu.memory_space<vmem>>) target_semaphore(%arg20 : memref<!tpu.dma_semaphore, #tpu.memory_space<semaphore_mem>>)
    %dma_start3A_61 = arith.constant 16384 : i32
    %dma_start3A_62 = tpu.memref_slice %arg17[%dma_start3A_61] : memref<53248xf32, #tpu.memory_space<vmem>> -> memref<2048xf32, #tpu.memory_space<vmem>>
    %dma_start3A_63 = tpu.memref_slice %arg10[%add3A_13] : memref<1048576xf32, #tpu.memory_space<hbm>> -> memref<2048xf32, #tpu.memory_space<hbm>>
    %dma_start3A_64 = arith.constant 16384 : i32
    %dma_start3A_65 = tpu.memref_slice %arg17[%dma_start3A_64] : memref<53248xf32, #tpu.memory_space<vmem>> -> memref<2048xf32, #tpu.memory_space<vmem>>
    %dma_start3A_66 = tpu.memref_slice %arg10[%add3A_13] : memref<1048576xf32, #tpu.memory_space<hbm>> -> memref<2048xf32, #tpu.memory_space<hbm>>
    tpu.enqueue_dma source(%dma_start3A_66 : memref<2048xf32, #tpu.memory_space<hbm>>) target(%dma_start3A_65 : memref<2048xf32, #tpu.memory_space<vmem>>) target_semaphore(%arg20 : memref<!tpu.dma_semaphore, #tpu.memory_space<semaphore_mem>>)
    %dma_start3A_67 = arith.constant 18432 : i32
    %dma_start3A_68 = tpu.memref_slice %arg17[%dma_start3A_67] : memref<53248xf32, #tpu.memory_space<vmem>> -> memref<2048xf32, #tpu.memory_space<vmem>>
    %dma_start3A_69 = tpu.memref_slice %arg11[%add3A_13] : memref<1048576xf32, #tpu.memory_space<hbm>> -> memref<2048xf32, #tpu.memory_space<hbm>>
    %dma_start3A_70 = arith.constant 18432 : i32
    %dma_start3A_71 = tpu.memref_slice %arg17[%dma_start3A_70] : memref<53248xf32, #tpu.memory_space<vmem>> -> memref<2048xf32, #tpu.memory_space<vmem>>
    %dma_start3A_72 = tpu.memref_slice %arg11[%add3A_13] : memref<1048576xf32, #tpu.memory_space<hbm>> -> memref<2048xf32, #tpu.memory_space<hbm>>
    tpu.enqueue_dma source(%dma_start3A_72 : memref<2048xf32, #tpu.memory_space<hbm>>) target(%dma_start3A_71 : memref<2048xf32, #tpu.memory_space<vmem>>) target_semaphore(%arg20 : memref<!tpu.dma_semaphore, #tpu.memory_space<semaphore_mem>>)
    %dma_start3A_73 = arith.constant 20480 : i32
    %dma_start3A_74 = tpu.memref_slice %arg17[%dma_start3A_73] : memref<53248xf32, #tpu.memory_space<vmem>> -> memref<2048xf32, #tpu.memory_space<vmem>>
    %dma_start3A_75 = tpu.memref_slice %arg12[%add3A_13] : memref<1048576xf32, #tpu.memory_space<hbm>> -> memref<2048xf32, #tpu.memory_space<hbm>>
    %dma_start3A_76 = arith.constant 20480 : i32
    %dma_start3A_77 = tpu.memref_slice %arg17[%dma_start3A_76] : memref<53248xf32, #tpu.memory_space<vmem>> -> memref<2048xf32, #tpu.memory_space<vmem>>
    %dma_start3A_78 = tpu.memref_slice %arg12[%add3A_13] : memref<1048576xf32, #tpu.memory_space<hbm>> -> memref<2048xf32, #tpu.memory_space<hbm>>
    tpu.enqueue_dma source(%dma_start3A_78 : memref<2048xf32, #tpu.memory_space<hbm>>) target(%dma_start3A_77 : memref<2048xf32, #tpu.memory_space<vmem>>) target_semaphore(%arg20 : memref<!tpu.dma_semaphore, #tpu.memory_space<semaphore_mem>>)
    %dma_start3A_79 = arith.constant 22528 : i32
    %dma_start3A_80 = tpu.memref_slice %arg17[%dma_start3A_79] : memref<53248xf32, #tpu.memory_space<vmem>> -> memref<2048xf32, #tpu.memory_space<vmem>>
    %dma_start3A_81 = tpu.memref_slice %arg13[%add3A_13] : memref<1048576xf32, #tpu.memory_space<hbm>> -> memref<2048xf32, #tpu.memory_space<hbm>>
    %dma_start3A_82 = arith.constant 22528 : i32
    %dma_start3A_83 = tpu.memref_slice %arg17[%dma_start3A_82] : memref<53248xf32, #tpu.memory_space<vmem>> -> memref<2048xf32, #tpu.memory_space<vmem>>
    %dma_start3A_84 = tpu.memref_slice %arg13[%add3A_13] : memref<1048576xf32, #tpu.memory_space<hbm>> -> memref<2048xf32, #tpu.memory_space<hbm>>
    tpu.enqueue_dma source(%dma_start3A_84 : memref<2048xf32, #tpu.memory_space<hbm>>) target(%dma_start3A_83 : memref<2048xf32, #tpu.memory_space<vmem>>) target_semaphore(%arg20 : memref<!tpu.dma_semaphore, #tpu.memory_space<semaphore_mem>>)
    %dma_start3A_85 = arith.constant 24576 : i32
    %dma_start3A_86 = tpu.memref_slice %arg17[%dma_start3A_85] : memref<53248xf32, #tpu.memory_space<vmem>> -> memref<2048xf32, #tpu.memory_space<vmem>>
    %dma_start3A_87 = tpu.memref_slice %arg14[%add3A_13] : memref<1048576xf32, #tpu.memory_space<hbm>> -> memref<2048xf32, #tpu.memory_space<hbm>>
    %dma_start3A_88 = arith.constant 24576 : i32
    %dma_start3A_89 = tpu.memref_slice %arg17[%dma_start3A_88] : memref<53248xf32, #tpu.memory_space<vmem>> -> memref<2048xf32, #tpu.memory_space<vmem>>
    %dma_start3A_90 = tpu.memref_slice %arg14[%add3A_13] : memref<1048576xf32, #tpu.memory_space<hbm>> -> memref<2048xf32, #tpu.memory_space<hbm>>
    tpu.enqueue_dma source(%dma_start3A_90 : memref<2048xf32, #tpu.memory_space<hbm>>) target(%dma_start3A_89 : memref<2048xf32, #tpu.memory_space<vmem>>) target_semaphore(%arg20 : memref<!tpu.dma_semaphore, #tpu.memory_space<semaphore_mem>>)
    %dma_start3A_91 = arith.constant 0 : i32
    %dma_start3A_92 = tpu.memref_slice %arg18[%dma_start3A_91] : memref<4096xi32, #tpu.memory_space<vmem>> -> memref<2048xi32, #tpu.memory_space<vmem>>
    %dma_start3A_93 = tpu.memref_slice %arg15[%add3A_13] : memref<1048576xi32, #tpu.memory_space<hbm>> -> memref<2048xi32, #tpu.memory_space<hbm>>
    %dma_start3A_94 = arith.constant 0 : i32
    %dma_start3A_95 = tpu.memref_slice %arg18[%dma_start3A_94] : memref<4096xi32, #tpu.memory_space<vmem>> -> memref<2048xi32, #tpu.memory_space<vmem>>
    %dma_start3A_96 = tpu.memref_slice %arg15[%add3A_13] : memref<1048576xi32, #tpu.memory_space<hbm>> -> memref<2048xi32, #tpu.memory_space<hbm>>
    tpu.enqueue_dma source(%dma_start3A_96 : memref<2048xi32, #tpu.memory_space<hbm>>) target(%dma_start3A_95 : memref<2048xi32, #tpu.memory_space<vmem>>) target_semaphore(%arg20 : memref<!tpu.dma_semaphore, #tpu.memory_space<semaphore_mem>>)
    %scan3A_97 = arith.constant 0 : i32
    %scan3A_98 = arith.constant 8 : i32
    %scan3A_99 = arith.addi %scan3A_97, %scan3A_98 : i32
    %scan3A_100 = arith.constant 1 : i32
    scf.for %scan3A_102 = %scan3A_97 to %scan3A_99 step %scan3A_100  : i32 {
      %mul3A_103 = arith.constant 1 : i32
      %mul3A_104 = arith.muli %scan3A_102, %mul3A_103 : i32
      %add3A_105 = arith.constant 0 : i32
      %add3A_106 = arith.addi %add3A_105, %mul3A_104 : i32
      %mul3A_107 = arith.constant 2 : i32
      %mul3A_108 = arith.muli %add3A_106, %mul3A_107 : i32
      %dma_wait3A = arith.constant 0 : i32
      %dma_wait3A_109 = tpu.memref_slice %arg17[%dma_wait3A] : memref<53248xf32, #tpu.memory_space<vmem>> -> memref<2048xf32, #tpu.memory_space<vmem>>
      %dma_wait3A_110 = arith.constant 0 : i32
      %dma_wait3A_111 = tpu.memref_slice %arg2[%dma_wait3A_110] : memref<1048576xf32, #tpu.memory_space<hbm>> -> memref<2048xf32, #tpu.memory_space<hbm>>
      %dma_wait3A_112 = arith.constant 0 : i32
      %dma_wait3A_113 = tpu.memref_slice %arg17[%dma_wait3A_112] : memref<53248xf32, #tpu.memory_space<vmem>> -> memref<2048xf32, #tpu.memory_space<vmem>>
      %dma_wait3A_114 = arith.constant 0 : i32
      %dma_wait3A_115 = tpu.memref_slice %arg2[%dma_wait3A_114] : memref<1048576xf32, #tpu.memory_space<hbm>> -> memref<2048xf32, #tpu.memory_space<hbm>>
      tpu.wait_dma2 semaphore(%arg20 : memref<!tpu.dma_semaphore, #tpu.memory_space<semaphore_mem>>) src(%dma_wait3A_115 : memref<2048xf32, #tpu.memory_space<hbm>>) dst(%dma_wait3A_113 : memref<2048xf32, #tpu.memory_space<vmem>>)
      %dma_wait3A_116 = arith.constant 2048 : i32
      %dma_wait3A_117 = tpu.memref_slice %arg17[%dma_wait3A_116] : memref<53248xf32, #tpu.memory_space<vmem>> -> memref<2048xf32, #tpu.memory_space<vmem>>
      %dma_wait3A_118 = arith.constant 0 : i32
      %dma_wait3A_119 = tpu.memref_slice %arg3[%dma_wait3A_118] : memref<1048576xf32, #tpu.memory_space<hbm>> -> memref<2048xf32, #tpu.memory_space<hbm>>
      %dma_wait3A_120 = arith.constant 2048 : i32
      %dma_wait3A_121 = tpu.memref_slice %arg17[%dma_wait3A_120] : memref<53248xf32, #tpu.memory_space<vmem>> -> memref<2048xf32, #tpu.memory_space<vmem>>
      %dma_wait3A_122 = arith.constant 0 : i32
      %dma_wait3A_123 = tpu.memref_slice %arg3[%dma_wait3A_122] : memref<1048576xf32, #tpu.memory_space<hbm>> -> memref<2048xf32, #tpu.memory_space<hbm>>
      tpu.wait_dma2 semaphore(%arg20 : memref<!tpu.dma_semaphore, #tpu.memory_space<semaphore_mem>>) src(%dma_wait3A_123 : memref<2048xf32, #tpu.memory_space<hbm>>) dst(%dma_wait3A_121 : memref<2048xf32, #tpu.memory_space<vmem>>)
      %dma_wait3A_124 = arith.constant 4096 : i32
      %dma_wait3A_125 = tpu.memref_slice %arg17[%dma_wait3A_124] : memref<53248xf32, #tpu.memory_space<vmem>> -> memref<2048xf32, #tpu.memory_space<vmem>>
      %dma_wait3A_126 = arith.constant 0 : i32
      %dma_wait3A_127 = tpu.memref_slice %arg4[%dma_wait3A_126] : memref<1048576xf32, #tpu.memory_space<hbm>> -> memref<2048xf32, #tpu.memory_space<hbm>>
      %dma_wait3A_128 = arith.constant 4096 : i32
      %dma_wait3A_129 = tpu.memref_slice %arg17[%dma_wait3A_128] : memref<53248xf32, #tpu.memory_space<vmem>> -> memref<2048xf32, #tpu.memory_space<vmem>>
      %dma_wait3A_130 = arith.constant 0 : i32
      %dma_wait3A_131 = tpu.memref_slice %arg4[%dma_wait3A_130] : memref<1048576xf32, #tpu.memory_space<hbm>> -> memref<2048xf32, #tpu.memory_space<hbm>>
      tpu.wait_dma2 semaphore(%arg20 : memref<!tpu.dma_semaphore, #tpu.memory_space<semaphore_mem>>) src(%dma_wait3A_131 : memref<2048xf32, #tpu.memory_space<hbm>>) dst(%dma_wait3A_129 : memref<2048xf32, #tpu.memory_space<vmem>>)
      %dma_wait3A_132 = arith.constant 6144 : i32
      %dma_wait3A_133 = tpu.memref_slice %arg17[%dma_wait3A_132] : memref<53248xf32, #tpu.memory_space<vmem>> -> memref<2048xf32, #tpu.memory_space<vmem>>
      %dma_wait3A_134 = arith.constant 0 : i32
      %dma_wait3A_135 = tpu.memref_slice %arg5[%dma_wait3A_134] : memref<1048576xf32, #tpu.memory_space<hbm>> -> memref<2048xf32, #tpu.memory_space<hbm>>
      %dma_wait3A_136 = arith.constant 6144 : i32
      %dma_wait3A_137 = tpu.memref_slice %arg17[%dma_wait3A_136] : memref<53248xf32, #tpu.memory_space<vmem>> -> memref<2048xf32, #tpu.memory_space<vmem>>
      %dma_wait3A_138 = arith.constant 0 : i32
      %dma_wait3A_139 = tpu.memref_slice %arg5[%dma_wait3A_138] : memref<1048576xf32, #tpu.memory_space<hbm>> -> memref<2048xf32, #tpu.memory_space<hbm>>
      tpu.wait_dma2 semaphore(%arg20 : memref<!tpu.dma_semaphore, #tpu.memory_space<semaphore_mem>>) src(%dma_wait3A_139 : memref<2048xf32, #tpu.memory_space<hbm>>) dst(%dma_wait3A_137 : memref<2048xf32, #tpu.memory_space<vmem>>)
      %dma_wait3A_140 = arith.constant 8192 : i32
      %dma_wait3A_141 = tpu.memref_slice %arg17[%dma_wait3A_140] : memref<53248xf32, #tpu.memory_space<vmem>> -> memref<2048xf32, #tpu.memory_space<vmem>>
      %dma_wait3A_142 = arith.constant 0 : i32
      %dma_wait3A_143 = tpu.memref_slice %arg6[%dma_wait3A_142] : memref<1048576xf32, #tpu.memory_space<hbm>> -> memref<2048xf32, #tpu.memory_space<hbm>>
      %dma_wait3A_144 = arith.constant 8192 : i32
      %dma_wait3A_145 = tpu.memref_slice %arg17[%dma_wait3A_144] : memref<53248xf32, #tpu.memory_space<vmem>> -> memref<2048xf32, #tpu.memory_space<vmem>>
      %dma_wait3A_146 = arith.constant 0 : i32
      %dma_wait3A_147 = tpu.memref_slice %arg6[%dma_wait3A_146] : memref<1048576xf32, #tpu.memory_space<hbm>> -> memref<2048xf32, #tpu.memory_space<hbm>>
      tpu.wait_dma2 semaphore(%arg20 : memref<!tpu.dma_semaphore, #tpu.memory_space<semaphore_mem>>) src(%dma_wait3A_147 : memref<2048xf32, #tpu.memory_space<hbm>>) dst(%dma_wait3A_145 : memref<2048xf32, #tpu.memory_space<vmem>>)
      %dma_wait3A_148 = arith.constant 10240 : i32
      %dma_wait3A_149 = tpu.memref_slice %arg17[%dma_wait3A_148] : memref<53248xf32, #tpu.memory_space<vmem>> -> memref<2048xf32, #tpu.memory_space<vmem>>
      %dma_wait3A_150 = arith.constant 0 : i32
      %dma_wait3A_151 = tpu.memref_slice %arg7[%dma_wait3A_150] : memref<1048576xf32, #tpu.memory_space<hbm>> -> memref<2048xf32, #tpu.memory_space<hbm>>
      %dma_wait3A_152 = arith.constant 10240 : i32
      %dma_wait3A_153 = tpu.memref_slice %arg17[%dma_wait3A_152] : memref<53248xf32, #tpu.memory_space<vmem>> -> memref<2048xf32, #tpu.memory_space<vmem>>
      %dma_wait3A_154 = arith.constant 0 : i32
      %dma_wait3A_155 = tpu.memref_slice %arg7[%dma_wait3A_154] : memref<1048576xf32, #tpu.memory_space<hbm>> -> memref<2048xf32, #tpu.memory_space<hbm>>
      tpu.wait_dma2 semaphore(%arg20 : memref<!tpu.dma_semaphore, #tpu.memory_space<semaphore_mem>>) src(%dma_wait3A_155 : memref<2048xf32, #tpu.memory_space<hbm>>) dst(%dma_wait3A_153 : memref<2048xf32, #tpu.memory_space<vmem>>)
      %dma_wait3A_156 = arith.constant 12288 : i32
      %dma_wait3A_157 = tpu.memref_slice %arg17[%dma_wait3A_156] : memref<53248xf32, #tpu.memory_space<vmem>> -> memref<2048xf32, #tpu.memory_space<vmem>>
      %dma_wait3A_158 = arith.constant 0 : i32
      %dma_wait3A_159 = tpu.memref_slice %arg8[%dma_wait3A_158] : memref<1048576xf32, #tpu.memory_space<hbm>> -> memref<2048xf32, #tpu.memory_space<hbm>>
      %dma_wait3A_160 = arith.constant 12288 : i32
      %dma_wait3A_161 = tpu.memref_slice %arg17[%dma_wait3A_160] : memref<53248xf32, #tpu.memory_space<vmem>> -> memref<2048xf32, #tpu.memory_space<vmem>>
      %dma_wait3A_162 = arith.constant 0 : i32
      %dma_wait3A_163 = tpu.memref_slice %arg8[%dma_wait3A_162] : memref<1048576xf32, #tpu.memory_space<hbm>> -> memref<2048xf32, #tpu.memory_space<hbm>>
      tpu.wait_dma2 semaphore(%arg20 : memref<!tpu.dma_semaphore, #tpu.memory_space<semaphore_mem>>) src(%dma_wait3A_163 : memref<2048xf32, #tpu.memory_space<hbm>>) dst(%dma_wait3A_161 : memref<2048xf32, #tpu.memory_space<vmem>>)
      %dma_wait3A_164 = arith.constant 14336 : i32
      %dma_wait3A_165 = tpu.memref_slice %arg17[%dma_wait3A_164] : memref<53248xf32, #tpu.memory_space<vmem>> -> memref<2048xf32, #tpu.memory_space<vmem>>
      %dma_wait3A_166 = arith.constant 0 : i32
      %dma_wait3A_167 = tpu.memref_slice %arg9[%dma_wait3A_166] : memref<1048576xf32, #tpu.memory_space<hbm>> -> memref<2048xf32, #tpu.memory_space<hbm>>
      %dma_wait3A_168 = arith.constant 14336 : i32
      %dma_wait3A_169 = tpu.memref_slice %arg17[%dma_wait3A_168] : memref<53248xf32, #tpu.memory_space<vmem>> -> memref<2048xf32, #tpu.memory_space<vmem>>
      %dma_wait3A_170 = arith.constant 0 : i32
      %dma_wait3A_171 = tpu.memref_slice %arg9[%dma_wait3A_170] : memref<1048576xf32, #tpu.memory_space<hbm>> -> memref<2048xf32, #tpu.memory_space<hbm>>
      tpu.wait_dma2 semaphore(%arg20 : memref<!tpu.dma_semaphore, #tpu.memory_space<semaphore_mem>>) src(%dma_wait3A_171 : memref<2048xf32, #tpu.memory_space<hbm>>) dst(%dma_wait3A_169 : memref<2048xf32, #tpu.memory_space<vmem>>)
      %dma_wait3A_172 = arith.constant 16384 : i32
      %dma_wait3A_173 = tpu.memref_slice %arg17[%dma_wait3A_172] : memref<53248xf32, #tpu.memory_space<vmem>> -> memref<2048xf32, #tpu.memory_space<vmem>>
      %dma_wait3A_174 = arith.constant 0 : i32
      %dma_wait3A_175 = tpu.memref_slice %arg10[%dma_wait3A_174] : memref<1048576xf32, #tpu.memory_space<hbm>> -> memref<2048xf32, #tpu.memory_space<hbm>>
      %dma_wait3A_176 = arith.constant 16384 : i32
      %dma_wait3A_177 = tpu.memref_slice %arg17[%dma_wait3A_176] : memref<53248xf32, #tpu.memory_space<vmem>> -> memref<2048xf32, #tpu.memory_space<vmem>>
      %dma_wait3A_178 = arith.constant 0 : i32
      %dma_wait3A_179 = tpu.memref_slice %arg10[%dma_wait3A_178] : memref<1048576xf32, #tpu.memory_space<hbm>> -> memref<2048xf32, #tpu.memory_space<hbm>>
      tpu.wait_dma2 semaphore(%arg20 : memref<!tpu.dma_semaphore, #tpu.memory_space<semaphore_mem>>) src(%dma_wait3A_179 : memref<2048xf32, #tpu.memory_space<hbm>>) dst(%dma_wait3A_177 : memref<2048xf32, #tpu.memory_space<vmem>>)
      %dma_wait3A_180 = arith.constant 18432 : i32
      %dma_wait3A_181 = tpu.memref_slice %arg17[%dma_wait3A_180] : memref<53248xf32, #tpu.memory_space<vmem>> -> memref<2048xf32, #tpu.memory_space<vmem>>
      %dma_wait3A_182 = arith.constant 0 : i32
      %dma_wait3A_183 = tpu.memref_slice %arg11[%dma_wait3A_182] : memref<1048576xf32, #tpu.memory_space<hbm>> -> memref<2048xf32, #tpu.memory_space<hbm>>
      %dma_wait3A_184 = arith.constant 18432 : i32
      %dma_wait3A_185 = tpu.memref_slice %arg17[%dma_wait3A_184] : memref<53248xf32, #tpu.memory_space<vmem>> -> memref<2048xf32, #tpu.memory_space<vmem>>
      %dma_wait3A_186 = arith.constant 0 : i32
      %dma_wait3A_187 = tpu.memref_slice %arg11[%dma_wait3A_186] : memref<1048576xf32, #tpu.memory_space<hbm>> -> memref<2048xf32, #tpu.memory_space<hbm>>
      tpu.wait_dma2 semaphore(%arg20 : memref<!tpu.dma_semaphore, #tpu.memory_space<semaphore_mem>>) src(%dma_wait3A_187 : memref<2048xf32, #tpu.memory_space<hbm>>) dst(%dma_wait3A_185 : memref<2048xf32, #tpu.memory_space<vmem>>)
      %dma_wait3A_188 = arith.constant 20480 : i32
      %dma_wait3A_189 = tpu.memref_slice %arg17[%dma_wait3A_188] : memref<53248xf32, #tpu.memory_space<vmem>> -> memref<2048xf32, #tpu.memory_space<vmem>>
      %dma_wait3A_190 = arith.constant 0 : i32
      %dma_wait3A_191 = tpu.memref_slice %arg12[%dma_wait3A_190] : memref<1048576xf32, #tpu.memory_space<hbm>> -> memref<2048xf32, #tpu.memory_space<hbm>>
      %dma_wait3A_192 = arith.constant 20480 : i32
      %dma_wait3A_193 = tpu.memref_slice %arg17[%dma_wait3A_192] : memref<53248xf32, #tpu.memory_space<vmem>> -> memref<2048xf32, #tpu.memory_space<vmem>>
      %dma_wait3A_194 = arith.constant 0 : i32
      %dma_wait3A_195 = tpu.memref_slice %arg12[%dma_wait3A_194] : memref<1048576xf32, #tpu.memory_space<hbm>> -> memref<2048xf32, #tpu.memory_space<hbm>>
      tpu.wait_dma2 semaphore(%arg20 : memref<!tpu.dma_semaphore, #tpu.memory_space<semaphore_mem>>) src(%dma_wait3A_195 : memref<2048xf32, #tpu.memory_space<hbm>>) dst(%dma_wait3A_193 : memref<2048xf32, #tpu.memory_space<vmem>>)
      %dma_wait3A_196 = arith.constant 22528 : i32
      %dma_wait3A_197 = tpu.memref_slice %arg17[%dma_wait3A_196] : memref<53248xf32, #tpu.memory_space<vmem>> -> memref<2048xf32, #tpu.memory_space<vmem>>
      %dma_wait3A_198 = arith.constant 0 : i32
      %dma_wait3A_199 = tpu.memref_slice %arg13[%dma_wait3A_198] : memref<1048576xf32, #tpu.memory_space<hbm>> -> memref<2048xf32, #tpu.memory_space<hbm>>
      %dma_wait3A_200 = arith.constant 22528 : i32
      %dma_wait3A_201 = tpu.memref_slice %arg17[%dma_wait3A_200] : memref<53248xf32, #tpu.memory_space<vmem>> -> memref<2048xf32, #tpu.memory_space<vmem>>
      %dma_wait3A_202 = arith.constant 0 : i32
      %dma_wait3A_203 = tpu.memref_slice %arg13[%dma_wait3A_202] : memref<1048576xf32, #tpu.memory_space<hbm>> -> memref<2048xf32, #tpu.memory_space<hbm>>
      tpu.wait_dma2 semaphore(%arg20 : memref<!tpu.dma_semaphore, #tpu.memory_space<semaphore_mem>>) src(%dma_wait3A_203 : memref<2048xf32, #tpu.memory_space<hbm>>) dst(%dma_wait3A_201 : memref<2048xf32, #tpu.memory_space<vmem>>)
      %dma_wait3A_204 = arith.constant 24576 : i32
      %dma_wait3A_205 = tpu.memref_slice %arg17[%dma_wait3A_204] : memref<53248xf32, #tpu.memory_space<vmem>> -> memref<2048xf32, #tpu.memory_space<vmem>>
      %dma_wait3A_206 = arith.constant 0 : i32
      %dma_wait3A_207 = tpu.memref_slice %arg14[%dma_wait3A_206] : memref<1048576xf32, #tpu.memory_space<hbm>> -> memref<2048xf32, #tpu.memory_space<hbm>>
      %dma_wait3A_208 = arith.constant 24576 : i32
      %dma_wait3A_209 = tpu.memref_slice %arg17[%dma_wait3A_208] : memref<53248xf32, #tpu.memory_space<vmem>> -> memref<2048xf32, #tpu.memory_space<vmem>>
      %dma_wait3A_210 = arith.constant 0 : i32
      %dma_wait3A_211 = tpu.memref_slice %arg14[%dma_wait3A_210] : memref<1048576xf32, #tpu.memory_space<hbm>> -> memref<2048xf32, #tpu.memory_space<hbm>>
      tpu.wait_dma2 semaphore(%arg20 : memref<!tpu.dma_semaphore, #tpu.memory_space<semaphore_mem>>) src(%dma_wait3A_211 : memref<2048xf32, #tpu.memory_space<hbm>>) dst(%dma_wait3A_209 : memref<2048xf32, #tpu.memory_space<vmem>>)
      %dma_wait3A_212 = arith.constant 0 : i32
      %dma_wait3A_213 = tpu.memref_slice %arg18[%dma_wait3A_212] : memref<4096xi32, #tpu.memory_space<vmem>> -> memref<2048xi32, #tpu.memory_space<vmem>>
      %dma_wait3A_214 = arith.constant 0 : i32
      %dma_wait3A_215 = tpu.memref_slice %arg15[%dma_wait3A_214] : memref<1048576xi32, #tpu.memory_space<hbm>> -> memref<2048xi32, #tpu.memory_space<hbm>>
      %dma_wait3A_216 = arith.constant 0 : i32
      %dma_wait3A_217 = tpu.memref_slice %arg18[%dma_wait3A_216] : memref<4096xi32, #tpu.memory_space<vmem>> -> memref<2048xi32, #tpu.memory_space<vmem>>
      %dma_wait3A_218 = arith.constant 0 : i32
      %dma_wait3A_219 = tpu.memref_slice %arg15[%dma_wait3A_218] : memref<1048576xi32, #tpu.memory_space<hbm>> -> memref<2048xi32, #tpu.memory_space<hbm>>
      tpu.wait_dma2 semaphore(%arg20 : memref<!tpu.dma_semaphore, #tpu.memory_space<semaphore_mem>>) src(%dma_wait3A_219 : memref<2048xi32, #tpu.memory_space<hbm>>) dst(%dma_wait3A_217 : memref<2048xi32, #tpu.memory_space<vmem>>)
      %add3A_220 = arith.constant 1 : i32
      %add3A_221 = arith.addi %mul3A_108, %add3A_220 : i32
      %lt3A = arith.constant 16 : i32
      %lt3A_222 = arith.cmpi slt, %add3A_221, %lt3A : i32
      %convert_element_type3A = arith.extui %lt3A_222 : i1 to i32
      %cond3A = arith.constant 0 : i32
      %cond3A_223 = arith.cmpi ne, %convert_element_type3A, %cond3A : i32
      scf.if %cond3A_223 {
        %add3A_353 = arith.constant 1 : i32
        %add3A_354 = arith.addi %mul3A_108, %add3A_353 : i32
        %mul3A_355 = arith.constant 2048 : i32
        %mul3A_356 = arith.muli %add3A_354, %mul3A_355 : i32
        %add3A_357 = arith.addi %mul3A_2, %mul3A_356 : i32
        %dma_start3A_358 = arith.constant 26624 : i32
        %dma_start3A_359 = tpu.memref_slice %arg17[%dma_start3A_358] : memref<53248xf32, #tpu.memory_space<vmem>> -> memref<2048xf32, #tpu.memory_space<vmem>>
        %dma_start3A_360 = tpu.memref_slice %arg2[%add3A_357] : memref<1048576xf32, #tpu.memory_space<hbm>> -> memref<2048xf32, #tpu.memory_space<hbm>>
        %dma_start3A_361 = arith.constant 26624 : i32
        %dma_start3A_362 = tpu.memref_slice %arg17[%dma_start3A_361] : memref<53248xf32, #tpu.memory_space<vmem>> -> memref<2048xf32, #tpu.memory_space<vmem>>
        %dma_start3A_363 = tpu.memref_slice %arg2[%add3A_357] : memref<1048576xf32, #tpu.memory_space<hbm>> -> memref<2048xf32, #tpu.memory_space<hbm>>
        tpu.enqueue_dma source(%dma_start3A_363 : memref<2048xf32, #tpu.memory_space<hbm>>) target(%dma_start3A_362 : memref<2048xf32, #tpu.memory_space<vmem>>) target_semaphore(%arg21 : memref<!tpu.dma_semaphore, #tpu.memory_space<semaphore_mem>>)
        %dma_start3A_364 = arith.constant 28672 : i32
        %dma_start3A_365 = tpu.memref_slice %arg17[%dma_start3A_364] : memref<53248xf32, #tpu.memory_space<vmem>> -> memref<2048xf32, #tpu.memory_space<vmem>>
        %dma_start3A_366 = tpu.memref_slice %arg3[%add3A_357] : memref<1048576xf32, #tpu.memory_space<hbm>> -> memref<2048xf32, #tpu.memory_space<hbm>>
        %dma_start3A_367 = arith.constant 28672 : i32
        %dma_start3A_368 = tpu.memref_slice %arg17[%dma_start3A_367] : memref<53248xf32, #tpu.memory_space<vmem>> -> memref<2048xf32, #tpu.memory_space<vmem>>
        %dma_start3A_369 = tpu.memref_slice %arg3[%add3A_357] : memref<1048576xf32, #tpu.memory_space<hbm>> -> memref<2048xf32, #tpu.memory_space<hbm>>
        tpu.enqueue_dma source(%dma_start3A_369 : memref<2048xf32, #tpu.memory_space<hbm>>) target(%dma_start3A_368 : memref<2048xf32, #tpu.memory_space<vmem>>) target_semaphore(%arg21 : memref<!tpu.dma_semaphore, #tpu.memory_space<semaphore_mem>>)
        %dma_start3A_370 = arith.constant 30720 : i32
        %dma_start3A_371 = tpu.memref_slice %arg17[%dma_start3A_370] : memref<53248xf32, #tpu.memory_space<vmem>> -> memref<2048xf32, #tpu.memory_space<vmem>>
        %dma_start3A_372 = tpu.memref_slice %arg4[%add3A_357] : memref<1048576xf32, #tpu.memory_space<hbm>> -> memref<2048xf32, #tpu.memory_space<hbm>>
        %dma_start3A_373 = arith.constant 30720 : i32
        %dma_start3A_374 = tpu.memref_slice %arg17[%dma_start3A_373] : memref<53248xf32, #tpu.memory_space<vmem>> -> memref<2048xf32, #tpu.memory_space<vmem>>
        %dma_start3A_375 = tpu.memref_slice %arg4[%add3A_357] : memref<1048576xf32, #tpu.memory_space<hbm>> -> memref<2048xf32, #tpu.memory_space<hbm>>
        tpu.enqueue_dma source(%dma_start3A_375 : memref<2048xf32, #tpu.memory_space<hbm>>) target(%dma_start3A_374 : memref<2048xf32, #tpu.memory_space<vmem>>) target_semaphore(%arg21 : memref<!tpu.dma_semaphore, #tpu.memory_space<semaphore_mem>>)
        %dma_start3A_376 = arith.constant 32768 : i32
        %dma_start3A_377 = tpu.memref_slice %arg17[%dma_start3A_376] : memref<53248xf32, #tpu.memory_space<vmem>> -> memref<2048xf32, #tpu.memory_space<vmem>>
        %dma_start3A_378 = tpu.memref_slice %arg5[%add3A_357] : memref<1048576xf32, #tpu.memory_space<hbm>> -> memref<2048xf32, #tpu.memory_space<hbm>>
        %dma_start3A_379 = arith.constant 32768 : i32
        %dma_start3A_380 = tpu.memref_slice %arg17[%dma_start3A_379] : memref<53248xf32, #tpu.memory_space<vmem>> -> memref<2048xf32, #tpu.memory_space<vmem>>
        %dma_start3A_381 = tpu.memref_slice %arg5[%add3A_357] : memref<1048576xf32, #tpu.memory_space<hbm>> -> memref<2048xf32, #tpu.memory_space<hbm>>
        tpu.enqueue_dma source(%dma_start3A_381 : memref<2048xf32, #tpu.memory_space<hbm>>) target(%dma_start3A_380 : memref<2048xf32, #tpu.memory_space<vmem>>) target_semaphore(%arg21 : memref<!tpu.dma_semaphore, #tpu.memory_space<semaphore_mem>>)
        %dma_start3A_382 = arith.constant 34816 : i32
        %dma_start3A_383 = tpu.memref_slice %arg17[%dma_start3A_382] : memref<53248xf32, #tpu.memory_space<vmem>> -> memref<2048xf32, #tpu.memory_space<vmem>>
        %dma_start3A_384 = tpu.memref_slice %arg6[%add3A_357] : memref<1048576xf32, #tpu.memory_space<hbm>> -> memref<2048xf32, #tpu.memory_space<hbm>>
        %dma_start3A_385 = arith.constant 34816 : i32
        %dma_start3A_386 = tpu.memref_slice %arg17[%dma_start3A_385] : memref<53248xf32, #tpu.memory_space<vmem>> -> memref<2048xf32, #tpu.memory_space<vmem>>
        %dma_start3A_387 = tpu.memref_slice %arg6[%add3A_357] : memref<1048576xf32, #tpu.memory_space<hbm>> -> memref<2048xf32, #tpu.memory_space<hbm>>
        tpu.enqueue_dma source(%dma_start3A_387 : memref<2048xf32, #tpu.memory_space<hbm>>) target(%dma_start3A_386 : memref<2048xf32, #tpu.memory_space<vmem>>) target_semaphore(%arg21 : memref<!tpu.dma_semaphore, #tpu.memory_space<semaphore_mem>>)
        %dma_start3A_388 = arith.constant 36864 : i32
        %dma_start3A_389 = tpu.memref_slice %arg17[%dma_start3A_388] : memref<53248xf32, #tpu.memory_space<vmem>> -> memref<2048xf32, #tpu.memory_space<vmem>>
        %dma_start3A_390 = tpu.memref_slice %arg7[%add3A_357] : memref<1048576xf32, #tpu.memory_space<hbm>> -> memref<2048xf32, #tpu.memory_space<hbm>>
        %dma_start3A_391 = arith.constant 36864 : i32
        %dma_start3A_392 = tpu.memref_slice %arg17[%dma_start3A_391] : memref<53248xf32, #tpu.memory_space<vmem>> -> memref<2048xf32, #tpu.memory_space<vmem>>
        %dma_start3A_393 = tpu.memref_slice %arg7[%add3A_357] : memref<1048576xf32, #tpu.memory_space<hbm>> -> memref<2048xf32, #tpu.memory_space<hbm>>
        tpu.enqueue_dma source(%dma_start3A_393 : memref<2048xf32, #tpu.memory_space<hbm>>) target(%dma_start3A_392 : memref<2048xf32, #tpu.memory_space<vmem>>) target_semaphore(%arg21 : memref<!tpu.dma_semaphore, #tpu.memory_space<semaphore_mem>>)
        %dma_start3A_394 = arith.constant 38912 : i32
        %dma_start3A_395 = tpu.memref_slice %arg17[%dma_start3A_394] : memref<53248xf32, #tpu.memory_space<vmem>> -> memref<2048xf32, #tpu.memory_space<vmem>>
        %dma_start3A_396 = tpu.memref_slice %arg8[%add3A_357] : memref<1048576xf32, #tpu.memory_space<hbm>> -> memref<2048xf32, #tpu.memory_space<hbm>>
        %dma_start3A_397 = arith.constant 38912 : i32
        %dma_start3A_398 = tpu.memref_slice %arg17[%dma_start3A_397] : memref<53248xf32, #tpu.memory_space<vmem>> -> memref<2048xf32, #tpu.memory_space<vmem>>
        %dma_start3A_399 = tpu.memref_slice %arg8[%add3A_357] : memref<1048576xf32, #tpu.memory_space<hbm>> -> memref<2048xf32, #tpu.memory_space<hbm>>
        tpu.enqueue_dma source(%dma_start3A_399 : memref<2048xf32, #tpu.memory_space<hbm>>) target(%dma_start3A_398 : memref<2048xf32, #tpu.memory_space<vmem>>) target_semaphore(%arg21 : memref<!tpu.dma_semaphore, #tpu.memory_space<semaphore_mem>>)
        %dma_start3A_400 = arith.constant 40960 : i32
        %dma_start3A_401 = tpu.memref_slice %arg17[%dma_start3A_400] : memref<53248xf32, #tpu.memory_space<vmem>> -> memref<2048xf32, #tpu.memory_space<vmem>>
        %dma_start3A_402 = tpu.memref_slice %arg9[%add3A_357] : memref<1048576xf32, #tpu.memory_space<hbm>> -> memref<2048xf32, #tpu.memory_space<hbm>>
        %dma_start3A_403 = arith.constant 40960 : i32
        %dma_start3A_404 = tpu.memref_slice %arg17[%dma_start3A_403] : memref<53248xf32, #tpu.memory_space<vmem>> -> memref<2048xf32, #tpu.memory_space<vmem>>
        %dma_start3A_405 = tpu.memref_slice %arg9[%add3A_357] : memref<1048576xf32, #tpu.memory_space<hbm>> -> memref<2048xf32, #tpu.memory_space<hbm>>
        tpu.enqueue_dma source(%dma_start3A_405 : memref<2048xf32, #tpu.memory_space<hbm>>) target(%dma_start3A_404 : memref<2048xf32, #tpu.memory_space<vmem>>) target_semaphore(%arg21 : memref<!tpu.dma_semaphore, #tpu.memory_space<semaphore_mem>>)
        %dma_start3A_406 = arith.constant 43008 : i32
        %dma_start3A_407 = tpu.memref_slice %arg17[%dma_start3A_406] : memref<53248xf32, #tpu.memory_space<vmem>> -> memref<2048xf32, #tpu.memory_space<vmem>>
        %dma_start3A_408 = tpu.memref_slice %arg10[%add3A_357] : memref<1048576xf32, #tpu.memory_space<hbm>> -> memref<2048xf32, #tpu.memory_space<hbm>>
        %dma_start3A_409 = arith.constant 43008 : i32
        %dma_start3A_410 = tpu.memref_slice %arg17[%dma_start3A_409] : memref<53248xf32, #tpu.memory_space<vmem>> -> memref<2048xf32, #tpu.memory_space<vmem>>
        %dma_start3A_411 = tpu.memref_slice %arg10[%add3A_357] : memref<1048576xf32, #tpu.memory_space<hbm>> -> memref<2048xf32, #tpu.memory_space<hbm>>
        tpu.enqueue_dma source(%dma_start3A_411 : memref<2048xf32, #tpu.memory_space<hbm>>) target(%dma_start3A_410 : memref<2048xf32, #tpu.memory_space<vmem>>) target_semaphore(%arg21 : memref<!tpu.dma_semaphore, #tpu.memory_space<semaphore_mem>>)
        %dma_start3A_412 = arith.constant 45056 : i32
        %dma_start3A_413 = tpu.memref_slice %arg17[%dma_start3A_412] : memref<53248xf32, #tpu.memory_space<vmem>> -> memref<2048xf32, #tpu.memory_space<vmem>>
        %dma_start3A_414 = tpu.memref_slice %arg11[%add3A_357] : memref<1048576xf32, #tpu.memory_space<hbm>> -> memref<2048xf32, #tpu.memory_space<hbm>>
        %dma_start3A_415 = arith.constant 45056 : i32
        %dma_start3A_416 = tpu.memref_slice %arg17[%dma_start3A_415] : memref<53248xf32, #tpu.memory_space<vmem>> -> memref<2048xf32, #tpu.memory_space<vmem>>
        %dma_start3A_417 = tpu.memref_slice %arg11[%add3A_357] : memref<1048576xf32, #tpu.memory_space<hbm>> -> memref<2048xf32, #tpu.memory_space<hbm>>
        tpu.enqueue_dma source(%dma_start3A_417 : memref<2048xf32, #tpu.memory_space<hbm>>) target(%dma_start3A_416 : memref<2048xf32, #tpu.memory_space<vmem>>) target_semaphore(%arg21 : memref<!tpu.dma_semaphore, #tpu.memory_space<semaphore_mem>>)
        %dma_start3A_418 = arith.constant 47104 : i32
        %dma_start3A_419 = tpu.memref_slice %arg17[%dma_start3A_418] : memref<53248xf32, #tpu.memory_space<vmem>> -> memref<2048xf32, #tpu.memory_space<vmem>>
        %dma_start3A_420 = tpu.memref_slice %arg12[%add3A_357] : memref<1048576xf32, #tpu.memory_space<hbm>> -> memref<2048xf32, #tpu.memory_space<hbm>>
        %dma_start3A_421 = arith.constant 47104 : i32
        %dma_start3A_422 = tpu.memref_slice %arg17[%dma_start3A_421] : memref<53248xf32, #tpu.memory_space<vmem>> -> memref<2048xf32, #tpu.memory_space<vmem>>
        %dma_start3A_423 = tpu.memref_slice %arg12[%add3A_357] : memref<1048576xf32, #tpu.memory_space<hbm>> -> memref<2048xf32, #tpu.memory_space<hbm>>
        tpu.enqueue_dma source(%dma_start3A_423 : memref<2048xf32, #tpu.memory_space<hbm>>) target(%dma_start3A_422 : memref<2048xf32, #tpu.memory_space<vmem>>) target_semaphore(%arg21 : memref<!tpu.dma_semaphore, #tpu.memory_space<semaphore_mem>>)
        %dma_start3A_424 = arith.constant 49152 : i32
        %dma_start3A_425 = tpu.memref_slice %arg17[%dma_start3A_424] : memref<53248xf32, #tpu.memory_space<vmem>> -> memref<2048xf32, #tpu.memory_space<vmem>>
        %dma_start3A_426 = tpu.memref_slice %arg13[%add3A_357] : memref<1048576xf32, #tpu.memory_space<hbm>> -> memref<2048xf32, #tpu.memory_space<hbm>>
        %dma_start3A_427 = arith.constant 49152 : i32
        %dma_start3A_428 = tpu.memref_slice %arg17[%dma_start3A_427] : memref<53248xf32, #tpu.memory_space<vmem>> -> memref<2048xf32, #tpu.memory_space<vmem>>
        %dma_start3A_429 = tpu.memref_slice %arg13[%add3A_357] : memref<1048576xf32, #tpu.memory_space<hbm>> -> memref<2048xf32, #tpu.memory_space<hbm>>
        tpu.enqueue_dma source(%dma_start3A_429 : memref<2048xf32, #tpu.memory_space<hbm>>) target(%dma_start3A_428 : memref<2048xf32, #tpu.memory_space<vmem>>) target_semaphore(%arg21 : memref<!tpu.dma_semaphore, #tpu.memory_space<semaphore_mem>>)
        %dma_start3A_430 = arith.constant 51200 : i32
        %dma_start3A_431 = tpu.memref_slice %arg17[%dma_start3A_430] : memref<53248xf32, #tpu.memory_space<vmem>> -> memref<2048xf32, #tpu.memory_space<vmem>>
        %dma_start3A_432 = tpu.memref_slice %arg14[%add3A_357] : memref<1048576xf32, #tpu.memory_space<hbm>> -> memref<2048xf32, #tpu.memory_space<hbm>>
        %dma_start3A_433 = arith.constant 51200 : i32
        %dma_start3A_434 = tpu.memref_slice %arg17[%dma_start3A_433] : memref<53248xf32, #tpu.memory_space<vmem>> -> memref<2048xf32, #tpu.memory_space<vmem>>
        %dma_start3A_435 = tpu.memref_slice %arg14[%add3A_357] : memref<1048576xf32, #tpu.memory_space<hbm>> -> memref<2048xf32, #tpu.memory_space<hbm>>
        tpu.enqueue_dma source(%dma_start3A_435 : memref<2048xf32, #tpu.memory_space<hbm>>) target(%dma_start3A_434 : memref<2048xf32, #tpu.memory_space<vmem>>) target_semaphore(%arg21 : memref<!tpu.dma_semaphore, #tpu.memory_space<semaphore_mem>>)
        %dma_start3A_436 = arith.constant 2048 : i32
        %dma_start3A_437 = tpu.memref_slice %arg18[%dma_start3A_436] : memref<4096xi32, #tpu.memory_space<vmem>> -> memref<2048xi32, #tpu.memory_space<vmem>>
        %dma_start3A_438 = tpu.memref_slice %arg15[%add3A_357] : memref<1048576xi32, #tpu.memory_space<hbm>> -> memref<2048xi32, #tpu.memory_space<hbm>>
        %dma_start3A_439 = arith.constant 2048 : i32
        %dma_start3A_440 = tpu.memref_slice %arg18[%dma_start3A_439] : memref<4096xi32, #tpu.memory_space<vmem>> -> memref<2048xi32, #tpu.memory_space<vmem>>
        %dma_start3A_441 = tpu.memref_slice %arg15[%add3A_357] : memref<1048576xi32, #tpu.memory_space<hbm>> -> memref<2048xi32, #tpu.memory_space<hbm>>
        tpu.enqueue_dma source(%dma_start3A_441 : memref<2048xi32, #tpu.memory_space<hbm>>) target(%dma_start3A_440 : memref<2048xi32, #tpu.memory_space<vmem>>) target_semaphore(%arg21 : memref<!tpu.dma_semaphore, #tpu.memory_space<semaphore_mem>>)
      } else {
      }
      %scan3A_224 = arith.constant 0 : i32
      %scan3A_225 = arith.constant 128 : i32
      %scan3A_226 = arith.addi %scan3A_224, %scan3A_225 : i32
      %scan3A_227 = arith.constant 4 : i32
      scf.for %scan3A_353 = %scan3A_224 to %scan3A_226 step %scan3A_227  : i32 {
        %mul3A_354 = arith.constant 1 : i32
        %mul3A_355 = arith.muli %scan3A_353, %mul3A_354 : i32
        %add3A_356 = arith.constant 0 : i32
        %add3A_357 = arith.addi %add3A_356, %mul3A_355 : i32
        %mul3A_358 = arith.constant 16 : i32
        %mul3A_359 = arith.muli %add3A_357, %mul3A_358 : i32
        %add3A_360 = arith.constant 0 : i32
        %add3A_361 = arith.addi %add3A_360, %mul3A_359 : i32
        %get3A = arith.index_cast %add3A_361 : i32 to index
        %get3A_362 = tpu.vector_load %arg18[%get3A] {strides = array<i32>} : memref<4096xi32, #tpu.memory_space<vmem>>, vector<16xi32>,
        %mul3A_363 = arith.constant 16 : i32
        %mul3A_364 = arith.muli %add3A_357, %mul3A_363 : i32
        %add3A_365 = arith.constant 0 : i32
        %add3A_366 = arith.addi %add3A_365, %mul3A_364 : i32
        %get3A_367 = arith.index_cast %add3A_366 : i32 to index
        %get3A_368 = tpu.vector_load %arg17[%get3A_367] {strides = array<i32>} : memref<53248xf32, #tpu.memory_space<vmem>>, vector<16xf32>,
        %mul3A_369 = arith.constant 16 : i32
        %mul3A_370 = arith.muli %add3A_357, %mul3A_369 : i32
        %add3A_371 = arith.constant 2048 : i32
        %add3A_372 = arith.addi %add3A_371, %mul3A_370 : i32
        %get3A_373 = arith.index_cast %add3A_372 : i32 to index
        %get3A_374 = tpu.vector_load %arg17[%get3A_373] {strides = array<i32>} : memref<53248xf32, #tpu.memory_space<vmem>>, vector<16xf32>,
        %mul3A_375 = arith.constant 16 : i32
        %mul3A_376 = arith.muli %add3A_357, %mul3A_375 : i32
        %add3A_377 = arith.constant 4096 : i32
        %add3A_378 = arith.addi %add3A_377, %mul3A_376 : i32
        %get3A_379 = arith.index_cast %add3A_378 : i32 to index
        %get3A_380 = tpu.vector_load %arg17[%get3A_379] {strides = array<i32>} : memref<53248xf32, #tpu.memory_space<vmem>>, vector<16xf32>,
        %mul3A_381 = arith.constant 16 : i32
        %mul3A_382 = arith.muli %add3A_357, %mul3A_381 : i32
        %add3A_383 = arith.constant 6144 : i32
        %add3A_384 = arith.addi %add3A_383, %mul3A_382 : i32
        %get3A_385 = arith.index_cast %add3A_384 : i32 to index
        %get3A_386 = tpu.vector_load %arg17[%get3A_385] {strides = array<i32>} : memref<53248xf32, #tpu.memory_space<vmem>>, vector<16xf32>,
        %mul3A_387 = arith.constant 16 : i32
        %mul3A_388 = arith.muli %add3A_357, %mul3A_387 : i32
        %add3A_389 = arith.constant 8192 : i32
        %add3A_390 = arith.addi %add3A_389, %mul3A_388 : i32
        %get3A_391 = arith.index_cast %add3A_390 : i32 to index
        %get3A_392 = tpu.vector_load %arg17[%get3A_391] {strides = array<i32>} : memref<53248xf32, #tpu.memory_space<vmem>>, vector<16xf32>,
        %mul3A_393 = arith.constant 16 : i32
        %mul3A_394 = arith.muli %add3A_357, %mul3A_393 : i32
        %add3A_395 = arith.constant 10240 : i32
        %add3A_396 = arith.addi %add3A_395, %mul3A_394 : i32
        %get3A_397 = arith.index_cast %add3A_396 : i32 to index
        %get3A_398 = tpu.vector_load %arg17[%get3A_397] {strides = array<i32>} : memref<53248xf32, #tpu.memory_space<vmem>>, vector<16xf32>,
        %mul3A_399 = arith.constant 16 : i32
        %mul3A_400 = arith.muli %add3A_357, %mul3A_399 : i32
        %add3A_401 = arith.constant 12288 : i32
        %add3A_402 = arith.addi %add3A_401, %mul3A_400 : i32
        %get3A_403 = arith.index_cast %add3A_402 : i32 to index
        %get3A_404 = tpu.vector_load %arg17[%get3A_403] {strides = array<i32>} : memref<53248xf32, #tpu.memory_space<vmem>>, vector<16xf32>,
        %mul3A_405 = arith.constant 16 : i32
        %mul3A_406 = arith.muli %add3A_357, %mul3A_405 : i32
        %add3A_407 = arith.constant 14336 : i32
        %add3A_408 = arith.addi %add3A_407, %mul3A_406 : i32
        %get3A_409 = arith.index_cast %add3A_408 : i32 to index
        %get3A_410 = tpu.vector_load %arg17[%get3A_409] {strides = array<i32>} : memref<53248xf32, #tpu.memory_space<vmem>>, vector<16xf32>,
        %mul3A_411 = arith.constant 16 : i32
        %mul3A_412 = arith.muli %add3A_357, %mul3A_411 : i32
        %add3A_413 = arith.constant 16384 : i32
        %add3A_414 = arith.addi %add3A_413, %mul3A_412 : i32
        %get3A_415 = arith.index_cast %add3A_414 : i32 to index
        %get3A_416 = tpu.vector_load %arg17[%get3A_415] {strides = array<i32>} : memref<53248xf32, #tpu.memory_space<vmem>>, vector<16xf32>,
        %mul3A_417 = arith.constant 16 : i32
        %mul3A_418 = arith.muli %add3A_357, %mul3A_417 : i32
        %add3A_419 = arith.constant 18432 : i32
        %add3A_420 = arith.addi %add3A_419, %mul3A_418 : i32
        %get3A_421 = arith.index_cast %add3A_420 : i32 to index
        %get3A_422 = tpu.vector_load %arg17[%get3A_421] {strides = array<i32>} : memref<53248xf32, #tpu.memory_space<vmem>>, vector<16xf32>,
        %mul3A_423 = arith.constant 16 : i32
        %mul3A_424 = arith.muli %add3A_357, %mul3A_423 : i32
        %add3A_425 = arith.constant 20480 : i32
        %add3A_426 = arith.addi %add3A_425, %mul3A_424 : i32
        %get3A_427 = arith.index_cast %add3A_426 : i32 to index
        %get3A_428 = tpu.vector_load %arg17[%get3A_427] {strides = array<i32>} : memref<53248xf32, #tpu.memory_space<vmem>>, vector<16xf32>,
        %mul3A_429 = arith.constant 16 : i32
        %mul3A_430 = arith.muli %add3A_357, %mul3A_429 : i32
        %add3A_431 = arith.constant 22528 : i32
        %add3A_432 = arith.addi %add3A_431, %mul3A_430 : i32
        %get3A_433 = arith.index_cast %add3A_432 : i32 to index
        %get3A_434 = tpu.vector_load %arg17[%get3A_433] {strides = array<i32>} : memref<53248xf32, #tpu.memory_space<vmem>>, vector<16xf32>,
        %mul3A_435 = arith.constant 16 : i32
        %mul3A_436 = arith.muli %add3A_357, %mul3A_435 : i32
        %add3A_437 = arith.constant 24576 : i32
        %add3A_438 = arith.addi %add3A_437, %mul3A_436 : i32
        %get3A_439 = arith.index_cast %add3A_438 : i32 to index
        %get3A_440 = tpu.vector_load %arg17[%get3A_439] {strides = array<i32>} : memref<53248xf32, #tpu.memory_space<vmem>>, vector<16xf32>,
        %exp3A = math.exp %get3A_368 : vector<16xf32>
        %exp3A_441 = math.exp %get3A_374 : vector<16xf32>
        %exp3A_442 = math.exp %get3A_380 : vector<16xf32>
        %exp3A_443 = math.exp %get3A_386 : vector<16xf32>
        %exp3A_444 = math.exp %get3A_392 : vector<16xf32>
        %exp3A_445 = math.exp %get3A_398 : vector<16xf32>
        %exp3A_446 = math.exp %get3A_404 : vector<16xf32>
        %exp3A_447 = math.exp %get3A_410 : vector<16xf32>
        %exp3A_448 = math.exp %get3A_416 : vector<16xf32>
        %exp3A_449 = math.exp %get3A_422 : vector<16xf32>
        %exp3A_450 = math.exp %get3A_428 : vector<16xf32>
        %exp3A_451 = math.exp %get3A_434 : vector<16xf32>
        %exp3A_452 = math.exp %get3A_440 : vector<16xf32>
        %add3A_453 = arith.addf %exp3A, %exp3A_441 : vector<16xf32>
        %add3A_454 = arith.addf %exp3A_442, %exp3A_443 : vector<16xf32>
        %add3A_455 = arith.addf %exp3A_444, %exp3A_445 : vector<16xf32>
        %add3A_456 = arith.addf %exp3A_446, %exp3A_447 : vector<16xf32>
        %add3A_457 = arith.addf %exp3A_448, %exp3A_449 : vector<16xf32>
        %add3A_458 = arith.addf %exp3A_450, %exp3A_451 : vector<16xf32>
        %add3A_459 = arith.addf %add3A_453, %add3A_454 : vector<16xf32>
        %add3A_460 = arith.addf %add3A_455, %add3A_456 : vector<16xf32>
        %add3A_461 = arith.addf %add3A_457, %add3A_458 : vector<16xf32>
        %add3A_462 = arith.addf %add3A_459, %add3A_460 : vector<16xf32>
        %add3A_463 = arith.addf %add3A_461, %exp3A_452 : vector<16xf32>
        %add3A_464 = arith.addf %add3A_462, %add3A_463 : vector<16xf32>
        %div3A = arith.constant 1.000000e+00 : f32
        %div3A_465 = vector.broadcast %div3A : f32 to vector<16xf32>
        %div3A_466 = arith.divf %div3A_465, %add3A_464 : vector<16xf32>
        %mul3A_467 = arith.mulf %exp3A, %div3A_466 : vector<16xf32>
        %eq3A = arith.constant 0 : i32
        %eq3A_468 = vector.broadcast %eq3A : i32 to vector<16xi32>
        %eq3A_469 = arith.cmpi eq, %get3A_362, %eq3A_468 : vector<16xi32>
        %sub3A = arith.constant 1.000000e+00 : f32
        %sub3A_470 = vector.broadcast %sub3A : f32 to vector<16xf32>
        %sub3A_471 = arith.subf %sub3A_470, %mul3A_467 : vector<16xf32>
        %select_n3A = arith.select %eq3A_469, %sub3A_471, %mul3A_467 : vector<16xi1>, vector<16xf32>
        %bitcast3A = vector.bitcast %select_n3A : vector<16xf32> to vector<16xi32>
        %shift_right_logical3A = arith.shrui %bitcast3A, %broadcast_in_dim3A_7 : vector<16xi32>
        %max3A = arith.constant 30464 : i32
        %max3A_472 = vector.broadcast %max3A : i32 to vector<16xi32>
        %max3A_473 = arith.maxsi %shift_right_logical3A, %max3A_472 : vector<16xi32>
        %min3A = arith.constant 32511 : i32
        %min3A_474 = vector.broadcast %min3A : i32 to vector<16xi32>
        %min3A_475 = arith.minsi %max3A_473, %min3A_474 : vector<16xi32>
        %jit3A = arith.constant -3840 : i32
        %jit3A_476 = arith.constant -30464 : i32
        %broadcast_in_dim3A_477 = vector.broadcast %jit3A : i32 to vector<16xi32>
        %broadcast_in_dim3A_478 = vector.broadcast %jit3A_476 : i32 to vector<16xi32>
        %select_n3A_479 = arith.select %eq3A_469, %broadcast_in_dim3A_477, %broadcast_in_dim3A_478 : vector<16xi1>, vector<16xi32>
        %add3A_480 = arith.addi %min3A_475, %select_n3A_479 : vector<16xi32>
        tpu.vector_store_idx %arg19[%add3A_480], %broadcast_in_dim3A_5 {add = true} : memref<53248xf32, #tpu.memory_space<vmem>>[vector<16xi32>], vector<16xf32>,
        %mul3A_481 = arith.mulf %exp3A_441, %div3A_466 : vector<16xf32>
        %eq3A_482 = arith.constant 1 : i32
        %eq3A_483 = vector.broadcast %eq3A_482 : i32 to vector<16xi32>
        %eq3A_484 = arith.cmpi eq, %get3A_362, %eq3A_483 : vector<16xi32>
        %sub3A_485 = arith.constant 1.000000e+00 : f32
        %sub3A_486 = vector.broadcast %sub3A_485 : f32 to vector<16xf32>
        %sub3A_487 = arith.subf %sub3A_486, %mul3A_481 : vector<16xf32>
        %select_n3A_488 = arith.select %eq3A_484, %sub3A_487, %mul3A_481 : vector<16xi1>, vector<16xf32>
        %bitcast3A_489 = vector.bitcast %select_n3A_488 : vector<16xf32> to vector<16xi32>
        %shift_right_logical3A_490 = arith.shrui %bitcast3A_489, %broadcast_in_dim3A_7 : vector<16xi32>
        %max3A_491 = arith.constant 30464 : i32
        %max3A_492 = vector.broadcast %max3A_491 : i32 to vector<16xi32>
        %max3A_493 = arith.maxsi %shift_right_logical3A_490, %max3A_492 : vector<16xi32>
        %min3A_494 = arith.constant 32511 : i32
        %min3A_495 = vector.broadcast %min3A_494 : i32 to vector<16xi32>
        %min3A_496 = arith.minsi %max3A_493, %min3A_495 : vector<16xi32>
        %jit3A_497 = arith.constant -1792 : i32
        %jit3A_498 = arith.constant -28416 : i32
        %broadcast_in_dim3A_499 = vector.broadcast %jit3A_497 : i32 to vector<16xi32>
        %broadcast_in_dim3A_500 = vector.broadcast %jit3A_498 : i32 to vector<16xi32>
        %select_n3A_501 = arith.select %eq3A_484, %broadcast_in_dim3A_499, %broadcast_in_dim3A_500 : vector<16xi1>, vector<16xi32>
        %add3A_502 = arith.addi %min3A_496, %select_n3A_501 : vector<16xi32>
        tpu.vector_store_idx %arg19[%add3A_502], %broadcast_in_dim3A_5 {add = true} : memref<53248xf32, #tpu.memory_space<vmem>>[vector<16xi32>], vector<16xf32>,
        %mul3A_503 = arith.mulf %exp3A_442, %div3A_466 : vector<16xf32>
        %eq3A_504 = arith.constant 2 : i32
        %eq3A_505 = vector.broadcast %eq3A_504 : i32 to vector<16xi32>
        %eq3A_506 = arith.cmpi eq, %get3A_362, %eq3A_505 : vector<16xi32>
        %sub3A_507 = arith.constant 1.000000e+00 : f32
        %sub3A_508 = vector.broadcast %sub3A_507 : f32 to vector<16xf32>
        %sub3A_509 = arith.subf %sub3A_508, %mul3A_503 : vector<16xf32>
        %select_n3A_510 = arith.select %eq3A_506, %sub3A_509, %mul3A_503 : vector<16xi1>, vector<16xf32>
        %bitcast3A_511 = vector.bitcast %select_n3A_510 : vector<16xf32> to vector<16xi32>
        %shift_right_logical3A_512 = arith.shrui %bitcast3A_511, %broadcast_in_dim3A_7 : vector<16xi32>
        %max3A_513 = arith.constant 30464 : i32
        %max3A_514 = vector.broadcast %max3A_513 : i32 to vector<16xi32>
        %max3A_515 = arith.maxsi %shift_right_logical3A_512, %max3A_514 : vector<16xi32>
        %min3A_516 = arith.constant 32511 : i32
        %min3A_517 = vector.broadcast %min3A_516 : i32 to vector<16xi32>
        %min3A_518 = arith.minsi %max3A_515, %min3A_517 : vector<16xi32>
        %jit3A_519 = arith.constant 256 : i32
        %jit3A_520 = arith.constant -26368 : i32
        %broadcast_in_dim3A_521 = vector.broadcast %jit3A_519 : i32 to vector<16xi32>
        %broadcast_in_dim3A_522 = vector.broadcast %jit3A_520 : i32 to vector<16xi32>
        %select_n3A_523 = arith.select %eq3A_506, %broadcast_in_dim3A_521, %broadcast_in_dim3A_522 : vector<16xi1>, vector<16xi32>
        %add3A_524 = arith.addi %min3A_518, %select_n3A_523 : vector<16xi32>
        tpu.vector_store_idx %arg19[%add3A_524], %broadcast_in_dim3A_5 {add = true} : memref<53248xf32, #tpu.memory_space<vmem>>[vector<16xi32>], vector<16xf32>,
        %mul3A_525 = arith.mulf %exp3A_443, %div3A_466 : vector<16xf32>
        %eq3A_526 = arith.constant 3 : i32
        %eq3A_527 = vector.broadcast %eq3A_526 : i32 to vector<16xi32>
        %eq3A_528 = arith.cmpi eq, %get3A_362, %eq3A_527 : vector<16xi32>
        %sub3A_529 = arith.constant 1.000000e+00 : f32
        %sub3A_530 = vector.broadcast %sub3A_529 : f32 to vector<16xf32>
        %sub3A_531 = arith.subf %sub3A_530, %mul3A_525 : vector<16xf32>
        %select_n3A_532 = arith.select %eq3A_528, %sub3A_531, %mul3A_525 : vector<16xi1>, vector<16xf32>
        %bitcast3A_533 = vector.bitcast %select_n3A_532 : vector<16xf32> to vector<16xi32>
        %shift_right_logical3A_534 = arith.shrui %bitcast3A_533, %broadcast_in_dim3A_7 : vector<16xi32>
        %max3A_535 = arith.constant 30464 : i32
        %max3A_536 = vector.broadcast %max3A_535 : i32 to vector<16xi32>
        %max3A_537 = arith.maxsi %shift_right_logical3A_534, %max3A_536 : vector<16xi32>
        %min3A_538 = arith.constant 32511 : i32
        %min3A_539 = vector.broadcast %min3A_538 : i32 to vector<16xi32>
        %min3A_540 = arith.minsi %max3A_537, %min3A_539 : vector<16xi32>
        %jit3A_541 = arith.constant 2304 : i32
        %jit3A_542 = arith.constant -24320 : i32
        %broadcast_in_dim3A_543 = vector.broadcast %jit3A_541 : i32 to vector<16xi32>
        %broadcast_in_dim3A_544 = vector.broadcast %jit3A_542 : i32 to vector<16xi32>
        %select_n3A_545 = arith.select %eq3A_528, %broadcast_in_dim3A_543, %broadcast_in_dim3A_544 : vector<16xi1>, vector<16xi32>
        %add3A_546 = arith.addi %min3A_540, %select_n3A_545 : vector<16xi32>
        tpu.vector_store_idx %arg19[%add3A_546], %broadcast_in_dim3A_5 {add = true} : memref<53248xf32, #tpu.memory_space<vmem>>[vector<16xi32>], vector<16xf32>,
        %mul3A_547 = arith.mulf %exp3A_444, %div3A_466 : vector<16xf32>
        %eq3A_548 = arith.constant 4 : i32
        %eq3A_549 = vector.broadcast %eq3A_548 : i32 to vector<16xi32>
        %eq3A_550 = arith.cmpi eq, %get3A_362, %eq3A_549 : vector<16xi32>
        %sub3A_551 = arith.constant 1.000000e+00 : f32
        %sub3A_552 = vector.broadcast %sub3A_551 : f32 to vector<16xf32>
        %sub3A_553 = arith.subf %sub3A_552, %mul3A_547 : vector<16xf32>
        %select_n3A_554 = arith.select %eq3A_550, %sub3A_553, %mul3A_547 : vector<16xi1>, vector<16xf32>
        %bitcast3A_555 = vector.bitcast %select_n3A_554 : vector<16xf32> to vector<16xi32>
        %shift_right_logical3A_556 = arith.shrui %bitcast3A_555, %broadcast_in_dim3A_7 : vector<16xi32>
        %max3A_557 = arith.constant 30464 : i32
        %max3A_558 = vector.broadcast %max3A_557 : i32 to vector<16xi32>
        %max3A_559 = arith.maxsi %shift_right_logical3A_556, %max3A_558 : vector<16xi32>
        %min3A_560 = arith.constant 32511 : i32
        %min3A_561 = vector.broadcast %min3A_560 : i32 to vector<16xi32>
        %min3A_562 = arith.minsi %max3A_559, %min3A_561 : vector<16xi32>
        %jit3A_563 = arith.constant 4352 : i32
        %jit3A_564 = arith.constant -22272 : i32
        %broadcast_in_dim3A_565 = vector.broadcast %jit3A_563 : i32 to vector<16xi32>
        %broadcast_in_dim3A_566 = vector.broadcast %jit3A_564 : i32 to vector<16xi32>
        %select_n3A_567 = arith.select %eq3A_550, %broadcast_in_dim3A_565, %broadcast_in_dim3A_566 : vector<16xi1>, vector<16xi32>
        %add3A_568 = arith.addi %min3A_562, %select_n3A_567 : vector<16xi32>
        tpu.vector_store_idx %arg19[%add3A_568], %broadcast_in_dim3A_5 {add = true} : memref<53248xf32, #tpu.memory_space<vmem>>[vector<16xi32>], vector<16xf32>,
        %mul3A_569 = arith.mulf %exp3A_445, %div3A_466 : vector<16xf32>
        %eq3A_570 = arith.constant 5 : i32
        %eq3A_571 = vector.broadcast %eq3A_570 : i32 to vector<16xi32>
        %eq3A_572 = arith.cmpi eq, %get3A_362, %eq3A_571 : vector<16xi32>
        %sub3A_573 = arith.constant 1.000000e+00 : f32
        %sub3A_574 = vector.broadcast %sub3A_573 : f32 to vector<16xf32>
        %sub3A_575 = arith.subf %sub3A_574, %mul3A_569 : vector<16xf32>
        %select_n3A_576 = arith.select %eq3A_572, %sub3A_575, %mul3A_569 : vector<16xi1>, vector<16xf32>
        %bitcast3A_577 = vector.bitcast %select_n3A_576 : vector<16xf32> to vector<16xi32>
        %shift_right_logical3A_578 = arith.shrui %bitcast3A_577, %broadcast_in_dim3A_7 : vector<16xi32>
        %max3A_579 = arith.constant 30464 : i32
        %max3A_580 = vector.broadcast %max3A_579 : i32 to vector<16xi32>
        %max3A_581 = arith.maxsi %shift_right_logical3A_578, %max3A_580 : vector<16xi32>
        %min3A_582 = arith.constant 32511 : i32
        %min3A_583 = vector.broadcast %min3A_582 : i32 to vector<16xi32>
        %min3A_584 = arith.minsi %max3A_581, %min3A_583 : vector<16xi32>
        %jit3A_585 = arith.constant 6400 : i32
        %jit3A_586 = arith.constant -20224 : i32
        %broadcast_in_dim3A_587 = vector.broadcast %jit3A_585 : i32 to vector<16xi32>
        %broadcast_in_dim3A_588 = vector.broadcast %jit3A_586 : i32 to vector<16xi32>
        %select_n3A_589 = arith.select %eq3A_572, %broadcast_in_dim3A_587, %broadcast_in_dim3A_588 : vector<16xi1>, vector<16xi32>
        %add3A_590 = arith.addi %min3A_584, %select_n3A_589 : vector<16xi32>
        tpu.vector_store_idx %arg19[%add3A_590], %broadcast_in_dim3A_5 {add = true} : memref<53248xf32, #tpu.memory_space<vmem>>[vector<16xi32>], vector<16xf32>,
        %mul3A_591 = arith.mulf %exp3A_446, %div3A_466 : vector<16xf32>
        %eq3A_592 = arith.constant 6 : i32
        %eq3A_593 = vector.broadcast %eq3A_592 : i32 to vector<16xi32>
        %eq3A_594 = arith.cmpi eq, %get3A_362, %eq3A_593 : vector<16xi32>
        %sub3A_595 = arith.constant 1.000000e+00 : f32
        %sub3A_596 = vector.broadcast %sub3A_595 : f32 to vector<16xf32>
        %sub3A_597 = arith.subf %sub3A_596, %mul3A_591 : vector<16xf32>
        %select_n3A_598 = arith.select %eq3A_594, %sub3A_597, %mul3A_591 : vector<16xi1>, vector<16xf32>
        %bitcast3A_599 = vector.bitcast %select_n3A_598 : vector<16xf32> to vector<16xi32>
        %shift_right_logical3A_600 = arith.shrui %bitcast3A_599, %broadcast_in_dim3A_7 : vector<16xi32>
        %max3A_601 = arith.constant 30464 : i32
        %max3A_602 = vector.broadcast %max3A_601 : i32 to vector<16xi32>
        %max3A_603 = arith.maxsi %shift_right_logical3A_600, %max3A_602 : vector<16xi32>
        %min3A_604 = arith.constant 32511 : i32
        %min3A_605 = vector.broadcast %min3A_604 : i32 to vector<16xi32>
        %min3A_606 = arith.minsi %max3A_603, %min3A_605 : vector<16xi32>
        %jit3A_607 = arith.constant 8448 : i32
        %jit3A_608 = arith.constant -18176 : i32
        %broadcast_in_dim3A_609 = vector.broadcast %jit3A_607 : i32 to vector<16xi32>
        %broadcast_in_dim3A_610 = vector.broadcast %jit3A_608 : i32 to vector<16xi32>
        %select_n3A_611 = arith.select %eq3A_594, %broadcast_in_dim3A_609, %broadcast_in_dim3A_610 : vector<16xi1>, vector<16xi32>
        %add3A_612 = arith.addi %min3A_606, %select_n3A_611 : vector<16xi32>
        tpu.vector_store_idx %arg19[%add3A_612], %broadcast_in_dim3A_5 {add = true} : memref<53248xf32, #tpu.memory_space<vmem>>[vector<16xi32>], vector<16xf32>,
        %mul3A_613 = arith.mulf %exp3A_447, %div3A_466 : vector<16xf32>
        %eq3A_614 = arith.constant 7 : i32
        %eq3A_615 = vector.broadcast %eq3A_614 : i32 to vector<16xi32>
        %eq3A_616 = arith.cmpi eq, %get3A_362, %eq3A_615 : vector<16xi32>
        %sub3A_617 = arith.constant 1.000000e+00 : f32
        %sub3A_618 = vector.broadcast %sub3A_617 : f32 to vector<16xf32>
        %sub3A_619 = arith.subf %sub3A_618, %mul3A_613 : vector<16xf32>
        %select_n3A_620 = arith.select %eq3A_616, %sub3A_619, %mul3A_613 : vector<16xi1>, vector<16xf32>
        %bitcast3A_621 = vector.bitcast %select_n3A_620 : vector<16xf32> to vector<16xi32>
        %shift_right_logical3A_622 = arith.shrui %bitcast3A_621, %broadcast_in_dim3A_7 : vector<16xi32>
        %max3A_623 = arith.constant 30464 : i32
        %max3A_624 = vector.broadcast %max3A_623 : i32 to vector<16xi32>
        %max3A_625 = arith.maxsi %shift_right_logical3A_622, %max3A_624 : vector<16xi32>
        %min3A_626 = arith.constant 32511 : i32
        %min3A_627 = vector.broadcast %min3A_626 : i32 to vector<16xi32>
        %min3A_628 = arith.minsi %max3A_625, %min3A_627 : vector<16xi32>
        %jit3A_629 = arith.constant 10496 : i32
        %jit3A_630 = arith.constant -16128 : i32
        %broadcast_in_dim3A_631 = vector.broadcast %jit3A_629 : i32 to vector<16xi32>
        %broadcast_in_dim3A_632 = vector.broadcast %jit3A_630 : i32 to vector<16xi32>
        %select_n3A_633 = arith.select %eq3A_616, %broadcast_in_dim3A_631, %broadcast_in_dim3A_632 : vector<16xi1>, vector<16xi32>
        %add3A_634 = arith.addi %min3A_628, %select_n3A_633 : vector<16xi32>
        tpu.vector_store_idx %arg19[%add3A_634], %broadcast_in_dim3A_5 {add = true} : memref<53248xf32, #tpu.memory_space<vmem>>[vector<16xi32>], vector<16xf32>,
        %mul3A_635 = arith.mulf %exp3A_448, %div3A_466 : vector<16xf32>
        %eq3A_636 = arith.constant 8 : i32
        %eq3A_637 = vector.broadcast %eq3A_636 : i32 to vector<16xi32>
        %eq3A_638 = arith.cmpi eq, %get3A_362, %eq3A_637 : vector<16xi32>
        %sub3A_639 = arith.constant 1.000000e+00 : f32
        %sub3A_640 = vector.broadcast %sub3A_639 : f32 to vector<16xf32>
        %sub3A_641 = arith.subf %sub3A_640, %mul3A_635 : vector<16xf32>
        %select_n3A_642 = arith.select %eq3A_638, %sub3A_641, %mul3A_635 : vector<16xi1>, vector<16xf32>
        %bitcast3A_643 = vector.bitcast %select_n3A_642 : vector<16xf32> to vector<16xi32>
        %shift_right_logical3A_644 = arith.shrui %bitcast3A_643, %broadcast_in_dim3A_7 : vector<16xi32>
        %max3A_645 = arith.constant 30464 : i32
        %max3A_646 = vector.broadcast %max3A_645 : i32 to vector<16xi32>
        %max3A_647 = arith.maxsi %shift_right_logical3A_644, %max3A_646 : vector<16xi32>
        %min3A_648 = arith.constant 32511 : i32
        %min3A_649 = vector.broadcast %min3A_648 : i32 to vector<16xi32>
        %min3A_650 = arith.minsi %max3A_647, %min3A_649 : vector<16xi32>
        %jit3A_651 = arith.constant 12544 : i32
        %jit3A_652 = arith.constant -14080 : i32
        %broadcast_in_dim3A_653 = vector.broadcast %jit3A_651 : i32 to vector<16xi32>
        %broadcast_in_dim3A_654 = vector.broadcast %jit3A_652 : i32 to vector<16xi32>
        %select_n3A_655 = arith.select %eq3A_638, %broadcast_in_dim3A_653, %broadcast_in_dim3A_654 : vector<16xi1>, vector<16xi32>
        %add3A_656 = arith.addi %min3A_650, %select_n3A_655 : vector<16xi32>
        tpu.vector_store_idx %arg19[%add3A_656], %broadcast_in_dim3A_5 {add = true} : memref<53248xf32, #tpu.memory_space<vmem>>[vector<16xi32>], vector<16xf32>,
        %mul3A_657 = arith.mulf %exp3A_449, %div3A_466 : vector<16xf32>
        %eq3A_658 = arith.constant 9 : i32
        %eq3A_659 = vector.broadcast %eq3A_658 : i32 to vector<16xi32>
        %eq3A_660 = arith.cmpi eq, %get3A_362, %eq3A_659 : vector<16xi32>
        %sub3A_661 = arith.constant 1.000000e+00 : f32
        %sub3A_662 = vector.broadcast %sub3A_661 : f32 to vector<16xf32>
        %sub3A_663 = arith.subf %sub3A_662, %mul3A_657 : vector<16xf32>
        %select_n3A_664 = arith.select %eq3A_660, %sub3A_663, %mul3A_657 : vector<16xi1>, vector<16xf32>
        %bitcast3A_665 = vector.bitcast %select_n3A_664 : vector<16xf32> to vector<16xi32>
        %shift_right_logical3A_666 = arith.shrui %bitcast3A_665, %broadcast_in_dim3A_7 : vector<16xi32>
        %max3A_667 = arith.constant 30464 : i32
        %max3A_668 = vector.broadcast %max3A_667 : i32 to vector<16xi32>
        %max3A_669 = arith.maxsi %shift_right_logical3A_666, %max3A_668 : vector<16xi32>
        %min3A_670 = arith.constant 32511 : i32
        %min3A_671 = vector.broadcast %min3A_670 : i32 to vector<16xi32>
        %min3A_672 = arith.minsi %max3A_669, %min3A_671 : vector<16xi32>
        %jit3A_673 = arith.constant 14592 : i32
        %jit3A_674 = arith.constant -12032 : i32
        %broadcast_in_dim3A_675 = vector.broadcast %jit3A_673 : i32 to vector<16xi32>
        %broadcast_in_dim3A_676 = vector.broadcast %jit3A_674 : i32 to vector<16xi32>
        %select_n3A_677 = arith.select %eq3A_660, %broadcast_in_dim3A_675, %broadcast_in_dim3A_676 : vector<16xi1>, vector<16xi32>
        %add3A_678 = arith.addi %min3A_672, %select_n3A_677 : vector<16xi32>
        tpu.vector_store_idx %arg19[%add3A_678], %broadcast_in_dim3A_5 {add = true} : memref<53248xf32, #tpu.memory_space<vmem>>[vector<16xi32>], vector<16xf32>,
        %mul3A_679 = arith.mulf %exp3A_450, %div3A_466 : vector<16xf32>
        %eq3A_680 = arith.constant 10 : i32
        %eq3A_681 = vector.broadcast %eq3A_680 : i32 to vector<16xi32>
        %eq3A_682 = arith.cmpi eq, %get3A_362, %eq3A_681 : vector<16xi32>
        %sub3A_683 = arith.constant 1.000000e+00 : f32
        %sub3A_684 = vector.broadcast %sub3A_683 : f32 to vector<16xf32>
        %sub3A_685 = arith.subf %sub3A_684, %mul3A_679 : vector<16xf32>
        %select_n3A_686 = arith.select %eq3A_682, %sub3A_685, %mul3A_679 : vector<16xi1>, vector<16xf32>
        %bitcast3A_687 = vector.bitcast %select_n3A_686 : vector<16xf32> to vector<16xi32>
        %shift_right_logical3A_688 = arith.shrui %bitcast3A_687, %broadcast_in_dim3A_7 : vector<16xi32>
        %max3A_689 = arith.constant 30464 : i32
        %max3A_690 = vector.broadcast %max3A_689 : i32 to vector<16xi32>
        %max3A_691 = arith.maxsi %shift_right_logical3A_688, %max3A_690 : vector<16xi32>
        %min3A_692 = arith.constant 32511 : i32
        %min3A_693 = vector.broadcast %min3A_692 : i32 to vector<16xi32>
        %min3A_694 = arith.minsi %max3A_691, %min3A_693 : vector<16xi32>
        %jit3A_695 = arith.constant 16640 : i32
        %jit3A_696 = arith.constant -9984 : i32
        %broadcast_in_dim3A_697 = vector.broadcast %jit3A_695 : i32 to vector<16xi32>
        %broadcast_in_dim3A_698 = vector.broadcast %jit3A_696 : i32 to vector<16xi32>
        %select_n3A_699 = arith.select %eq3A_682, %broadcast_in_dim3A_697, %broadcast_in_dim3A_698 : vector<16xi1>, vector<16xi32>
        %add3A_700 = arith.addi %min3A_694, %select_n3A_699 : vector<16xi32>
        tpu.vector_store_idx %arg19[%add3A_700], %broadcast_in_dim3A_5 {add = true} : memref<53248xf32, #tpu.memory_space<vmem>>[vector<16xi32>], vector<16xf32>,
        %mul3A_701 = arith.mulf %exp3A_451, %div3A_466 : vector<16xf32>
        %eq3A_702 = arith.constant 11 : i32
        %eq3A_703 = vector.broadcast %eq3A_702 : i32 to vector<16xi32>
        %eq3A_704 = arith.cmpi eq, %get3A_362, %eq3A_703 : vector<16xi32>
        %sub3A_705 = arith.constant 1.000000e+00 : f32
        %sub3A_706 = vector.broadcast %sub3A_705 : f32 to vector<16xf32>
        %sub3A_707 = arith.subf %sub3A_706, %mul3A_701 : vector<16xf32>
        %select_n3A_708 = arith.select %eq3A_704, %sub3A_707, %mul3A_701 : vector<16xi1>, vector<16xf32>
        %bitcast3A_709 = vector.bitcast %select_n3A_708 : vector<16xf32> to vector<16xi32>
        %shift_right_logical3A_710 = arith.shrui %bitcast3A_709, %broadcast_in_dim3A_7 : vector<16xi32>
        %max3A_711 = arith.constant 30464 : i32
        %max3A_712 = vector.broadcast %max3A_711 : i32 to vector<16xi32>
        %max3A_713 = arith.maxsi %shift_right_logical3A_710, %max3A_712 : vector<16xi32>
        %min3A_714 = arith.constant 32511 : i32
        %min3A_715 = vector.broadcast %min3A_714 : i32 to vector<16xi32>
        %min3A_716 = arith.minsi %max3A_713, %min3A_715 : vector<16xi32>
        %jit3A_717 = arith.constant 18688 : i32
        %jit3A_718 = arith.constant -7936 : i32
        %broadcast_in_dim3A_719 = vector.broadcast %jit3A_717 : i32 to vector<16xi32>
        %broadcast_in_dim3A_720 = vector.broadcast %jit3A_718 : i32 to vector<16xi32>
        %select_n3A_721 = arith.select %eq3A_704, %broadcast_in_dim3A_719, %broadcast_in_dim3A_720 : vector<16xi1>, vector<16xi32>
        %add3A_722 = arith.addi %min3A_716, %select_n3A_721 : vector<16xi32>
        tpu.vector_store_idx %arg19[%add3A_722], %broadcast_in_dim3A_5 {add = true} : memref<53248xf32, #tpu.memory_space<vmem>>[vector<16xi32>], vector<16xf32>,
        %mul3A_723 = arith.mulf %exp3A_452, %div3A_466 : vector<16xf32>
        %eq3A_724 = arith.constant 12 : i32
        %eq3A_725 = vector.broadcast %eq3A_724 : i32 to vector<16xi32>
        %eq3A_726 = arith.cmpi eq, %get3A_362, %eq3A_725 : vector<16xi32>
        %sub3A_727 = arith.constant 1.000000e+00 : f32
        %sub3A_728 = vector.broadcast %sub3A_727 : f32 to vector<16xf32>
        %sub3A_729 = arith.subf %sub3A_728, %mul3A_723 : vector<16xf32>
        %select_n3A_730 = arith.select %eq3A_726, %sub3A_729, %mul3A_723 : vector<16xi1>, vector<16xf32>
        %bitcast3A_731 = vector.bitcast %select_n3A_730 : vector<16xf32> to vector<16xi32>
        %shift_right_logical3A_732 = arith.shrui %bitcast3A_731, %broadcast_in_dim3A_7 : vector<16xi32>
        %max3A_733 = arith.constant 30464 : i32
        %max3A_734 = vector.broadcast %max3A_733 : i32 to vector<16xi32>
        %max3A_735 = arith.maxsi %shift_right_logical3A_732, %max3A_734 : vector<16xi32>
        %min3A_736 = arith.constant 32511 : i32
        %min3A_737 = vector.broadcast %min3A_736 : i32 to vector<16xi32>
        %min3A_738 = arith.minsi %max3A_735, %min3A_737 : vector<16xi32>
        %jit3A_739 = arith.constant 20736 : i32
        %jit3A_740 = arith.constant -5888 : i32
        %broadcast_in_dim3A_741 = vector.broadcast %jit3A_739 : i32 to vector<16xi32>
        %broadcast_in_dim3A_742 = vector.broadcast %jit3A_740 : i32 to vector<16xi32>
        %select_n3A_743 = arith.select %eq3A_726, %broadcast_in_dim3A_741, %broadcast_in_dim3A_742 : vector<16xi1>, vector<16xi32>
        %add3A_744 = arith.addi %min3A_738, %select_n3A_743 : vector<16xi32>
        tpu.vector_store_idx %arg19[%add3A_744], %broadcast_in_dim3A_5 {add = true} : memref<53248xf32, #tpu.memory_space<vmem>>[vector<16xi32>], vector<16xf32>,
        %scan3A_745 = arith.constant 1 : i32
        %scan3A_746 = arith.addi %scan3A_353, %scan3A_745 : i32
        %mul3A_747 = arith.constant 1 : i32
        %mul3A_748 = arith.muli %scan3A_746, %mul3A_747 : i32
        %add3A_749 = arith.constant 0 : i32
        %add3A_750 = arith.addi %add3A_749, %mul3A_748 : i32
        %mul3A_751 = arith.constant 16 : i32
        %mul3A_752 = arith.muli %add3A_750, %mul3A_751 : i32
        %add3A_753 = arith.constant 0 : i32
        %add3A_754 = arith.addi %add3A_753, %mul3A_752 : i32
        %get3A_755 = arith.index_cast %add3A_754 : i32 to index
        %get3A_756 = tpu.vector_load %arg18[%get3A_755] {strides = array<i32>} : memref<4096xi32, #tpu.memory_space<vmem>>, vector<16xi32>,
        %mul3A_757 = arith.constant 16 : i32
        %mul3A_758 = arith.muli %add3A_750, %mul3A_757 : i32
        %add3A_759 = arith.constant 0 : i32
        %add3A_760 = arith.addi %add3A_759, %mul3A_758 : i32
        %get3A_761 = arith.index_cast %add3A_760 : i32 to index
        %get3A_762 = tpu.vector_load %arg17[%get3A_761] {strides = array<i32>} : memref<53248xf32, #tpu.memory_space<vmem>>, vector<16xf32>,
        %mul3A_763 = arith.constant 16 : i32
        %mul3A_764 = arith.muli %add3A_750, %mul3A_763 : i32
        %add3A_765 = arith.constant 2048 : i32
        %add3A_766 = arith.addi %add3A_765, %mul3A_764 : i32
        %get3A_767 = arith.index_cast %add3A_766 : i32 to index
        %get3A_768 = tpu.vector_load %arg17[%get3A_767] {strides = array<i32>} : memref<53248xf32, #tpu.memory_space<vmem>>, vector<16xf32>,
        %mul3A_769 = arith.constant 16 : i32
        %mul3A_770 = arith.muli %add3A_750, %mul3A_769 : i32
        %add3A_771 = arith.constant 4096 : i32
        %add3A_772 = arith.addi %add3A_771, %mul3A_770 : i32
        %get3A_773 = arith.index_cast %add3A_772 : i32 to index
        %get3A_774 = tpu.vector_load %arg17[%get3A_773] {strides = array<i32>} : memref<53248xf32, #tpu.memory_space<vmem>>, vector<16xf32>,
        %mul3A_775 = arith.constant 16 : i32
        %mul3A_776 = arith.muli %add3A_750, %mul3A_775 : i32
        %add3A_777 = arith.constant 6144 : i32
        %add3A_778 = arith.addi %add3A_777, %mul3A_776 : i32
        %get3A_779 = arith.index_cast %add3A_778 : i32 to index
        %get3A_780 = tpu.vector_load %arg17[%get3A_779] {strides = array<i32>} : memref<53248xf32, #tpu.memory_space<vmem>>, vector<16xf32>,
        %mul3A_781 = arith.constant 16 : i32
        %mul3A_782 = arith.muli %add3A_750, %mul3A_781 : i32
        %add3A_783 = arith.constant 8192 : i32
        %add3A_784 = arith.addi %add3A_783, %mul3A_782 : i32
        %get3A_785 = arith.index_cast %add3A_784 : i32 to index
        %get3A_786 = tpu.vector_load %arg17[%get3A_785] {strides = array<i32>} : memref<53248xf32, #tpu.memory_space<vmem>>, vector<16xf32>,
        %mul3A_787 = arith.constant 16 : i32
        %mul3A_788 = arith.muli %add3A_750, %mul3A_787 : i32
        %add3A_789 = arith.constant 10240 : i32
        %add3A_790 = arith.addi %add3A_789, %mul3A_788 : i32
        %get3A_791 = arith.index_cast %add3A_790 : i32 to index
        %get3A_792 = tpu.vector_load %arg17[%get3A_791] {strides = array<i32>} : memref<53248xf32, #tpu.memory_space<vmem>>, vector<16xf32>,
        %mul3A_793 = arith.constant 16 : i32
        %mul3A_794 = arith.muli %add3A_750, %mul3A_793 : i32
        %add3A_795 = arith.constant 12288 : i32
        %add3A_796 = arith.addi %add3A_795, %mul3A_794 : i32
        %get3A_797 = arith.index_cast %add3A_796 : i32 to index
        %get3A_798 = tpu.vector_load %arg17[%get3A_797] {strides = array<i32>} : memref<53248xf32, #tpu.memory_space<vmem>>, vector<16xf32>,
        %mul3A_799 = arith.constant 16 : i32
        %mul3A_800 = arith.muli %add3A_750, %mul3A_799 : i32
        %add3A_801 = arith.constant 14336 : i32
        %add3A_802 = arith.addi %add3A_801, %mul3A_800 : i32
        %get3A_803 = arith.index_cast %add3A_802 : i32 to index
        %get3A_804 = tpu.vector_load %arg17[%get3A_803] {strides = array<i32>} : memref<53248xf32, #tpu.memory_space<vmem>>, vector<16xf32>,
        %mul3A_805 = arith.constant 16 : i32
        %mul3A_806 = arith.muli %add3A_750, %mul3A_805 : i32
        %add3A_807 = arith.constant 16384 : i32
        %add3A_808 = arith.addi %add3A_807, %mul3A_806 : i32
        %get3A_809 = arith.index_cast %add3A_808 : i32 to index
        %get3A_810 = tpu.vector_load %arg17[%get3A_809] {strides = array<i32>} : memref<53248xf32, #tpu.memory_space<vmem>>, vector<16xf32>,
        %mul3A_811 = arith.constant 16 : i32
        %mul3A_812 = arith.muli %add3A_750, %mul3A_811 : i32
        %add3A_813 = arith.constant 18432 : i32
        %add3A_814 = arith.addi %add3A_813, %mul3A_812 : i32
        %get3A_815 = arith.index_cast %add3A_814 : i32 to index
        %get3A_816 = tpu.vector_load %arg17[%get3A_815] {strides = array<i32>} : memref<53248xf32, #tpu.memory_space<vmem>>, vector<16xf32>,
        %mul3A_817 = arith.constant 16 : i32
        %mul3A_818 = arith.muli %add3A_750, %mul3A_817 : i32
        %add3A_819 = arith.constant 20480 : i32
        %add3A_820 = arith.addi %add3A_819, %mul3A_818 : i32
        %get3A_821 = arith.index_cast %add3A_820 : i32 to index
        %get3A_822 = tpu.vector_load %arg17[%get3A_821] {strides = array<i32>} : memref<53248xf32, #tpu.memory_space<vmem>>, vector<16xf32>,
        %mul3A_823 = arith.constant 16 : i32
        %mul3A_824 = arith.muli %add3A_750, %mul3A_823 : i32
        %add3A_825 = arith.constant 22528 : i32
        %add3A_826 = arith.addi %add3A_825, %mul3A_824 : i32
        %get3A_827 = arith.index_cast %add3A_826 : i32 to index
        %get3A_828 = tpu.vector_load %arg17[%get3A_827] {strides = array<i32>} : memref<53248xf32, #tpu.memory_space<vmem>>, vector<16xf32>,
        %mul3A_829 = arith.constant 16 : i32
        %mul3A_830 = arith.muli %add3A_750, %mul3A_829 : i32
        %add3A_831 = arith.constant 24576 : i32
        %add3A_832 = arith.addi %add3A_831, %mul3A_830 : i32
        %get3A_833 = arith.index_cast %add3A_832 : i32 to index
        %get3A_834 = tpu.vector_load %arg17[%get3A_833] {strides = array<i32>} : memref<53248xf32, #tpu.memory_space<vmem>>, vector<16xf32>,
        %exp3A_835 = math.exp %get3A_762 : vector<16xf32>
        %exp3A_836 = math.exp %get3A_768 : vector<16xf32>
        %exp3A_837 = math.exp %get3A_774 : vector<16xf32>
        %exp3A_838 = math.exp %get3A_780 : vector<16xf32>
        %exp3A_839 = math.exp %get3A_786 : vector<16xf32>
        %exp3A_840 = math.exp %get3A_792 : vector<16xf32>
        %exp3A_841 = math.exp %get3A_798 : vector<16xf32>
        %exp3A_842 = math.exp %get3A_804 : vector<16xf32>
        %exp3A_843 = math.exp %get3A_810 : vector<16xf32>
        %exp3A_844 = math.exp %get3A_816 : vector<16xf32>
        %exp3A_845 = math.exp %get3A_822 : vector<16xf32>
        %exp3A_846 = math.exp %get3A_828 : vector<16xf32>
        %exp3A_847 = math.exp %get3A_834 : vector<16xf32>
        %add3A_848 = arith.addf %exp3A_835, %exp3A_836 : vector<16xf32>
        %add3A_849 = arith.addf %exp3A_837, %exp3A_838 : vector<16xf32>
        %add3A_850 = arith.addf %exp3A_839, %exp3A_840 : vector<16xf32>
        %add3A_851 = arith.addf %exp3A_841, %exp3A_842 : vector<16xf32>
        %add3A_852 = arith.addf %exp3A_843, %exp3A_844 : vector<16xf32>
        %add3A_853 = arith.addf %exp3A_845, %exp3A_846 : vector<16xf32>
        %add3A_854 = arith.addf %add3A_848, %add3A_849 : vector<16xf32>
        %add3A_855 = arith.addf %add3A_850, %add3A_851 : vector<16xf32>
        %add3A_856 = arith.addf %add3A_852, %add3A_853 : vector<16xf32>
        %add3A_857 = arith.addf %add3A_854, %add3A_855 : vector<16xf32>
        %add3A_858 = arith.addf %add3A_856, %exp3A_847 : vector<16xf32>
        %add3A_859 = arith.addf %add3A_857, %add3A_858 : vector<16xf32>
        %div3A_860 = arith.constant 1.000000e+00 : f32
        %div3A_861 = vector.broadcast %div3A_860 : f32 to vector<16xf32>
        %div3A_862 = arith.divf %div3A_861, %add3A_859 : vector<16xf32>
        %mul3A_863 = arith.mulf %exp3A_835, %div3A_862 : vector<16xf32>
        %eq3A_864 = arith.constant 0 : i32
        %eq3A_865 = vector.broadcast %eq3A_864 : i32 to vector<16xi32>
        %eq3A_866 = arith.cmpi eq, %get3A_756, %eq3A_865 : vector<16xi32>
        %sub3A_867 = arith.constant 1.000000e+00 : f32
        %sub3A_868 = vector.broadcast %sub3A_867 : f32 to vector<16xf32>
        %sub3A_869 = arith.subf %sub3A_868, %mul3A_863 : vector<16xf32>
        %select_n3A_870 = arith.select %eq3A_866, %sub3A_869, %mul3A_863 : vector<16xi1>, vector<16xf32>
        %bitcast3A_871 = vector.bitcast %select_n3A_870 : vector<16xf32> to vector<16xi32>
        %shift_right_logical3A_872 = arith.shrui %bitcast3A_871, %broadcast_in_dim3A_7 : vector<16xi32>
        %max3A_873 = arith.constant 30464 : i32
        %max3A_874 = vector.broadcast %max3A_873 : i32 to vector<16xi32>
        %max3A_875 = arith.maxsi %shift_right_logical3A_872, %max3A_874 : vector<16xi32>
        %min3A_876 = arith.constant 32511 : i32
        %min3A_877 = vector.broadcast %min3A_876 : i32 to vector<16xi32>
        %min3A_878 = arith.minsi %max3A_875, %min3A_877 : vector<16xi32>
        %jit3A_879 = arith.constant -3840 : i32
        %jit3A_880 = arith.constant -30464 : i32
        %broadcast_in_dim3A_881 = vector.broadcast %jit3A_879 : i32 to vector<16xi32>
        %broadcast_in_dim3A_882 = vector.broadcast %jit3A_880 : i32 to vector<16xi32>
        %select_n3A_883 = arith.select %eq3A_866, %broadcast_in_dim3A_881, %broadcast_in_dim3A_882 : vector<16xi1>, vector<16xi32>
        %add3A_884 = arith.addi %min3A_878, %select_n3A_883 : vector<16xi32>
        tpu.vector_store_idx %arg19[%add3A_884], %broadcast_in_dim3A_5 {add = true} : memref<53248xf32, #tpu.memory_space<vmem>>[vector<16xi32>], vector<16xf32>,
        %mul3A_885 = arith.mulf %exp3A_836, %div3A_862 : vector<16xf32>
        %eq3A_886 = arith.constant 1 : i32
        %eq3A_887 = vector.broadcast %eq3A_886 : i32 to vector<16xi32>
        %eq3A_888 = arith.cmpi eq, %get3A_756, %eq3A_887 : vector<16xi32>
        %sub3A_889 = arith.constant 1.000000e+00 : f32
        %sub3A_890 = vector.broadcast %sub3A_889 : f32 to vector<16xf32>
        %sub3A_891 = arith.subf %sub3A_890, %mul3A_885 : vector<16xf32>
        %select_n3A_892 = arith.select %eq3A_888, %sub3A_891, %mul3A_885 : vector<16xi1>, vector<16xf32>
        %bitcast3A_893 = vector.bitcast %select_n3A_892 : vector<16xf32> to vector<16xi32>
        %shift_right_logical3A_894 = arith.shrui %bitcast3A_893, %broadcast_in_dim3A_7 : vector<16xi32>
        %max3A_895 = arith.constant 30464 : i32
        %max3A_896 = vector.broadcast %max3A_895 : i32 to vector<16xi32>
        %max3A_897 = arith.maxsi %shift_right_logical3A_894, %max3A_896 : vector<16xi32>
        %min3A_898 = arith.constant 32511 : i32
        %min3A_899 = vector.broadcast %min3A_898 : i32 to vector<16xi32>
        %min3A_900 = arith.minsi %max3A_897, %min3A_899 : vector<16xi32>
        %jit3A_901 = arith.constant -1792 : i32
        %jit3A_902 = arith.constant -28416 : i32
        %broadcast_in_dim3A_903 = vector.broadcast %jit3A_901 : i32 to vector<16xi32>
        %broadcast_in_dim3A_904 = vector.broadcast %jit3A_902 : i32 to vector<16xi32>
        %select_n3A_905 = arith.select %eq3A_888, %broadcast_in_dim3A_903, %broadcast_in_dim3A_904 : vector<16xi1>, vector<16xi32>
        %add3A_906 = arith.addi %min3A_900, %select_n3A_905 : vector<16xi32>
        tpu.vector_store_idx %arg19[%add3A_906], %broadcast_in_dim3A_5 {add = true} : memref<53248xf32, #tpu.memory_space<vmem>>[vector<16xi32>], vector<16xf32>,
        %mul3A_907 = arith.mulf %exp3A_837, %div3A_862 : vector<16xf32>
        %eq3A_908 = arith.constant 2 : i32
        %eq3A_909 = vector.broadcast %eq3A_908 : i32 to vector<16xi32>
        %eq3A_910 = arith.cmpi eq, %get3A_756, %eq3A_909 : vector<16xi32>
        %sub3A_911 = arith.constant 1.000000e+00 : f32
        %sub3A_912 = vector.broadcast %sub3A_911 : f32 to vector<16xf32>
        %sub3A_913 = arith.subf %sub3A_912, %mul3A_907 : vector<16xf32>
        %select_n3A_914 = arith.select %eq3A_910, %sub3A_913, %mul3A_907 : vector<16xi1>, vector<16xf32>
        %bitcast3A_915 = vector.bitcast %select_n3A_914 : vector<16xf32> to vector<16xi32>
        %shift_right_logical3A_916 = arith.shrui %bitcast3A_915, %broadcast_in_dim3A_7 : vector<16xi32>
        %max3A_917 = arith.constant 30464 : i32
        %max3A_918 = vector.broadcast %max3A_917 : i32 to vector<16xi32>
        %max3A_919 = arith.maxsi %shift_right_logical3A_916, %max3A_918 : vector<16xi32>
        %min3A_920 = arith.constant 32511 : i32
        %min3A_921 = vector.broadcast %min3A_920 : i32 to vector<16xi32>
        %min3A_922 = arith.minsi %max3A_919, %min3A_921 : vector<16xi32>
        %jit3A_923 = arith.constant 256 : i32
        %jit3A_924 = arith.constant -26368 : i32
        %broadcast_in_dim3A_925 = vector.broadcast %jit3A_923 : i32 to vector<16xi32>
        %broadcast_in_dim3A_926 = vector.broadcast %jit3A_924 : i32 to vector<16xi32>
        %select_n3A_927 = arith.select %eq3A_910, %broadcast_in_dim3A_925, %broadcast_in_dim3A_926 : vector<16xi1>, vector<16xi32>
        %add3A_928 = arith.addi %min3A_922, %select_n3A_927 : vector<16xi32>
        tpu.vector_store_idx %arg19[%add3A_928], %broadcast_in_dim3A_5 {add = true} : memref<53248xf32, #tpu.memory_space<vmem>>[vector<16xi32>], vector<16xf32>,
        %mul3A_929 = arith.mulf %exp3A_838, %div3A_862 : vector<16xf32>
        %eq3A_930 = arith.constant 3 : i32
        %eq3A_931 = vector.broadcast %eq3A_930 : i32 to vector<16xi32>
        %eq3A_932 = arith.cmpi eq, %get3A_756, %eq3A_931 : vector<16xi32>
        %sub3A_933 = arith.constant 1.000000e+00 : f32
        %sub3A_934 = vector.broadcast %sub3A_933 : f32 to vector<16xf32>
        %sub3A_935 = arith.subf %sub3A_934, %mul3A_929 : vector<16xf32>
        %select_n3A_936 = arith.select %eq3A_932, %sub3A_935, %mul3A_929 : vector<16xi1>, vector<16xf32>
        %bitcast3A_937 = vector.bitcast %select_n3A_936 : vector<16xf32> to vector<16xi32>
        %shift_right_logical3A_938 = arith.shrui %bitcast3A_937, %broadcast_in_dim3A_7 : vector<16xi32>
        %max3A_939 = arith.constant 30464 : i32
        %max3A_940 = vector.broadcast %max3A_939 : i32 to vector<16xi32>
        %max3A_941 = arith.maxsi %shift_right_logical3A_938, %max3A_940 : vector<16xi32>
        %min3A_942 = arith.constant 32511 : i32
        %min3A_943 = vector.broadcast %min3A_942 : i32 to vector<16xi32>
        %min3A_944 = arith.minsi %max3A_941, %min3A_943 : vector<16xi32>
        %jit3A_945 = arith.constant 2304 : i32
        %jit3A_946 = arith.constant -24320 : i32
        %broadcast_in_dim3A_947 = vector.broadcast %jit3A_945 : i32 to vector<16xi32>
        %broadcast_in_dim3A_948 = vector.broadcast %jit3A_946 : i32 to vector<16xi32>
        %select_n3A_949 = arith.select %eq3A_932, %broadcast_in_dim3A_947, %broadcast_in_dim3A_948 : vector<16xi1>, vector<16xi32>
        %add3A_950 = arith.addi %min3A_944, %select_n3A_949 : vector<16xi32>
        tpu.vector_store_idx %arg19[%add3A_950], %broadcast_in_dim3A_5 {add = true} : memref<53248xf32, #tpu.memory_space<vmem>>[vector<16xi32>], vector<16xf32>,
        %mul3A_951 = arith.mulf %exp3A_839, %div3A_862 : vector<16xf32>
        %eq3A_952 = arith.constant 4 : i32
        %eq3A_953 = vector.broadcast %eq3A_952 : i32 to vector<16xi32>
        %eq3A_954 = arith.cmpi eq, %get3A_756, %eq3A_953 : vector<16xi32>
        %sub3A_955 = arith.constant 1.000000e+00 : f32
        %sub3A_956 = vector.broadcast %sub3A_955 : f32 to vector<16xf32>
        %sub3A_957 = arith.subf %sub3A_956, %mul3A_951 : vector<16xf32>
        %select_n3A_958 = arith.select %eq3A_954, %sub3A_957, %mul3A_951 : vector<16xi1>, vector<16xf32>
        %bitcast3A_959 = vector.bitcast %select_n3A_958 : vector<16xf32> to vector<16xi32>
        %shift_right_logical3A_960 = arith.shrui %bitcast3A_959, %broadcast_in_dim3A_7 : vector<16xi32>
        %max3A_961 = arith.constant 30464 : i32
        %max3A_962 = vector.broadcast %max3A_961 : i32 to vector<16xi32>
        %max3A_963 = arith.maxsi %shift_right_logical3A_960, %max3A_962 : vector<16xi32>
        %min3A_964 = arith.constant 32511 : i32
        %min3A_965 = vector.broadcast %min3A_964 : i32 to vector<16xi32>
        %min3A_966 = arith.minsi %max3A_963, %min3A_965 : vector<16xi32>
        %jit3A_967 = arith.constant 4352 : i32
        %jit3A_968 = arith.constant -22272 : i32
        %broadcast_in_dim3A_969 = vector.broadcast %jit3A_967 : i32 to vector<16xi32>
        %broadcast_in_dim3A_970 = vector.broadcast %jit3A_968 : i32 to vector<16xi32>
        %select_n3A_971 = arith.select %eq3A_954, %broadcast_in_dim3A_969, %broadcast_in_dim3A_970 : vector<16xi1>, vector<16xi32>
        %add3A_972 = arith.addi %min3A_966, %select_n3A_971 : vector<16xi32>
        tpu.vector_store_idx %arg19[%add3A_972], %broadcast_in_dim3A_5 {add = true} : memref<53248xf32, #tpu.memory_space<vmem>>[vector<16xi32>], vector<16xf32>,
        %mul3A_973 = arith.mulf %exp3A_840, %div3A_862 : vector<16xf32>
        %eq3A_974 = arith.constant 5 : i32
        %eq3A_975 = vector.broadcast %eq3A_974 : i32 to vector<16xi32>
        %eq3A_976 = arith.cmpi eq, %get3A_756, %eq3A_975 : vector<16xi32>
        %sub3A_977 = arith.constant 1.000000e+00 : f32
        %sub3A_978 = vector.broadcast %sub3A_977 : f32 to vector<16xf32>
        %sub3A_979 = arith.subf %sub3A_978, %mul3A_973 : vector<16xf32>
        %select_n3A_980 = arith.select %eq3A_976, %sub3A_979, %mul3A_973 : vector<16xi1>, vector<16xf32>
        %bitcast3A_981 = vector.bitcast %select_n3A_980 : vector<16xf32> to vector<16xi32>
        %shift_right_logical3A_982 = arith.shrui %bitcast3A_981, %broadcast_in_dim3A_7 : vector<16xi32>
        %max3A_983 = arith.constant 30464 : i32
        %max3A_984 = vector.broadcast %max3A_983 : i32 to vector<16xi32>
        %max3A_985 = arith.maxsi %shift_right_logical3A_982, %max3A_984 : vector<16xi32>
        %min3A_986 = arith.constant 32511 : i32
        %min3A_987 = vector.broadcast %min3A_986 : i32 to vector<16xi32>
        %min3A_988 = arith.minsi %max3A_985, %min3A_987 : vector<16xi32>
        %jit3A_989 = arith.constant 6400 : i32
        %jit3A_990 = arith.constant -20224 : i32
        %broadcast_in_dim3A_991 = vector.broadcast %jit3A_989 : i32 to vector<16xi32>
        %broadcast_in_dim3A_992 = vector.broadcast %jit3A_990 : i32 to vector<16xi32>
        %select_n3A_993 = arith.select %eq3A_976, %broadcast_in_dim3A_991, %broadcast_in_dim3A_992 : vector<16xi1>, vector<16xi32>
        %add3A_994 = arith.addi %min3A_988, %select_n3A_993 : vector<16xi32>
        tpu.vector_store_idx %arg19[%add3A_994], %broadcast_in_dim3A_5 {add = true} : memref<53248xf32, #tpu.memory_space<vmem>>[vector<16xi32>], vector<16xf32>,
        %mul3A_995 = arith.mulf %exp3A_841, %div3A_862 : vector<16xf32>
        %eq3A_996 = arith.constant 6 : i32
        %eq3A_997 = vector.broadcast %eq3A_996 : i32 to vector<16xi32>
        %eq3A_998 = arith.cmpi eq, %get3A_756, %eq3A_997 : vector<16xi32>
        %sub3A_999 = arith.constant 1.000000e+00 : f32
        %sub3A_1000 = vector.broadcast %sub3A_999 : f32 to vector<16xf32>
        %sub3A_1001 = arith.subf %sub3A_1000, %mul3A_995 : vector<16xf32>
        %select_n3A_1002 = arith.select %eq3A_998, %sub3A_1001, %mul3A_995 : vector<16xi1>, vector<16xf32>
        %bitcast3A_1003 = vector.bitcast %select_n3A_1002 : vector<16xf32> to vector<16xi32>
        %shift_right_logical3A_1004 = arith.shrui %bitcast3A_1003, %broadcast_in_dim3A_7 : vector<16xi32>
        %max3A_1005 = arith.constant 30464 : i32
        %max3A_1006 = vector.broadcast %max3A_1005 : i32 to vector<16xi32>
        %max3A_1007 = arith.maxsi %shift_right_logical3A_1004, %max3A_1006 : vector<16xi32>
        %min3A_1008 = arith.constant 32511 : i32
        %min3A_1009 = vector.broadcast %min3A_1008 : i32 to vector<16xi32>
        %min3A_1010 = arith.minsi %max3A_1007, %min3A_1009 : vector<16xi32>
        %jit3A_1011 = arith.constant 8448 : i32
        %jit3A_1012 = arith.constant -18176 : i32
        %broadcast_in_dim3A_1013 = vector.broadcast %jit3A_1011 : i32 to vector<16xi32>
        %broadcast_in_dim3A_1014 = vector.broadcast %jit3A_1012 : i32 to vector<16xi32>
        %select_n3A_1015 = arith.select %eq3A_998, %broadcast_in_dim3A_1013, %broadcast_in_dim3A_1014 : vector<16xi1>, vector<16xi32>
        %add3A_1016 = arith.addi %min3A_1010, %select_n3A_1015 : vector<16xi32>
        tpu.vector_store_idx %arg19[%add3A_1016], %broadcast_in_dim3A_5 {add = true} : memref<53248xf32, #tpu.memory_space<vmem>>[vector<16xi32>], vector<16xf32>,
        %mul3A_1017 = arith.mulf %exp3A_842, %div3A_862 : vector<16xf32>
        %eq3A_1018 = arith.constant 7 : i32
        %eq3A_1019 = vector.broadcast %eq3A_1018 : i32 to vector<16xi32>
        %eq3A_1020 = arith.cmpi eq, %get3A_756, %eq3A_1019 : vector<16xi32>
        %sub3A_1021 = arith.constant 1.000000e+00 : f32
        %sub3A_1022 = vector.broadcast %sub3A_1021 : f32 to vector<16xf32>
        %sub3A_1023 = arith.subf %sub3A_1022, %mul3A_1017 : vector<16xf32>
        %select_n3A_1024 = arith.select %eq3A_1020, %sub3A_1023, %mul3A_1017 : vector<16xi1>, vector<16xf32>
        %bitcast3A_1025 = vector.bitcast %select_n3A_1024 : vector<16xf32> to vector<16xi32>
        %shift_right_logical3A_1026 = arith.shrui %bitcast3A_1025, %broadcast_in_dim3A_7 : vector<16xi32>
        %max3A_1027 = arith.constant 30464 : i32
        %max3A_1028 = vector.broadcast %max3A_1027 : i32 to vector<16xi32>
        %max3A_1029 = arith.maxsi %shift_right_logical3A_1026, %max3A_1028 : vector<16xi32>
        %min3A_1030 = arith.constant 32511 : i32
        %min3A_1031 = vector.broadcast %min3A_1030 : i32 to vector<16xi32>
        %min3A_1032 = arith.minsi %max3A_1029, %min3A_1031 : vector<16xi32>
        %jit3A_1033 = arith.constant 10496 : i32
        %jit3A_1034 = arith.constant -16128 : i32
        %broadcast_in_dim3A_1035 = vector.broadcast %jit3A_1033 : i32 to vector<16xi32>
        %broadcast_in_dim3A_1036 = vector.broadcast %jit3A_1034 : i32 to vector<16xi32>
        %select_n3A_1037 = arith.select %eq3A_1020, %broadcast_in_dim3A_1035, %broadcast_in_dim3A_1036 : vector<16xi1>, vector<16xi32>
        %add3A_1038 = arith.addi %min3A_1032, %select_n3A_1037 : vector<16xi32>
        tpu.vector_store_idx %arg19[%add3A_1038], %broadcast_in_dim3A_5 {add = true} : memref<53248xf32, #tpu.memory_space<vmem>>[vector<16xi32>], vector<16xf32>,
        %mul3A_1039 = arith.mulf %exp3A_843, %div3A_862 : vector<16xf32>
        %eq3A_1040 = arith.constant 8 : i32
        %eq3A_1041 = vector.broadcast %eq3A_1040 : i32 to vector<16xi32>
        %eq3A_1042 = arith.cmpi eq, %get3A_756, %eq3A_1041 : vector<16xi32>
        %sub3A_1043 = arith.constant 1.000000e+00 : f32
        %sub3A_1044 = vector.broadcast %sub3A_1043 : f32 to vector<16xf32>
        %sub3A_1045 = arith.subf %sub3A_1044, %mul3A_1039 : vector<16xf32>
        %select_n3A_1046 = arith.select %eq3A_1042, %sub3A_1045, %mul3A_1039 : vector<16xi1>, vector<16xf32>
        %bitcast3A_1047 = vector.bitcast %select_n3A_1046 : vector<16xf32> to vector<16xi32>
        %shift_right_logical3A_1048 = arith.shrui %bitcast3A_1047, %broadcast_in_dim3A_7 : vector<16xi32>
        %max3A_1049 = arith.constant 30464 : i32
        %max3A_1050 = vector.broadcast %max3A_1049 : i32 to vector<16xi32>
        %max3A_1051 = arith.maxsi %shift_right_logical3A_1048, %max3A_1050 : vector<16xi32>
        %min3A_1052 = arith.constant 32511 : i32
        %min3A_1053 = vector.broadcast %min3A_1052 : i32 to vector<16xi32>
        %min3A_1054 = arith.minsi %max3A_1051, %min3A_1053 : vector<16xi32>
        %jit3A_1055 = arith.constant 12544 : i32
        %jit3A_1056 = arith.constant -14080 : i32
        %broadcast_in_dim3A_1057 = vector.broadcast %jit3A_1055 : i32 to vector<16xi32>
        %broadcast_in_dim3A_1058 = vector.broadcast %jit3A_1056 : i32 to vector<16xi32>
        %select_n3A_1059 = arith.select %eq3A_1042, %broadcast_in_dim3A_1057, %broadcast_in_dim3A_1058 : vector<16xi1>, vector<16xi32>
        %add3A_1060 = arith.addi %min3A_1054, %select_n3A_1059 : vector<16xi32>
        tpu.vector_store_idx %arg19[%add3A_1060], %broadcast_in_dim3A_5 {add = true} : memref<53248xf32, #tpu.memory_space<vmem>>[vector<16xi32>], vector<16xf32>,
        %mul3A_1061 = arith.mulf %exp3A_844, %div3A_862 : vector<16xf32>
        %eq3A_1062 = arith.constant 9 : i32
        %eq3A_1063 = vector.broadcast %eq3A_1062 : i32 to vector<16xi32>
        %eq3A_1064 = arith.cmpi eq, %get3A_756, %eq3A_1063 : vector<16xi32>
        %sub3A_1065 = arith.constant 1.000000e+00 : f32
        %sub3A_1066 = vector.broadcast %sub3A_1065 : f32 to vector<16xf32>
        %sub3A_1067 = arith.subf %sub3A_1066, %mul3A_1061 : vector<16xf32>
        %select_n3A_1068 = arith.select %eq3A_1064, %sub3A_1067, %mul3A_1061 : vector<16xi1>, vector<16xf32>
        %bitcast3A_1069 = vector.bitcast %select_n3A_1068 : vector<16xf32> to vector<16xi32>
        %shift_right_logical3A_1070 = arith.shrui %bitcast3A_1069, %broadcast_in_dim3A_7 : vector<16xi32>
        %max3A_1071 = arith.constant 30464 : i32
        %max3A_1072 = vector.broadcast %max3A_1071 : i32 to vector<16xi32>
        %max3A_1073 = arith.maxsi %shift_right_logical3A_1070, %max3A_1072 : vector<16xi32>
        %min3A_1074 = arith.constant 32511 : i32
        %min3A_1075 = vector.broadcast %min3A_1074 : i32 to vector<16xi32>
        %min3A_1076 = arith.minsi %max3A_1073, %min3A_1075 : vector<16xi32>
        %jit3A_1077 = arith.constant 14592 : i32
        %jit3A_1078 = arith.constant -12032 : i32
        %broadcast_in_dim3A_1079 = vector.broadcast %jit3A_1077 : i32 to vector<16xi32>
        %broadcast_in_dim3A_1080 = vector.broadcast %jit3A_1078 : i32 to vector<16xi32>
        %select_n3A_1081 = arith.select %eq3A_1064, %broadcast_in_dim3A_1079, %broadcast_in_dim3A_1080 : vector<16xi1>, vector<16xi32>
        %add3A_1082 = arith.addi %min3A_1076, %select_n3A_1081 : vector<16xi32>
        tpu.vector_store_idx %arg19[%add3A_1082], %broadcast_in_dim3A_5 {add = true} : memref<53248xf32, #tpu.memory_space<vmem>>[vector<16xi32>], vector<16xf32>,
        %mul3A_1083 = arith.mulf %exp3A_845, %div3A_862 : vector<16xf32>
        %eq3A_1084 = arith.constant 10 : i32
        %eq3A_1085 = vector.broadcast %eq3A_1084 : i32 to vector<16xi32>
        %eq3A_1086 = arith.cmpi eq, %get3A_756, %eq3A_1085 : vector<16xi32>
        %sub3A_1087 = arith.constant 1.000000e+00 : f32
        %sub3A_1088 = vector.broadcast %sub3A_1087 : f32 to vector<16xf32>
        %sub3A_1089 = arith.subf %sub3A_1088, %mul3A_1083 : vector<16xf32>
        %select_n3A_1090 = arith.select %eq3A_1086, %sub3A_1089, %mul3A_1083 : vector<16xi1>, vector<16xf32>
        %bitcast3A_1091 = vector.bitcast %select_n3A_1090 : vector<16xf32> to vector<16xi32>
        %shift_right_logical3A_1092 = arith.shrui %bitcast3A_1091, %broadcast_in_dim3A_7 : vector<16xi32>
        %max3A_1093 = arith.constant 30464 : i32
        %max3A_1094 = vector.broadcast %max3A_1093 : i32 to vector<16xi32>
        %max3A_1095 = arith.maxsi %shift_right_logical3A_1092, %max3A_1094 : vector<16xi32>
        %min3A_1096 = arith.constant 32511 : i32
        %min3A_1097 = vector.broadcast %min3A_1096 : i32 to vector<16xi32>
        %min3A_1098 = arith.minsi %max3A_1095, %min3A_1097 : vector<16xi32>
        %jit3A_1099 = arith.constant 16640 : i32
        %jit3A_1100 = arith.constant -9984 : i32
        %broadcast_in_dim3A_1101 = vector.broadcast %jit3A_1099 : i32 to vector<16xi32>
        %broadcast_in_dim3A_1102 = vector.broadcast %jit3A_1100 : i32 to vector<16xi32>
        %select_n3A_1103 = arith.select %eq3A_1086, %broadcast_in_dim3A_1101, %broadcast_in_dim3A_1102 : vector<16xi1>, vector<16xi32>
        %add3A_1104 = arith.addi %min3A_1098, %select_n3A_1103 : vector<16xi32>
        tpu.vector_store_idx %arg19[%add3A_1104], %broadcast_in_dim3A_5 {add = true} : memref<53248xf32, #tpu.memory_space<vmem>>[vector<16xi32>], vector<16xf32>,
        %mul3A_1105 = arith.mulf %exp3A_846, %div3A_862 : vector<16xf32>
        %eq3A_1106 = arith.constant 11 : i32
        %eq3A_1107 = vector.broadcast %eq3A_1106 : i32 to vector<16xi32>
        %eq3A_1108 = arith.cmpi eq, %get3A_756, %eq3A_1107 : vector<16xi32>
        %sub3A_1109 = arith.constant 1.000000e+00 : f32
        %sub3A_1110 = vector.broadcast %sub3A_1109 : f32 to vector<16xf32>
        %sub3A_1111 = arith.subf %sub3A_1110, %mul3A_1105 : vector<16xf32>
        %select_n3A_1112 = arith.select %eq3A_1108, %sub3A_1111, %mul3A_1105 : vector<16xi1>, vector<16xf32>
        %bitcast3A_1113 = vector.bitcast %select_n3A_1112 : vector<16xf32> to vector<16xi32>
        %shift_right_logical3A_1114 = arith.shrui %bitcast3A_1113, %broadcast_in_dim3A_7 : vector<16xi32>
        %max3A_1115 = arith.constant 30464 : i32
        %max3A_1116 = vector.broadcast %max3A_1115 : i32 to vector<16xi32>
        %max3A_1117 = arith.maxsi %shift_right_logical3A_1114, %max3A_1116 : vector<16xi32>
        %min3A_1118 = arith.constant 32511 : i32
        %min3A_1119 = vector.broadcast %min3A_1118 : i32 to vector<16xi32>
        %min3A_1120 = arith.minsi %max3A_1117, %min3A_1119 : vector<16xi32>
        %jit3A_1121 = arith.constant 18688 : i32
        %jit3A_1122 = arith.constant -7936 : i32
        %broadcast_in_dim3A_1123 = vector.broadcast %jit3A_1121 : i32 to vector<16xi32>
        %broadcast_in_dim3A_1124 = vector.broadcast %jit3A_1122 : i32 to vector<16xi32>
        %select_n3A_1125 = arith.select %eq3A_1108, %broadcast_in_dim3A_1123, %broadcast_in_dim3A_1124 : vector<16xi1>, vector<16xi32>
        %add3A_1126 = arith.addi %min3A_1120, %select_n3A_1125 : vector<16xi32>
        tpu.vector_store_idx %arg19[%add3A_1126], %broadcast_in_dim3A_5 {add = true} : memref<53248xf32, #tpu.memory_space<vmem>>[vector<16xi32>], vector<16xf32>,
        %mul3A_1127 = arith.mulf %exp3A_847, %div3A_862 : vector<16xf32>
        %eq3A_1128 = arith.constant 12 : i32
        %eq3A_1129 = vector.broadcast %eq3A_1128 : i32 to vector<16xi32>
        %eq3A_1130 = arith.cmpi eq, %get3A_756, %eq3A_1129 : vector<16xi32>
        %sub3A_1131 = arith.constant 1.000000e+00 : f32
        %sub3A_1132 = vector.broadcast %sub3A_1131 : f32 to vector<16xf32>
        %sub3A_1133 = arith.subf %sub3A_1132, %mul3A_1127 : vector<16xf32>
        %select_n3A_1134 = arith.select %eq3A_1130, %sub3A_1133, %mul3A_1127 : vector<16xi1>, vector<16xf32>
        %bitcast3A_1135 = vector.bitcast %select_n3A_1134 : vector<16xf32> to vector<16xi32>
        %shift_right_logical3A_1136 = arith.shrui %bitcast3A_1135, %broadcast_in_dim3A_7 : vector<16xi32>
        %max3A_1137 = arith.constant 30464 : i32
        %max3A_1138 = vector.broadcast %max3A_1137 : i32 to vector<16xi32>
        %max3A_1139 = arith.maxsi %shift_right_logical3A_1136, %max3A_1138 : vector<16xi32>
        %min3A_1140 = arith.constant 32511 : i32
        %min3A_1141 = vector.broadcast %min3A_1140 : i32 to vector<16xi32>
        %min3A_1142 = arith.minsi %max3A_1139, %min3A_1141 : vector<16xi32>
        %jit3A_1143 = arith.constant 20736 : i32
        %jit3A_1144 = arith.constant -5888 : i32
        %broadcast_in_dim3A_1145 = vector.broadcast %jit3A_1143 : i32 to vector<16xi32>
        %broadcast_in_dim3A_1146 = vector.broadcast %jit3A_1144 : i32 to vector<16xi32>
        %select_n3A_1147 = arith.select %eq3A_1130, %broadcast_in_dim3A_1145, %broadcast_in_dim3A_1146 : vector<16xi1>, vector<16xi32>
        %add3A_1148 = arith.addi %min3A_1142, %select_n3A_1147 : vector<16xi32>
        tpu.vector_store_idx %arg19[%add3A_1148], %broadcast_in_dim3A_5 {add = true} : memref<53248xf32, #tpu.memory_space<vmem>>[vector<16xi32>], vector<16xf32>,
        %scan3A_1149 = arith.constant 2 : i32
        %scan3A_1150 = arith.addi %scan3A_353, %scan3A_1149 : i32
        %mul3A_1151 = arith.constant 1 : i32
        %mul3A_1152 = arith.muli %scan3A_1150, %mul3A_1151 : i32
        %add3A_1153 = arith.constant 0 : i32
        %add3A_1154 = arith.addi %add3A_1153, %mul3A_1152 : i32
        %mul3A_1155 = arith.constant 16 : i32
        %mul3A_1156 = arith.muli %add3A_1154, %mul3A_1155 : i32
        %add3A_1157 = arith.constant 0 : i32
        %add3A_1158 = arith.addi %add3A_1157, %mul3A_1156 : i32
        %get3A_1159 = arith.index_cast %add3A_1158 : i32 to index
        %get3A_1160 = tpu.vector_load %arg18[%get3A_1159] {strides = array<i32>} : memref<4096xi32, #tpu.memory_space<vmem>>, vector<16xi32>,
        %mul3A_1161 = arith.constant 16 : i32
        %mul3A_1162 = arith.muli %add3A_1154, %mul3A_1161 : i32
        %add3A_1163 = arith.constant 0 : i32
        %add3A_1164 = arith.addi %add3A_1163, %mul3A_1162 : i32
        %get3A_1165 = arith.index_cast %add3A_1164 : i32 to index
        %get3A_1166 = tpu.vector_load %arg17[%get3A_1165] {strides = array<i32>} : memref<53248xf32, #tpu.memory_space<vmem>>, vector<16xf32>,
        %mul3A_1167 = arith.constant 16 : i32
        %mul3A_1168 = arith.muli %add3A_1154, %mul3A_1167 : i32
        %add3A_1169 = arith.constant 2048 : i32
        %add3A_1170 = arith.addi %add3A_1169, %mul3A_1168 : i32
        %get3A_1171 = arith.index_cast %add3A_1170 : i32 to index
        %get3A_1172 = tpu.vector_load %arg17[%get3A_1171] {strides = array<i32>} : memref<53248xf32, #tpu.memory_space<vmem>>, vector<16xf32>,
        %mul3A_1173 = arith.constant 16 : i32
        %mul3A_1174 = arith.muli %add3A_1154, %mul3A_1173 : i32
        %add3A_1175 = arith.constant 4096 : i32
        %add3A_1176 = arith.addi %add3A_1175, %mul3A_1174 : i32
        %get3A_1177 = arith.index_cast %add3A_1176 : i32 to index
        %get3A_1178 = tpu.vector_load %arg17[%get3A_1177] {strides = array<i32>} : memref<53248xf32, #tpu.memory_space<vmem>>, vector<16xf32>,
        %mul3A_1179 = arith.constant 16 : i32
        %mul3A_1180 = arith.muli %add3A_1154, %mul3A_1179 : i32
        %add3A_1181 = arith.constant 6144 : i32
        %add3A_1182 = arith.addi %add3A_1181, %mul3A_1180 : i32
        %get3A_1183 = arith.index_cast %add3A_1182 : i32 to index
        %get3A_1184 = tpu.vector_load %arg17[%get3A_1183] {strides = array<i32>} : memref<53248xf32, #tpu.memory_space<vmem>>, vector<16xf32>,
        %mul3A_1185 = arith.constant 16 : i32
        %mul3A_1186 = arith.muli %add3A_1154, %mul3A_1185 : i32
        %add3A_1187 = arith.constant 8192 : i32
        %add3A_1188 = arith.addi %add3A_1187, %mul3A_1186 : i32
        %get3A_1189 = arith.index_cast %add3A_1188 : i32 to index
        %get3A_1190 = tpu.vector_load %arg17[%get3A_1189] {strides = array<i32>} : memref<53248xf32, #tpu.memory_space<vmem>>, vector<16xf32>,
        %mul3A_1191 = arith.constant 16 : i32
        %mul3A_1192 = arith.muli %add3A_1154, %mul3A_1191 : i32
        %add3A_1193 = arith.constant 10240 : i32
        %add3A_1194 = arith.addi %add3A_1193, %mul3A_1192 : i32
        %get3A_1195 = arith.index_cast %add3A_1194 : i32 to index
        %get3A_1196 = tpu.vector_load %arg17[%get3A_1195] {strides = array<i32>} : memref<53248xf32, #tpu.memory_space<vmem>>, vector<16xf32>,
        %mul3A_1197 = arith.constant 16 : i32
        %mul3A_1198 = arith.muli %add3A_1154, %mul3A_1197 : i32
        %add3A_1199 = arith.constant 12288 : i32
        %add3A_1200 = arith.addi %add3A_1199, %mul3A_1198 : i32
        %get3A_1201 = arith.index_cast %add3A_1200 : i32 to index
        %get3A_1202 = tpu.vector_load %arg17[%get3A_1201] {strides = array<i32>} : memref<53248xf32, #tpu.memory_space<vmem>>, vector<16xf32>,
        %mul3A_1203 = arith.constant 16 : i32
        %mul3A_1204 = arith.muli %add3A_1154, %mul3A_1203 : i32
        %add3A_1205 = arith.constant 14336 : i32
        %add3A_1206 = arith.addi %add3A_1205, %mul3A_1204 : i32
        %get3A_1207 = arith.index_cast %add3A_1206 : i32 to index
        %get3A_1208 = tpu.vector_load %arg17[%get3A_1207] {strides = array<i32>} : memref<53248xf32, #tpu.memory_space<vmem>>, vector<16xf32>,
        %mul3A_1209 = arith.constant 16 : i32
        %mul3A_1210 = arith.muli %add3A_1154, %mul3A_1209 : i32
        %add3A_1211 = arith.constant 16384 : i32
        %add3A_1212 = arith.addi %add3A_1211, %mul3A_1210 : i32
        %get3A_1213 = arith.index_cast %add3A_1212 : i32 to index
        %get3A_1214 = tpu.vector_load %arg17[%get3A_1213] {strides = array<i32>} : memref<53248xf32, #tpu.memory_space<vmem>>, vector<16xf32>,
        %mul3A_1215 = arith.constant 16 : i32
        %mul3A_1216 = arith.muli %add3A_1154, %mul3A_1215 : i32
        %add3A_1217 = arith.constant 18432 : i32
        %add3A_1218 = arith.addi %add3A_1217, %mul3A_1216 : i32
        %get3A_1219 = arith.index_cast %add3A_1218 : i32 to index
        %get3A_1220 = tpu.vector_load %arg17[%get3A_1219] {strides = array<i32>} : memref<53248xf32, #tpu.memory_space<vmem>>, vector<16xf32>,
        %mul3A_1221 = arith.constant 16 : i32
        %mul3A_1222 = arith.muli %add3A_1154, %mul3A_1221 : i32
        %add3A_1223 = arith.constant 20480 : i32
        %add3A_1224 = arith.addi %add3A_1223, %mul3A_1222 : i32
        %get3A_1225 = arith.index_cast %add3A_1224 : i32 to index
        %get3A_1226 = tpu.vector_load %arg17[%get3A_1225] {strides = array<i32>} : memref<53248xf32, #tpu.memory_space<vmem>>, vector<16xf32>,
        %mul3A_1227 = arith.constant 16 : i32
        %mul3A_1228 = arith.muli %add3A_1154, %mul3A_1227 : i32
        %add3A_1229 = arith.constant 22528 : i32
        %add3A_1230 = arith.addi %add3A_1229, %mul3A_1228 : i32
        %get3A_1231 = arith.index_cast %add3A_1230 : i32 to index
        %get3A_1232 = tpu.vector_load %arg17[%get3A_1231] {strides = array<i32>} : memref<53248xf32, #tpu.memory_space<vmem>>, vector<16xf32>,
        %mul3A_1233 = arith.constant 16 : i32
        %mul3A_1234 = arith.muli %add3A_1154, %mul3A_1233 : i32
        %add3A_1235 = arith.constant 24576 : i32
        %add3A_1236 = arith.addi %add3A_1235, %mul3A_1234 : i32
        %get3A_1237 = arith.index_cast %add3A_1236 : i32 to index
        %get3A_1238 = tpu.vector_load %arg17[%get3A_1237] {strides = array<i32>} : memref<53248xf32, #tpu.memory_space<vmem>>, vector<16xf32>,
        %exp3A_1239 = math.exp %get3A_1166 : vector<16xf32>
        %exp3A_1240 = math.exp %get3A_1172 : vector<16xf32>
        %exp3A_1241 = math.exp %get3A_1178 : vector<16xf32>
        %exp3A_1242 = math.exp %get3A_1184 : vector<16xf32>
        %exp3A_1243 = math.exp %get3A_1190 : vector<16xf32>
        %exp3A_1244 = math.exp %get3A_1196 : vector<16xf32>
        %exp3A_1245 = math.exp %get3A_1202 : vector<16xf32>
        %exp3A_1246 = math.exp %get3A_1208 : vector<16xf32>
        %exp3A_1247 = math.exp %get3A_1214 : vector<16xf32>
        %exp3A_1248 = math.exp %get3A_1220 : vector<16xf32>
        %exp3A_1249 = math.exp %get3A_1226 : vector<16xf32>
        %exp3A_1250 = math.exp %get3A_1232 : vector<16xf32>
        %exp3A_1251 = math.exp %get3A_1238 : vector<16xf32>
        %add3A_1252 = arith.addf %exp3A_1239, %exp3A_1240 : vector<16xf32>
        %add3A_1253 = arith.addf %exp3A_1241, %exp3A_1242 : vector<16xf32>
        %add3A_1254 = arith.addf %exp3A_1243, %exp3A_1244 : vector<16xf32>
        %add3A_1255 = arith.addf %exp3A_1245, %exp3A_1246 : vector<16xf32>
        %add3A_1256 = arith.addf %exp3A_1247, %exp3A_1248 : vector<16xf32>
        %add3A_1257 = arith.addf %exp3A_1249, %exp3A_1250 : vector<16xf32>
        %add3A_1258 = arith.addf %add3A_1252, %add3A_1253 : vector<16xf32>
        %add3A_1259 = arith.addf %add3A_1254, %add3A_1255 : vector<16xf32>
        %add3A_1260 = arith.addf %add3A_1256, %add3A_1257 : vector<16xf32>
        %add3A_1261 = arith.addf %add3A_1258, %add3A_1259 : vector<16xf32>
        %add3A_1262 = arith.addf %add3A_1260, %exp3A_1251 : vector<16xf32>
        %add3A_1263 = arith.addf %add3A_1261, %add3A_1262 : vector<16xf32>
        %div3A_1264 = arith.constant 1.000000e+00 : f32
        %div3A_1265 = vector.broadcast %div3A_1264 : f32 to vector<16xf32>
        %div3A_1266 = arith.divf %div3A_1265, %add3A_1263 : vector<16xf32>
        %mul3A_1267 = arith.mulf %exp3A_1239, %div3A_1266 : vector<16xf32>
        %eq3A_1268 = arith.constant 0 : i32
        %eq3A_1269 = vector.broadcast %eq3A_1268 : i32 to vector<16xi32>
        %eq3A_1270 = arith.cmpi eq, %get3A_1160, %eq3A_1269 : vector<16xi32>
        %sub3A_1271 = arith.constant 1.000000e+00 : f32
        %sub3A_1272 = vector.broadcast %sub3A_1271 : f32 to vector<16xf32>
        %sub3A_1273 = arith.subf %sub3A_1272, %mul3A_1267 : vector<16xf32>
        %select_n3A_1274 = arith.select %eq3A_1270, %sub3A_1273, %mul3A_1267 : vector<16xi1>, vector<16xf32>
        %bitcast3A_1275 = vector.bitcast %select_n3A_1274 : vector<16xf32> to vector<16xi32>
        %shift_right_logical3A_1276 = arith.shrui %bitcast3A_1275, %broadcast_in_dim3A_7 : vector<16xi32>
        %max3A_1277 = arith.constant 30464 : i32
        %max3A_1278 = vector.broadcast %max3A_1277 : i32 to vector<16xi32>
        %max3A_1279 = arith.maxsi %shift_right_logical3A_1276, %max3A_1278 : vector<16xi32>
        %min3A_1280 = arith.constant 32511 : i32
        %min3A_1281 = vector.broadcast %min3A_1280 : i32 to vector<16xi32>
        %min3A_1282 = arith.minsi %max3A_1279, %min3A_1281 : vector<16xi32>
        %jit3A_1283 = arith.constant -3840 : i32
        %jit3A_1284 = arith.constant -30464 : i32
        %broadcast_in_dim3A_1285 = vector.broadcast %jit3A_1283 : i32 to vector<16xi32>
        %broadcast_in_dim3A_1286 = vector.broadcast %jit3A_1284 : i32 to vector<16xi32>
        %select_n3A_1287 = arith.select %eq3A_1270, %broadcast_in_dim3A_1285, %broadcast_in_dim3A_1286 : vector<16xi1>, vector<16xi32>
        %add3A_1288 = arith.addi %min3A_1282, %select_n3A_1287 : vector<16xi32>
        tpu.vector_store_idx %arg19[%add3A_1288], %broadcast_in_dim3A_5 {add = true} : memref<53248xf32, #tpu.memory_space<vmem>>[vector<16xi32>], vector<16xf32>,
        %mul3A_1289 = arith.mulf %exp3A_1240, %div3A_1266 : vector<16xf32>
        %eq3A_1290 = arith.constant 1 : i32
        %eq3A_1291 = vector.broadcast %eq3A_1290 : i32 to vector<16xi32>
        %eq3A_1292 = arith.cmpi eq, %get3A_1160, %eq3A_1291 : vector<16xi32>
        %sub3A_1293 = arith.constant 1.000000e+00 : f32
        %sub3A_1294 = vector.broadcast %sub3A_1293 : f32 to vector<16xf32>
        %sub3A_1295 = arith.subf %sub3A_1294, %mul3A_1289 : vector<16xf32>
        %select_n3A_1296 = arith.select %eq3A_1292, %sub3A_1295, %mul3A_1289 : vector<16xi1>, vector<16xf32>
        %bitcast3A_1297 = vector.bitcast %select_n3A_1296 : vector<16xf32> to vector<16xi32>
        %shift_right_logical3A_1298 = arith.shrui %bitcast3A_1297, %broadcast_in_dim3A_7 : vector<16xi32>
        %max3A_1299 = arith.constant 30464 : i32
        %max3A_1300 = vector.broadcast %max3A_1299 : i32 to vector<16xi32>
        %max3A_1301 = arith.maxsi %shift_right_logical3A_1298, %max3A_1300 : vector<16xi32>
        %min3A_1302 = arith.constant 32511 : i32
        %min3A_1303 = vector.broadcast %min3A_1302 : i32 to vector<16xi32>
        %min3A_1304 = arith.minsi %max3A_1301, %min3A_1303 : vector<16xi32>
        %jit3A_1305 = arith.constant -1792 : i32
        %jit3A_1306 = arith.constant -28416 : i32
        %broadcast_in_dim3A_1307 = vector.broadcast %jit3A_1305 : i32 to vector<16xi32>
        %broadcast_in_dim3A_1308 = vector.broadcast %jit3A_1306 : i32 to vector<16xi32>
        %select_n3A_1309 = arith.select %eq3A_1292, %broadcast_in_dim3A_1307, %broadcast_in_dim3A_1308 : vector<16xi1>, vector<16xi32>
        %add3A_1310 = arith.addi %min3A_1304, %select_n3A_1309 : vector<16xi32>
        tpu.vector_store_idx %arg19[%add3A_1310], %broadcast_in_dim3A_5 {add = true} : memref<53248xf32, #tpu.memory_space<vmem>>[vector<16xi32>], vector<16xf32>,
        %mul3A_1311 = arith.mulf %exp3A_1241, %div3A_1266 : vector<16xf32>
        %eq3A_1312 = arith.constant 2 : i32
        %eq3A_1313 = vector.broadcast %eq3A_1312 : i32 to vector<16xi32>
        %eq3A_1314 = arith.cmpi eq, %get3A_1160, %eq3A_1313 : vector<16xi32>
        %sub3A_1315 = arith.constant 1.000000e+00 : f32
        %sub3A_1316 = vector.broadcast %sub3A_1315 : f32 to vector<16xf32>
        %sub3A_1317 = arith.subf %sub3A_1316, %mul3A_1311 : vector<16xf32>
        %select_n3A_1318 = arith.select %eq3A_1314, %sub3A_1317, %mul3A_1311 : vector<16xi1>, vector<16xf32>
        %bitcast3A_1319 = vector.bitcast %select_n3A_1318 : vector<16xf32> to vector<16xi32>
        %shift_right_logical3A_1320 = arith.shrui %bitcast3A_1319, %broadcast_in_dim3A_7 : vector<16xi32>
        %max3A_1321 = arith.constant 30464 : i32
        %max3A_1322 = vector.broadcast %max3A_1321 : i32 to vector<16xi32>
        %max3A_1323 = arith.maxsi %shift_right_logical3A_1320, %max3A_1322 : vector<16xi32>
        %min3A_1324 = arith.constant 32511 : i32
        %min3A_1325 = vector.broadcast %min3A_1324 : i32 to vector<16xi32>
        %min3A_1326 = arith.minsi %max3A_1323, %min3A_1325 : vector<16xi32>
        %jit3A_1327 = arith.constant 256 : i32
        %jit3A_1328 = arith.constant -26368 : i32
        %broadcast_in_dim3A_1329 = vector.broadcast %jit3A_1327 : i32 to vector<16xi32>
        %broadcast_in_dim3A_1330 = vector.broadcast %jit3A_1328 : i32 to vector<16xi32>
        %select_n3A_1331 = arith.select %eq3A_1314, %broadcast_in_dim3A_1329, %broadcast_in_dim3A_1330 : vector<16xi1>, vector<16xi32>
        %add3A_1332 = arith.addi %min3A_1326, %select_n3A_1331 : vector<16xi32>
        tpu.vector_store_idx %arg19[%add3A_1332], %broadcast_in_dim3A_5 {add = true} : memref<53248xf32, #tpu.memory_space<vmem>>[vector<16xi32>], vector<16xf32>,
        %mul3A_1333 = arith.mulf %exp3A_1242, %div3A_1266 : vector<16xf32>
        %eq3A_1334 = arith.constant 3 : i32
        %eq3A_1335 = vector.broadcast %eq3A_1334 : i32 to vector<16xi32>
        %eq3A_1336 = arith.cmpi eq, %get3A_1160, %eq3A_1335 : vector<16xi32>
        %sub3A_1337 = arith.constant 1.000000e+00 : f32
        %sub3A_1338 = vector.broadcast %sub3A_1337 : f32 to vector<16xf32>
        %sub3A_1339 = arith.subf %sub3A_1338, %mul3A_1333 : vector<16xf32>
        %select_n3A_1340 = arith.select %eq3A_1336, %sub3A_1339, %mul3A_1333 : vector<16xi1>, vector<16xf32>
        %bitcast3A_1341 = vector.bitcast %select_n3A_1340 : vector<16xf32> to vector<16xi32>
        %shift_right_logical3A_1342 = arith.shrui %bitcast3A_1341, %broadcast_in_dim3A_7 : vector<16xi32>
        %max3A_1343 = arith.constant 30464 : i32
        %max3A_1344 = vector.broadcast %max3A_1343 : i32 to vector<16xi32>
        %max3A_1345 = arith.maxsi %shift_right_logical3A_1342, %max3A_1344 : vector<16xi32>
        %min3A_1346 = arith.constant 32511 : i32
        %min3A_1347 = vector.broadcast %min3A_1346 : i32 to vector<16xi32>
        %min3A_1348 = arith.minsi %max3A_1345, %min3A_1347 : vector<16xi32>
        %jit3A_1349 = arith.constant 2304 : i32
        %jit3A_1350 = arith.constant -24320 : i32
        %broadcast_in_dim3A_1351 = vector.broadcast %jit3A_1349 : i32 to vector<16xi32>
        %broadcast_in_dim3A_1352 = vector.broadcast %jit3A_1350 : i32 to vector<16xi32>
        %select_n3A_1353 = arith.select %eq3A_1336, %broadcast_in_dim3A_1351, %broadcast_in_dim3A_1352 : vector<16xi1>, vector<16xi32>
        %add3A_1354 = arith.addi %min3A_1348, %select_n3A_1353 : vector<16xi32>
        tpu.vector_store_idx %arg19[%add3A_1354], %broadcast_in_dim3A_5 {add = true} : memref<53248xf32, #tpu.memory_space<vmem>>[vector<16xi32>], vector<16xf32>,
        %mul3A_1355 = arith.mulf %exp3A_1243, %div3A_1266 : vector<16xf32>
        %eq3A_1356 = arith.constant 4 : i32
        %eq3A_1357 = vector.broadcast %eq3A_1356 : i32 to vector<16xi32>
        %eq3A_1358 = arith.cmpi eq, %get3A_1160, %eq3A_1357 : vector<16xi32>
        %sub3A_1359 = arith.constant 1.000000e+00 : f32
        %sub3A_1360 = vector.broadcast %sub3A_1359 : f32 to vector<16xf32>
        %sub3A_1361 = arith.subf %sub3A_1360, %mul3A_1355 : vector<16xf32>
        %select_n3A_1362 = arith.select %eq3A_1358, %sub3A_1361, %mul3A_1355 : vector<16xi1>, vector<16xf32>
        %bitcast3A_1363 = vector.bitcast %select_n3A_1362 : vector<16xf32> to vector<16xi32>
        %shift_right_logical3A_1364 = arith.shrui %bitcast3A_1363, %broadcast_in_dim3A_7 : vector<16xi32>
        %max3A_1365 = arith.constant 30464 : i32
        %max3A_1366 = vector.broadcast %max3A_1365 : i32 to vector<16xi32>
        %max3A_1367 = arith.maxsi %shift_right_logical3A_1364, %max3A_1366 : vector<16xi32>
        %min3A_1368 = arith.constant 32511 : i32
        %min3A_1369 = vector.broadcast %min3A_1368 : i32 to vector<16xi32>
        %min3A_1370 = arith.minsi %max3A_1367, %min3A_1369 : vector<16xi32>
        %jit3A_1371 = arith.constant 4352 : i32
        %jit3A_1372 = arith.constant -22272 : i32
        %broadcast_in_dim3A_1373 = vector.broadcast %jit3A_1371 : i32 to vector<16xi32>
        %broadcast_in_dim3A_1374 = vector.broadcast %jit3A_1372 : i32 to vector<16xi32>
        %select_n3A_1375 = arith.select %eq3A_1358, %broadcast_in_dim3A_1373, %broadcast_in_dim3A_1374 : vector<16xi1>, vector<16xi32>
        %add3A_1376 = arith.addi %min3A_1370, %select_n3A_1375 : vector<16xi32>
        tpu.vector_store_idx %arg19[%add3A_1376], %broadcast_in_dim3A_5 {add = true} : memref<53248xf32, #tpu.memory_space<vmem>>[vector<16xi32>], vector<16xf32>,
        %mul3A_1377 = arith.mulf %exp3A_1244, %div3A_1266 : vector<16xf32>
        %eq3A_1378 = arith.constant 5 : i32
        %eq3A_1379 = vector.broadcast %eq3A_1378 : i32 to vector<16xi32>
        %eq3A_1380 = arith.cmpi eq, %get3A_1160, %eq3A_1379 : vector<16xi32>
        %sub3A_1381 = arith.constant 1.000000e+00 : f32
        %sub3A_1382 = vector.broadcast %sub3A_1381 : f32 to vector<16xf32>
        %sub3A_1383 = arith.subf %sub3A_1382, %mul3A_1377 : vector<16xf32>
        %select_n3A_1384 = arith.select %eq3A_1380, %sub3A_1383, %mul3A_1377 : vector<16xi1>, vector<16xf32>
        %bitcast3A_1385 = vector.bitcast %select_n3A_1384 : vector<16xf32> to vector<16xi32>
        %shift_right_logical3A_1386 = arith.shrui %bitcast3A_1385, %broadcast_in_dim3A_7 : vector<16xi32>
        %max3A_1387 = arith.constant 30464 : i32
        %max3A_1388 = vector.broadcast %max3A_1387 : i32 to vector<16xi32>
        %max3A_1389 = arith.maxsi %shift_right_logical3A_1386, %max3A_1388 : vector<16xi32>
        %min3A_1390 = arith.constant 32511 : i32
        %min3A_1391 = vector.broadcast %min3A_1390 : i32 to vector<16xi32>
        %min3A_1392 = arith.minsi %max3A_1389, %min3A_1391 : vector<16xi32>
        %jit3A_1393 = arith.constant 6400 : i32
        %jit3A_1394 = arith.constant -20224 : i32
        %broadcast_in_dim3A_1395 = vector.broadcast %jit3A_1393 : i32 to vector<16xi32>
        %broadcast_in_dim3A_1396 = vector.broadcast %jit3A_1394 : i32 to vector<16xi32>
        %select_n3A_1397 = arith.select %eq3A_1380, %broadcast_in_dim3A_1395, %broadcast_in_dim3A_1396 : vector<16xi1>, vector<16xi32>
        %add3A_1398 = arith.addi %min3A_1392, %select_n3A_1397 : vector<16xi32>
        tpu.vector_store_idx %arg19[%add3A_1398], %broadcast_in_dim3A_5 {add = true} : memref<53248xf32, #tpu.memory_space<vmem>>[vector<16xi32>], vector<16xf32>,
        %mul3A_1399 = arith.mulf %exp3A_1245, %div3A_1266 : vector<16xf32>
        %eq3A_1400 = arith.constant 6 : i32
        %eq3A_1401 = vector.broadcast %eq3A_1400 : i32 to vector<16xi32>
        %eq3A_1402 = arith.cmpi eq, %get3A_1160, %eq3A_1401 : vector<16xi32>
        %sub3A_1403 = arith.constant 1.000000e+00 : f32
        %sub3A_1404 = vector.broadcast %sub3A_1403 : f32 to vector<16xf32>
        %sub3A_1405 = arith.subf %sub3A_1404, %mul3A_1399 : vector<16xf32>
        %select_n3A_1406 = arith.select %eq3A_1402, %sub3A_1405, %mul3A_1399 : vector<16xi1>, vector<16xf32>
        %bitcast3A_1407 = vector.bitcast %select_n3A_1406 : vector<16xf32> to vector<16xi32>
        %shift_right_logical3A_1408 = arith.shrui %bitcast3A_1407, %broadcast_in_dim3A_7 : vector<16xi32>
        %max3A_1409 = arith.constant 30464 : i32
        %max3A_1410 = vector.broadcast %max3A_1409 : i32 to vector<16xi32>
        %max3A_1411 = arith.maxsi %shift_right_logical3A_1408, %max3A_1410 : vector<16xi32>
        %min3A_1412 = arith.constant 32511 : i32
        %min3A_1413 = vector.broadcast %min3A_1412 : i32 to vector<16xi32>
        %min3A_1414 = arith.minsi %max3A_1411, %min3A_1413 : vector<16xi32>
        %jit3A_1415 = arith.constant 8448 : i32
        %jit3A_1416 = arith.constant -18176 : i32
        %broadcast_in_dim3A_1417 = vector.broadcast %jit3A_1415 : i32 to vector<16xi32>
        %broadcast_in_dim3A_1418 = vector.broadcast %jit3A_1416 : i32 to vector<16xi32>
        %select_n3A_1419 = arith.select %eq3A_1402, %broadcast_in_dim3A_1417, %broadcast_in_dim3A_1418 : vector<16xi1>, vector<16xi32>
        %add3A_1420 = arith.addi %min3A_1414, %select_n3A_1419 : vector<16xi32>
        tpu.vector_store_idx %arg19[%add3A_1420], %broadcast_in_dim3A_5 {add = true} : memref<53248xf32, #tpu.memory_space<vmem>>[vector<16xi32>], vector<16xf32>,
        %mul3A_1421 = arith.mulf %exp3A_1246, %div3A_1266 : vector<16xf32>
        %eq3A_1422 = arith.constant 7 : i32
        %eq3A_1423 = vector.broadcast %eq3A_1422 : i32 to vector<16xi32>
        %eq3A_1424 = arith.cmpi eq, %get3A_1160, %eq3A_1423 : vector<16xi32>
        %sub3A_1425 = arith.constant 1.000000e+00 : f32
        %sub3A_1426 = vector.broadcast %sub3A_1425 : f32 to vector<16xf32>
        %sub3A_1427 = arith.subf %sub3A_1426, %mul3A_1421 : vector<16xf32>
        %select_n3A_1428 = arith.select %eq3A_1424, %sub3A_1427, %mul3A_1421 : vector<16xi1>, vector<16xf32>
        %bitcast3A_1429 = vector.bitcast %select_n3A_1428 : vector<16xf32> to vector<16xi32>
        %shift_right_logical3A_1430 = arith.shrui %bitcast3A_1429, %broadcast_in_dim3A_7 : vector<16xi32>
        %max3A_1431 = arith.constant 30464 : i32
        %max3A_1432 = vector.broadcast %max3A_1431 : i32 to vector<16xi32>
        %max3A_1433 = arith.maxsi %shift_right_logical3A_1430, %max3A_1432 : vector<16xi32>
        %min3A_1434 = arith.constant 32511 : i32
        %min3A_1435 = vector.broadcast %min3A_1434 : i32 to vector<16xi32>
        %min3A_1436 = arith.minsi %max3A_1433, %min3A_1435 : vector<16xi32>
        %jit3A_1437 = arith.constant 10496 : i32
        %jit3A_1438 = arith.constant -16128 : i32
        %broadcast_in_dim3A_1439 = vector.broadcast %jit3A_1437 : i32 to vector<16xi32>
        %broadcast_in_dim3A_1440 = vector.broadcast %jit3A_1438 : i32 to vector<16xi32>
        %select_n3A_1441 = arith.select %eq3A_1424, %broadcast_in_dim3A_1439, %broadcast_in_dim3A_1440 : vector<16xi1>, vector<16xi32>
        %add3A_1442 = arith.addi %min3A_1436, %select_n3A_1441 : vector<16xi32>
        tpu.vector_store_idx %arg19[%add3A_1442], %broadcast_in_dim3A_5 {add = true} : memref<53248xf32, #tpu.memory_space<vmem>>[vector<16xi32>], vector<16xf32>,
        %mul3A_1443 = arith.mulf %exp3A_1247, %div3A_1266 : vector<16xf32>
        %eq3A_1444 = arith.constant 8 : i32
        %eq3A_1445 = vector.broadcast %eq3A_1444 : i32 to vector<16xi32>
        %eq3A_1446 = arith.cmpi eq, %get3A_1160, %eq3A_1445 : vector<16xi32>
        %sub3A_1447 = arith.constant 1.000000e+00 : f32
        %sub3A_1448 = vector.broadcast %sub3A_1447 : f32 to vector<16xf32>
        %sub3A_1449 = arith.subf %sub3A_1448, %mul3A_1443 : vector<16xf32>
        %select_n3A_1450 = arith.select %eq3A_1446, %sub3A_1449, %mul3A_1443 : vector<16xi1>, vector<16xf32>
        %bitcast3A_1451 = vector.bitcast %select_n3A_1450 : vector<16xf32> to vector<16xi32>
        %shift_right_logical3A_1452 = arith.shrui %bitcast3A_1451, %broadcast_in_dim3A_7 : vector<16xi32>
        %max3A_1453 = arith.constant 30464 : i32
        %max3A_1454 = vector.broadcast %max3A_1453 : i32 to vector<16xi32>
        %max3A_1455 = arith.maxsi %shift_right_logical3A_1452, %max3A_1454 : vector<16xi32>
        %min3A_1456 = arith.constant 32511 : i32
        %min3A_1457 = vector.broadcast %min3A_1456 : i32 to vector<16xi32>
        %min3A_1458 = arith.minsi %max3A_1455, %min3A_1457 : vector<16xi32>
        %jit3A_1459 = arith.constant 12544 : i32
        %jit3A_1460 = arith.constant -14080 : i32
        %broadcast_in_dim3A_1461 = vector.broadcast %jit3A_1459 : i32 to vector<16xi32>
        %broadcast_in_dim3A_1462 = vector.broadcast %jit3A_1460 : i32 to vector<16xi32>
        %select_n3A_1463 = arith.select %eq3A_1446, %broadcast_in_dim3A_1461, %broadcast_in_dim3A_1462 : vector<16xi1>, vector<16xi32>
        %add3A_1464 = arith.addi %min3A_1458, %select_n3A_1463 : vector<16xi32>
        tpu.vector_store_idx %arg19[%add3A_1464], %broadcast_in_dim3A_5 {add = true} : memref<53248xf32, #tpu.memory_space<vmem>>[vector<16xi32>], vector<16xf32>,
        %mul3A_1465 = arith.mulf %exp3A_1248, %div3A_1266 : vector<16xf32>
        %eq3A_1466 = arith.constant 9 : i32
        %eq3A_1467 = vector.broadcast %eq3A_1466 : i32 to vector<16xi32>
        %eq3A_1468 = arith.cmpi eq, %get3A_1160, %eq3A_1467 : vector<16xi32>
        %sub3A_1469 = arith.constant 1.000000e+00 : f32
        %sub3A_1470 = vector.broadcast %sub3A_1469 : f32 to vector<16xf32>
        %sub3A_1471 = arith.subf %sub3A_1470, %mul3A_1465 : vector<16xf32>
        %select_n3A_1472 = arith.select %eq3A_1468, %sub3A_1471, %mul3A_1465 : vector<16xi1>, vector<16xf32>
        %bitcast3A_1473 = vector.bitcast %select_n3A_1472 : vector<16xf32> to vector<16xi32>
        %shift_right_logical3A_1474 = arith.shrui %bitcast3A_1473, %broadcast_in_dim3A_7 : vector<16xi32>
        %max3A_1475 = arith.constant 30464 : i32
        %max3A_1476 = vector.broadcast %max3A_1475 : i32 to vector<16xi32>
        %max3A_1477 = arith.maxsi %shift_right_logical3A_1474, %max3A_1476 : vector<16xi32>
        %min3A_1478 = arith.constant 32511 : i32
        %min3A_1479 = vector.broadcast %min3A_1478 : i32 to vector<16xi32>
        %min3A_1480 = arith.minsi %max3A_1477, %min3A_1479 : vector<16xi32>
        %jit3A_1481 = arith.constant 14592 : i32
        %jit3A_1482 = arith.constant -12032 : i32
        %broadcast_in_dim3A_1483 = vector.broadcast %jit3A_1481 : i32 to vector<16xi32>
        %broadcast_in_dim3A_1484 = vector.broadcast %jit3A_1482 : i32 to vector<16xi32>
        %select_n3A_1485 = arith.select %eq3A_1468, %broadcast_in_dim3A_1483, %broadcast_in_dim3A_1484 : vector<16xi1>, vector<16xi32>
        %add3A_1486 = arith.addi %min3A_1480, %select_n3A_1485 : vector<16xi32>
        tpu.vector_store_idx %arg19[%add3A_1486], %broadcast_in_dim3A_5 {add = true} : memref<53248xf32, #tpu.memory_space<vmem>>[vector<16xi32>], vector<16xf32>,
        %mul3A_1487 = arith.mulf %exp3A_1249, %div3A_1266 : vector<16xf32>
        %eq3A_1488 = arith.constant 10 : i32
        %eq3A_1489 = vector.broadcast %eq3A_1488 : i32 to vector<16xi32>
        %eq3A_1490 = arith.cmpi eq, %get3A_1160, %eq3A_1489 : vector<16xi32>
        %sub3A_1491 = arith.constant 1.000000e+00 : f32
        %sub3A_1492 = vector.broadcast %sub3A_1491 : f32 to vector<16xf32>
        %sub3A_1493 = arith.subf %sub3A_1492, %mul3A_1487 : vector<16xf32>
        %select_n3A_1494 = arith.select %eq3A_1490, %sub3A_1493, %mul3A_1487 : vector<16xi1>, vector<16xf32>
        %bitcast3A_1495 = vector.bitcast %select_n3A_1494 : vector<16xf32> to vector<16xi32>
        %shift_right_logical3A_1496 = arith.shrui %bitcast3A_1495, %broadcast_in_dim3A_7 : vector<16xi32>
        %max3A_1497 = arith.constant 30464 : i32
        %max3A_1498 = vector.broadcast %max3A_1497 : i32 to vector<16xi32>
        %max3A_1499 = arith.maxsi %shift_right_logical3A_1496, %max3A_1498 : vector<16xi32>
        %min3A_1500 = arith.constant 32511 : i32
        %min3A_1501 = vector.broadcast %min3A_1500 : i32 to vector<16xi32>
        %min3A_1502 = arith.minsi %max3A_1499, %min3A_1501 : vector<16xi32>
        %jit3A_1503 = arith.constant 16640 : i32
        %jit3A_1504 = arith.constant -9984 : i32
        %broadcast_in_dim3A_1505 = vector.broadcast %jit3A_1503 : i32 to vector<16xi32>
        %broadcast_in_dim3A_1506 = vector.broadcast %jit3A_1504 : i32 to vector<16xi32>
        %select_n3A_1507 = arith.select %eq3A_1490, %broadcast_in_dim3A_1505, %broadcast_in_dim3A_1506 : vector<16xi1>, vector<16xi32>
        %add3A_1508 = arith.addi %min3A_1502, %select_n3A_1507 : vector<16xi32>
        tpu.vector_store_idx %arg19[%add3A_1508], %broadcast_in_dim3A_5 {add = true} : memref<53248xf32, #tpu.memory_space<vmem>>[vector<16xi32>], vector<16xf32>,
        %mul3A_1509 = arith.mulf %exp3A_1250, %div3A_1266 : vector<16xf32>
        %eq3A_1510 = arith.constant 11 : i32
        %eq3A_1511 = vector.broadcast %eq3A_1510 : i32 to vector<16xi32>
        %eq3A_1512 = arith.cmpi eq, %get3A_1160, %eq3A_1511 : vector<16xi32>
        %sub3A_1513 = arith.constant 1.000000e+00 : f32
        %sub3A_1514 = vector.broadcast %sub3A_1513 : f32 to vector<16xf32>
        %sub3A_1515 = arith.subf %sub3A_1514, %mul3A_1509 : vector<16xf32>
        %select_n3A_1516 = arith.select %eq3A_1512, %sub3A_1515, %mul3A_1509 : vector<16xi1>, vector<16xf32>
        %bitcast3A_1517 = vector.bitcast %select_n3A_1516 : vector<16xf32> to vector<16xi32>
        %shift_right_logical3A_1518 = arith.shrui %bitcast3A_1517, %broadcast_in_dim3A_7 : vector<16xi32>
        %max3A_1519 = arith.constant 30464 : i32
        %max3A_1520 = vector.broadcast %max3A_1519 : i32 to vector<16xi32>
        %max3A_1521 = arith.maxsi %shift_right_logical3A_1518, %max3A_1520 : vector<16xi32>
        %min3A_1522 = arith.constant 32511 : i32
        %min3A_1523 = vector.broadcast %min3A_1522 : i32 to vector<16xi32>
        %min3A_1524 = arith.minsi %max3A_1521, %min3A_1523 : vector<16xi32>
        %jit3A_1525 = arith.constant 18688 : i32
        %jit3A_1526 = arith.constant -7936 : i32
        %broadcast_in_dim3A_1527 = vector.broadcast %jit3A_1525 : i32 to vector<16xi32>
        %broadcast_in_dim3A_1528 = vector.broadcast %jit3A_1526 : i32 to vector<16xi32>
        %select_n3A_1529 = arith.select %eq3A_1512, %broadcast_in_dim3A_1527, %broadcast_in_dim3A_1528 : vector<16xi1>, vector<16xi32>
        %add3A_1530 = arith.addi %min3A_1524, %select_n3A_1529 : vector<16xi32>
        tpu.vector_store_idx %arg19[%add3A_1530], %broadcast_in_dim3A_5 {add = true} : memref<53248xf32, #tpu.memory_space<vmem>>[vector<16xi32>], vector<16xf32>,
        %mul3A_1531 = arith.mulf %exp3A_1251, %div3A_1266 : vector<16xf32>
        %eq3A_1532 = arith.constant 12 : i32
        %eq3A_1533 = vector.broadcast %eq3A_1532 : i32 to vector<16xi32>
        %eq3A_1534 = arith.cmpi eq, %get3A_1160, %eq3A_1533 : vector<16xi32>
        %sub3A_1535 = arith.constant 1.000000e+00 : f32
        %sub3A_1536 = vector.broadcast %sub3A_1535 : f32 to vector<16xf32>
        %sub3A_1537 = arith.subf %sub3A_1536, %mul3A_1531 : vector<16xf32>
        %select_n3A_1538 = arith.select %eq3A_1534, %sub3A_1537, %mul3A_1531 : vector<16xi1>, vector<16xf32>
        %bitcast3A_1539 = vector.bitcast %select_n3A_1538 : vector<16xf32> to vector<16xi32>
        %shift_right_logical3A_1540 = arith.shrui %bitcast3A_1539, %broadcast_in_dim3A_7 : vector<16xi32>
        %max3A_1541 = arith.constant 30464 : i32
        %max3A_1542 = vector.broadcast %max3A_1541 : i32 to vector<16xi32>
        %max3A_1543 = arith.maxsi %shift_right_logical3A_1540, %max3A_1542 : vector<16xi32>
        %min3A_1544 = arith.constant 32511 : i32
        %min3A_1545 = vector.broadcast %min3A_1544 : i32 to vector<16xi32>
        %min3A_1546 = arith.minsi %max3A_1543, %min3A_1545 : vector<16xi32>
        %jit3A_1547 = arith.constant 20736 : i32
        %jit3A_1548 = arith.constant -5888 : i32
        %broadcast_in_dim3A_1549 = vector.broadcast %jit3A_1547 : i32 to vector<16xi32>
        %broadcast_in_dim3A_1550 = vector.broadcast %jit3A_1548 : i32 to vector<16xi32>
        %select_n3A_1551 = arith.select %eq3A_1534, %broadcast_in_dim3A_1549, %broadcast_in_dim3A_1550 : vector<16xi1>, vector<16xi32>
        %add3A_1552 = arith.addi %min3A_1546, %select_n3A_1551 : vector<16xi32>
        tpu.vector_store_idx %arg19[%add3A_1552], %broadcast_in_dim3A_5 {add = true} : memref<53248xf32, #tpu.memory_space<vmem>>[vector<16xi32>], vector<16xf32>,
        %scan3A_1553 = arith.constant 3 : i32
        %scan3A_1554 = arith.addi %scan3A_353, %scan3A_1553 : i32
        %mul3A_1555 = arith.constant 1 : i32
        %mul3A_1556 = arith.muli %scan3A_1554, %mul3A_1555 : i32
        %add3A_1557 = arith.constant 0 : i32
        %add3A_1558 = arith.addi %add3A_1557, %mul3A_1556 : i32
        %mul3A_1559 = arith.constant 16 : i32
        %mul3A_1560 = arith.muli %add3A_1558, %mul3A_1559 : i32
        %add3A_1561 = arith.constant 0 : i32
        %add3A_1562 = arith.addi %add3A_1561, %mul3A_1560 : i32
        %get3A_1563 = arith.index_cast %add3A_1562 : i32 to index
        %get3A_1564 = tpu.vector_load %arg18[%get3A_1563] {strides = array<i32>} : memref<4096xi32, #tpu.memory_space<vmem>>, vector<16xi32>,
        %mul3A_1565 = arith.constant 16 : i32
        %mul3A_1566 = arith.muli %add3A_1558, %mul3A_1565 : i32
        %add3A_1567 = arith.constant 0 : i32
        %add3A_1568 = arith.addi %add3A_1567, %mul3A_1566 : i32
        %get3A_1569 = arith.index_cast %add3A_1568 : i32 to index
        %get3A_1570 = tpu.vector_load %arg17[%get3A_1569] {strides = array<i32>} : memref<53248xf32, #tpu.memory_space<vmem>>, vector<16xf32>,
        %mul3A_1571 = arith.constant 16 : i32
        %mul3A_1572 = arith.muli %add3A_1558, %mul3A_1571 : i32
        %add3A_1573 = arith.constant 2048 : i32
        %add3A_1574 = arith.addi %add3A_1573, %mul3A_1572 : i32
        %get3A_1575 = arith.index_cast %add3A_1574 : i32 to index
        %get3A_1576 = tpu.vector_load %arg17[%get3A_1575] {strides = array<i32>} : memref<53248xf32, #tpu.memory_space<vmem>>, vector<16xf32>,
        %mul3A_1577 = arith.constant 16 : i32
        %mul3A_1578 = arith.muli %add3A_1558, %mul3A_1577 : i32
        %add3A_1579 = arith.constant 4096 : i32
        %add3A_1580 = arith.addi %add3A_1579, %mul3A_1578 : i32
        %get3A_1581 = arith.index_cast %add3A_1580 : i32 to index
        %get3A_1582 = tpu.vector_load %arg17[%get3A_1581] {strides = array<i32>} : memref<53248xf32, #tpu.memory_space<vmem>>, vector<16xf32>,
        %mul3A_1583 = arith.constant 16 : i32
        %mul3A_1584 = arith.muli %add3A_1558, %mul3A_1583 : i32
        %add3A_1585 = arith.constant 6144 : i32
        %add3A_1586 = arith.addi %add3A_1585, %mul3A_1584 : i32
        %get3A_1587 = arith.index_cast %add3A_1586 : i32 to index
        %get3A_1588 = tpu.vector_load %arg17[%get3A_1587] {strides = array<i32>} : memref<53248xf32, #tpu.memory_space<vmem>>, vector<16xf32>,
        %mul3A_1589 = arith.constant 16 : i32
        %mul3A_1590 = arith.muli %add3A_1558, %mul3A_1589 : i32
        %add3A_1591 = arith.constant 8192 : i32
        %add3A_1592 = arith.addi %add3A_1591, %mul3A_1590 : i32
        %get3A_1593 = arith.index_cast %add3A_1592 : i32 to index
        %get3A_1594 = tpu.vector_load %arg17[%get3A_1593] {strides = array<i32>} : memref<53248xf32, #tpu.memory_space<vmem>>, vector<16xf32>,
        %mul3A_1595 = arith.constant 16 : i32
        %mul3A_1596 = arith.muli %add3A_1558, %mul3A_1595 : i32
        %add3A_1597 = arith.constant 10240 : i32
        %add3A_1598 = arith.addi %add3A_1597, %mul3A_1596 : i32
        %get3A_1599 = arith.index_cast %add3A_1598 : i32 to index
        %get3A_1600 = tpu.vector_load %arg17[%get3A_1599] {strides = array<i32>} : memref<53248xf32, #tpu.memory_space<vmem>>, vector<16xf32>,
        %mul3A_1601 = arith.constant 16 : i32
        %mul3A_1602 = arith.muli %add3A_1558, %mul3A_1601 : i32
        %add3A_1603 = arith.constant 12288 : i32
        %add3A_1604 = arith.addi %add3A_1603, %mul3A_1602 : i32
        %get3A_1605 = arith.index_cast %add3A_1604 : i32 to index
        %get3A_1606 = tpu.vector_load %arg17[%get3A_1605] {strides = array<i32>} : memref<53248xf32, #tpu.memory_space<vmem>>, vector<16xf32>,
        %mul3A_1607 = arith.constant 16 : i32
        %mul3A_1608 = arith.muli %add3A_1558, %mul3A_1607 : i32
        %add3A_1609 = arith.constant 14336 : i32
        %add3A_1610 = arith.addi %add3A_1609, %mul3A_1608 : i32
        %get3A_1611 = arith.index_cast %add3A_1610 : i32 to index
        %get3A_1612 = tpu.vector_load %arg17[%get3A_1611] {strides = array<i32>} : memref<53248xf32, #tpu.memory_space<vmem>>, vector<16xf32>,
        %mul3A_1613 = arith.constant 16 : i32
        %mul3A_1614 = arith.muli %add3A_1558, %mul3A_1613 : i32
        %add3A_1615 = arith.constant 16384 : i32
        %add3A_1616 = arith.addi %add3A_1615, %mul3A_1614 : i32
        %get3A_1617 = arith.index_cast %add3A_1616 : i32 to index
        %get3A_1618 = tpu.vector_load %arg17[%get3A_1617] {strides = array<i32>} : memref<53248xf32, #tpu.memory_space<vmem>>, vector<16xf32>,
        %mul3A_1619 = arith.constant 16 : i32
        %mul3A_1620 = arith.muli %add3A_1558, %mul3A_1619 : i32
        %add3A_1621 = arith.constant 18432 : i32
        %add3A_1622 = arith.addi %add3A_1621, %mul3A_1620 : i32
        %get3A_1623 = arith.index_cast %add3A_1622 : i32 to index
        %get3A_1624 = tpu.vector_load %arg17[%get3A_1623] {strides = array<i32>} : memref<53248xf32, #tpu.memory_space<vmem>>, vector<16xf32>,
        %mul3A_1625 = arith.constant 16 : i32
        %mul3A_1626 = arith.muli %add3A_1558, %mul3A_1625 : i32
        %add3A_1627 = arith.constant 20480 : i32
        %add3A_1628 = arith.addi %add3A_1627, %mul3A_1626 : i32
        %get3A_1629 = arith.index_cast %add3A_1628 : i32 to index
        %get3A_1630 = tpu.vector_load %arg17[%get3A_1629] {strides = array<i32>} : memref<53248xf32, #tpu.memory_space<vmem>>, vector<16xf32>,
        %mul3A_1631 = arith.constant 16 : i32
        %mul3A_1632 = arith.muli %add3A_1558, %mul3A_1631 : i32
        %add3A_1633 = arith.constant 22528 : i32
        %add3A_1634 = arith.addi %add3A_1633, %mul3A_1632 : i32
        %get3A_1635 = arith.index_cast %add3A_1634 : i32 to index
        %get3A_1636 = tpu.vector_load %arg17[%get3A_1635] {strides = array<i32>} : memref<53248xf32, #tpu.memory_space<vmem>>, vector<16xf32>,
        %mul3A_1637 = arith.constant 16 : i32
        %mul3A_1638 = arith.muli %add3A_1558, %mul3A_1637 : i32
        %add3A_1639 = arith.constant 24576 : i32
        %add3A_1640 = arith.addi %add3A_1639, %mul3A_1638 : i32
        %get3A_1641 = arith.index_cast %add3A_1640 : i32 to index
        %get3A_1642 = tpu.vector_load %arg17[%get3A_1641] {strides = array<i32>} : memref<53248xf32, #tpu.memory_space<vmem>>, vector<16xf32>,
        %exp3A_1643 = math.exp %get3A_1570 : vector<16xf32>
        %exp3A_1644 = math.exp %get3A_1576 : vector<16xf32>
        %exp3A_1645 = math.exp %get3A_1582 : vector<16xf32>
        %exp3A_1646 = math.exp %get3A_1588 : vector<16xf32>
        %exp3A_1647 = math.exp %get3A_1594 : vector<16xf32>
        %exp3A_1648 = math.exp %get3A_1600 : vector<16xf32>
        %exp3A_1649 = math.exp %get3A_1606 : vector<16xf32>
        %exp3A_1650 = math.exp %get3A_1612 : vector<16xf32>
        %exp3A_1651 = math.exp %get3A_1618 : vector<16xf32>
        %exp3A_1652 = math.exp %get3A_1624 : vector<16xf32>
        %exp3A_1653 = math.exp %get3A_1630 : vector<16xf32>
        %exp3A_1654 = math.exp %get3A_1636 : vector<16xf32>
        %exp3A_1655 = math.exp %get3A_1642 : vector<16xf32>
        %add3A_1656 = arith.addf %exp3A_1643, %exp3A_1644 : vector<16xf32>
        %add3A_1657 = arith.addf %exp3A_1645, %exp3A_1646 : vector<16xf32>
        %add3A_1658 = arith.addf %exp3A_1647, %exp3A_1648 : vector<16xf32>
        %add3A_1659 = arith.addf %exp3A_1649, %exp3A_1650 : vector<16xf32>
        %add3A_1660 = arith.addf %exp3A_1651, %exp3A_1652 : vector<16xf32>
        %add3A_1661 = arith.addf %exp3A_1653, %exp3A_1654 : vector<16xf32>
        %add3A_1662 = arith.addf %add3A_1656, %add3A_1657 : vector<16xf32>
        %add3A_1663 = arith.addf %add3A_1658, %add3A_1659 : vector<16xf32>
        %add3A_1664 = arith.addf %add3A_1660, %add3A_1661 : vector<16xf32>
        %add3A_1665 = arith.addf %add3A_1662, %add3A_1663 : vector<16xf32>
        %add3A_1666 = arith.addf %add3A_1664, %exp3A_1655 : vector<16xf32>
        %add3A_1667 = arith.addf %add3A_1665, %add3A_1666 : vector<16xf32>
        %div3A_1668 = arith.constant 1.000000e+00 : f32
        %div3A_1669 = vector.broadcast %div3A_1668 : f32 to vector<16xf32>
        %div3A_1670 = arith.divf %div3A_1669, %add3A_1667 : vector<16xf32>
        %mul3A_1671 = arith.mulf %exp3A_1643, %div3A_1670 : vector<16xf32>
        %eq3A_1672 = arith.constant 0 : i32
        %eq3A_1673 = vector.broadcast %eq3A_1672 : i32 to vector<16xi32>
        %eq3A_1674 = arith.cmpi eq, %get3A_1564, %eq3A_1673 : vector<16xi32>
        %sub3A_1675 = arith.constant 1.000000e+00 : f32
        %sub3A_1676 = vector.broadcast %sub3A_1675 : f32 to vector<16xf32>
        %sub3A_1677 = arith.subf %sub3A_1676, %mul3A_1671 : vector<16xf32>
        %select_n3A_1678 = arith.select %eq3A_1674, %sub3A_1677, %mul3A_1671 : vector<16xi1>, vector<16xf32>
        %bitcast3A_1679 = vector.bitcast %select_n3A_1678 : vector<16xf32> to vector<16xi32>
        %shift_right_logical3A_1680 = arith.shrui %bitcast3A_1679, %broadcast_in_dim3A_7 : vector<16xi32>
        %max3A_1681 = arith.constant 30464 : i32
        %max3A_1682 = vector.broadcast %max3A_1681 : i32 to vector<16xi32>
        %max3A_1683 = arith.maxsi %shift_right_logical3A_1680, %max3A_1682 : vector<16xi32>
        %min3A_1684 = arith.constant 32511 : i32
        %min3A_1685 = vector.broadcast %min3A_1684 : i32 to vector<16xi32>
        %min3A_1686 = arith.minsi %max3A_1683, %min3A_1685 : vector<16xi32>
        %jit3A_1687 = arith.constant -3840 : i32
        %jit3A_1688 = arith.constant -30464 : i32
        %broadcast_in_dim3A_1689 = vector.broadcast %jit3A_1687 : i32 to vector<16xi32>
        %broadcast_in_dim3A_1690 = vector.broadcast %jit3A_1688 : i32 to vector<16xi32>
        %select_n3A_1691 = arith.select %eq3A_1674, %broadcast_in_dim3A_1689, %broadcast_in_dim3A_1690 : vector<16xi1>, vector<16xi32>
        %add3A_1692 = arith.addi %min3A_1686, %select_n3A_1691 : vector<16xi32>
        tpu.vector_store_idx %arg19[%add3A_1692], %broadcast_in_dim3A_5 {add = true} : memref<53248xf32, #tpu.memory_space<vmem>>[vector<16xi32>], vector<16xf32>,
        %mul3A_1693 = arith.mulf %exp3A_1644, %div3A_1670 : vector<16xf32>
        %eq3A_1694 = arith.constant 1 : i32
        %eq3A_1695 = vector.broadcast %eq3A_1694 : i32 to vector<16xi32>
        %eq3A_1696 = arith.cmpi eq, %get3A_1564, %eq3A_1695 : vector<16xi32>
        %sub3A_1697 = arith.constant 1.000000e+00 : f32
        %sub3A_1698 = vector.broadcast %sub3A_1697 : f32 to vector<16xf32>
        %sub3A_1699 = arith.subf %sub3A_1698, %mul3A_1693 : vector<16xf32>
        %select_n3A_1700 = arith.select %eq3A_1696, %sub3A_1699, %mul3A_1693 : vector<16xi1>, vector<16xf32>
        %bitcast3A_1701 = vector.bitcast %select_n3A_1700 : vector<16xf32> to vector<16xi32>
        %shift_right_logical3A_1702 = arith.shrui %bitcast3A_1701, %broadcast_in_dim3A_7 : vector<16xi32>
        %max3A_1703 = arith.constant 30464 : i32
        %max3A_1704 = vector.broadcast %max3A_1703 : i32 to vector<16xi32>
        %max3A_1705 = arith.maxsi %shift_right_logical3A_1702, %max3A_1704 : vector<16xi32>
        %min3A_1706 = arith.constant 32511 : i32
        %min3A_1707 = vector.broadcast %min3A_1706 : i32 to vector<16xi32>
        %min3A_1708 = arith.minsi %max3A_1705, %min3A_1707 : vector<16xi32>
        %jit3A_1709 = arith.constant -1792 : i32
        %jit3A_1710 = arith.constant -28416 : i32
        %broadcast_in_dim3A_1711 = vector.broadcast %jit3A_1709 : i32 to vector<16xi32>
        %broadcast_in_dim3A_1712 = vector.broadcast %jit3A_1710 : i32 to vector<16xi32>
        %select_n3A_1713 = arith.select %eq3A_1696, %broadcast_in_dim3A_1711, %broadcast_in_dim3A_1712 : vector<16xi1>, vector<16xi32>
        %add3A_1714 = arith.addi %min3A_1708, %select_n3A_1713 : vector<16xi32>
        tpu.vector_store_idx %arg19[%add3A_1714], %broadcast_in_dim3A_5 {add = true} : memref<53248xf32, #tpu.memory_space<vmem>>[vector<16xi32>], vector<16xf32>,
        %mul3A_1715 = arith.mulf %exp3A_1645, %div3A_1670 : vector<16xf32>
        %eq3A_1716 = arith.constant 2 : i32
        %eq3A_1717 = vector.broadcast %eq3A_1716 : i32 to vector<16xi32>
        %eq3A_1718 = arith.cmpi eq, %get3A_1564, %eq3A_1717 : vector<16xi32>
        %sub3A_1719 = arith.constant 1.000000e+00 : f32
        %sub3A_1720 = vector.broadcast %sub3A_1719 : f32 to vector<16xf32>
        %sub3A_1721 = arith.subf %sub3A_1720, %mul3A_1715 : vector<16xf32>
        %select_n3A_1722 = arith.select %eq3A_1718, %sub3A_1721, %mul3A_1715 : vector<16xi1>, vector<16xf32>
        %bitcast3A_1723 = vector.bitcast %select_n3A_1722 : vector<16xf32> to vector<16xi32>
        %shift_right_logical3A_1724 = arith.shrui %bitcast3A_1723, %broadcast_in_dim3A_7 : vector<16xi32>
        %max3A_1725 = arith.constant 30464 : i32
        %max3A_1726 = vector.broadcast %max3A_1725 : i32 to vector<16xi32>
        %max3A_1727 = arith.maxsi %shift_right_logical3A_1724, %max3A_1726 : vector<16xi32>
        %min3A_1728 = arith.constant 32511 : i32
        %min3A_1729 = vector.broadcast %min3A_1728 : i32 to vector<16xi32>
        %min3A_1730 = arith.minsi %max3A_1727, %min3A_1729 : vector<16xi32>
        %jit3A_1731 = arith.constant 256 : i32
        %jit3A_1732 = arith.constant -26368 : i32
        %broadcast_in_dim3A_1733 = vector.broadcast %jit3A_1731 : i32 to vector<16xi32>
        %broadcast_in_dim3A_1734 = vector.broadcast %jit3A_1732 : i32 to vector<16xi32>
        %select_n3A_1735 = arith.select %eq3A_1718, %broadcast_in_dim3A_1733, %broadcast_in_dim3A_1734 : vector<16xi1>, vector<16xi32>
        %add3A_1736 = arith.addi %min3A_1730, %select_n3A_1735 : vector<16xi32>
        tpu.vector_store_idx %arg19[%add3A_1736], %broadcast_in_dim3A_5 {add = true} : memref<53248xf32, #tpu.memory_space<vmem>>[vector<16xi32>], vector<16xf32>,
        %mul3A_1737 = arith.mulf %exp3A_1646, %div3A_1670 : vector<16xf32>
        %eq3A_1738 = arith.constant 3 : i32
        %eq3A_1739 = vector.broadcast %eq3A_1738 : i32 to vector<16xi32>
        %eq3A_1740 = arith.cmpi eq, %get3A_1564, %eq3A_1739 : vector<16xi32>
        %sub3A_1741 = arith.constant 1.000000e+00 : f32
        %sub3A_1742 = vector.broadcast %sub3A_1741 : f32 to vector<16xf32>
        %sub3A_1743 = arith.subf %sub3A_1742, %mul3A_1737 : vector<16xf32>
        %select_n3A_1744 = arith.select %eq3A_1740, %sub3A_1743, %mul3A_1737 : vector<16xi1>, vector<16xf32>
        %bitcast3A_1745 = vector.bitcast %select_n3A_1744 : vector<16xf32> to vector<16xi32>
        %shift_right_logical3A_1746 = arith.shrui %bitcast3A_1745, %broadcast_in_dim3A_7 : vector<16xi32>
        %max3A_1747 = arith.constant 30464 : i32
        %max3A_1748 = vector.broadcast %max3A_1747 : i32 to vector<16xi32>
        %max3A_1749 = arith.maxsi %shift_right_logical3A_1746, %max3A_1748 : vector<16xi32>
        %min3A_1750 = arith.constant 32511 : i32
        %min3A_1751 = vector.broadcast %min3A_1750 : i32 to vector<16xi32>
        %min3A_1752 = arith.minsi %max3A_1749, %min3A_1751 : vector<16xi32>
        %jit3A_1753 = arith.constant 2304 : i32
        %jit3A_1754 = arith.constant -24320 : i32
        %broadcast_in_dim3A_1755 = vector.broadcast %jit3A_1753 : i32 to vector<16xi32>
        %broadcast_in_dim3A_1756 = vector.broadcast %jit3A_1754 : i32 to vector<16xi32>
        %select_n3A_1757 = arith.select %eq3A_1740, %broadcast_in_dim3A_1755, %broadcast_in_dim3A_1756 : vector<16xi1>, vector<16xi32>
        %add3A_1758 = arith.addi %min3A_1752, %select_n3A_1757 : vector<16xi32>
        tpu.vector_store_idx %arg19[%add3A_1758], %broadcast_in_dim3A_5 {add = true} : memref<53248xf32, #tpu.memory_space<vmem>>[vector<16xi32>], vector<16xf32>,
        %mul3A_1759 = arith.mulf %exp3A_1647, %div3A_1670 : vector<16xf32>
        %eq3A_1760 = arith.constant 4 : i32
        %eq3A_1761 = vector.broadcast %eq3A_1760 : i32 to vector<16xi32>
        %eq3A_1762 = arith.cmpi eq, %get3A_1564, %eq3A_1761 : vector<16xi32>
        %sub3A_1763 = arith.constant 1.000000e+00 : f32
        %sub3A_1764 = vector.broadcast %sub3A_1763 : f32 to vector<16xf32>
        %sub3A_1765 = arith.subf %sub3A_1764, %mul3A_1759 : vector<16xf32>
        %select_n3A_1766 = arith.select %eq3A_1762, %sub3A_1765, %mul3A_1759 : vector<16xi1>, vector<16xf32>
        %bitcast3A_1767 = vector.bitcast %select_n3A_1766 : vector<16xf32> to vector<16xi32>
        %shift_right_logical3A_1768 = arith.shrui %bitcast3A_1767, %broadcast_in_dim3A_7 : vector<16xi32>
        %max3A_1769 = arith.constant 30464 : i32
        %max3A_1770 = vector.broadcast %max3A_1769 : i32 to vector<16xi32>
        %max3A_1771 = arith.maxsi %shift_right_logical3A_1768, %max3A_1770 : vector<16xi32>
        %min3A_1772 = arith.constant 32511 : i32
        %min3A_1773 = vector.broadcast %min3A_1772 : i32 to vector<16xi32>
        %min3A_1774 = arith.minsi %max3A_1771, %min3A_1773 : vector<16xi32>
        %jit3A_1775 = arith.constant 4352 : i32
        %jit3A_1776 = arith.constant -22272 : i32
        %broadcast_in_dim3A_1777 = vector.broadcast %jit3A_1775 : i32 to vector<16xi32>
        %broadcast_in_dim3A_1778 = vector.broadcast %jit3A_1776 : i32 to vector<16xi32>
        %select_n3A_1779 = arith.select %eq3A_1762, %broadcast_in_dim3A_1777, %broadcast_in_dim3A_1778 : vector<16xi1>, vector<16xi32>
        %add3A_1780 = arith.addi %min3A_1774, %select_n3A_1779 : vector<16xi32>
        tpu.vector_store_idx %arg19[%add3A_1780], %broadcast_in_dim3A_5 {add = true} : memref<53248xf32, #tpu.memory_space<vmem>>[vector<16xi32>], vector<16xf32>,
        %mul3A_1781 = arith.mulf %exp3A_1648, %div3A_1670 : vector<16xf32>
        %eq3A_1782 = arith.constant 5 : i32
        %eq3A_1783 = vector.broadcast %eq3A_1782 : i32 to vector<16xi32>
        %eq3A_1784 = arith.cmpi eq, %get3A_1564, %eq3A_1783 : vector<16xi32>
        %sub3A_1785 = arith.constant 1.000000e+00 : f32
        %sub3A_1786 = vector.broadcast %sub3A_1785 : f32 to vector<16xf32>
        %sub3A_1787 = arith.subf %sub3A_1786, %mul3A_1781 : vector<16xf32>
        %select_n3A_1788 = arith.select %eq3A_1784, %sub3A_1787, %mul3A_1781 : vector<16xi1>, vector<16xf32>
        %bitcast3A_1789 = vector.bitcast %select_n3A_1788 : vector<16xf32> to vector<16xi32>
        %shift_right_logical3A_1790 = arith.shrui %bitcast3A_1789, %broadcast_in_dim3A_7 : vector<16xi32>
        %max3A_1791 = arith.constant 30464 : i32
        %max3A_1792 = vector.broadcast %max3A_1791 : i32 to vector<16xi32>
        %max3A_1793 = arith.maxsi %shift_right_logical3A_1790, %max3A_1792 : vector<16xi32>
        %min3A_1794 = arith.constant 32511 : i32
        %min3A_1795 = vector.broadcast %min3A_1794 : i32 to vector<16xi32>
        %min3A_1796 = arith.minsi %max3A_1793, %min3A_1795 : vector<16xi32>
        %jit3A_1797 = arith.constant 6400 : i32
        %jit3A_1798 = arith.constant -20224 : i32
        %broadcast_in_dim3A_1799 = vector.broadcast %jit3A_1797 : i32 to vector<16xi32>
        %broadcast_in_dim3A_1800 = vector.broadcast %jit3A_1798 : i32 to vector<16xi32>
        %select_n3A_1801 = arith.select %eq3A_1784, %broadcast_in_dim3A_1799, %broadcast_in_dim3A_1800 : vector<16xi1>, vector<16xi32>
        %add3A_1802 = arith.addi %min3A_1796, %select_n3A_1801 : vector<16xi32>
        tpu.vector_store_idx %arg19[%add3A_1802], %broadcast_in_dim3A_5 {add = true} : memref<53248xf32, #tpu.memory_space<vmem>>[vector<16xi32>], vector<16xf32>,
        %mul3A_1803 = arith.mulf %exp3A_1649, %div3A_1670 : vector<16xf32>
        %eq3A_1804 = arith.constant 6 : i32
        %eq3A_1805 = vector.broadcast %eq3A_1804 : i32 to vector<16xi32>
        %eq3A_1806 = arith.cmpi eq, %get3A_1564, %eq3A_1805 : vector<16xi32>
        %sub3A_1807 = arith.constant 1.000000e+00 : f32
        %sub3A_1808 = vector.broadcast %sub3A_1807 : f32 to vector<16xf32>
        %sub3A_1809 = arith.subf %sub3A_1808, %mul3A_1803 : vector<16xf32>
        %select_n3A_1810 = arith.select %eq3A_1806, %sub3A_1809, %mul3A_1803 : vector<16xi1>, vector<16xf32>
        %bitcast3A_1811 = vector.bitcast %select_n3A_1810 : vector<16xf32> to vector<16xi32>
        %shift_right_logical3A_1812 = arith.shrui %bitcast3A_1811, %broadcast_in_dim3A_7 : vector<16xi32>
        %max3A_1813 = arith.constant 30464 : i32
        %max3A_1814 = vector.broadcast %max3A_1813 : i32 to vector<16xi32>
        %max3A_1815 = arith.maxsi %shift_right_logical3A_1812, %max3A_1814 : vector<16xi32>
        %min3A_1816 = arith.constant 32511 : i32
        %min3A_1817 = vector.broadcast %min3A_1816 : i32 to vector<16xi32>
        %min3A_1818 = arith.minsi %max3A_1815, %min3A_1817 : vector<16xi32>
        %jit3A_1819 = arith.constant 8448 : i32
        %jit3A_1820 = arith.constant -18176 : i32
        %broadcast_in_dim3A_1821 = vector.broadcast %jit3A_1819 : i32 to vector<16xi32>
        %broadcast_in_dim3A_1822 = vector.broadcast %jit3A_1820 : i32 to vector<16xi32>
        %select_n3A_1823 = arith.select %eq3A_1806, %broadcast_in_dim3A_1821, %broadcast_in_dim3A_1822 : vector<16xi1>, vector<16xi32>
        %add3A_1824 = arith.addi %min3A_1818, %select_n3A_1823 : vector<16xi32>
        tpu.vector_store_idx %arg19[%add3A_1824], %broadcast_in_dim3A_5 {add = true} : memref<53248xf32, #tpu.memory_space<vmem>>[vector<16xi32>], vector<16xf32>,
        %mul3A_1825 = arith.mulf %exp3A_1650, %div3A_1670 : vector<16xf32>
        %eq3A_1826 = arith.constant 7 : i32
        %eq3A_1827 = vector.broadcast %eq3A_1826 : i32 to vector<16xi32>
        %eq3A_1828 = arith.cmpi eq, %get3A_1564, %eq3A_1827 : vector<16xi32>
        %sub3A_1829 = arith.constant 1.000000e+00 : f32
        %sub3A_1830 = vector.broadcast %sub3A_1829 : f32 to vector<16xf32>
        %sub3A_1831 = arith.subf %sub3A_1830, %mul3A_1825 : vector<16xf32>
        %select_n3A_1832 = arith.select %eq3A_1828, %sub3A_1831, %mul3A_1825 : vector<16xi1>, vector<16xf32>
        %bitcast3A_1833 = vector.bitcast %select_n3A_1832 : vector<16xf32> to vector<16xi32>
        %shift_right_logical3A_1834 = arith.shrui %bitcast3A_1833, %broadcast_in_dim3A_7 : vector<16xi32>
        %max3A_1835 = arith.constant 30464 : i32
        %max3A_1836 = vector.broadcast %max3A_1835 : i32 to vector<16xi32>
        %max3A_1837 = arith.maxsi %shift_right_logical3A_1834, %max3A_1836 : vector<16xi32>
        %min3A_1838 = arith.constant 32511 : i32
        %min3A_1839 = vector.broadcast %min3A_1838 : i32 to vector<16xi32>
        %min3A_1840 = arith.minsi %max3A_1837, %min3A_1839 : vector<16xi32>
        %jit3A_1841 = arith.constant 10496 : i32
        %jit3A_1842 = arith.constant -16128 : i32
        %broadcast_in_dim3A_1843 = vector.broadcast %jit3A_1841 : i32 to vector<16xi32>
        %broadcast_in_dim3A_1844 = vector.broadcast %jit3A_1842 : i32 to vector<16xi32>
        %select_n3A_1845 = arith.select %eq3A_1828, %broadcast_in_dim3A_1843, %broadcast_in_dim3A_1844 : vector<16xi1>, vector<16xi32>
        %add3A_1846 = arith.addi %min3A_1840, %select_n3A_1845 : vector<16xi32>
        tpu.vector_store_idx %arg19[%add3A_1846], %broadcast_in_dim3A_5 {add = true} : memref<53248xf32, #tpu.memory_space<vmem>>[vector<16xi32>], vector<16xf32>,
        %mul3A_1847 = arith.mulf %exp3A_1651, %div3A_1670 : vector<16xf32>
        %eq3A_1848 = arith.constant 8 : i32
        %eq3A_1849 = vector.broadcast %eq3A_1848 : i32 to vector<16xi32>
        %eq3A_1850 = arith.cmpi eq, %get3A_1564, %eq3A_1849 : vector<16xi32>
        %sub3A_1851 = arith.constant 1.000000e+00 : f32
        %sub3A_1852 = vector.broadcast %sub3A_1851 : f32 to vector<16xf32>
        %sub3A_1853 = arith.subf %sub3A_1852, %mul3A_1847 : vector<16xf32>
        %select_n3A_1854 = arith.select %eq3A_1850, %sub3A_1853, %mul3A_1847 : vector<16xi1>, vector<16xf32>
        %bitcast3A_1855 = vector.bitcast %select_n3A_1854 : vector<16xf32> to vector<16xi32>
        %shift_right_logical3A_1856 = arith.shrui %bitcast3A_1855, %broadcast_in_dim3A_7 : vector<16xi32>
        %max3A_1857 = arith.constant 30464 : i32
        %max3A_1858 = vector.broadcast %max3A_1857 : i32 to vector<16xi32>
        %max3A_1859 = arith.maxsi %shift_right_logical3A_1856, %max3A_1858 : vector<16xi32>
        %min3A_1860 = arith.constant 32511 : i32
        %min3A_1861 = vector.broadcast %min3A_1860 : i32 to vector<16xi32>
        %min3A_1862 = arith.minsi %max3A_1859, %min3A_1861 : vector<16xi32>
        %jit3A_1863 = arith.constant 12544 : i32
        %jit3A_1864 = arith.constant -14080 : i32
        %broadcast_in_dim3A_1865 = vector.broadcast %jit3A_1863 : i32 to vector<16xi32>
        %broadcast_in_dim3A_1866 = vector.broadcast %jit3A_1864 : i32 to vector<16xi32>
        %select_n3A_1867 = arith.select %eq3A_1850, %broadcast_in_dim3A_1865, %broadcast_in_dim3A_1866 : vector<16xi1>, vector<16xi32>
        %add3A_1868 = arith.addi %min3A_1862, %select_n3A_1867 : vector<16xi32>
        tpu.vector_store_idx %arg19[%add3A_1868], %broadcast_in_dim3A_5 {add = true} : memref<53248xf32, #tpu.memory_space<vmem>>[vector<16xi32>], vector<16xf32>,
        %mul3A_1869 = arith.mulf %exp3A_1652, %div3A_1670 : vector<16xf32>
        %eq3A_1870 = arith.constant 9 : i32
        %eq3A_1871 = vector.broadcast %eq3A_1870 : i32 to vector<16xi32>
        %eq3A_1872 = arith.cmpi eq, %get3A_1564, %eq3A_1871 : vector<16xi32>
        %sub3A_1873 = arith.constant 1.000000e+00 : f32
        %sub3A_1874 = vector.broadcast %sub3A_1873 : f32 to vector<16xf32>
        %sub3A_1875 = arith.subf %sub3A_1874, %mul3A_1869 : vector<16xf32>
        %select_n3A_1876 = arith.select %eq3A_1872, %sub3A_1875, %mul3A_1869 : vector<16xi1>, vector<16xf32>
        %bitcast3A_1877 = vector.bitcast %select_n3A_1876 : vector<16xf32> to vector<16xi32>
        %shift_right_logical3A_1878 = arith.shrui %bitcast3A_1877, %broadcast_in_dim3A_7 : vector<16xi32>
        %max3A_1879 = arith.constant 30464 : i32
        %max3A_1880 = vector.broadcast %max3A_1879 : i32 to vector<16xi32>
        %max3A_1881 = arith.maxsi %shift_right_logical3A_1878, %max3A_1880 : vector<16xi32>
        %min3A_1882 = arith.constant 32511 : i32
        %min3A_1883 = vector.broadcast %min3A_1882 : i32 to vector<16xi32>
        %min3A_1884 = arith.minsi %max3A_1881, %min3A_1883 : vector<16xi32>
        %jit3A_1885 = arith.constant 14592 : i32
        %jit3A_1886 = arith.constant -12032 : i32
        %broadcast_in_dim3A_1887 = vector.broadcast %jit3A_1885 : i32 to vector<16xi32>
        %broadcast_in_dim3A_1888 = vector.broadcast %jit3A_1886 : i32 to vector<16xi32>
        %select_n3A_1889 = arith.select %eq3A_1872, %broadcast_in_dim3A_1887, %broadcast_in_dim3A_1888 : vector<16xi1>, vector<16xi32>
        %add3A_1890 = arith.addi %min3A_1884, %select_n3A_1889 : vector<16xi32>
        tpu.vector_store_idx %arg19[%add3A_1890], %broadcast_in_dim3A_5 {add = true} : memref<53248xf32, #tpu.memory_space<vmem>>[vector<16xi32>], vector<16xf32>,
        %mul3A_1891 = arith.mulf %exp3A_1653, %div3A_1670 : vector<16xf32>
        %eq3A_1892 = arith.constant 10 : i32
        %eq3A_1893 = vector.broadcast %eq3A_1892 : i32 to vector<16xi32>
        %eq3A_1894 = arith.cmpi eq, %get3A_1564, %eq3A_1893 : vector<16xi32>
        %sub3A_1895 = arith.constant 1.000000e+00 : f32
        %sub3A_1896 = vector.broadcast %sub3A_1895 : f32 to vector<16xf32>
        %sub3A_1897 = arith.subf %sub3A_1896, %mul3A_1891 : vector<16xf32>
        %select_n3A_1898 = arith.select %eq3A_1894, %sub3A_1897, %mul3A_1891 : vector<16xi1>, vector<16xf32>
        %bitcast3A_1899 = vector.bitcast %select_n3A_1898 : vector<16xf32> to vector<16xi32>
        %shift_right_logical3A_1900 = arith.shrui %bitcast3A_1899, %broadcast_in_dim3A_7 : vector<16xi32>
        %max3A_1901 = arith.constant 30464 : i32
        %max3A_1902 = vector.broadcast %max3A_1901 : i32 to vector<16xi32>
        %max3A_1903 = arith.maxsi %shift_right_logical3A_1900, %max3A_1902 : vector<16xi32>
        %min3A_1904 = arith.constant 32511 : i32
        %min3A_1905 = vector.broadcast %min3A_1904 : i32 to vector<16xi32>
        %min3A_1906 = arith.minsi %max3A_1903, %min3A_1905 : vector<16xi32>
        %jit3A_1907 = arith.constant 16640 : i32
        %jit3A_1908 = arith.constant -9984 : i32
        %broadcast_in_dim3A_1909 = vector.broadcast %jit3A_1907 : i32 to vector<16xi32>
        %broadcast_in_dim3A_1910 = vector.broadcast %jit3A_1908 : i32 to vector<16xi32>
        %select_n3A_1911 = arith.select %eq3A_1894, %broadcast_in_dim3A_1909, %broadcast_in_dim3A_1910 : vector<16xi1>, vector<16xi32>
        %add3A_1912 = arith.addi %min3A_1906, %select_n3A_1911 : vector<16xi32>
        tpu.vector_store_idx %arg19[%add3A_1912], %broadcast_in_dim3A_5 {add = true} : memref<53248xf32, #tpu.memory_space<vmem>>[vector<16xi32>], vector<16xf32>,
        %mul3A_1913 = arith.mulf %exp3A_1654, %div3A_1670 : vector<16xf32>
        %eq3A_1914 = arith.constant 11 : i32
        %eq3A_1915 = vector.broadcast %eq3A_1914 : i32 to vector<16xi32>
        %eq3A_1916 = arith.cmpi eq, %get3A_1564, %eq3A_1915 : vector<16xi32>
        %sub3A_1917 = arith.constant 1.000000e+00 : f32
        %sub3A_1918 = vector.broadcast %sub3A_1917 : f32 to vector<16xf32>
        %sub3A_1919 = arith.subf %sub3A_1918, %mul3A_1913 : vector<16xf32>
        %select_n3A_1920 = arith.select %eq3A_1916, %sub3A_1919, %mul3A_1913 : vector<16xi1>, vector<16xf32>
        %bitcast3A_1921 = vector.bitcast %select_n3A_1920 : vector<16xf32> to vector<16xi32>
        %shift_right_logical3A_1922 = arith.shrui %bitcast3A_1921, %broadcast_in_dim3A_7 : vector<16xi32>
        %max3A_1923 = arith.constant 30464 : i32
        %max3A_1924 = vector.broadcast %max3A_1923 : i32 to vector<16xi32>
        %max3A_1925 = arith.maxsi %shift_right_logical3A_1922, %max3A_1924 : vector<16xi32>
        %min3A_1926 = arith.constant 32511 : i32
        %min3A_1927 = vector.broadcast %min3A_1926 : i32 to vector<16xi32>
        %min3A_1928 = arith.minsi %max3A_1925, %min3A_1927 : vector<16xi32>
        %jit3A_1929 = arith.constant 18688 : i32
        %jit3A_1930 = arith.constant -7936 : i32
        %broadcast_in_dim3A_1931 = vector.broadcast %jit3A_1929 : i32 to vector<16xi32>
        %broadcast_in_dim3A_1932 = vector.broadcast %jit3A_1930 : i32 to vector<16xi32>
        %select_n3A_1933 = arith.select %eq3A_1916, %broadcast_in_dim3A_1931, %broadcast_in_dim3A_1932 : vector<16xi1>, vector<16xi32>
        %add3A_1934 = arith.addi %min3A_1928, %select_n3A_1933 : vector<16xi32>
        tpu.vector_store_idx %arg19[%add3A_1934], %broadcast_in_dim3A_5 {add = true} : memref<53248xf32, #tpu.memory_space<vmem>>[vector<16xi32>], vector<16xf32>,
        %mul3A_1935 = arith.mulf %exp3A_1655, %div3A_1670 : vector<16xf32>
        %eq3A_1936 = arith.constant 12 : i32
        %eq3A_1937 = vector.broadcast %eq3A_1936 : i32 to vector<16xi32>
        %eq3A_1938 = arith.cmpi eq, %get3A_1564, %eq3A_1937 : vector<16xi32>
        %sub3A_1939 = arith.constant 1.000000e+00 : f32
        %sub3A_1940 = vector.broadcast %sub3A_1939 : f32 to vector<16xf32>
        %sub3A_1941 = arith.subf %sub3A_1940, %mul3A_1935 : vector<16xf32>
        %select_n3A_1942 = arith.select %eq3A_1938, %sub3A_1941, %mul3A_1935 : vector<16xi1>, vector<16xf32>
        %bitcast3A_1943 = vector.bitcast %select_n3A_1942 : vector<16xf32> to vector<16xi32>
        %shift_right_logical3A_1944 = arith.shrui %bitcast3A_1943, %broadcast_in_dim3A_7 : vector<16xi32>
        %max3A_1945 = arith.constant 30464 : i32
        %max3A_1946 = vector.broadcast %max3A_1945 : i32 to vector<16xi32>
        %max3A_1947 = arith.maxsi %shift_right_logical3A_1944, %max3A_1946 : vector<16xi32>
        %min3A_1948 = arith.constant 32511 : i32
        %min3A_1949 = vector.broadcast %min3A_1948 : i32 to vector<16xi32>
        %min3A_1950 = arith.minsi %max3A_1947, %min3A_1949 : vector<16xi32>
        %jit3A_1951 = arith.constant 20736 : i32
        %jit3A_1952 = arith.constant -5888 : i32
        %broadcast_in_dim3A_1953 = vector.broadcast %jit3A_1951 : i32 to vector<16xi32>
        %broadcast_in_dim3A_1954 = vector.broadcast %jit3A_1952 : i32 to vector<16xi32>
        %select_n3A_1955 = arith.select %eq3A_1938, %broadcast_in_dim3A_1953, %broadcast_in_dim3A_1954 : vector<16xi1>, vector<16xi32>
        %add3A_1956 = arith.addi %min3A_1950, %select_n3A_1955 : vector<16xi32>
        tpu.vector_store_idx %arg19[%add3A_1956], %broadcast_in_dim3A_5 {add = true} : memref<53248xf32, #tpu.memory_space<vmem>>[vector<16xi32>], vector<16xf32>,
      }
      %scan3A_228 = arith.constant 128 : i32
      %dma_wait3A_229 = arith.constant 26624 : i32
      %dma_wait3A_230 = tpu.memref_slice %arg17[%dma_wait3A_229] : memref<53248xf32, #tpu.memory_space<vmem>> -> memref<2048xf32, #tpu.memory_space<vmem>>
      %dma_wait3A_231 = arith.constant 0 : i32
      %dma_wait3A_232 = tpu.memref_slice %arg2[%dma_wait3A_231] : memref<1048576xf32, #tpu.memory_space<hbm>> -> memref<2048xf32, #tpu.memory_space<hbm>>
      %dma_wait3A_233 = arith.constant 26624 : i32
      %dma_wait3A_234 = tpu.memref_slice %arg17[%dma_wait3A_233] : memref<53248xf32, #tpu.memory_space<vmem>> -> memref<2048xf32, #tpu.memory_space<vmem>>
      %dma_wait3A_235 = arith.constant 0 : i32
      %dma_wait3A_236 = tpu.memref_slice %arg2[%dma_wait3A_235] : memref<1048576xf32, #tpu.memory_space<hbm>> -> memref<2048xf32, #tpu.memory_space<hbm>>
      tpu.wait_dma2 semaphore(%arg21 : memref<!tpu.dma_semaphore, #tpu.memory_space<semaphore_mem>>) src(%dma_wait3A_236 : memref<2048xf32, #tpu.memory_space<hbm>>) dst(%dma_wait3A_234 : memref<2048xf32, #tpu.memory_space<vmem>>)
      %dma_wait3A_237 = arith.constant 28672 : i32
      %dma_wait3A_238 = tpu.memref_slice %arg17[%dma_wait3A_237] : memref<53248xf32, #tpu.memory_space<vmem>> -> memref<2048xf32, #tpu.memory_space<vmem>>
      %dma_wait3A_239 = arith.constant 0 : i32
      %dma_wait3A_240 = tpu.memref_slice %arg3[%dma_wait3A_239] : memref<1048576xf32, #tpu.memory_space<hbm>> -> memref<2048xf32, #tpu.memory_space<hbm>>
      %dma_wait3A_241 = arith.constant 28672 : i32
      %dma_wait3A_242 = tpu.memref_slice %arg17[%dma_wait3A_241] : memref<53248xf32, #tpu.memory_space<vmem>> -> memref<2048xf32, #tpu.memory_space<vmem>>
      %dma_wait3A_243 = arith.constant 0 : i32
      %dma_wait3A_244 = tpu.memref_slice %arg3[%dma_wait3A_243] : memref<1048576xf32, #tpu.memory_space<hbm>> -> memref<2048xf32, #tpu.memory_space<hbm>>
      tpu.wait_dma2 semaphore(%arg21 : memref<!tpu.dma_semaphore, #tpu.memory_space<semaphore_mem>>) src(%dma_wait3A_244 : memref<2048xf32, #tpu.memory_space<hbm>>) dst(%dma_wait3A_242 : memref<2048xf32, #tpu.memory_space<vmem>>)
      %dma_wait3A_245 = arith.constant 30720 : i32
      %dma_wait3A_246 = tpu.memref_slice %arg17[%dma_wait3A_245] : memref<53248xf32, #tpu.memory_space<vmem>> -> memref<2048xf32, #tpu.memory_space<vmem>>
      %dma_wait3A_247 = arith.constant 0 : i32
      %dma_wait3A_248 = tpu.memref_slice %arg4[%dma_wait3A_247] : memref<1048576xf32, #tpu.memory_space<hbm>> -> memref<2048xf32, #tpu.memory_space<hbm>>
      %dma_wait3A_249 = arith.constant 30720 : i32
      %dma_wait3A_250 = tpu.memref_slice %arg17[%dma_wait3A_249] : memref<53248xf32, #tpu.memory_space<vmem>> -> memref<2048xf32, #tpu.memory_space<vmem>>
      %dma_wait3A_251 = arith.constant 0 : i32
      %dma_wait3A_252 = tpu.memref_slice %arg4[%dma_wait3A_251] : memref<1048576xf32, #tpu.memory_space<hbm>> -> memref<2048xf32, #tpu.memory_space<hbm>>
      tpu.wait_dma2 semaphore(%arg21 : memref<!tpu.dma_semaphore, #tpu.memory_space<semaphore_mem>>) src(%dma_wait3A_252 : memref<2048xf32, #tpu.memory_space<hbm>>) dst(%dma_wait3A_250 : memref<2048xf32, #tpu.memory_space<vmem>>)
      %dma_wait3A_253 = arith.constant 32768 : i32
      %dma_wait3A_254 = tpu.memref_slice %arg17[%dma_wait3A_253] : memref<53248xf32, #tpu.memory_space<vmem>> -> memref<2048xf32, #tpu.memory_space<vmem>>
      %dma_wait3A_255 = arith.constant 0 : i32
      %dma_wait3A_256 = tpu.memref_slice %arg5[%dma_wait3A_255] : memref<1048576xf32, #tpu.memory_space<hbm>> -> memref<2048xf32, #tpu.memory_space<hbm>>
      %dma_wait3A_257 = arith.constant 32768 : i32
      %dma_wait3A_258 = tpu.memref_slice %arg17[%dma_wait3A_257] : memref<53248xf32, #tpu.memory_space<vmem>> -> memref<2048xf32, #tpu.memory_space<vmem>>
      %dma_wait3A_259 = arith.constant 0 : i32
      %dma_wait3A_260 = tpu.memref_slice %arg5[%dma_wait3A_259] : memref<1048576xf32, #tpu.memory_space<hbm>> -> memref<2048xf32, #tpu.memory_space<hbm>>
      tpu.wait_dma2 semaphore(%arg21 : memref<!tpu.dma_semaphore, #tpu.memory_space<semaphore_mem>>) src(%dma_wait3A_260 : memref<2048xf32, #tpu.memory_space<hbm>>) dst(%dma_wait3A_258 : memref<2048xf32, #tpu.memory_space<vmem>>)
      %dma_wait3A_261 = arith.constant 34816 : i32
      %dma_wait3A_262 = tpu.memref_slice %arg17[%dma_wait3A_261] : memref<53248xf32, #tpu.memory_space<vmem>> -> memref<2048xf32, #tpu.memory_space<vmem>>
      %dma_wait3A_263 = arith.constant 0 : i32
      %dma_wait3A_264 = tpu.memref_slice %arg6[%dma_wait3A_263] : memref<1048576xf32, #tpu.memory_space<hbm>> -> memref<2048xf32, #tpu.memory_space<hbm>>
      %dma_wait3A_265 = arith.constant 34816 : i32
      %dma_wait3A_266 = tpu.memref_slice %arg17[%dma_wait3A_265] : memref<53248xf32, #tpu.memory_space<vmem>> -> memref<2048xf32, #tpu.memory_space<vmem>>
      %dma_wait3A_267 = arith.constant 0 : i32
      %dma_wait3A_268 = tpu.memref_slice %arg6[%dma_wait3A_267] : memref<1048576xf32, #tpu.memory_space<hbm>> -> memref<2048xf32, #tpu.memory_space<hbm>>
      tpu.wait_dma2 semaphore(%arg21 : memref<!tpu.dma_semaphore, #tpu.memory_space<semaphore_mem>>) src(%dma_wait3A_268 : memref<2048xf32, #tpu.memory_space<hbm>>) dst(%dma_wait3A_266 : memref<2048xf32, #tpu.memory_space<vmem>>)
      %dma_wait3A_269 = arith.constant 36864 : i32
      %dma_wait3A_270 = tpu.memref_slice %arg17[%dma_wait3A_269] : memref<53248xf32, #tpu.memory_space<vmem>> -> memref<2048xf32, #tpu.memory_space<vmem>>
      %dma_wait3A_271 = arith.constant 0 : i32
      %dma_wait3A_272 = tpu.memref_slice %arg7[%dma_wait3A_271] : memref<1048576xf32, #tpu.memory_space<hbm>> -> memref<2048xf32, #tpu.memory_space<hbm>>
      %dma_wait3A_273 = arith.constant 36864 : i32
      %dma_wait3A_274 = tpu.memref_slice %arg17[%dma_wait3A_273] : memref<53248xf32, #tpu.memory_space<vmem>> -> memref<2048xf32, #tpu.memory_space<vmem>>
      %dma_wait3A_275 = arith.constant 0 : i32
      %dma_wait3A_276 = tpu.memref_slice %arg7[%dma_wait3A_275] : memref<1048576xf32, #tpu.memory_space<hbm>> -> memref<2048xf32, #tpu.memory_space<hbm>>
      tpu.wait_dma2 semaphore(%arg21 : memref<!tpu.dma_semaphore, #tpu.memory_space<semaphore_mem>>) src(%dma_wait3A_276 : memref<2048xf32, #tpu.memory_space<hbm>>) dst(%dma_wait3A_274 : memref<2048xf32, #tpu.memory_space<vmem>>)
      %dma_wait3A_277 = arith.constant 38912 : i32
      %dma_wait3A_278 = tpu.memref_slice %arg17[%dma_wait3A_277] : memref<53248xf32, #tpu.memory_space<vmem>> -> memref<2048xf32, #tpu.memory_space<vmem>>
      %dma_wait3A_279 = arith.constant 0 : i32
      %dma_wait3A_280 = tpu.memref_slice %arg8[%dma_wait3A_279] : memref<1048576xf32, #tpu.memory_space<hbm>> -> memref<2048xf32, #tpu.memory_space<hbm>>
      %dma_wait3A_281 = arith.constant 38912 : i32
      %dma_wait3A_282 = tpu.memref_slice %arg17[%dma_wait3A_281] : memref<53248xf32, #tpu.memory_space<vmem>> -> memref<2048xf32, #tpu.memory_space<vmem>>
      %dma_wait3A_283 = arith.constant 0 : i32
      %dma_wait3A_284 = tpu.memref_slice %arg8[%dma_wait3A_283] : memref<1048576xf32, #tpu.memory_space<hbm>> -> memref<2048xf32, #tpu.memory_space<hbm>>
      tpu.wait_dma2 semaphore(%arg21 : memref<!tpu.dma_semaphore, #tpu.memory_space<semaphore_mem>>) src(%dma_wait3A_284 : memref<2048xf32, #tpu.memory_space<hbm>>) dst(%dma_wait3A_282 : memref<2048xf32, #tpu.memory_space<vmem>>)
      %dma_wait3A_285 = arith.constant 40960 : i32
      %dma_wait3A_286 = tpu.memref_slice %arg17[%dma_wait3A_285] : memref<53248xf32, #tpu.memory_space<vmem>> -> memref<2048xf32, #tpu.memory_space<vmem>>
      %dma_wait3A_287 = arith.constant 0 : i32
      %dma_wait3A_288 = tpu.memref_slice %arg9[%dma_wait3A_287] : memref<1048576xf32, #tpu.memory_space<hbm>> -> memref<2048xf32, #tpu.memory_space<hbm>>
      %dma_wait3A_289 = arith.constant 40960 : i32
      %dma_wait3A_290 = tpu.memref_slice %arg17[%dma_wait3A_289] : memref<53248xf32, #tpu.memory_space<vmem>> -> memref<2048xf32, #tpu.memory_space<vmem>>
      %dma_wait3A_291 = arith.constant 0 : i32
      %dma_wait3A_292 = tpu.memref_slice %arg9[%dma_wait3A_291] : memref<1048576xf32, #tpu.memory_space<hbm>> -> memref<2048xf32, #tpu.memory_space<hbm>>
      tpu.wait_dma2 semaphore(%arg21 : memref<!tpu.dma_semaphore, #tpu.memory_space<semaphore_mem>>) src(%dma_wait3A_292 : memref<2048xf32, #tpu.memory_space<hbm>>) dst(%dma_wait3A_290 : memref<2048xf32, #tpu.memory_space<vmem>>)
      %dma_wait3A_293 = arith.constant 43008 : i32
      %dma_wait3A_294 = tpu.memref_slice %arg17[%dma_wait3A_293] : memref<53248xf32, #tpu.memory_space<vmem>> -> memref<2048xf32, #tpu.memory_space<vmem>>
      %dma_wait3A_295 = arith.constant 0 : i32
      %dma_wait3A_296 = tpu.memref_slice %arg10[%dma_wait3A_295] : memref<1048576xf32, #tpu.memory_space<hbm>> -> memref<2048xf32, #tpu.memory_space<hbm>>
      %dma_wait3A_297 = arith.constant 43008 : i32
      %dma_wait3A_298 = tpu.memref_slice %arg17[%dma_wait3A_297] : memref<53248xf32, #tpu.memory_space<vmem>> -> memref<2048xf32, #tpu.memory_space<vmem>>
      %dma_wait3A_299 = arith.constant 0 : i32
      %dma_wait3A_300 = tpu.memref_slice %arg10[%dma_wait3A_299] : memref<1048576xf32, #tpu.memory_space<hbm>> -> memref<2048xf32, #tpu.memory_space<hbm>>
      tpu.wait_dma2 semaphore(%arg21 : memref<!tpu.dma_semaphore, #tpu.memory_space<semaphore_mem>>) src(%dma_wait3A_300 : memref<2048xf32, #tpu.memory_space<hbm>>) dst(%dma_wait3A_298 : memref<2048xf32, #tpu.memory_space<vmem>>)
      %dma_wait3A_301 = arith.constant 45056 : i32
      %dma_wait3A_302 = tpu.memref_slice %arg17[%dma_wait3A_301] : memref<53248xf32, #tpu.memory_space<vmem>> -> memref<2048xf32, #tpu.memory_space<vmem>>
      %dma_wait3A_303 = arith.constant 0 : i32
      %dma_wait3A_304 = tpu.memref_slice %arg11[%dma_wait3A_303] : memref<1048576xf32, #tpu.memory_space<hbm>> -> memref<2048xf32, #tpu.memory_space<hbm>>
      %dma_wait3A_305 = arith.constant 45056 : i32
      %dma_wait3A_306 = tpu.memref_slice %arg17[%dma_wait3A_305] : memref<53248xf32, #tpu.memory_space<vmem>> -> memref<2048xf32, #tpu.memory_space<vmem>>
      %dma_wait3A_307 = arith.constant 0 : i32
      %dma_wait3A_308 = tpu.memref_slice %arg11[%dma_wait3A_307] : memref<1048576xf32, #tpu.memory_space<hbm>> -> memref<2048xf32, #tpu.memory_space<hbm>>
      tpu.wait_dma2 semaphore(%arg21 : memref<!tpu.dma_semaphore, #tpu.memory_space<semaphore_mem>>) src(%dma_wait3A_308 : memref<2048xf32, #tpu.memory_space<hbm>>) dst(%dma_wait3A_306 : memref<2048xf32, #tpu.memory_space<vmem>>)
      %dma_wait3A_309 = arith.constant 47104 : i32
      %dma_wait3A_310 = tpu.memref_slice %arg17[%dma_wait3A_309] : memref<53248xf32, #tpu.memory_space<vmem>> -> memref<2048xf32, #tpu.memory_space<vmem>>
      %dma_wait3A_311 = arith.constant 0 : i32
      %dma_wait3A_312 = tpu.memref_slice %arg12[%dma_wait3A_311] : memref<1048576xf32, #tpu.memory_space<hbm>> -> memref<2048xf32, #tpu.memory_space<hbm>>
      %dma_wait3A_313 = arith.constant 47104 : i32
      %dma_wait3A_314 = tpu.memref_slice %arg17[%dma_wait3A_313] : memref<53248xf32, #tpu.memory_space<vmem>> -> memref<2048xf32, #tpu.memory_space<vmem>>
      %dma_wait3A_315 = arith.constant 0 : i32
      %dma_wait3A_316 = tpu.memref_slice %arg12[%dma_wait3A_315] : memref<1048576xf32, #tpu.memory_space<hbm>> -> memref<2048xf32, #tpu.memory_space<hbm>>
      tpu.wait_dma2 semaphore(%arg21 : memref<!tpu.dma_semaphore, #tpu.memory_space<semaphore_mem>>) src(%dma_wait3A_316 : memref<2048xf32, #tpu.memory_space<hbm>>) dst(%dma_wait3A_314 : memref<2048xf32, #tpu.memory_space<vmem>>)
      %dma_wait3A_317 = arith.constant 49152 : i32
      %dma_wait3A_318 = tpu.memref_slice %arg17[%dma_wait3A_317] : memref<53248xf32, #tpu.memory_space<vmem>> -> memref<2048xf32, #tpu.memory_space<vmem>>
      %dma_wait3A_319 = arith.constant 0 : i32
      %dma_wait3A_320 = tpu.memref_slice %arg13[%dma_wait3A_319] : memref<1048576xf32, #tpu.memory_space<hbm>> -> memref<2048xf32, #tpu.memory_space<hbm>>
      %dma_wait3A_321 = arith.constant 49152 : i32
      %dma_wait3A_322 = tpu.memref_slice %arg17[%dma_wait3A_321] : memref<53248xf32, #tpu.memory_space<vmem>> -> memref<2048xf32, #tpu.memory_space<vmem>>
      %dma_wait3A_323 = arith.constant 0 : i32
      %dma_wait3A_324 = tpu.memref_slice %arg13[%dma_wait3A_323] : memref<1048576xf32, #tpu.memory_space<hbm>> -> memref<2048xf32, #tpu.memory_space<hbm>>
      tpu.wait_dma2 semaphore(%arg21 : memref<!tpu.dma_semaphore, #tpu.memory_space<semaphore_mem>>) src(%dma_wait3A_324 : memref<2048xf32, #tpu.memory_space<hbm>>) dst(%dma_wait3A_322 : memref<2048xf32, #tpu.memory_space<vmem>>)
      %dma_wait3A_325 = arith.constant 51200 : i32
      %dma_wait3A_326 = tpu.memref_slice %arg17[%dma_wait3A_325] : memref<53248xf32, #tpu.memory_space<vmem>> -> memref<2048xf32, #tpu.memory_space<vmem>>
      %dma_wait3A_327 = arith.constant 0 : i32
      %dma_wait3A_328 = tpu.memref_slice %arg14[%dma_wait3A_327] : memref<1048576xf32, #tpu.memory_space<hbm>> -> memref<2048xf32, #tpu.memory_space<hbm>>
      %dma_wait3A_329 = arith.constant 51200 : i32
      %dma_wait3A_330 = tpu.memref_slice %arg17[%dma_wait3A_329] : memref<53248xf32, #tpu.memory_space<vmem>> -> memref<2048xf32, #tpu.memory_space<vmem>>
      %dma_wait3A_331 = arith.constant 0 : i32
      %dma_wait3A_332 = tpu.memref_slice %arg14[%dma_wait3A_331] : memref<1048576xf32, #tpu.memory_space<hbm>> -> memref<2048xf32, #tpu.memory_space<hbm>>
      tpu.wait_dma2 semaphore(%arg21 : memref<!tpu.dma_semaphore, #tpu.memory_space<semaphore_mem>>) src(%dma_wait3A_332 : memref<2048xf32, #tpu.memory_space<hbm>>) dst(%dma_wait3A_330 : memref<2048xf32, #tpu.memory_space<vmem>>)
      %dma_wait3A_333 = arith.constant 2048 : i32
      %dma_wait3A_334 = tpu.memref_slice %arg18[%dma_wait3A_333] : memref<4096xi32, #tpu.memory_space<vmem>> -> memref<2048xi32, #tpu.memory_space<vmem>>
      %dma_wait3A_335 = arith.constant 0 : i32
      %dma_wait3A_336 = tpu.memref_slice %arg15[%dma_wait3A_335] : memref<1048576xi32, #tpu.memory_space<hbm>> -> memref<2048xi32, #tpu.memory_space<hbm>>
      %dma_wait3A_337 = arith.constant 2048 : i32
      %dma_wait3A_338 = tpu.memref_slice %arg18[%dma_wait3A_337] : memref<4096xi32, #tpu.memory_space<vmem>> -> memref<2048xi32, #tpu.memory_space<vmem>>
      %dma_wait3A_339 = arith.constant 0 : i32
      %dma_wait3A_340 = tpu.memref_slice %arg15[%dma_wait3A_339] : memref<1048576xi32, #tpu.memory_space<hbm>> -> memref<2048xi32, #tpu.memory_space<hbm>>
      tpu.wait_dma2 semaphore(%arg21 : memref<!tpu.dma_semaphore, #tpu.memory_space<semaphore_mem>>) src(%dma_wait3A_340 : memref<2048xi32, #tpu.memory_space<hbm>>) dst(%dma_wait3A_338 : memref<2048xi32, #tpu.memory_space<vmem>>)
      %add3A_341 = arith.constant 2 : i32
      %add3A_342 = arith.addi %mul3A_108, %add3A_341 : i32
      %lt3A_343 = arith.constant 16 : i32
      %lt3A_344 = arith.cmpi slt, %add3A_342, %lt3A_343 : i32
      %convert_element_type3A_345 = arith.extui %lt3A_344 : i1 to i32
      %cond3A_346 = arith.constant 0 : i32
      %cond3A_347 = arith.cmpi ne, %convert_element_type3A_345, %cond3A_346 : i32
      scf.if %cond3A_347 {
        %add3A_353 = arith.constant 2 : i32
        %add3A_354 = arith.addi %mul3A_108, %add3A_353 : i32
        %mul3A_355 = arith.constant 2048 : i32
        %mul3A_356 = arith.muli %add3A_354, %mul3A_355 : i32
        %add3A_357 = arith.addi %mul3A_2, %mul3A_356 : i32
        %dma_start3A_358 = arith.constant 0 : i32
        %dma_start3A_359 = tpu.memref_slice %arg17[%dma_start3A_358] : memref<53248xf32, #tpu.memory_space<vmem>> -> memref<2048xf32, #tpu.memory_space<vmem>>
        %dma_start3A_360 = tpu.memref_slice %arg2[%add3A_357] : memref<1048576xf32, #tpu.memory_space<hbm>> -> memref<2048xf32, #tpu.memory_space<hbm>>
        %dma_start3A_361 = arith.constant 0 : i32
        %dma_start3A_362 = tpu.memref_slice %arg17[%dma_start3A_361] : memref<53248xf32, #tpu.memory_space<vmem>> -> memref<2048xf32, #tpu.memory_space<vmem>>
        %dma_start3A_363 = tpu.memref_slice %arg2[%add3A_357] : memref<1048576xf32, #tpu.memory_space<hbm>> -> memref<2048xf32, #tpu.memory_space<hbm>>
        tpu.enqueue_dma source(%dma_start3A_363 : memref<2048xf32, #tpu.memory_space<hbm>>) target(%dma_start3A_362 : memref<2048xf32, #tpu.memory_space<vmem>>) target_semaphore(%arg20 : memref<!tpu.dma_semaphore, #tpu.memory_space<semaphore_mem>>)
        %dma_start3A_364 = arith.constant 2048 : i32
        %dma_start3A_365 = tpu.memref_slice %arg17[%dma_start3A_364] : memref<53248xf32, #tpu.memory_space<vmem>> -> memref<2048xf32, #tpu.memory_space<vmem>>
        %dma_start3A_366 = tpu.memref_slice %arg3[%add3A_357] : memref<1048576xf32, #tpu.memory_space<hbm>> -> memref<2048xf32, #tpu.memory_space<hbm>>
        %dma_start3A_367 = arith.constant 2048 : i32
        %dma_start3A_368 = tpu.memref_slice %arg17[%dma_start3A_367] : memref<53248xf32, #tpu.memory_space<vmem>> -> memref<2048xf32, #tpu.memory_space<vmem>>
        %dma_start3A_369 = tpu.memref_slice %arg3[%add3A_357] : memref<1048576xf32, #tpu.memory_space<hbm>> -> memref<2048xf32, #tpu.memory_space<hbm>>
        tpu.enqueue_dma source(%dma_start3A_369 : memref<2048xf32, #tpu.memory_space<hbm>>) target(%dma_start3A_368 : memref<2048xf32, #tpu.memory_space<vmem>>) target_semaphore(%arg20 : memref<!tpu.dma_semaphore, #tpu.memory_space<semaphore_mem>>)
        %dma_start3A_370 = arith.constant 4096 : i32
        %dma_start3A_371 = tpu.memref_slice %arg17[%dma_start3A_370] : memref<53248xf32, #tpu.memory_space<vmem>> -> memref<2048xf32, #tpu.memory_space<vmem>>
        %dma_start3A_372 = tpu.memref_slice %arg4[%add3A_357] : memref<1048576xf32, #tpu.memory_space<hbm>> -> memref<2048xf32, #tpu.memory_space<hbm>>
        %dma_start3A_373 = arith.constant 4096 : i32
        %dma_start3A_374 = tpu.memref_slice %arg17[%dma_start3A_373] : memref<53248xf32, #tpu.memory_space<vmem>> -> memref<2048xf32, #tpu.memory_space<vmem>>
        %dma_start3A_375 = tpu.memref_slice %arg4[%add3A_357] : memref<1048576xf32, #tpu.memory_space<hbm>> -> memref<2048xf32, #tpu.memory_space<hbm>>
        tpu.enqueue_dma source(%dma_start3A_375 : memref<2048xf32, #tpu.memory_space<hbm>>) target(%dma_start3A_374 : memref<2048xf32, #tpu.memory_space<vmem>>) target_semaphore(%arg20 : memref<!tpu.dma_semaphore, #tpu.memory_space<semaphore_mem>>)
        %dma_start3A_376 = arith.constant 6144 : i32
        %dma_start3A_377 = tpu.memref_slice %arg17[%dma_start3A_376] : memref<53248xf32, #tpu.memory_space<vmem>> -> memref<2048xf32, #tpu.memory_space<vmem>>
        %dma_start3A_378 = tpu.memref_slice %arg5[%add3A_357] : memref<1048576xf32, #tpu.memory_space<hbm>> -> memref<2048xf32, #tpu.memory_space<hbm>>
        %dma_start3A_379 = arith.constant 6144 : i32
        %dma_start3A_380 = tpu.memref_slice %arg17[%dma_start3A_379] : memref<53248xf32, #tpu.memory_space<vmem>> -> memref<2048xf32, #tpu.memory_space<vmem>>
        %dma_start3A_381 = tpu.memref_slice %arg5[%add3A_357] : memref<1048576xf32, #tpu.memory_space<hbm>> -> memref<2048xf32, #tpu.memory_space<hbm>>
        tpu.enqueue_dma source(%dma_start3A_381 : memref<2048xf32, #tpu.memory_space<hbm>>) target(%dma_start3A_380 : memref<2048xf32, #tpu.memory_space<vmem>>) target_semaphore(%arg20 : memref<!tpu.dma_semaphore, #tpu.memory_space<semaphore_mem>>)
        %dma_start3A_382 = arith.constant 8192 : i32
        %dma_start3A_383 = tpu.memref_slice %arg17[%dma_start3A_382] : memref<53248xf32, #tpu.memory_space<vmem>> -> memref<2048xf32, #tpu.memory_space<vmem>>
        %dma_start3A_384 = tpu.memref_slice %arg6[%add3A_357] : memref<1048576xf32, #tpu.memory_space<hbm>> -> memref<2048xf32, #tpu.memory_space<hbm>>
        %dma_start3A_385 = arith.constant 8192 : i32
        %dma_start3A_386 = tpu.memref_slice %arg17[%dma_start3A_385] : memref<53248xf32, #tpu.memory_space<vmem>> -> memref<2048xf32, #tpu.memory_space<vmem>>
        %dma_start3A_387 = tpu.memref_slice %arg6[%add3A_357] : memref<1048576xf32, #tpu.memory_space<hbm>> -> memref<2048xf32, #tpu.memory_space<hbm>>
        tpu.enqueue_dma source(%dma_start3A_387 : memref<2048xf32, #tpu.memory_space<hbm>>) target(%dma_start3A_386 : memref<2048xf32, #tpu.memory_space<vmem>>) target_semaphore(%arg20 : memref<!tpu.dma_semaphore, #tpu.memory_space<semaphore_mem>>)
        %dma_start3A_388 = arith.constant 10240 : i32
        %dma_start3A_389 = tpu.memref_slice %arg17[%dma_start3A_388] : memref<53248xf32, #tpu.memory_space<vmem>> -> memref<2048xf32, #tpu.memory_space<vmem>>
        %dma_start3A_390 = tpu.memref_slice %arg7[%add3A_357] : memref<1048576xf32, #tpu.memory_space<hbm>> -> memref<2048xf32, #tpu.memory_space<hbm>>
        %dma_start3A_391 = arith.constant 10240 : i32
        %dma_start3A_392 = tpu.memref_slice %arg17[%dma_start3A_391] : memref<53248xf32, #tpu.memory_space<vmem>> -> memref<2048xf32, #tpu.memory_space<vmem>>
        %dma_start3A_393 = tpu.memref_slice %arg7[%add3A_357] : memref<1048576xf32, #tpu.memory_space<hbm>> -> memref<2048xf32, #tpu.memory_space<hbm>>
        tpu.enqueue_dma source(%dma_start3A_393 : memref<2048xf32, #tpu.memory_space<hbm>>) target(%dma_start3A_392 : memref<2048xf32, #tpu.memory_space<vmem>>) target_semaphore(%arg20 : memref<!tpu.dma_semaphore, #tpu.memory_space<semaphore_mem>>)
        %dma_start3A_394 = arith.constant 12288 : i32
        %dma_start3A_395 = tpu.memref_slice %arg17[%dma_start3A_394] : memref<53248xf32, #tpu.memory_space<vmem>> -> memref<2048xf32, #tpu.memory_space<vmem>>
        %dma_start3A_396 = tpu.memref_slice %arg8[%add3A_357] : memref<1048576xf32, #tpu.memory_space<hbm>> -> memref<2048xf32, #tpu.memory_space<hbm>>
        %dma_start3A_397 = arith.constant 12288 : i32
        %dma_start3A_398 = tpu.memref_slice %arg17[%dma_start3A_397] : memref<53248xf32, #tpu.memory_space<vmem>> -> memref<2048xf32, #tpu.memory_space<vmem>>
        %dma_start3A_399 = tpu.memref_slice %arg8[%add3A_357] : memref<1048576xf32, #tpu.memory_space<hbm>> -> memref<2048xf32, #tpu.memory_space<hbm>>
        tpu.enqueue_dma source(%dma_start3A_399 : memref<2048xf32, #tpu.memory_space<hbm>>) target(%dma_start3A_398 : memref<2048xf32, #tpu.memory_space<vmem>>) target_semaphore(%arg20 : memref<!tpu.dma_semaphore, #tpu.memory_space<semaphore_mem>>)
        %dma_start3A_400 = arith.constant 14336 : i32
        %dma_start3A_401 = tpu.memref_slice %arg17[%dma_start3A_400] : memref<53248xf32, #tpu.memory_space<vmem>> -> memref<2048xf32, #tpu.memory_space<vmem>>
        %dma_start3A_402 = tpu.memref_slice %arg9[%add3A_357] : memref<1048576xf32, #tpu.memory_space<hbm>> -> memref<2048xf32, #tpu.memory_space<hbm>>
        %dma_start3A_403 = arith.constant 14336 : i32
        %dma_start3A_404 = tpu.memref_slice %arg17[%dma_start3A_403] : memref<53248xf32, #tpu.memory_space<vmem>> -> memref<2048xf32, #tpu.memory_space<vmem>>
        %dma_start3A_405 = tpu.memref_slice %arg9[%add3A_357] : memref<1048576xf32, #tpu.memory_space<hbm>> -> memref<2048xf32, #tpu.memory_space<hbm>>
        tpu.enqueue_dma source(%dma_start3A_405 : memref<2048xf32, #tpu.memory_space<hbm>>) target(%dma_start3A_404 : memref<2048xf32, #tpu.memory_space<vmem>>) target_semaphore(%arg20 : memref<!tpu.dma_semaphore, #tpu.memory_space<semaphore_mem>>)
        %dma_start3A_406 = arith.constant 16384 : i32
        %dma_start3A_407 = tpu.memref_slice %arg17[%dma_start3A_406] : memref<53248xf32, #tpu.memory_space<vmem>> -> memref<2048xf32, #tpu.memory_space<vmem>>
        %dma_start3A_408 = tpu.memref_slice %arg10[%add3A_357] : memref<1048576xf32, #tpu.memory_space<hbm>> -> memref<2048xf32, #tpu.memory_space<hbm>>
        %dma_start3A_409 = arith.constant 16384 : i32
        %dma_start3A_410 = tpu.memref_slice %arg17[%dma_start3A_409] : memref<53248xf32, #tpu.memory_space<vmem>> -> memref<2048xf32, #tpu.memory_space<vmem>>
        %dma_start3A_411 = tpu.memref_slice %arg10[%add3A_357] : memref<1048576xf32, #tpu.memory_space<hbm>> -> memref<2048xf32, #tpu.memory_space<hbm>>
        tpu.enqueue_dma source(%dma_start3A_411 : memref<2048xf32, #tpu.memory_space<hbm>>) target(%dma_start3A_410 : memref<2048xf32, #tpu.memory_space<vmem>>) target_semaphore(%arg20 : memref<!tpu.dma_semaphore, #tpu.memory_space<semaphore_mem>>)
        %dma_start3A_412 = arith.constant 18432 : i32
        %dma_start3A_413 = tpu.memref_slice %arg17[%dma_start3A_412] : memref<53248xf32, #tpu.memory_space<vmem>> -> memref<2048xf32, #tpu.memory_space<vmem>>
        %dma_start3A_414 = tpu.memref_slice %arg11[%add3A_357] : memref<1048576xf32, #tpu.memory_space<hbm>> -> memref<2048xf32, #tpu.memory_space<hbm>>
        %dma_start3A_415 = arith.constant 18432 : i32
        %dma_start3A_416 = tpu.memref_slice %arg17[%dma_start3A_415] : memref<53248xf32, #tpu.memory_space<vmem>> -> memref<2048xf32, #tpu.memory_space<vmem>>
        %dma_start3A_417 = tpu.memref_slice %arg11[%add3A_357] : memref<1048576xf32, #tpu.memory_space<hbm>> -> memref<2048xf32, #tpu.memory_space<hbm>>
        tpu.enqueue_dma source(%dma_start3A_417 : memref<2048xf32, #tpu.memory_space<hbm>>) target(%dma_start3A_416 : memref<2048xf32, #tpu.memory_space<vmem>>) target_semaphore(%arg20 : memref<!tpu.dma_semaphore, #tpu.memory_space<semaphore_mem>>)
        %dma_start3A_418 = arith.constant 20480 : i32
        %dma_start3A_419 = tpu.memref_slice %arg17[%dma_start3A_418] : memref<53248xf32, #tpu.memory_space<vmem>> -> memref<2048xf32, #tpu.memory_space<vmem>>
        %dma_start3A_420 = tpu.memref_slice %arg12[%add3A_357] : memref<1048576xf32, #tpu.memory_space<hbm>> -> memref<2048xf32, #tpu.memory_space<hbm>>
        %dma_start3A_421 = arith.constant 20480 : i32
        %dma_start3A_422 = tpu.memref_slice %arg17[%dma_start3A_421] : memref<53248xf32, #tpu.memory_space<vmem>> -> memref<2048xf32, #tpu.memory_space<vmem>>
        %dma_start3A_423 = tpu.memref_slice %arg12[%add3A_357] : memref<1048576xf32, #tpu.memory_space<hbm>> -> memref<2048xf32, #tpu.memory_space<hbm>>
        tpu.enqueue_dma source(%dma_start3A_423 : memref<2048xf32, #tpu.memory_space<hbm>>) target(%dma_start3A_422 : memref<2048xf32, #tpu.memory_space<vmem>>) target_semaphore(%arg20 : memref<!tpu.dma_semaphore, #tpu.memory_space<semaphore_mem>>)
        %dma_start3A_424 = arith.constant 22528 : i32
        %dma_start3A_425 = tpu.memref_slice %arg17[%dma_start3A_424] : memref<53248xf32, #tpu.memory_space<vmem>> -> memref<2048xf32, #tpu.memory_space<vmem>>
        %dma_start3A_426 = tpu.memref_slice %arg13[%add3A_357] : memref<1048576xf32, #tpu.memory_space<hbm>> -> memref<2048xf32, #tpu.memory_space<hbm>>
        %dma_start3A_427 = arith.constant 22528 : i32
        %dma_start3A_428 = tpu.memref_slice %arg17[%dma_start3A_427] : memref<53248xf32, #tpu.memory_space<vmem>> -> memref<2048xf32, #tpu.memory_space<vmem>>
        %dma_start3A_429 = tpu.memref_slice %arg13[%add3A_357] : memref<1048576xf32, #tpu.memory_space<hbm>> -> memref<2048xf32, #tpu.memory_space<hbm>>
        tpu.enqueue_dma source(%dma_start3A_429 : memref<2048xf32, #tpu.memory_space<hbm>>) target(%dma_start3A_428 : memref<2048xf32, #tpu.memory_space<vmem>>) target_semaphore(%arg20 : memref<!tpu.dma_semaphore, #tpu.memory_space<semaphore_mem>>)
        %dma_start3A_430 = arith.constant 24576 : i32
        %dma_start3A_431 = tpu.memref_slice %arg17[%dma_start3A_430] : memref<53248xf32, #tpu.memory_space<vmem>> -> memref<2048xf32, #tpu.memory_space<vmem>>
        %dma_start3A_432 = tpu.memref_slice %arg14[%add3A_357] : memref<1048576xf32, #tpu.memory_space<hbm>> -> memref<2048xf32, #tpu.memory_space<hbm>>
        %dma_start3A_433 = arith.constant 24576 : i32
        %dma_start3A_434 = tpu.memref_slice %arg17[%dma_start3A_433] : memref<53248xf32, #tpu.memory_space<vmem>> -> memref<2048xf32, #tpu.memory_space<vmem>>
        %dma_start3A_435 = tpu.memref_slice %arg14[%add3A_357] : memref<1048576xf32, #tpu.memory_space<hbm>> -> memref<2048xf32, #tpu.memory_space<hbm>>
        tpu.enqueue_dma source(%dma_start3A_435 : memref<2048xf32, #tpu.memory_space<hbm>>) target(%dma_start3A_434 : memref<2048xf32, #tpu.memory_space<vmem>>) target_semaphore(%arg20 : memref<!tpu.dma_semaphore, #tpu.memory_space<semaphore_mem>>)
        %dma_start3A_436 = arith.constant 0 : i32
        %dma_start3A_437 = tpu.memref_slice %arg18[%dma_start3A_436] : memref<4096xi32, #tpu.memory_space<vmem>> -> memref<2048xi32, #tpu.memory_space<vmem>>
        %dma_start3A_438 = tpu.memref_slice %arg15[%add3A_357] : memref<1048576xi32, #tpu.memory_space<hbm>> -> memref<2048xi32, #tpu.memory_space<hbm>>
        %dma_start3A_439 = arith.constant 0 : i32
        %dma_start3A_440 = tpu.memref_slice %arg18[%dma_start3A_439] : memref<4096xi32, #tpu.memory_space<vmem>> -> memref<2048xi32, #tpu.memory_space<vmem>>
        %dma_start3A_441 = tpu.memref_slice %arg15[%add3A_357] : memref<1048576xi32, #tpu.memory_space<hbm>> -> memref<2048xi32, #tpu.memory_space<hbm>>
        tpu.enqueue_dma source(%dma_start3A_441 : memref<2048xi32, #tpu.memory_space<hbm>>) target(%dma_start3A_440 : memref<2048xi32, #tpu.memory_space<vmem>>) target_semaphore(%arg20 : memref<!tpu.dma_semaphore, #tpu.memory_space<semaphore_mem>>)
      } else {
      }
      %scan3A_348 = arith.constant 0 : i32
      %scan3A_349 = arith.constant 128 : i32
      %scan3A_350 = arith.addi %scan3A_348, %scan3A_349 : i32
      %scan3A_351 = arith.constant 4 : i32
      scf.for %scan3A_353 = %scan3A_348 to %scan3A_350 step %scan3A_351  : i32 {
        %mul3A_354 = arith.constant 1 : i32
        %mul3A_355 = arith.muli %scan3A_353, %mul3A_354 : i32
        %add3A_356 = arith.constant 0 : i32
        %add3A_357 = arith.addi %add3A_356, %mul3A_355 : i32
        %mul3A_358 = arith.constant 16 : i32
        %mul3A_359 = arith.muli %add3A_357, %mul3A_358 : i32
        %add3A_360 = arith.constant 2048 : i32
        %add3A_361 = arith.addi %add3A_360, %mul3A_359 : i32
        %get3A = arith.index_cast %add3A_361 : i32 to index
        %get3A_362 = tpu.vector_load %arg18[%get3A] {strides = array<i32>} : memref<4096xi32, #tpu.memory_space<vmem>>, vector<16xi32>,
        %mul3A_363 = arith.constant 16 : i32
        %mul3A_364 = arith.muli %add3A_357, %mul3A_363 : i32
        %add3A_365 = arith.constant 26624 : i32
        %add3A_366 = arith.addi %add3A_365, %mul3A_364 : i32
        %get3A_367 = arith.index_cast %add3A_366 : i32 to index
        %get3A_368 = tpu.vector_load %arg17[%get3A_367] {strides = array<i32>} : memref<53248xf32, #tpu.memory_space<vmem>>, vector<16xf32>,
        %mul3A_369 = arith.constant 16 : i32
        %mul3A_370 = arith.muli %add3A_357, %mul3A_369 : i32
        %add3A_371 = arith.constant 28672 : i32
        %add3A_372 = arith.addi %add3A_371, %mul3A_370 : i32
        %get3A_373 = arith.index_cast %add3A_372 : i32 to index
        %get3A_374 = tpu.vector_load %arg17[%get3A_373] {strides = array<i32>} : memref<53248xf32, #tpu.memory_space<vmem>>, vector<16xf32>,
        %mul3A_375 = arith.constant 16 : i32
        %mul3A_376 = arith.muli %add3A_357, %mul3A_375 : i32
        %add3A_377 = arith.constant 30720 : i32
        %add3A_378 = arith.addi %add3A_377, %mul3A_376 : i32
        %get3A_379 = arith.index_cast %add3A_378 : i32 to index
        %get3A_380 = tpu.vector_load %arg17[%get3A_379] {strides = array<i32>} : memref<53248xf32, #tpu.memory_space<vmem>>, vector<16xf32>,
        %mul3A_381 = arith.constant 16 : i32
        %mul3A_382 = arith.muli %add3A_357, %mul3A_381 : i32
        %add3A_383 = arith.constant 32768 : i32
        %add3A_384 = arith.addi %add3A_383, %mul3A_382 : i32
        %get3A_385 = arith.index_cast %add3A_384 : i32 to index
        %get3A_386 = tpu.vector_load %arg17[%get3A_385] {strides = array<i32>} : memref<53248xf32, #tpu.memory_space<vmem>>, vector<16xf32>,
        %mul3A_387 = arith.constant 16 : i32
        %mul3A_388 = arith.muli %add3A_357, %mul3A_387 : i32
        %add3A_389 = arith.constant 34816 : i32
        %add3A_390 = arith.addi %add3A_389, %mul3A_388 : i32
        %get3A_391 = arith.index_cast %add3A_390 : i32 to index
        %get3A_392 = tpu.vector_load %arg17[%get3A_391] {strides = array<i32>} : memref<53248xf32, #tpu.memory_space<vmem>>, vector<16xf32>,
        %mul3A_393 = arith.constant 16 : i32
        %mul3A_394 = arith.muli %add3A_357, %mul3A_393 : i32
        %add3A_395 = arith.constant 36864 : i32
        %add3A_396 = arith.addi %add3A_395, %mul3A_394 : i32
        %get3A_397 = arith.index_cast %add3A_396 : i32 to index
        %get3A_398 = tpu.vector_load %arg17[%get3A_397] {strides = array<i32>} : memref<53248xf32, #tpu.memory_space<vmem>>, vector<16xf32>,
        %mul3A_399 = arith.constant 16 : i32
        %mul3A_400 = arith.muli %add3A_357, %mul3A_399 : i32
        %add3A_401 = arith.constant 38912 : i32
        %add3A_402 = arith.addi %add3A_401, %mul3A_400 : i32
        %get3A_403 = arith.index_cast %add3A_402 : i32 to index
        %get3A_404 = tpu.vector_load %arg17[%get3A_403] {strides = array<i32>} : memref<53248xf32, #tpu.memory_space<vmem>>, vector<16xf32>,
        %mul3A_405 = arith.constant 16 : i32
        %mul3A_406 = arith.muli %add3A_357, %mul3A_405 : i32
        %add3A_407 = arith.constant 40960 : i32
        %add3A_408 = arith.addi %add3A_407, %mul3A_406 : i32
        %get3A_409 = arith.index_cast %add3A_408 : i32 to index
        %get3A_410 = tpu.vector_load %arg17[%get3A_409] {strides = array<i32>} : memref<53248xf32, #tpu.memory_space<vmem>>, vector<16xf32>,
        %mul3A_411 = arith.constant 16 : i32
        %mul3A_412 = arith.muli %add3A_357, %mul3A_411 : i32
        %add3A_413 = arith.constant 43008 : i32
        %add3A_414 = arith.addi %add3A_413, %mul3A_412 : i32
        %get3A_415 = arith.index_cast %add3A_414 : i32 to index
        %get3A_416 = tpu.vector_load %arg17[%get3A_415] {strides = array<i32>} : memref<53248xf32, #tpu.memory_space<vmem>>, vector<16xf32>,
        %mul3A_417 = arith.constant 16 : i32
        %mul3A_418 = arith.muli %add3A_357, %mul3A_417 : i32
        %add3A_419 = arith.constant 45056 : i32
        %add3A_420 = arith.addi %add3A_419, %mul3A_418 : i32
        %get3A_421 = arith.index_cast %add3A_420 : i32 to index
        %get3A_422 = tpu.vector_load %arg17[%get3A_421] {strides = array<i32>} : memref<53248xf32, #tpu.memory_space<vmem>>, vector<16xf32>,
        %mul3A_423 = arith.constant 16 : i32
        %mul3A_424 = arith.muli %add3A_357, %mul3A_423 : i32
        %add3A_425 = arith.constant 47104 : i32
        %add3A_426 = arith.addi %add3A_425, %mul3A_424 : i32
        %get3A_427 = arith.index_cast %add3A_426 : i32 to index
        %get3A_428 = tpu.vector_load %arg17[%get3A_427] {strides = array<i32>} : memref<53248xf32, #tpu.memory_space<vmem>>, vector<16xf32>,
        %mul3A_429 = arith.constant 16 : i32
        %mul3A_430 = arith.muli %add3A_357, %mul3A_429 : i32
        %add3A_431 = arith.constant 49152 : i32
        %add3A_432 = arith.addi %add3A_431, %mul3A_430 : i32
        %get3A_433 = arith.index_cast %add3A_432 : i32 to index
        %get3A_434 = tpu.vector_load %arg17[%get3A_433] {strides = array<i32>} : memref<53248xf32, #tpu.memory_space<vmem>>, vector<16xf32>,
        %mul3A_435 = arith.constant 16 : i32
        %mul3A_436 = arith.muli %add3A_357, %mul3A_435 : i32
        %add3A_437 = arith.constant 51200 : i32
        %add3A_438 = arith.addi %add3A_437, %mul3A_436 : i32
        %get3A_439 = arith.index_cast %add3A_438 : i32 to index
        %get3A_440 = tpu.vector_load %arg17[%get3A_439] {strides = array<i32>} : memref<53248xf32, #tpu.memory_space<vmem>>, vector<16xf32>,
        %exp3A = math.exp %get3A_368 : vector<16xf32>
        %exp3A_441 = math.exp %get3A_374 : vector<16xf32>
        %exp3A_442 = math.exp %get3A_380 : vector<16xf32>
        %exp3A_443 = math.exp %get3A_386 : vector<16xf32>
        %exp3A_444 = math.exp %get3A_392 : vector<16xf32>
        %exp3A_445 = math.exp %get3A_398 : vector<16xf32>
        %exp3A_446 = math.exp %get3A_404 : vector<16xf32>
        %exp3A_447 = math.exp %get3A_410 : vector<16xf32>
        %exp3A_448 = math.exp %get3A_416 : vector<16xf32>
        %exp3A_449 = math.exp %get3A_422 : vector<16xf32>
        %exp3A_450 = math.exp %get3A_428 : vector<16xf32>
        %exp3A_451 = math.exp %get3A_434 : vector<16xf32>
        %exp3A_452 = math.exp %get3A_440 : vector<16xf32>
        %add3A_453 = arith.addf %exp3A, %exp3A_441 : vector<16xf32>
        %add3A_454 = arith.addf %exp3A_442, %exp3A_443 : vector<16xf32>
        %add3A_455 = arith.addf %exp3A_444, %exp3A_445 : vector<16xf32>
        %add3A_456 = arith.addf %exp3A_446, %exp3A_447 : vector<16xf32>
        %add3A_457 = arith.addf %exp3A_448, %exp3A_449 : vector<16xf32>
        %add3A_458 = arith.addf %exp3A_450, %exp3A_451 : vector<16xf32>
        %add3A_459 = arith.addf %add3A_453, %add3A_454 : vector<16xf32>
        %add3A_460 = arith.addf %add3A_455, %add3A_456 : vector<16xf32>
        %add3A_461 = arith.addf %add3A_457, %add3A_458 : vector<16xf32>
        %add3A_462 = arith.addf %add3A_459, %add3A_460 : vector<16xf32>
        %add3A_463 = arith.addf %add3A_461, %exp3A_452 : vector<16xf32>
        %add3A_464 = arith.addf %add3A_462, %add3A_463 : vector<16xf32>
        %div3A = arith.constant 1.000000e+00 : f32
        %div3A_465 = vector.broadcast %div3A : f32 to vector<16xf32>
        %div3A_466 = arith.divf %div3A_465, %add3A_464 : vector<16xf32>
        %mul3A_467 = arith.mulf %exp3A, %div3A_466 : vector<16xf32>
        %eq3A = arith.constant 0 : i32
        %eq3A_468 = vector.broadcast %eq3A : i32 to vector<16xi32>
        %eq3A_469 = arith.cmpi eq, %get3A_362, %eq3A_468 : vector<16xi32>
        %sub3A = arith.constant 1.000000e+00 : f32
        %sub3A_470 = vector.broadcast %sub3A : f32 to vector<16xf32>
        %sub3A_471 = arith.subf %sub3A_470, %mul3A_467 : vector<16xf32>
        %select_n3A = arith.select %eq3A_469, %sub3A_471, %mul3A_467 : vector<16xi1>, vector<16xf32>
        %bitcast3A = vector.bitcast %select_n3A : vector<16xf32> to vector<16xi32>
        %shift_right_logical3A = arith.shrui %bitcast3A, %broadcast_in_dim3A_7 : vector<16xi32>
        %max3A = arith.constant 30464 : i32
        %max3A_472 = vector.broadcast %max3A : i32 to vector<16xi32>
        %max3A_473 = arith.maxsi %shift_right_logical3A, %max3A_472 : vector<16xi32>
        %min3A = arith.constant 32511 : i32
        %min3A_474 = vector.broadcast %min3A : i32 to vector<16xi32>
        %min3A_475 = arith.minsi %max3A_473, %min3A_474 : vector<16xi32>
        %jit3A = arith.constant -3840 : i32
        %jit3A_476 = arith.constant -30464 : i32
        %broadcast_in_dim3A_477 = vector.broadcast %jit3A : i32 to vector<16xi32>
        %broadcast_in_dim3A_478 = vector.broadcast %jit3A_476 : i32 to vector<16xi32>
        %select_n3A_479 = arith.select %eq3A_469, %broadcast_in_dim3A_477, %broadcast_in_dim3A_478 : vector<16xi1>, vector<16xi32>
        %add3A_480 = arith.addi %min3A_475, %select_n3A_479 : vector<16xi32>
        tpu.vector_store_idx %arg19[%add3A_480], %broadcast_in_dim3A_5 {add = true} : memref<53248xf32, #tpu.memory_space<vmem>>[vector<16xi32>], vector<16xf32>,
        %mul3A_481 = arith.mulf %exp3A_441, %div3A_466 : vector<16xf32>
        %eq3A_482 = arith.constant 1 : i32
        %eq3A_483 = vector.broadcast %eq3A_482 : i32 to vector<16xi32>
        %eq3A_484 = arith.cmpi eq, %get3A_362, %eq3A_483 : vector<16xi32>
        %sub3A_485 = arith.constant 1.000000e+00 : f32
        %sub3A_486 = vector.broadcast %sub3A_485 : f32 to vector<16xf32>
        %sub3A_487 = arith.subf %sub3A_486, %mul3A_481 : vector<16xf32>
        %select_n3A_488 = arith.select %eq3A_484, %sub3A_487, %mul3A_481 : vector<16xi1>, vector<16xf32>
        %bitcast3A_489 = vector.bitcast %select_n3A_488 : vector<16xf32> to vector<16xi32>
        %shift_right_logical3A_490 = arith.shrui %bitcast3A_489, %broadcast_in_dim3A_7 : vector<16xi32>
        %max3A_491 = arith.constant 30464 : i32
        %max3A_492 = vector.broadcast %max3A_491 : i32 to vector<16xi32>
        %max3A_493 = arith.maxsi %shift_right_logical3A_490, %max3A_492 : vector<16xi32>
        %min3A_494 = arith.constant 32511 : i32
        %min3A_495 = vector.broadcast %min3A_494 : i32 to vector<16xi32>
        %min3A_496 = arith.minsi %max3A_493, %min3A_495 : vector<16xi32>
        %jit3A_497 = arith.constant -1792 : i32
        %jit3A_498 = arith.constant -28416 : i32
        %broadcast_in_dim3A_499 = vector.broadcast %jit3A_497 : i32 to vector<16xi32>
        %broadcast_in_dim3A_500 = vector.broadcast %jit3A_498 : i32 to vector<16xi32>
        %select_n3A_501 = arith.select %eq3A_484, %broadcast_in_dim3A_499, %broadcast_in_dim3A_500 : vector<16xi1>, vector<16xi32>
        %add3A_502 = arith.addi %min3A_496, %select_n3A_501 : vector<16xi32>
        tpu.vector_store_idx %arg19[%add3A_502], %broadcast_in_dim3A_5 {add = true} : memref<53248xf32, #tpu.memory_space<vmem>>[vector<16xi32>], vector<16xf32>,
        %mul3A_503 = arith.mulf %exp3A_442, %div3A_466 : vector<16xf32>
        %eq3A_504 = arith.constant 2 : i32
        %eq3A_505 = vector.broadcast %eq3A_504 : i32 to vector<16xi32>
        %eq3A_506 = arith.cmpi eq, %get3A_362, %eq3A_505 : vector<16xi32>
        %sub3A_507 = arith.constant 1.000000e+00 : f32
        %sub3A_508 = vector.broadcast %sub3A_507 : f32 to vector<16xf32>
        %sub3A_509 = arith.subf %sub3A_508, %mul3A_503 : vector<16xf32>
        %select_n3A_510 = arith.select %eq3A_506, %sub3A_509, %mul3A_503 : vector<16xi1>, vector<16xf32>
        %bitcast3A_511 = vector.bitcast %select_n3A_510 : vector<16xf32> to vector<16xi32>
        %shift_right_logical3A_512 = arith.shrui %bitcast3A_511, %broadcast_in_dim3A_7 : vector<16xi32>
        %max3A_513 = arith.constant 30464 : i32
        %max3A_514 = vector.broadcast %max3A_513 : i32 to vector<16xi32>
        %max3A_515 = arith.maxsi %shift_right_logical3A_512, %max3A_514 : vector<16xi32>
        %min3A_516 = arith.constant 32511 : i32
        %min3A_517 = vector.broadcast %min3A_516 : i32 to vector<16xi32>
        %min3A_518 = arith.minsi %max3A_515, %min3A_517 : vector<16xi32>
        %jit3A_519 = arith.constant 256 : i32
        %jit3A_520 = arith.constant -26368 : i32
        %broadcast_in_dim3A_521 = vector.broadcast %jit3A_519 : i32 to vector<16xi32>
        %broadcast_in_dim3A_522 = vector.broadcast %jit3A_520 : i32 to vector<16xi32>
        %select_n3A_523 = arith.select %eq3A_506, %broadcast_in_dim3A_521, %broadcast_in_dim3A_522 : vector<16xi1>, vector<16xi32>
        %add3A_524 = arith.addi %min3A_518, %select_n3A_523 : vector<16xi32>
        tpu.vector_store_idx %arg19[%add3A_524], %broadcast_in_dim3A_5 {add = true} : memref<53248xf32, #tpu.memory_space<vmem>>[vector<16xi32>], vector<16xf32>,
        %mul3A_525 = arith.mulf %exp3A_443, %div3A_466 : vector<16xf32>
        %eq3A_526 = arith.constant 3 : i32
        %eq3A_527 = vector.broadcast %eq3A_526 : i32 to vector<16xi32>
        %eq3A_528 = arith.cmpi eq, %get3A_362, %eq3A_527 : vector<16xi32>
        %sub3A_529 = arith.constant 1.000000e+00 : f32
        %sub3A_530 = vector.broadcast %sub3A_529 : f32 to vector<16xf32>
        %sub3A_531 = arith.subf %sub3A_530, %mul3A_525 : vector<16xf32>
        %select_n3A_532 = arith.select %eq3A_528, %sub3A_531, %mul3A_525 : vector<16xi1>, vector<16xf32>
        %bitcast3A_533 = vector.bitcast %select_n3A_532 : vector<16xf32> to vector<16xi32>
        %shift_right_logical3A_534 = arith.shrui %bitcast3A_533, %broadcast_in_dim3A_7 : vector<16xi32>
        %max3A_535 = arith.constant 30464 : i32
        %max3A_536 = vector.broadcast %max3A_535 : i32 to vector<16xi32>
        %max3A_537 = arith.maxsi %shift_right_logical3A_534, %max3A_536 : vector<16xi32>
        %min3A_538 = arith.constant 32511 : i32
        %min3A_539 = vector.broadcast %min3A_538 : i32 to vector<16xi32>
        %min3A_540 = arith.minsi %max3A_537, %min3A_539 : vector<16xi32>
        %jit3A_541 = arith.constant 2304 : i32
        %jit3A_542 = arith.constant -24320 : i32
        %broadcast_in_dim3A_543 = vector.broadcast %jit3A_541 : i32 to vector<16xi32>
        %broadcast_in_dim3A_544 = vector.broadcast %jit3A_542 : i32 to vector<16xi32>
        %select_n3A_545 = arith.select %eq3A_528, %broadcast_in_dim3A_543, %broadcast_in_dim3A_544 : vector<16xi1>, vector<16xi32>
        %add3A_546 = arith.addi %min3A_540, %select_n3A_545 : vector<16xi32>
        tpu.vector_store_idx %arg19[%add3A_546], %broadcast_in_dim3A_5 {add = true} : memref<53248xf32, #tpu.memory_space<vmem>>[vector<16xi32>], vector<16xf32>,
        %mul3A_547 = arith.mulf %exp3A_444, %div3A_466 : vector<16xf32>
        %eq3A_548 = arith.constant 4 : i32
        %eq3A_549 = vector.broadcast %eq3A_548 : i32 to vector<16xi32>
        %eq3A_550 = arith.cmpi eq, %get3A_362, %eq3A_549 : vector<16xi32>
        %sub3A_551 = arith.constant 1.000000e+00 : f32
        %sub3A_552 = vector.broadcast %sub3A_551 : f32 to vector<16xf32>
        %sub3A_553 = arith.subf %sub3A_552, %mul3A_547 : vector<16xf32>
        %select_n3A_554 = arith.select %eq3A_550, %sub3A_553, %mul3A_547 : vector<16xi1>, vector<16xf32>
        %bitcast3A_555 = vector.bitcast %select_n3A_554 : vector<16xf32> to vector<16xi32>
        %shift_right_logical3A_556 = arith.shrui %bitcast3A_555, %broadcast_in_dim3A_7 : vector<16xi32>
        %max3A_557 = arith.constant 30464 : i32
        %max3A_558 = vector.broadcast %max3A_557 : i32 to vector<16xi32>
        %max3A_559 = arith.maxsi %shift_right_logical3A_556, %max3A_558 : vector<16xi32>
        %min3A_560 = arith.constant 32511 : i32
        %min3A_561 = vector.broadcast %min3A_560 : i32 to vector<16xi32>
        %min3A_562 = arith.minsi %max3A_559, %min3A_561 : vector<16xi32>
        %jit3A_563 = arith.constant 4352 : i32
        %jit3A_564 = arith.constant -22272 : i32
        %broadcast_in_dim3A_565 = vector.broadcast %jit3A_563 : i32 to vector<16xi32>
        %broadcast_in_dim3A_566 = vector.broadcast %jit3A_564 : i32 to vector<16xi32>
        %select_n3A_567 = arith.select %eq3A_550, %broadcast_in_dim3A_565, %broadcast_in_dim3A_566 : vector<16xi1>, vector<16xi32>
        %add3A_568 = arith.addi %min3A_562, %select_n3A_567 : vector<16xi32>
        tpu.vector_store_idx %arg19[%add3A_568], %broadcast_in_dim3A_5 {add = true} : memref<53248xf32, #tpu.memory_space<vmem>>[vector<16xi32>], vector<16xf32>,
        %mul3A_569 = arith.mulf %exp3A_445, %div3A_466 : vector<16xf32>
        %eq3A_570 = arith.constant 5 : i32
        %eq3A_571 = vector.broadcast %eq3A_570 : i32 to vector<16xi32>
        %eq3A_572 = arith.cmpi eq, %get3A_362, %eq3A_571 : vector<16xi32>
        %sub3A_573 = arith.constant 1.000000e+00 : f32
        %sub3A_574 = vector.broadcast %sub3A_573 : f32 to vector<16xf32>
        %sub3A_575 = arith.subf %sub3A_574, %mul3A_569 : vector<16xf32>
        %select_n3A_576 = arith.select %eq3A_572, %sub3A_575, %mul3A_569 : vector<16xi1>, vector<16xf32>
        %bitcast3A_577 = vector.bitcast %select_n3A_576 : vector<16xf32> to vector<16xi32>
        %shift_right_logical3A_578 = arith.shrui %bitcast3A_577, %broadcast_in_dim3A_7 : vector<16xi32>
        %max3A_579 = arith.constant 30464 : i32
        %max3A_580 = vector.broadcast %max3A_579 : i32 to vector<16xi32>
        %max3A_581 = arith.maxsi %shift_right_logical3A_578, %max3A_580 : vector<16xi32>
        %min3A_582 = arith.constant 32511 : i32
        %min3A_583 = vector.broadcast %min3A_582 : i32 to vector<16xi32>
        %min3A_584 = arith.minsi %max3A_581, %min3A_583 : vector<16xi32>
        %jit3A_585 = arith.constant 6400 : i32
        %jit3A_586 = arith.constant -20224 : i32
        %broadcast_in_dim3A_587 = vector.broadcast %jit3A_585 : i32 to vector<16xi32>
        %broadcast_in_dim3A_588 = vector.broadcast %jit3A_586 : i32 to vector<16xi32>
        %select_n3A_589 = arith.select %eq3A_572, %broadcast_in_dim3A_587, %broadcast_in_dim3A_588 : vector<16xi1>, vector<16xi32>
        %add3A_590 = arith.addi %min3A_584, %select_n3A_589 : vector<16xi32>
        tpu.vector_store_idx %arg19[%add3A_590], %broadcast_in_dim3A_5 {add = true} : memref<53248xf32, #tpu.memory_space<vmem>>[vector<16xi32>], vector<16xf32>,
        %mul3A_591 = arith.mulf %exp3A_446, %div3A_466 : vector<16xf32>
        %eq3A_592 = arith.constant 6 : i32
        %eq3A_593 = vector.broadcast %eq3A_592 : i32 to vector<16xi32>
        %eq3A_594 = arith.cmpi eq, %get3A_362, %eq3A_593 : vector<16xi32>
        %sub3A_595 = arith.constant 1.000000e+00 : f32
        %sub3A_596 = vector.broadcast %sub3A_595 : f32 to vector<16xf32>
        %sub3A_597 = arith.subf %sub3A_596, %mul3A_591 : vector<16xf32>
        %select_n3A_598 = arith.select %eq3A_594, %sub3A_597, %mul3A_591 : vector<16xi1>, vector<16xf32>
        %bitcast3A_599 = vector.bitcast %select_n3A_598 : vector<16xf32> to vector<16xi32>
        %shift_right_logical3A_600 = arith.shrui %bitcast3A_599, %broadcast_in_dim3A_7 : vector<16xi32>
        %max3A_601 = arith.constant 30464 : i32
        %max3A_602 = vector.broadcast %max3A_601 : i32 to vector<16xi32>
        %max3A_603 = arith.maxsi %shift_right_logical3A_600, %max3A_602 : vector<16xi32>
        %min3A_604 = arith.constant 32511 : i32
        %min3A_605 = vector.broadcast %min3A_604 : i32 to vector<16xi32>
        %min3A_606 = arith.minsi %max3A_603, %min3A_605 : vector<16xi32>
        %jit3A_607 = arith.constant 8448 : i32
        %jit3A_608 = arith.constant -18176 : i32
        %broadcast_in_dim3A_609 = vector.broadcast %jit3A_607 : i32 to vector<16xi32>
        %broadcast_in_dim3A_610 = vector.broadcast %jit3A_608 : i32 to vector<16xi32>
        %select_n3A_611 = arith.select %eq3A_594, %broadcast_in_dim3A_609, %broadcast_in_dim3A_610 : vector<16xi1>, vector<16xi32>
        %add3A_612 = arith.addi %min3A_606, %select_n3A_611 : vector<16xi32>
        tpu.vector_store_idx %arg19[%add3A_612], %broadcast_in_dim3A_5 {add = true} : memref<53248xf32, #tpu.memory_space<vmem>>[vector<16xi32>], vector<16xf32>,
        %mul3A_613 = arith.mulf %exp3A_447, %div3A_466 : vector<16xf32>
        %eq3A_614 = arith.constant 7 : i32
        %eq3A_615 = vector.broadcast %eq3A_614 : i32 to vector<16xi32>
        %eq3A_616 = arith.cmpi eq, %get3A_362, %eq3A_615 : vector<16xi32>
        %sub3A_617 = arith.constant 1.000000e+00 : f32
        %sub3A_618 = vector.broadcast %sub3A_617 : f32 to vector<16xf32>
        %sub3A_619 = arith.subf %sub3A_618, %mul3A_613 : vector<16xf32>
        %select_n3A_620 = arith.select %eq3A_616, %sub3A_619, %mul3A_613 : vector<16xi1>, vector<16xf32>
        %bitcast3A_621 = vector.bitcast %select_n3A_620 : vector<16xf32> to vector<16xi32>
        %shift_right_logical3A_622 = arith.shrui %bitcast3A_621, %broadcast_in_dim3A_7 : vector<16xi32>
        %max3A_623 = arith.constant 30464 : i32
        %max3A_624 = vector.broadcast %max3A_623 : i32 to vector<16xi32>
        %max3A_625 = arith.maxsi %shift_right_logical3A_622, %max3A_624 : vector<16xi32>
        %min3A_626 = arith.constant 32511 : i32
        %min3A_627 = vector.broadcast %min3A_626 : i32 to vector<16xi32>
        %min3A_628 = arith.minsi %max3A_625, %min3A_627 : vector<16xi32>
        %jit3A_629 = arith.constant 10496 : i32
        %jit3A_630 = arith.constant -16128 : i32
        %broadcast_in_dim3A_631 = vector.broadcast %jit3A_629 : i32 to vector<16xi32>
        %broadcast_in_dim3A_632 = vector.broadcast %jit3A_630 : i32 to vector<16xi32>
        %select_n3A_633 = arith.select %eq3A_616, %broadcast_in_dim3A_631, %broadcast_in_dim3A_632 : vector<16xi1>, vector<16xi32>
        %add3A_634 = arith.addi %min3A_628, %select_n3A_633 : vector<16xi32>
        tpu.vector_store_idx %arg19[%add3A_634], %broadcast_in_dim3A_5 {add = true} : memref<53248xf32, #tpu.memory_space<vmem>>[vector<16xi32>], vector<16xf32>,
        %mul3A_635 = arith.mulf %exp3A_448, %div3A_466 : vector<16xf32>
        %eq3A_636 = arith.constant 8 : i32
        %eq3A_637 = vector.broadcast %eq3A_636 : i32 to vector<16xi32>
        %eq3A_638 = arith.cmpi eq, %get3A_362, %eq3A_637 : vector<16xi32>
        %sub3A_639 = arith.constant 1.000000e+00 : f32
        %sub3A_640 = vector.broadcast %sub3A_639 : f32 to vector<16xf32>
        %sub3A_641 = arith.subf %sub3A_640, %mul3A_635 : vector<16xf32>
        %select_n3A_642 = arith.select %eq3A_638, %sub3A_641, %mul3A_635 : vector<16xi1>, vector<16xf32>
        %bitcast3A_643 = vector.bitcast %select_n3A_642 : vector<16xf32> to vector<16xi32>
        %shift_right_logical3A_644 = arith.shrui %bitcast3A_643, %broadcast_in_dim3A_7 : vector<16xi32>
        %max3A_645 = arith.constant 30464 : i32
        %max3A_646 = vector.broadcast %max3A_645 : i32 to vector<16xi32>
        %max3A_647 = arith.maxsi %shift_right_logical3A_644, %max3A_646 : vector<16xi32>
        %min3A_648 = arith.constant 32511 : i32
        %min3A_649 = vector.broadcast %min3A_648 : i32 to vector<16xi32>
        %min3A_650 = arith.minsi %max3A_647, %min3A_649 : vector<16xi32>
        %jit3A_651 = arith.constant 12544 : i32
        %jit3A_652 = arith.constant -14080 : i32
        %broadcast_in_dim3A_653 = vector.broadcast %jit3A_651 : i32 to vector<16xi32>
        %broadcast_in_dim3A_654 = vector.broadcast %jit3A_652 : i32 to vector<16xi32>
        %select_n3A_655 = arith.select %eq3A_638, %broadcast_in_dim3A_653, %broadcast_in_dim3A_654 : vector<16xi1>, vector<16xi32>
        %add3A_656 = arith.addi %min3A_650, %select_n3A_655 : vector<16xi32>
        tpu.vector_store_idx %arg19[%add3A_656], %broadcast_in_dim3A_5 {add = true} : memref<53248xf32, #tpu.memory_space<vmem>>[vector<16xi32>], vector<16xf32>,
        %mul3A_657 = arith.mulf %exp3A_449, %div3A_466 : vector<16xf32>
        %eq3A_658 = arith.constant 9 : i32
        %eq3A_659 = vector.broadcast %eq3A_658 : i32 to vector<16xi32>
        %eq3A_660 = arith.cmpi eq, %get3A_362, %eq3A_659 : vector<16xi32>
        %sub3A_661 = arith.constant 1.000000e+00 : f32
        %sub3A_662 = vector.broadcast %sub3A_661 : f32 to vector<16xf32>
        %sub3A_663 = arith.subf %sub3A_662, %mul3A_657 : vector<16xf32>
        %select_n3A_664 = arith.select %eq3A_660, %sub3A_663, %mul3A_657 : vector<16xi1>, vector<16xf32>
        %bitcast3A_665 = vector.bitcast %select_n3A_664 : vector<16xf32> to vector<16xi32>
        %shift_right_logical3A_666 = arith.shrui %bitcast3A_665, %broadcast_in_dim3A_7 : vector<16xi32>
        %max3A_667 = arith.constant 30464 : i32
        %max3A_668 = vector.broadcast %max3A_667 : i32 to vector<16xi32>
        %max3A_669 = arith.maxsi %shift_right_logical3A_666, %max3A_668 : vector<16xi32>
        %min3A_670 = arith.constant 32511 : i32
        %min3A_671 = vector.broadcast %min3A_670 : i32 to vector<16xi32>
        %min3A_672 = arith.minsi %max3A_669, %min3A_671 : vector<16xi32>
        %jit3A_673 = arith.constant 14592 : i32
        %jit3A_674 = arith.constant -12032 : i32
        %broadcast_in_dim3A_675 = vector.broadcast %jit3A_673 : i32 to vector<16xi32>
        %broadcast_in_dim3A_676 = vector.broadcast %jit3A_674 : i32 to vector<16xi32>
        %select_n3A_677 = arith.select %eq3A_660, %broadcast_in_dim3A_675, %broadcast_in_dim3A_676 : vector<16xi1>, vector<16xi32>
        %add3A_678 = arith.addi %min3A_672, %select_n3A_677 : vector<16xi32>
        tpu.vector_store_idx %arg19[%add3A_678], %broadcast_in_dim3A_5 {add = true} : memref<53248xf32, #tpu.memory_space<vmem>>[vector<16xi32>], vector<16xf32>,
        %mul3A_679 = arith.mulf %exp3A_450, %div3A_466 : vector<16xf32>
        %eq3A_680 = arith.constant 10 : i32
        %eq3A_681 = vector.broadcast %eq3A_680 : i32 to vector<16xi32>
        %eq3A_682 = arith.cmpi eq, %get3A_362, %eq3A_681 : vector<16xi32>
        %sub3A_683 = arith.constant 1.000000e+00 : f32
        %sub3A_684 = vector.broadcast %sub3A_683 : f32 to vector<16xf32>
        %sub3A_685 = arith.subf %sub3A_684, %mul3A_679 : vector<16xf32>
        %select_n3A_686 = arith.select %eq3A_682, %sub3A_685, %mul3A_679 : vector<16xi1>, vector<16xf32>
        %bitcast3A_687 = vector.bitcast %select_n3A_686 : vector<16xf32> to vector<16xi32>
        %shift_right_logical3A_688 = arith.shrui %bitcast3A_687, %broadcast_in_dim3A_7 : vector<16xi32>
        %max3A_689 = arith.constant 30464 : i32
        %max3A_690 = vector.broadcast %max3A_689 : i32 to vector<16xi32>
        %max3A_691 = arith.maxsi %shift_right_logical3A_688, %max3A_690 : vector<16xi32>
        %min3A_692 = arith.constant 32511 : i32
        %min3A_693 = vector.broadcast %min3A_692 : i32 to vector<16xi32>
        %min3A_694 = arith.minsi %max3A_691, %min3A_693 : vector<16xi32>
        %jit3A_695 = arith.constant 16640 : i32
        %jit3A_696 = arith.constant -9984 : i32
        %broadcast_in_dim3A_697 = vector.broadcast %jit3A_695 : i32 to vector<16xi32>
        %broadcast_in_dim3A_698 = vector.broadcast %jit3A_696 : i32 to vector<16xi32>
        %select_n3A_699 = arith.select %eq3A_682, %broadcast_in_dim3A_697, %broadcast_in_dim3A_698 : vector<16xi1>, vector<16xi32>
        %add3A_700 = arith.addi %min3A_694, %select_n3A_699 : vector<16xi32>
        tpu.vector_store_idx %arg19[%add3A_700], %broadcast_in_dim3A_5 {add = true} : memref<53248xf32, #tpu.memory_space<vmem>>[vector<16xi32>], vector<16xf32>,
        %mul3A_701 = arith.mulf %exp3A_451, %div3A_466 : vector<16xf32>
        %eq3A_702 = arith.constant 11 : i32
        %eq3A_703 = vector.broadcast %eq3A_702 : i32 to vector<16xi32>
        %eq3A_704 = arith.cmpi eq, %get3A_362, %eq3A_703 : vector<16xi32>
        %sub3A_705 = arith.constant 1.000000e+00 : f32
        %sub3A_706 = vector.broadcast %sub3A_705 : f32 to vector<16xf32>
        %sub3A_707 = arith.subf %sub3A_706, %mul3A_701 : vector<16xf32>
        %select_n3A_708 = arith.select %eq3A_704, %sub3A_707, %mul3A_701 : vector<16xi1>, vector<16xf32>
        %bitcast3A_709 = vector.bitcast %select_n3A_708 : vector<16xf32> to vector<16xi32>
        %shift_right_logical3A_710 = arith.shrui %bitcast3A_709, %broadcast_in_dim3A_7 : vector<16xi32>
        %max3A_711 = arith.constant 30464 : i32
        %max3A_712 = vector.broadcast %max3A_711 : i32 to vector<16xi32>
        %max3A_713 = arith.maxsi %shift_right_logical3A_710, %max3A_712 : vector<16xi32>
        %min3A_714 = arith.constant 32511 : i32
        %min3A_715 = vector.broadcast %min3A_714 : i32 to vector<16xi32>
        %min3A_716 = arith.minsi %max3A_713, %min3A_715 : vector<16xi32>
        %jit3A_717 = arith.constant 18688 : i32
        %jit3A_718 = arith.constant -7936 : i32
        %broadcast_in_dim3A_719 = vector.broadcast %jit3A_717 : i32 to vector<16xi32>
        %broadcast_in_dim3A_720 = vector.broadcast %jit3A_718 : i32 to vector<16xi32>
        %select_n3A_721 = arith.select %eq3A_704, %broadcast_in_dim3A_719, %broadcast_in_dim3A_720 : vector<16xi1>, vector<16xi32>
        %add3A_722 = arith.addi %min3A_716, %select_n3A_721 : vector<16xi32>
        tpu.vector_store_idx %arg19[%add3A_722], %broadcast_in_dim3A_5 {add = true} : memref<53248xf32, #tpu.memory_space<vmem>>[vector<16xi32>], vector<16xf32>,
        %mul3A_723 = arith.mulf %exp3A_452, %div3A_466 : vector<16xf32>
        %eq3A_724 = arith.constant 12 : i32
        %eq3A_725 = vector.broadcast %eq3A_724 : i32 to vector<16xi32>
        %eq3A_726 = arith.cmpi eq, %get3A_362, %eq3A_725 : vector<16xi32>
        %sub3A_727 = arith.constant 1.000000e+00 : f32
        %sub3A_728 = vector.broadcast %sub3A_727 : f32 to vector<16xf32>
        %sub3A_729 = arith.subf %sub3A_728, %mul3A_723 : vector<16xf32>
        %select_n3A_730 = arith.select %eq3A_726, %sub3A_729, %mul3A_723 : vector<16xi1>, vector<16xf32>
        %bitcast3A_731 = vector.bitcast %select_n3A_730 : vector<16xf32> to vector<16xi32>
        %shift_right_logical3A_732 = arith.shrui %bitcast3A_731, %broadcast_in_dim3A_7 : vector<16xi32>
        %max3A_733 = arith.constant 30464 : i32
        %max3A_734 = vector.broadcast %max3A_733 : i32 to vector<16xi32>
        %max3A_735 = arith.maxsi %shift_right_logical3A_732, %max3A_734 : vector<16xi32>
        %min3A_736 = arith.constant 32511 : i32
        %min3A_737 = vector.broadcast %min3A_736 : i32 to vector<16xi32>
        %min3A_738 = arith.minsi %max3A_735, %min3A_737 : vector<16xi32>
        %jit3A_739 = arith.constant 20736 : i32
        %jit3A_740 = arith.constant -5888 : i32
        %broadcast_in_dim3A_741 = vector.broadcast %jit3A_739 : i32 to vector<16xi32>
        %broadcast_in_dim3A_742 = vector.broadcast %jit3A_740 : i32 to vector<16xi32>
        %select_n3A_743 = arith.select %eq3A_726, %broadcast_in_dim3A_741, %broadcast_in_dim3A_742 : vector<16xi1>, vector<16xi32>
        %add3A_744 = arith.addi %min3A_738, %select_n3A_743 : vector<16xi32>
        tpu.vector_store_idx %arg19[%add3A_744], %broadcast_in_dim3A_5 {add = true} : memref<53248xf32, #tpu.memory_space<vmem>>[vector<16xi32>], vector<16xf32>,
        %scan3A_745 = arith.constant 1 : i32
        %scan3A_746 = arith.addi %scan3A_353, %scan3A_745 : i32
        %mul3A_747 = arith.constant 1 : i32
        %mul3A_748 = arith.muli %scan3A_746, %mul3A_747 : i32
        %add3A_749 = arith.constant 0 : i32
        %add3A_750 = arith.addi %add3A_749, %mul3A_748 : i32
        %mul3A_751 = arith.constant 16 : i32
        %mul3A_752 = arith.muli %add3A_750, %mul3A_751 : i32
        %add3A_753 = arith.constant 2048 : i32
        %add3A_754 = arith.addi %add3A_753, %mul3A_752 : i32
        %get3A_755 = arith.index_cast %add3A_754 : i32 to index
        %get3A_756 = tpu.vector_load %arg18[%get3A_755] {strides = array<i32>} : memref<4096xi32, #tpu.memory_space<vmem>>, vector<16xi32>,
        %mul3A_757 = arith.constant 16 : i32
        %mul3A_758 = arith.muli %add3A_750, %mul3A_757 : i32
        %add3A_759 = arith.constant 26624 : i32
        %add3A_760 = arith.addi %add3A_759, %mul3A_758 : i32
        %get3A_761 = arith.index_cast %add3A_760 : i32 to index
        %get3A_762 = tpu.vector_load %arg17[%get3A_761] {strides = array<i32>} : memref<53248xf32, #tpu.memory_space<vmem>>, vector<16xf32>,
        %mul3A_763 = arith.constant 16 : i32
        %mul3A_764 = arith.muli %add3A_750, %mul3A_763 : i32
        %add3A_765 = arith.constant 28672 : i32
        %add3A_766 = arith.addi %add3A_765, %mul3A_764 : i32
        %get3A_767 = arith.index_cast %add3A_766 : i32 to index
        %get3A_768 = tpu.vector_load %arg17[%get3A_767] {strides = array<i32>} : memref<53248xf32, #tpu.memory_space<vmem>>, vector<16xf32>,
        %mul3A_769 = arith.constant 16 : i32
        %mul3A_770 = arith.muli %add3A_750, %mul3A_769 : i32
        %add3A_771 = arith.constant 30720 : i32
        %add3A_772 = arith.addi %add3A_771, %mul3A_770 : i32
        %get3A_773 = arith.index_cast %add3A_772 : i32 to index
        %get3A_774 = tpu.vector_load %arg17[%get3A_773] {strides = array<i32>} : memref<53248xf32, #tpu.memory_space<vmem>>, vector<16xf32>,
        %mul3A_775 = arith.constant 16 : i32
        %mul3A_776 = arith.muli %add3A_750, %mul3A_775 : i32
        %add3A_777 = arith.constant 32768 : i32
        %add3A_778 = arith.addi %add3A_777, %mul3A_776 : i32
        %get3A_779 = arith.index_cast %add3A_778 : i32 to index
        %get3A_780 = tpu.vector_load %arg17[%get3A_779] {strides = array<i32>} : memref<53248xf32, #tpu.memory_space<vmem>>, vector<16xf32>,
        %mul3A_781 = arith.constant 16 : i32
        %mul3A_782 = arith.muli %add3A_750, %mul3A_781 : i32
        %add3A_783 = arith.constant 34816 : i32
        %add3A_784 = arith.addi %add3A_783, %mul3A_782 : i32
        %get3A_785 = arith.index_cast %add3A_784 : i32 to index
        %get3A_786 = tpu.vector_load %arg17[%get3A_785] {strides = array<i32>} : memref<53248xf32, #tpu.memory_space<vmem>>, vector<16xf32>,
        %mul3A_787 = arith.constant 16 : i32
        %mul3A_788 = arith.muli %add3A_750, %mul3A_787 : i32
        %add3A_789 = arith.constant 36864 : i32
        %add3A_790 = arith.addi %add3A_789, %mul3A_788 : i32
        %get3A_791 = arith.index_cast %add3A_790 : i32 to index
        %get3A_792 = tpu.vector_load %arg17[%get3A_791] {strides = array<i32>} : memref<53248xf32, #tpu.memory_space<vmem>>, vector<16xf32>,
        %mul3A_793 = arith.constant 16 : i32
        %mul3A_794 = arith.muli %add3A_750, %mul3A_793 : i32
        %add3A_795 = arith.constant 38912 : i32
        %add3A_796 = arith.addi %add3A_795, %mul3A_794 : i32
        %get3A_797 = arith.index_cast %add3A_796 : i32 to index
        %get3A_798 = tpu.vector_load %arg17[%get3A_797] {strides = array<i32>} : memref<53248xf32, #tpu.memory_space<vmem>>, vector<16xf32>,
        %mul3A_799 = arith.constant 16 : i32
        %mul3A_800 = arith.muli %add3A_750, %mul3A_799 : i32
        %add3A_801 = arith.constant 40960 : i32
        %add3A_802 = arith.addi %add3A_801, %mul3A_800 : i32
        %get3A_803 = arith.index_cast %add3A_802 : i32 to index
        %get3A_804 = tpu.vector_load %arg17[%get3A_803] {strides = array<i32>} : memref<53248xf32, #tpu.memory_space<vmem>>, vector<16xf32>,
        %mul3A_805 = arith.constant 16 : i32
        %mul3A_806 = arith.muli %add3A_750, %mul3A_805 : i32
        %add3A_807 = arith.constant 43008 : i32
        %add3A_808 = arith.addi %add3A_807, %mul3A_806 : i32
        %get3A_809 = arith.index_cast %add3A_808 : i32 to index
        %get3A_810 = tpu.vector_load %arg17[%get3A_809] {strides = array<i32>} : memref<53248xf32, #tpu.memory_space<vmem>>, vector<16xf32>,
        %mul3A_811 = arith.constant 16 : i32
        %mul3A_812 = arith.muli %add3A_750, %mul3A_811 : i32
        %add3A_813 = arith.constant 45056 : i32
        %add3A_814 = arith.addi %add3A_813, %mul3A_812 : i32
        %get3A_815 = arith.index_cast %add3A_814 : i32 to index
        %get3A_816 = tpu.vector_load %arg17[%get3A_815] {strides = array<i32>} : memref<53248xf32, #tpu.memory_space<vmem>>, vector<16xf32>,
        %mul3A_817 = arith.constant 16 : i32
        %mul3A_818 = arith.muli %add3A_750, %mul3A_817 : i32
        %add3A_819 = arith.constant 47104 : i32
        %add3A_820 = arith.addi %add3A_819, %mul3A_818 : i32
        %get3A_821 = arith.index_cast %add3A_820 : i32 to index
        %get3A_822 = tpu.vector_load %arg17[%get3A_821] {strides = array<i32>} : memref<53248xf32, #tpu.memory_space<vmem>>, vector<16xf32>,
        %mul3A_823 = arith.constant 16 : i32
        %mul3A_824 = arith.muli %add3A_750, %mul3A_823 : i32
        %add3A_825 = arith.constant 49152 : i32
        %add3A_826 = arith.addi %add3A_825, %mul3A_824 : i32
        %get3A_827 = arith.index_cast %add3A_826 : i32 to index
        %get3A_828 = tpu.vector_load %arg17[%get3A_827] {strides = array<i32>} : memref<53248xf32, #tpu.memory_space<vmem>>, vector<16xf32>,
        %mul3A_829 = arith.constant 16 : i32
        %mul3A_830 = arith.muli %add3A_750, %mul3A_829 : i32
        %add3A_831 = arith.constant 51200 : i32
        %add3A_832 = arith.addi %add3A_831, %mul3A_830 : i32
        %get3A_833 = arith.index_cast %add3A_832 : i32 to index
        %get3A_834 = tpu.vector_load %arg17[%get3A_833] {strides = array<i32>} : memref<53248xf32, #tpu.memory_space<vmem>>, vector<16xf32>,
        %exp3A_835 = math.exp %get3A_762 : vector<16xf32>
        %exp3A_836 = math.exp %get3A_768 : vector<16xf32>
        %exp3A_837 = math.exp %get3A_774 : vector<16xf32>
        %exp3A_838 = math.exp %get3A_780 : vector<16xf32>
        %exp3A_839 = math.exp %get3A_786 : vector<16xf32>
        %exp3A_840 = math.exp %get3A_792 : vector<16xf32>
        %exp3A_841 = math.exp %get3A_798 : vector<16xf32>
        %exp3A_842 = math.exp %get3A_804 : vector<16xf32>
        %exp3A_843 = math.exp %get3A_810 : vector<16xf32>
        %exp3A_844 = math.exp %get3A_816 : vector<16xf32>
        %exp3A_845 = math.exp %get3A_822 : vector<16xf32>
        %exp3A_846 = math.exp %get3A_828 : vector<16xf32>
        %exp3A_847 = math.exp %get3A_834 : vector<16xf32>
        %add3A_848 = arith.addf %exp3A_835, %exp3A_836 : vector<16xf32>
        %add3A_849 = arith.addf %exp3A_837, %exp3A_838 : vector<16xf32>
        %add3A_850 = arith.addf %exp3A_839, %exp3A_840 : vector<16xf32>
        %add3A_851 = arith.addf %exp3A_841, %exp3A_842 : vector<16xf32>
        %add3A_852 = arith.addf %exp3A_843, %exp3A_844 : vector<16xf32>
        %add3A_853 = arith.addf %exp3A_845, %exp3A_846 : vector<16xf32>
        %add3A_854 = arith.addf %add3A_848, %add3A_849 : vector<16xf32>
        %add3A_855 = arith.addf %add3A_850, %add3A_851 : vector<16xf32>
        %add3A_856 = arith.addf %add3A_852, %add3A_853 : vector<16xf32>
        %add3A_857 = arith.addf %add3A_854, %add3A_855 : vector<16xf32>
        %add3A_858 = arith.addf %add3A_856, %exp3A_847 : vector<16xf32>
        %add3A_859 = arith.addf %add3A_857, %add3A_858 : vector<16xf32>
        %div3A_860 = arith.constant 1.000000e+00 : f32
        %div3A_861 = vector.broadcast %div3A_860 : f32 to vector<16xf32>
        %div3A_862 = arith.divf %div3A_861, %add3A_859 : vector<16xf32>
        %mul3A_863 = arith.mulf %exp3A_835, %div3A_862 : vector<16xf32>
        %eq3A_864 = arith.constant 0 : i32
        %eq3A_865 = vector.broadcast %eq3A_864 : i32 to vector<16xi32>
        %eq3A_866 = arith.cmpi eq, %get3A_756, %eq3A_865 : vector<16xi32>
        %sub3A_867 = arith.constant 1.000000e+00 : f32
        %sub3A_868 = vector.broadcast %sub3A_867 : f32 to vector<16xf32>
        %sub3A_869 = arith.subf %sub3A_868, %mul3A_863 : vector<16xf32>
        %select_n3A_870 = arith.select %eq3A_866, %sub3A_869, %mul3A_863 : vector<16xi1>, vector<16xf32>
        %bitcast3A_871 = vector.bitcast %select_n3A_870 : vector<16xf32> to vector<16xi32>
        %shift_right_logical3A_872 = arith.shrui %bitcast3A_871, %broadcast_in_dim3A_7 : vector<16xi32>
        %max3A_873 = arith.constant 30464 : i32
        %max3A_874 = vector.broadcast %max3A_873 : i32 to vector<16xi32>
        %max3A_875 = arith.maxsi %shift_right_logical3A_872, %max3A_874 : vector<16xi32>
        %min3A_876 = arith.constant 32511 : i32
        %min3A_877 = vector.broadcast %min3A_876 : i32 to vector<16xi32>
        %min3A_878 = arith.minsi %max3A_875, %min3A_877 : vector<16xi32>
        %jit3A_879 = arith.constant -3840 : i32
        %jit3A_880 = arith.constant -30464 : i32
        %broadcast_in_dim3A_881 = vector.broadcast %jit3A_879 : i32 to vector<16xi32>
        %broadcast_in_dim3A_882 = vector.broadcast %jit3A_880 : i32 to vector<16xi32>
        %select_n3A_883 = arith.select %eq3A_866, %broadcast_in_dim3A_881, %broadcast_in_dim3A_882 : vector<16xi1>, vector<16xi32>
        %add3A_884 = arith.addi %min3A_878, %select_n3A_883 : vector<16xi32>
        tpu.vector_store_idx %arg19[%add3A_884], %broadcast_in_dim3A_5 {add = true} : memref<53248xf32, #tpu.memory_space<vmem>>[vector<16xi32>], vector<16xf32>,
        %mul3A_885 = arith.mulf %exp3A_836, %div3A_862 : vector<16xf32>
        %eq3A_886 = arith.constant 1 : i32
        %eq3A_887 = vector.broadcast %eq3A_886 : i32 to vector<16xi32>
        %eq3A_888 = arith.cmpi eq, %get3A_756, %eq3A_887 : vector<16xi32>
        %sub3A_889 = arith.constant 1.000000e+00 : f32
        %sub3A_890 = vector.broadcast %sub3A_889 : f32 to vector<16xf32>
        %sub3A_891 = arith.subf %sub3A_890, %mul3A_885 : vector<16xf32>
        %select_n3A_892 = arith.select %eq3A_888, %sub3A_891, %mul3A_885 : vector<16xi1>, vector<16xf32>
        %bitcast3A_893 = vector.bitcast %select_n3A_892 : vector<16xf32> to vector<16xi32>
        %shift_right_logical3A_894 = arith.shrui %bitcast3A_893, %broadcast_in_dim3A_7 : vector<16xi32>
        %max3A_895 = arith.constant 30464 : i32
        %max3A_896 = vector.broadcast %max3A_895 : i32 to vector<16xi32>
        %max3A_897 = arith.maxsi %shift_right_logical3A_894, %max3A_896 : vector<16xi32>
        %min3A_898 = arith.constant 32511 : i32
        %min3A_899 = vector.broadcast %min3A_898 : i32 to vector<16xi32>
        %min3A_900 = arith.minsi %max3A_897, %min3A_899 : vector<16xi32>
        %jit3A_901 = arith.constant -1792 : i32
        %jit3A_902 = arith.constant -28416 : i32
        %broadcast_in_dim3A_903 = vector.broadcast %jit3A_901 : i32 to vector<16xi32>
        %broadcast_in_dim3A_904 = vector.broadcast %jit3A_902 : i32 to vector<16xi32>
        %select_n3A_905 = arith.select %eq3A_888, %broadcast_in_dim3A_903, %broadcast_in_dim3A_904 : vector<16xi1>, vector<16xi32>
        %add3A_906 = arith.addi %min3A_900, %select_n3A_905 : vector<16xi32>
        tpu.vector_store_idx %arg19[%add3A_906], %broadcast_in_dim3A_5 {add = true} : memref<53248xf32, #tpu.memory_space<vmem>>[vector<16xi32>], vector<16xf32>,
        %mul3A_907 = arith.mulf %exp3A_837, %div3A_862 : vector<16xf32>
        %eq3A_908 = arith.constant 2 : i32
        %eq3A_909 = vector.broadcast %eq3A_908 : i32 to vector<16xi32>
        %eq3A_910 = arith.cmpi eq, %get3A_756, %eq3A_909 : vector<16xi32>
        %sub3A_911 = arith.constant 1.000000e+00 : f32
        %sub3A_912 = vector.broadcast %sub3A_911 : f32 to vector<16xf32>
        %sub3A_913 = arith.subf %sub3A_912, %mul3A_907 : vector<16xf32>
        %select_n3A_914 = arith.select %eq3A_910, %sub3A_913, %mul3A_907 : vector<16xi1>, vector<16xf32>
        %bitcast3A_915 = vector.bitcast %select_n3A_914 : vector<16xf32> to vector<16xi32>
        %shift_right_logical3A_916 = arith.shrui %bitcast3A_915, %broadcast_in_dim3A_7 : vector<16xi32>
        %max3A_917 = arith.constant 30464 : i32
        %max3A_918 = vector.broadcast %max3A_917 : i32 to vector<16xi32>
        %max3A_919 = arith.maxsi %shift_right_logical3A_916, %max3A_918 : vector<16xi32>
        %min3A_920 = arith.constant 32511 : i32
        %min3A_921 = vector.broadcast %min3A_920 : i32 to vector<16xi32>
        %min3A_922 = arith.minsi %max3A_919, %min3A_921 : vector<16xi32>
        %jit3A_923 = arith.constant 256 : i32
        %jit3A_924 = arith.constant -26368 : i32
        %broadcast_in_dim3A_925 = vector.broadcast %jit3A_923 : i32 to vector<16xi32>
        %broadcast_in_dim3A_926 = vector.broadcast %jit3A_924 : i32 to vector<16xi32>
        %select_n3A_927 = arith.select %eq3A_910, %broadcast_in_dim3A_925, %broadcast_in_dim3A_926 : vector<16xi1>, vector<16xi32>
        %add3A_928 = arith.addi %min3A_922, %select_n3A_927 : vector<16xi32>
        tpu.vector_store_idx %arg19[%add3A_928], %broadcast_in_dim3A_5 {add = true} : memref<53248xf32, #tpu.memory_space<vmem>>[vector<16xi32>], vector<16xf32>,
        %mul3A_929 = arith.mulf %exp3A_838, %div3A_862 : vector<16xf32>
        %eq3A_930 = arith.constant 3 : i32
        %eq3A_931 = vector.broadcast %eq3A_930 : i32 to vector<16xi32>
        %eq3A_932 = arith.cmpi eq, %get3A_756, %eq3A_931 : vector<16xi32>
        %sub3A_933 = arith.constant 1.000000e+00 : f32
        %sub3A_934 = vector.broadcast %sub3A_933 : f32 to vector<16xf32>
        %sub3A_935 = arith.subf %sub3A_934, %mul3A_929 : vector<16xf32>
        %select_n3A_936 = arith.select %eq3A_932, %sub3A_935, %mul3A_929 : vector<16xi1>, vector<16xf32>
        %bitcast3A_937 = vector.bitcast %select_n3A_936 : vector<16xf32> to vector<16xi32>
        %shift_right_logical3A_938 = arith.shrui %bitcast3A_937, %broadcast_in_dim3A_7 : vector<16xi32>
        %max3A_939 = arith.constant 30464 : i32
        %max3A_940 = vector.broadcast %max3A_939 : i32 to vector<16xi32>
        %max3A_941 = arith.maxsi %shift_right_logical3A_938, %max3A_940 : vector<16xi32>
        %min3A_942 = arith.constant 32511 : i32
        %min3A_943 = vector.broadcast %min3A_942 : i32 to vector<16xi32>
        %min3A_944 = arith.minsi %max3A_941, %min3A_943 : vector<16xi32>
        %jit3A_945 = arith.constant 2304 : i32
        %jit3A_946 = arith.constant -24320 : i32
        %broadcast_in_dim3A_947 = vector.broadcast %jit3A_945 : i32 to vector<16xi32>
        %broadcast_in_dim3A_948 = vector.broadcast %jit3A_946 : i32 to vector<16xi32>
        %select_n3A_949 = arith.select %eq3A_932, %broadcast_in_dim3A_947, %broadcast_in_dim3A_948 : vector<16xi1>, vector<16xi32>
        %add3A_950 = arith.addi %min3A_944, %select_n3A_949 : vector<16xi32>
        tpu.vector_store_idx %arg19[%add3A_950], %broadcast_in_dim3A_5 {add = true} : memref<53248xf32, #tpu.memory_space<vmem>>[vector<16xi32>], vector<16xf32>,
        %mul3A_951 = arith.mulf %exp3A_839, %div3A_862 : vector<16xf32>
        %eq3A_952 = arith.constant 4 : i32
        %eq3A_953 = vector.broadcast %eq3A_952 : i32 to vector<16xi32>
        %eq3A_954 = arith.cmpi eq, %get3A_756, %eq3A_953 : vector<16xi32>
        %sub3A_955 = arith.constant 1.000000e+00 : f32
        %sub3A_956 = vector.broadcast %sub3A_955 : f32 to vector<16xf32>
        %sub3A_957 = arith.subf %sub3A_956, %mul3A_951 : vector<16xf32>
        %select_n3A_958 = arith.select %eq3A_954, %sub3A_957, %mul3A_951 : vector<16xi1>, vector<16xf32>
        %bitcast3A_959 = vector.bitcast %select_n3A_958 : vector<16xf32> to vector<16xi32>
        %shift_right_logical3A_960 = arith.shrui %bitcast3A_959, %broadcast_in_dim3A_7 : vector<16xi32>
        %max3A_961 = arith.constant 30464 : i32
        %max3A_962 = vector.broadcast %max3A_961 : i32 to vector<16xi32>
        %max3A_963 = arith.maxsi %shift_right_logical3A_960, %max3A_962 : vector<16xi32>
        %min3A_964 = arith.constant 32511 : i32
        %min3A_965 = vector.broadcast %min3A_964 : i32 to vector<16xi32>
        %min3A_966 = arith.minsi %max3A_963, %min3A_965 : vector<16xi32>
        %jit3A_967 = arith.constant 4352 : i32
        %jit3A_968 = arith.constant -22272 : i32
        %broadcast_in_dim3A_969 = vector.broadcast %jit3A_967 : i32 to vector<16xi32>
        %broadcast_in_dim3A_970 = vector.broadcast %jit3A_968 : i32 to vector<16xi32>
        %select_n3A_971 = arith.select %eq3A_954, %broadcast_in_dim3A_969, %broadcast_in_dim3A_970 : vector<16xi1>, vector<16xi32>
        %add3A_972 = arith.addi %min3A_966, %select_n3A_971 : vector<16xi32>
        tpu.vector_store_idx %arg19[%add3A_972], %broadcast_in_dim3A_5 {add = true} : memref<53248xf32, #tpu.memory_space<vmem>>[vector<16xi32>], vector<16xf32>,
        %mul3A_973 = arith.mulf %exp3A_840, %div3A_862 : vector<16xf32>
        %eq3A_974 = arith.constant 5 : i32
        %eq3A_975 = vector.broadcast %eq3A_974 : i32 to vector<16xi32>
        %eq3A_976 = arith.cmpi eq, %get3A_756, %eq3A_975 : vector<16xi32>
        %sub3A_977 = arith.constant 1.000000e+00 : f32
        %sub3A_978 = vector.broadcast %sub3A_977 : f32 to vector<16xf32>
        %sub3A_979 = arith.subf %sub3A_978, %mul3A_973 : vector<16xf32>
        %select_n3A_980 = arith.select %eq3A_976, %sub3A_979, %mul3A_973 : vector<16xi1>, vector<16xf32>
        %bitcast3A_981 = vector.bitcast %select_n3A_980 : vector<16xf32> to vector<16xi32>
        %shift_right_logical3A_982 = arith.shrui %bitcast3A_981, %broadcast_in_dim3A_7 : vector<16xi32>
        %max3A_983 = arith.constant 30464 : i32
        %max3A_984 = vector.broadcast %max3A_983 : i32 to vector<16xi32>
        %max3A_985 = arith.maxsi %shift_right_logical3A_982, %max3A_984 : vector<16xi32>
        %min3A_986 = arith.constant 32511 : i32
        %min3A_987 = vector.broadcast %min3A_986 : i32 to vector<16xi32>
        %min3A_988 = arith.minsi %max3A_985, %min3A_987 : vector<16xi32>
        %jit3A_989 = arith.constant 6400 : i32
        %jit3A_990 = arith.constant -20224 : i32
        %broadcast_in_dim3A_991 = vector.broadcast %jit3A_989 : i32 to vector<16xi32>
        %broadcast_in_dim3A_992 = vector.broadcast %jit3A_990 : i32 to vector<16xi32>
        %select_n3A_993 = arith.select %eq3A_976, %broadcast_in_dim3A_991, %broadcast_in_dim3A_992 : vector<16xi1>, vector<16xi32>
        %add3A_994 = arith.addi %min3A_988, %select_n3A_993 : vector<16xi32>
        tpu.vector_store_idx %arg19[%add3A_994], %broadcast_in_dim3A_5 {add = true} : memref<53248xf32, #tpu.memory_space<vmem>>[vector<16xi32>], vector<16xf32>,
        %mul3A_995 = arith.mulf %exp3A_841, %div3A_862 : vector<16xf32>
        %eq3A_996 = arith.constant 6 : i32
        %eq3A_997 = vector.broadcast %eq3A_996 : i32 to vector<16xi32>
        %eq3A_998 = arith.cmpi eq, %get3A_756, %eq3A_997 : vector<16xi32>
        %sub3A_999 = arith.constant 1.000000e+00 : f32
        %sub3A_1000 = vector.broadcast %sub3A_999 : f32 to vector<16xf32>
        %sub3A_1001 = arith.subf %sub3A_1000, %mul3A_995 : vector<16xf32>
        %select_n3A_1002 = arith.select %eq3A_998, %sub3A_1001, %mul3A_995 : vector<16xi1>, vector<16xf32>
        %bitcast3A_1003 = vector.bitcast %select_n3A_1002 : vector<16xf32> to vector<16xi32>
        %shift_right_logical3A_1004 = arith.shrui %bitcast3A_1003, %broadcast_in_dim3A_7 : vector<16xi32>
        %max3A_1005 = arith.constant 30464 : i32
        %max3A_1006 = vector.broadcast %max3A_1005 : i32 to vector<16xi32>
        %max3A_1007 = arith.maxsi %shift_right_logical3A_1004, %max3A_1006 : vector<16xi32>
        %min3A_1008 = arith.constant 32511 : i32
        %min3A_1009 = vector.broadcast %min3A_1008 : i32 to vector<16xi32>
        %min3A_1010 = arith.minsi %max3A_1007, %min3A_1009 : vector<16xi32>
        %jit3A_1011 = arith.constant 8448 : i32
        %jit3A_1012 = arith.constant -18176 : i32
        %broadcast_in_dim3A_1013 = vector.broadcast %jit3A_1011 : i32 to vector<16xi32>
        %broadcast_in_dim3A_1014 = vector.broadcast %jit3A_1012 : i32 to vector<16xi32>
        %select_n3A_1015 = arith.select %eq3A_998, %broadcast_in_dim3A_1013, %broadcast_in_dim3A_1014 : vector<16xi1>, vector<16xi32>
        %add3A_1016 = arith.addi %min3A_1010, %select_n3A_1015 : vector<16xi32>
        tpu.vector_store_idx %arg19[%add3A_1016], %broadcast_in_dim3A_5 {add = true} : memref<53248xf32, #tpu.memory_space<vmem>>[vector<16xi32>], vector<16xf32>,
        %mul3A_1017 = arith.mulf %exp3A_842, %div3A_862 : vector<16xf32>
        %eq3A_1018 = arith.constant 7 : i32
        %eq3A_1019 = vector.broadcast %eq3A_1018 : i32 to vector<16xi32>
        %eq3A_1020 = arith.cmpi eq, %get3A_756, %eq3A_1019 : vector<16xi32>
        %sub3A_1021 = arith.constant 1.000000e+00 : f32
        %sub3A_1022 = vector.broadcast %sub3A_1021 : f32 to vector<16xf32>
        %sub3A_1023 = arith.subf %sub3A_1022, %mul3A_1017 : vector<16xf32>
        %select_n3A_1024 = arith.select %eq3A_1020, %sub3A_1023, %mul3A_1017 : vector<16xi1>, vector<16xf32>
        %bitcast3A_1025 = vector.bitcast %select_n3A_1024 : vector<16xf32> to vector<16xi32>
        %shift_right_logical3A_1026 = arith.shrui %bitcast3A_1025, %broadcast_in_dim3A_7 : vector<16xi32>
        %max3A_1027 = arith.constant 30464 : i32
        %max3A_1028 = vector.broadcast %max3A_1027 : i32 to vector<16xi32>
        %max3A_1029 = arith.maxsi %shift_right_logical3A_1026, %max3A_1028 : vector<16xi32>
        %min3A_1030 = arith.constant 32511 : i32
        %min3A_1031 = vector.broadcast %min3A_1030 : i32 to vector<16xi32>
        %min3A_1032 = arith.minsi %max3A_1029, %min3A_1031 : vector<16xi32>
        %jit3A_1033 = arith.constant 10496 : i32
        %jit3A_1034 = arith.constant -16128 : i32
        %broadcast_in_dim3A_1035 = vector.broadcast %jit3A_1033 : i32 to vector<16xi32>
        %broadcast_in_dim3A_1036 = vector.broadcast %jit3A_1034 : i32 to vector<16xi32>
        %select_n3A_1037 = arith.select %eq3A_1020, %broadcast_in_dim3A_1035, %broadcast_in_dim3A_1036 : vector<16xi1>, vector<16xi32>
        %add3A_1038 = arith.addi %min3A_1032, %select_n3A_1037 : vector<16xi32>
        tpu.vector_store_idx %arg19[%add3A_1038], %broadcast_in_dim3A_5 {add = true} : memref<53248xf32, #tpu.memory_space<vmem>>[vector<16xi32>], vector<16xf32>,
        %mul3A_1039 = arith.mulf %exp3A_843, %div3A_862 : vector<16xf32>
        %eq3A_1040 = arith.constant 8 : i32
        %eq3A_1041 = vector.broadcast %eq3A_1040 : i32 to vector<16xi32>
        %eq3A_1042 = arith.cmpi eq, %get3A_756, %eq3A_1041 : vector<16xi32>
        %sub3A_1043 = arith.constant 1.000000e+00 : f32
        %sub3A_1044 = vector.broadcast %sub3A_1043 : f32 to vector<16xf32>
        %sub3A_1045 = arith.subf %sub3A_1044, %mul3A_1039 : vector<16xf32>
        %select_n3A_1046 = arith.select %eq3A_1042, %sub3A_1045, %mul3A_1039 : vector<16xi1>, vector<16xf32>
        %bitcast3A_1047 = vector.bitcast %select_n3A_1046 : vector<16xf32> to vector<16xi32>
        %shift_right_logical3A_1048 = arith.shrui %bitcast3A_1047, %broadcast_in_dim3A_7 : vector<16xi32>
        %max3A_1049 = arith.constant 30464 : i32
        %max3A_1050 = vector.broadcast %max3A_1049 : i32 to vector<16xi32>
        %max3A_1051 = arith.maxsi %shift_right_logical3A_1048, %max3A_1050 : vector<16xi32>
        %min3A_1052 = arith.constant 32511 : i32
        %min3A_1053 = vector.broadcast %min3A_1052 : i32 to vector<16xi32>
        %min3A_1054 = arith.minsi %max3A_1051, %min3A_1053 : vector<16xi32>
        %jit3A_1055 = arith.constant 12544 : i32
        %jit3A_1056 = arith.constant -14080 : i32
        %broadcast_in_dim3A_1057 = vector.broadcast %jit3A_1055 : i32 to vector<16xi32>
        %broadcast_in_dim3A_1058 = vector.broadcast %jit3A_1056 : i32 to vector<16xi32>
        %select_n3A_1059 = arith.select %eq3A_1042, %broadcast_in_dim3A_1057, %broadcast_in_dim3A_1058 : vector<16xi1>, vector<16xi32>
        %add3A_1060 = arith.addi %min3A_1054, %select_n3A_1059 : vector<16xi32>
        tpu.vector_store_idx %arg19[%add3A_1060], %broadcast_in_dim3A_5 {add = true} : memref<53248xf32, #tpu.memory_space<vmem>>[vector<16xi32>], vector<16xf32>,
        %mul3A_1061 = arith.mulf %exp3A_844, %div3A_862 : vector<16xf32>
        %eq3A_1062 = arith.constant 9 : i32
        %eq3A_1063 = vector.broadcast %eq3A_1062 : i32 to vector<16xi32>
        %eq3A_1064 = arith.cmpi eq, %get3A_756, %eq3A_1063 : vector<16xi32>
        %sub3A_1065 = arith.constant 1.000000e+00 : f32
        %sub3A_1066 = vector.broadcast %sub3A_1065 : f32 to vector<16xf32>
        %sub3A_1067 = arith.subf %sub3A_1066, %mul3A_1061 : vector<16xf32>
        %select_n3A_1068 = arith.select %eq3A_1064, %sub3A_1067, %mul3A_1061 : vector<16xi1>, vector<16xf32>
        %bitcast3A_1069 = vector.bitcast %select_n3A_1068 : vector<16xf32> to vector<16xi32>
        %shift_right_logical3A_1070 = arith.shrui %bitcast3A_1069, %broadcast_in_dim3A_7 : vector<16xi32>
        %max3A_1071 = arith.constant 30464 : i32
        %max3A_1072 = vector.broadcast %max3A_1071 : i32 to vector<16xi32>
        %max3A_1073 = arith.maxsi %shift_right_logical3A_1070, %max3A_1072 : vector<16xi32>
        %min3A_1074 = arith.constant 32511 : i32
        %min3A_1075 = vector.broadcast %min3A_1074 : i32 to vector<16xi32>
        %min3A_1076 = arith.minsi %max3A_1073, %min3A_1075 : vector<16xi32>
        %jit3A_1077 = arith.constant 14592 : i32
        %jit3A_1078 = arith.constant -12032 : i32
        %broadcast_in_dim3A_1079 = vector.broadcast %jit3A_1077 : i32 to vector<16xi32>
        %broadcast_in_dim3A_1080 = vector.broadcast %jit3A_1078 : i32 to vector<16xi32>
        %select_n3A_1081 = arith.select %eq3A_1064, %broadcast_in_dim3A_1079, %broadcast_in_dim3A_1080 : vector<16xi1>, vector<16xi32>
        %add3A_1082 = arith.addi %min3A_1076, %select_n3A_1081 : vector<16xi32>
        tpu.vector_store_idx %arg19[%add3A_1082], %broadcast_in_dim3A_5 {add = true} : memref<53248xf32, #tpu.memory_space<vmem>>[vector<16xi32>], vector<16xf32>,
        %mul3A_1083 = arith.mulf %exp3A_845, %div3A_862 : vector<16xf32>
        %eq3A_1084 = arith.constant 10 : i32
        %eq3A_1085 = vector.broadcast %eq3A_1084 : i32 to vector<16xi32>
        %eq3A_1086 = arith.cmpi eq, %get3A_756, %eq3A_1085 : vector<16xi32>
        %sub3A_1087 = arith.constant 1.000000e+00 : f32
        %sub3A_1088 = vector.broadcast %sub3A_1087 : f32 to vector<16xf32>
        %sub3A_1089 = arith.subf %sub3A_1088, %mul3A_1083 : vector<16xf32>
        %select_n3A_1090 = arith.select %eq3A_1086, %sub3A_1089, %mul3A_1083 : vector<16xi1>, vector<16xf32>
        %bitcast3A_1091 = vector.bitcast %select_n3A_1090 : vector<16xf32> to vector<16xi32>
        %shift_right_logical3A_1092 = arith.shrui %bitcast3A_1091, %broadcast_in_dim3A_7 : vector<16xi32>
        %max3A_1093 = arith.constant 30464 : i32
        %max3A_1094 = vector.broadcast %max3A_1093 : i32 to vector<16xi32>
        %max3A_1095 = arith.maxsi %shift_right_logical3A_1092, %max3A_1094 : vector<16xi32>
        %min3A_1096 = arith.constant 32511 : i32
        %min3A_1097 = vector.broadcast %min3A_1096 : i32 to vector<16xi32>
        %min3A_1098 = arith.minsi %max3A_1095, %min3A_1097 : vector<16xi32>
        %jit3A_1099 = arith.constant 16640 : i32
        %jit3A_1100 = arith.constant -9984 : i32
        %broadcast_in_dim3A_1101 = vector.broadcast %jit3A_1099 : i32 to vector<16xi32>
        %broadcast_in_dim3A_1102 = vector.broadcast %jit3A_1100 : i32 to vector<16xi32>
        %select_n3A_1103 = arith.select %eq3A_1086, %broadcast_in_dim3A_1101, %broadcast_in_dim3A_1102 : vector<16xi1>, vector<16xi32>
        %add3A_1104 = arith.addi %min3A_1098, %select_n3A_1103 : vector<16xi32>
        tpu.vector_store_idx %arg19[%add3A_1104], %broadcast_in_dim3A_5 {add = true} : memref<53248xf32, #tpu.memory_space<vmem>>[vector<16xi32>], vector<16xf32>,
        %mul3A_1105 = arith.mulf %exp3A_846, %div3A_862 : vector<16xf32>
        %eq3A_1106 = arith.constant 11 : i32
        %eq3A_1107 = vector.broadcast %eq3A_1106 : i32 to vector<16xi32>
        %eq3A_1108 = arith.cmpi eq, %get3A_756, %eq3A_1107 : vector<16xi32>
        %sub3A_1109 = arith.constant 1.000000e+00 : f32
        %sub3A_1110 = vector.broadcast %sub3A_1109 : f32 to vector<16xf32>
        %sub3A_1111 = arith.subf %sub3A_1110, %mul3A_1105 : vector<16xf32>
        %select_n3A_1112 = arith.select %eq3A_1108, %sub3A_1111, %mul3A_1105 : vector<16xi1>, vector<16xf32>
        %bitcast3A_1113 = vector.bitcast %select_n3A_1112 : vector<16xf32> to vector<16xi32>
        %shift_right_logical3A_1114 = arith.shrui %bitcast3A_1113, %broadcast_in_dim3A_7 : vector<16xi32>
        %max3A_1115 = arith.constant 30464 : i32
        %max3A_1116 = vector.broadcast %max3A_1115 : i32 to vector<16xi32>
        %max3A_1117 = arith.maxsi %shift_right_logical3A_1114, %max3A_1116 : vector<16xi32>
        %min3A_1118 = arith.constant 32511 : i32
        %min3A_1119 = vector.broadcast %min3A_1118 : i32 to vector<16xi32>
        %min3A_1120 = arith.minsi %max3A_1117, %min3A_1119 : vector<16xi32>
        %jit3A_1121 = arith.constant 18688 : i32
        %jit3A_1122 = arith.constant -7936 : i32
        %broadcast_in_dim3A_1123 = vector.broadcast %jit3A_1121 : i32 to vector<16xi32>
        %broadcast_in_dim3A_1124 = vector.broadcast %jit3A_1122 : i32 to vector<16xi32>
        %select_n3A_1125 = arith.select %eq3A_1108, %broadcast_in_dim3A_1123, %broadcast_in_dim3A_1124 : vector<16xi1>, vector<16xi32>
        %add3A_1126 = arith.addi %min3A_1120, %select_n3A_1125 : vector<16xi32>
        tpu.vector_store_idx %arg19[%add3A_1126], %broadcast_in_dim3A_5 {add = true} : memref<53248xf32, #tpu.memory_space<vmem>>[vector<16xi32>], vector<16xf32>,
        %mul3A_1127 = arith.mulf %exp3A_847, %div3A_862 : vector<16xf32>
        %eq3A_1128 = arith.constant 12 : i32
        %eq3A_1129 = vector.broadcast %eq3A_1128 : i32 to vector<16xi32>
        %eq3A_1130 = arith.cmpi eq, %get3A_756, %eq3A_1129 : vector<16xi32>
        %sub3A_1131 = arith.constant 1.000000e+00 : f32
        %sub3A_1132 = vector.broadcast %sub3A_1131 : f32 to vector<16xf32>
        %sub3A_1133 = arith.subf %sub3A_1132, %mul3A_1127 : vector<16xf32>
        %select_n3A_1134 = arith.select %eq3A_1130, %sub3A_1133, %mul3A_1127 : vector<16xi1>, vector<16xf32>
        %bitcast3A_1135 = vector.bitcast %select_n3A_1134 : vector<16xf32> to vector<16xi32>
        %shift_right_logical3A_1136 = arith.shrui %bitcast3A_1135, %broadcast_in_dim3A_7 : vector<16xi32>
        %max3A_1137 = arith.constant 30464 : i32
        %max3A_1138 = vector.broadcast %max3A_1137 : i32 to vector<16xi32>
        %max3A_1139 = arith.maxsi %shift_right_logical3A_1136, %max3A_1138 : vector<16xi32>
        %min3A_1140 = arith.constant 32511 : i32
        %min3A_1141 = vector.broadcast %min3A_1140 : i32 to vector<16xi32>
        %min3A_1142 = arith.minsi %max3A_1139, %min3A_1141 : vector<16xi32>
        %jit3A_1143 = arith.constant 20736 : i32
        %jit3A_1144 = arith.constant -5888 : i32
        %broadcast_in_dim3A_1145 = vector.broadcast %jit3A_1143 : i32 to vector<16xi32>
        %broadcast_in_dim3A_1146 = vector.broadcast %jit3A_1144 : i32 to vector<16xi32>
        %select_n3A_1147 = arith.select %eq3A_1130, %broadcast_in_dim3A_1145, %broadcast_in_dim3A_1146 : vector<16xi1>, vector<16xi32>
        %add3A_1148 = arith.addi %min3A_1142, %select_n3A_1147 : vector<16xi32>
        tpu.vector_store_idx %arg19[%add3A_1148], %broadcast_in_dim3A_5 {add = true} : memref<53248xf32, #tpu.memory_space<vmem>>[vector<16xi32>], vector<16xf32>,
        %scan3A_1149 = arith.constant 2 : i32
        %scan3A_1150 = arith.addi %scan3A_353, %scan3A_1149 : i32
        %mul3A_1151 = arith.constant 1 : i32
        %mul3A_1152 = arith.muli %scan3A_1150, %mul3A_1151 : i32
        %add3A_1153 = arith.constant 0 : i32
        %add3A_1154 = arith.addi %add3A_1153, %mul3A_1152 : i32
        %mul3A_1155 = arith.constant 16 : i32
        %mul3A_1156 = arith.muli %add3A_1154, %mul3A_1155 : i32
        %add3A_1157 = arith.constant 2048 : i32
        %add3A_1158 = arith.addi %add3A_1157, %mul3A_1156 : i32
        %get3A_1159 = arith.index_cast %add3A_1158 : i32 to index
        %get3A_1160 = tpu.vector_load %arg18[%get3A_1159] {strides = array<i32>} : memref<4096xi32, #tpu.memory_space<vmem>>, vector<16xi32>,
        %mul3A_1161 = arith.constant 16 : i32
        %mul3A_1162 = arith.muli %add3A_1154, %mul3A_1161 : i32
        %add3A_1163 = arith.constant 26624 : i32
        %add3A_1164 = arith.addi %add3A_1163, %mul3A_1162 : i32
        %get3A_1165 = arith.index_cast %add3A_1164 : i32 to index
        %get3A_1166 = tpu.vector_load %arg17[%get3A_1165] {strides = array<i32>} : memref<53248xf32, #tpu.memory_space<vmem>>, vector<16xf32>,
        %mul3A_1167 = arith.constant 16 : i32
        %mul3A_1168 = arith.muli %add3A_1154, %mul3A_1167 : i32
        %add3A_1169 = arith.constant 28672 : i32
        %add3A_1170 = arith.addi %add3A_1169, %mul3A_1168 : i32
        %get3A_1171 = arith.index_cast %add3A_1170 : i32 to index
        %get3A_1172 = tpu.vector_load %arg17[%get3A_1171] {strides = array<i32>} : memref<53248xf32, #tpu.memory_space<vmem>>, vector<16xf32>,
        %mul3A_1173 = arith.constant 16 : i32
        %mul3A_1174 = arith.muli %add3A_1154, %mul3A_1173 : i32
        %add3A_1175 = arith.constant 30720 : i32
        %add3A_1176 = arith.addi %add3A_1175, %mul3A_1174 : i32
        %get3A_1177 = arith.index_cast %add3A_1176 : i32 to index
        %get3A_1178 = tpu.vector_load %arg17[%get3A_1177] {strides = array<i32>} : memref<53248xf32, #tpu.memory_space<vmem>>, vector<16xf32>,
        %mul3A_1179 = arith.constant 16 : i32
        %mul3A_1180 = arith.muli %add3A_1154, %mul3A_1179 : i32
        %add3A_1181 = arith.constant 32768 : i32
        %add3A_1182 = arith.addi %add3A_1181, %mul3A_1180 : i32
        %get3A_1183 = arith.index_cast %add3A_1182 : i32 to index
        %get3A_1184 = tpu.vector_load %arg17[%get3A_1183] {strides = array<i32>} : memref<53248xf32, #tpu.memory_space<vmem>>, vector<16xf32>,
        %mul3A_1185 = arith.constant 16 : i32
        %mul3A_1186 = arith.muli %add3A_1154, %mul3A_1185 : i32
        %add3A_1187 = arith.constant 34816 : i32
        %add3A_1188 = arith.addi %add3A_1187, %mul3A_1186 : i32
        %get3A_1189 = arith.index_cast %add3A_1188 : i32 to index
        %get3A_1190 = tpu.vector_load %arg17[%get3A_1189] {strides = array<i32>} : memref<53248xf32, #tpu.memory_space<vmem>>, vector<16xf32>,
        %mul3A_1191 = arith.constant 16 : i32
        %mul3A_1192 = arith.muli %add3A_1154, %mul3A_1191 : i32
        %add3A_1193 = arith.constant 36864 : i32
        %add3A_1194 = arith.addi %add3A_1193, %mul3A_1192 : i32
        %get3A_1195 = arith.index_cast %add3A_1194 : i32 to index
        %get3A_1196 = tpu.vector_load %arg17[%get3A_1195] {strides = array<i32>} : memref<53248xf32, #tpu.memory_space<vmem>>, vector<16xf32>,
        %mul3A_1197 = arith.constant 16 : i32
        %mul3A_1198 = arith.muli %add3A_1154, %mul3A_1197 : i32
        %add3A_1199 = arith.constant 38912 : i32
        %add3A_1200 = arith.addi %add3A_1199, %mul3A_1198 : i32
        %get3A_1201 = arith.index_cast %add3A_1200 : i32 to index
        %get3A_1202 = tpu.vector_load %arg17[%get3A_1201] {strides = array<i32>} : memref<53248xf32, #tpu.memory_space<vmem>>, vector<16xf32>,
        %mul3A_1203 = arith.constant 16 : i32
        %mul3A_1204 = arith.muli %add3A_1154, %mul3A_1203 : i32
        %add3A_1205 = arith.constant 40960 : i32
        %add3A_1206 = arith.addi %add3A_1205, %mul3A_1204 : i32
        %get3A_1207 = arith.index_cast %add3A_1206 : i32 to index
        %get3A_1208 = tpu.vector_load %arg17[%get3A_1207] {strides = array<i32>} : memref<53248xf32, #tpu.memory_space<vmem>>, vector<16xf32>,
        %mul3A_1209 = arith.constant 16 : i32
        %mul3A_1210 = arith.muli %add3A_1154, %mul3A_1209 : i32
        %add3A_1211 = arith.constant 43008 : i32
        %add3A_1212 = arith.addi %add3A_1211, %mul3A_1210 : i32
        %get3A_1213 = arith.index_cast %add3A_1212 : i32 to index
        %get3A_1214 = tpu.vector_load %arg17[%get3A_1213] {strides = array<i32>} : memref<53248xf32, #tpu.memory_space<vmem>>, vector<16xf32>,
        %mul3A_1215 = arith.constant 16 : i32
        %mul3A_1216 = arith.muli %add3A_1154, %mul3A_1215 : i32
        %add3A_1217 = arith.constant 45056 : i32
        %add3A_1218 = arith.addi %add3A_1217, %mul3A_1216 : i32
        %get3A_1219 = arith.index_cast %add3A_1218 : i32 to index
        %get3A_1220 = tpu.vector_load %arg17[%get3A_1219] {strides = array<i32>} : memref<53248xf32, #tpu.memory_space<vmem>>, vector<16xf32>,
        %mul3A_1221 = arith.constant 16 : i32
        %mul3A_1222 = arith.muli %add3A_1154, %mul3A_1221 : i32
        %add3A_1223 = arith.constant 47104 : i32
        %add3A_1224 = arith.addi %add3A_1223, %mul3A_1222 : i32
        %get3A_1225 = arith.index_cast %add3A_1224 : i32 to index
        %get3A_1226 = tpu.vector_load %arg17[%get3A_1225] {strides = array<i32>} : memref<53248xf32, #tpu.memory_space<vmem>>, vector<16xf32>,
        %mul3A_1227 = arith.constant 16 : i32
        %mul3A_1228 = arith.muli %add3A_1154, %mul3A_1227 : i32
        %add3A_1229 = arith.constant 49152 : i32
        %add3A_1230 = arith.addi %add3A_1229, %mul3A_1228 : i32
        %get3A_1231 = arith.index_cast %add3A_1230 : i32 to index
        %get3A_1232 = tpu.vector_load %arg17[%get3A_1231] {strides = array<i32>} : memref<53248xf32, #tpu.memory_space<vmem>>, vector<16xf32>,
        %mul3A_1233 = arith.constant 16 : i32
        %mul3A_1234 = arith.muli %add3A_1154, %mul3A_1233 : i32
        %add3A_1235 = arith.constant 51200 : i32
        %add3A_1236 = arith.addi %add3A_1235, %mul3A_1234 : i32
        %get3A_1237 = arith.index_cast %add3A_1236 : i32 to index
        %get3A_1238 = tpu.vector_load %arg17[%get3A_1237] {strides = array<i32>} : memref<53248xf32, #tpu.memory_space<vmem>>, vector<16xf32>,
        %exp3A_1239 = math.exp %get3A_1166 : vector<16xf32>
        %exp3A_1240 = math.exp %get3A_1172 : vector<16xf32>
        %exp3A_1241 = math.exp %get3A_1178 : vector<16xf32>
        %exp3A_1242 = math.exp %get3A_1184 : vector<16xf32>
        %exp3A_1243 = math.exp %get3A_1190 : vector<16xf32>
        %exp3A_1244 = math.exp %get3A_1196 : vector<16xf32>
        %exp3A_1245 = math.exp %get3A_1202 : vector<16xf32>
        %exp3A_1246 = math.exp %get3A_1208 : vector<16xf32>
        %exp3A_1247 = math.exp %get3A_1214 : vector<16xf32>
        %exp3A_1248 = math.exp %get3A_1220 : vector<16xf32>
        %exp3A_1249 = math.exp %get3A_1226 : vector<16xf32>
        %exp3A_1250 = math.exp %get3A_1232 : vector<16xf32>
        %exp3A_1251 = math.exp %get3A_1238 : vector<16xf32>
        %add3A_1252 = arith.addf %exp3A_1239, %exp3A_1240 : vector<16xf32>
        %add3A_1253 = arith.addf %exp3A_1241, %exp3A_1242 : vector<16xf32>
        %add3A_1254 = arith.addf %exp3A_1243, %exp3A_1244 : vector<16xf32>
        %add3A_1255 = arith.addf %exp3A_1245, %exp3A_1246 : vector<16xf32>
        %add3A_1256 = arith.addf %exp3A_1247, %exp3A_1248 : vector<16xf32>
        %add3A_1257 = arith.addf %exp3A_1249, %exp3A_1250 : vector<16xf32>
        %add3A_1258 = arith.addf %add3A_1252, %add3A_1253 : vector<16xf32>
        %add3A_1259 = arith.addf %add3A_1254, %add3A_1255 : vector<16xf32>
        %add3A_1260 = arith.addf %add3A_1256, %add3A_1257 : vector<16xf32>
        %add3A_1261 = arith.addf %add3A_1258, %add3A_1259 : vector<16xf32>
        %add3A_1262 = arith.addf %add3A_1260, %exp3A_1251 : vector<16xf32>
        %add3A_1263 = arith.addf %add3A_1261, %add3A_1262 : vector<16xf32>
        %div3A_1264 = arith.constant 1.000000e+00 : f32
        %div3A_1265 = vector.broadcast %div3A_1264 : f32 to vector<16xf32>
        %div3A_1266 = arith.divf %div3A_1265, %add3A_1263 : vector<16xf32>
        %mul3A_1267 = arith.mulf %exp3A_1239, %div3A_1266 : vector<16xf32>
        %eq3A_1268 = arith.constant 0 : i32
        %eq3A_1269 = vector.broadcast %eq3A_1268 : i32 to vector<16xi32>
        %eq3A_1270 = arith.cmpi eq, %get3A_1160, %eq3A_1269 : vector<16xi32>
        %sub3A_1271 = arith.constant 1.000000e+00 : f32
        %sub3A_1272 = vector.broadcast %sub3A_1271 : f32 to vector<16xf32>
        %sub3A_1273 = arith.subf %sub3A_1272, %mul3A_1267 : vector<16xf32>
        %select_n3A_1274 = arith.select %eq3A_1270, %sub3A_1273, %mul3A_1267 : vector<16xi1>, vector<16xf32>
        %bitcast3A_1275 = vector.bitcast %select_n3A_1274 : vector<16xf32> to vector<16xi32>
        %shift_right_logical3A_1276 = arith.shrui %bitcast3A_1275, %broadcast_in_dim3A_7 : vector<16xi32>
        %max3A_1277 = arith.constant 30464 : i32
        %max3A_1278 = vector.broadcast %max3A_1277 : i32 to vector<16xi32>
        %max3A_1279 = arith.maxsi %shift_right_logical3A_1276, %max3A_1278 : vector<16xi32>
        %min3A_1280 = arith.constant 32511 : i32
        %min3A_1281 = vector.broadcast %min3A_1280 : i32 to vector<16xi32>
        %min3A_1282 = arith.minsi %max3A_1279, %min3A_1281 : vector<16xi32>
        %jit3A_1283 = arith.constant -3840 : i32
        %jit3A_1284 = arith.constant -30464 : i32
        %broadcast_in_dim3A_1285 = vector.broadcast %jit3A_1283 : i32 to vector<16xi32>
        %broadcast_in_dim3A_1286 = vector.broadcast %jit3A_1284 : i32 to vector<16xi32>
        %select_n3A_1287 = arith.select %eq3A_1270, %broadcast_in_dim3A_1285, %broadcast_in_dim3A_1286 : vector<16xi1>, vector<16xi32>
        %add3A_1288 = arith.addi %min3A_1282, %select_n3A_1287 : vector<16xi32>
        tpu.vector_store_idx %arg19[%add3A_1288], %broadcast_in_dim3A_5 {add = true} : memref<53248xf32, #tpu.memory_space<vmem>>[vector<16xi32>], vector<16xf32>,
        %mul3A_1289 = arith.mulf %exp3A_1240, %div3A_1266 : vector<16xf32>
        %eq3A_1290 = arith.constant 1 : i32
        %eq3A_1291 = vector.broadcast %eq3A_1290 : i32 to vector<16xi32>
        %eq3A_1292 = arith.cmpi eq, %get3A_1160, %eq3A_1291 : vector<16xi32>
        %sub3A_1293 = arith.constant 1.000000e+00 : f32
        %sub3A_1294 = vector.broadcast %sub3A_1293 : f32 to vector<16xf32>
        %sub3A_1295 = arith.subf %sub3A_1294, %mul3A_1289 : vector<16xf32>
        %select_n3A_1296 = arith.select %eq3A_1292, %sub3A_1295, %mul3A_1289 : vector<16xi1>, vector<16xf32>
        %bitcast3A_1297 = vector.bitcast %select_n3A_1296 : vector<16xf32> to vector<16xi32>
        %shift_right_logical3A_1298 = arith.shrui %bitcast3A_1297, %broadcast_in_dim3A_7 : vector<16xi32>
        %max3A_1299 = arith.constant 30464 : i32
        %max3A_1300 = vector.broadcast %max3A_1299 : i32 to vector<16xi32>
        %max3A_1301 = arith.maxsi %shift_right_logical3A_1298, %max3A_1300 : vector<16xi32>
        %min3A_1302 = arith.constant 32511 : i32
        %min3A_1303 = vector.broadcast %min3A_1302 : i32 to vector<16xi32>
        %min3A_1304 = arith.minsi %max3A_1301, %min3A_1303 : vector<16xi32>
        %jit3A_1305 = arith.constant -1792 : i32
        %jit3A_1306 = arith.constant -28416 : i32
        %broadcast_in_dim3A_1307 = vector.broadcast %jit3A_1305 : i32 to vector<16xi32>
        %broadcast_in_dim3A_1308 = vector.broadcast %jit3A_1306 : i32 to vector<16xi32>
        %select_n3A_1309 = arith.select %eq3A_1292, %broadcast_in_dim3A_1307, %broadcast_in_dim3A_1308 : vector<16xi1>, vector<16xi32>
        %add3A_1310 = arith.addi %min3A_1304, %select_n3A_1309 : vector<16xi32>
        tpu.vector_store_idx %arg19[%add3A_1310], %broadcast_in_dim3A_5 {add = true} : memref<53248xf32, #tpu.memory_space<vmem>>[vector<16xi32>], vector<16xf32>,
        %mul3A_1311 = arith.mulf %exp3A_1241, %div3A_1266 : vector<16xf32>
        %eq3A_1312 = arith.constant 2 : i32
        %eq3A_1313 = vector.broadcast %eq3A_1312 : i32 to vector<16xi32>
        %eq3A_1314 = arith.cmpi eq, %get3A_1160, %eq3A_1313 : vector<16xi32>
        %sub3A_1315 = arith.constant 1.000000e+00 : f32
        %sub3A_1316 = vector.broadcast %sub3A_1315 : f32 to vector<16xf32>
        %sub3A_1317 = arith.subf %sub3A_1316, %mul3A_1311 : vector<16xf32>
        %select_n3A_1318 = arith.select %eq3A_1314, %sub3A_1317, %mul3A_1311 : vector<16xi1>, vector<16xf32>
        %bitcast3A_1319 = vector.bitcast %select_n3A_1318 : vector<16xf32> to vector<16xi32>
        %shift_right_logical3A_1320 = arith.shrui %bitcast3A_1319, %broadcast_in_dim3A_7 : vector<16xi32>
        %max3A_1321 = arith.constant 30464 : i32
        %max3A_1322 = vector.broadcast %max3A_1321 : i32 to vector<16xi32>
        %max3A_1323 = arith.maxsi %shift_right_logical3A_1320, %max3A_1322 : vector<16xi32>
        %min3A_1324 = arith.constant 32511 : i32
        %min3A_1325 = vector.broadcast %min3A_1324 : i32 to vector<16xi32>
        %min3A_1326 = arith.minsi %max3A_1323, %min3A_1325 : vector<16xi32>
        %jit3A_1327 = arith.constant 256 : i32
        %jit3A_1328 = arith.constant -26368 : i32
        %broadcast_in_dim3A_1329 = vector.broadcast %jit3A_1327 : i32 to vector<16xi32>
        %broadcast_in_dim3A_1330 = vector.broadcast %jit3A_1328 : i32 to vector<16xi32>
        %select_n3A_1331 = arith.select %eq3A_1314, %broadcast_in_dim3A_1329, %broadcast_in_dim3A_1330 : vector<16xi1>, vector<16xi32>
        %add3A_1332 = arith.addi %min3A_1326, %select_n3A_1331 : vector<16xi32>
        tpu.vector_store_idx %arg19[%add3A_1332], %broadcast_in_dim3A_5 {add = true} : memref<53248xf32, #tpu.memory_space<vmem>>[vector<16xi32>], vector<16xf32>,
        %mul3A_1333 = arith.mulf %exp3A_1242, %div3A_1266 : vector<16xf32>
        %eq3A_1334 = arith.constant 3 : i32
        %eq3A_1335 = vector.broadcast %eq3A_1334 : i32 to vector<16xi32>
        %eq3A_1336 = arith.cmpi eq, %get3A_1160, %eq3A_1335 : vector<16xi32>
        %sub3A_1337 = arith.constant 1.000000e+00 : f32
        %sub3A_1338 = vector.broadcast %sub3A_1337 : f32 to vector<16xf32>
        %sub3A_1339 = arith.subf %sub3A_1338, %mul3A_1333 : vector<16xf32>
        %select_n3A_1340 = arith.select %eq3A_1336, %sub3A_1339, %mul3A_1333 : vector<16xi1>, vector<16xf32>
        %bitcast3A_1341 = vector.bitcast %select_n3A_1340 : vector<16xf32> to vector<16xi32>
        %shift_right_logical3A_1342 = arith.shrui %bitcast3A_1341, %broadcast_in_dim3A_7 : vector<16xi32>
        %max3A_1343 = arith.constant 30464 : i32
        %max3A_1344 = vector.broadcast %max3A_1343 : i32 to vector<16xi32>
        %max3A_1345 = arith.maxsi %shift_right_logical3A_1342, %max3A_1344 : vector<16xi32>
        %min3A_1346 = arith.constant 32511 : i32
        %min3A_1347 = vector.broadcast %min3A_1346 : i32 to vector<16xi32>
        %min3A_1348 = arith.minsi %max3A_1345, %min3A_1347 : vector<16xi32>
        %jit3A_1349 = arith.constant 2304 : i32
        %jit3A_1350 = arith.constant -24320 : i32
        %broadcast_in_dim3A_1351 = vector.broadcast %jit3A_1349 : i32 to vector<16xi32>
        %broadcast_in_dim3A_1352 = vector.broadcast %jit3A_1350 : i32 to vector<16xi32>
        %select_n3A_1353 = arith.select %eq3A_1336, %broadcast_in_dim3A_1351, %broadcast_in_dim3A_1352 : vector<16xi1>, vector<16xi32>
        %add3A_1354 = arith.addi %min3A_1348, %select_n3A_1353 : vector<16xi32>
        tpu.vector_store_idx %arg19[%add3A_1354], %broadcast_in_dim3A_5 {add = true} : memref<53248xf32, #tpu.memory_space<vmem>>[vector<16xi32>], vector<16xf32>,
        %mul3A_1355 = arith.mulf %exp3A_1243, %div3A_1266 : vector<16xf32>
        %eq3A_1356 = arith.constant 4 : i32
        %eq3A_1357 = vector.broadcast %eq3A_1356 : i32 to vector<16xi32>
        %eq3A_1358 = arith.cmpi eq, %get3A_1160, %eq3A_1357 : vector<16xi32>
        %sub3A_1359 = arith.constant 1.000000e+00 : f32
        %sub3A_1360 = vector.broadcast %sub3A_1359 : f32 to vector<16xf32>
        %sub3A_1361 = arith.subf %sub3A_1360, %mul3A_1355 : vector<16xf32>
        %select_n3A_1362 = arith.select %eq3A_1358, %sub3A_1361, %mul3A_1355 : vector<16xi1>, vector<16xf32>
        %bitcast3A_1363 = vector.bitcast %select_n3A_1362 : vector<16xf32> to vector<16xi32>
        %shift_right_logical3A_1364 = arith.shrui %bitcast3A_1363, %broadcast_in_dim3A_7 : vector<16xi32>
        %max3A_1365 = arith.constant 30464 : i32
        %max3A_1366 = vector.broadcast %max3A_1365 : i32 to vector<16xi32>
        %max3A_1367 = arith.maxsi %shift_right_logical3A_1364, %max3A_1366 : vector<16xi32>
        %min3A_1368 = arith.constant 32511 : i32
        %min3A_1369 = vector.broadcast %min3A_1368 : i32 to vector<16xi32>
        %min3A_1370 = arith.minsi %max3A_1367, %min3A_1369 : vector<16xi32>
        %jit3A_1371 = arith.constant 4352 : i32
        %jit3A_1372 = arith.constant -22272 : i32
        %broadcast_in_dim3A_1373 = vector.broadcast %jit3A_1371 : i32 to vector<16xi32>
        %broadcast_in_dim3A_1374 = vector.broadcast %jit3A_1372 : i32 to vector<16xi32>
        %select_n3A_1375 = arith.select %eq3A_1358, %broadcast_in_dim3A_1373, %broadcast_in_dim3A_1374 : vector<16xi1>, vector<16xi32>
        %add3A_1376 = arith.addi %min3A_1370, %select_n3A_1375 : vector<16xi32>
        tpu.vector_store_idx %arg19[%add3A_1376], %broadcast_in_dim3A_5 {add = true} : memref<53248xf32, #tpu.memory_space<vmem>>[vector<16xi32>], vector<16xf32>,
        %mul3A_1377 = arith.mulf %exp3A_1244, %div3A_1266 : vector<16xf32>
        %eq3A_1378 = arith.constant 5 : i32
        %eq3A_1379 = vector.broadcast %eq3A_1378 : i32 to vector<16xi32>
        %eq3A_1380 = arith.cmpi eq, %get3A_1160, %eq3A_1379 : vector<16xi32>
        %sub3A_1381 = arith.constant 1.000000e+00 : f32
        %sub3A_1382 = vector.broadcast %sub3A_1381 : f32 to vector<16xf32>
        %sub3A_1383 = arith.subf %sub3A_1382, %mul3A_1377 : vector<16xf32>
        %select_n3A_1384 = arith.select %eq3A_1380, %sub3A_1383, %mul3A_1377 : vector<16xi1>, vector<16xf32>
        %bitcast3A_1385 = vector.bitcast %select_n3A_1384 : vector<16xf32> to vector<16xi32>
        %shift_right_logical3A_1386 = arith.shrui %bitcast3A_1385, %broadcast_in_dim3A_7 : vector<16xi32>
        %max3A_1387 = arith.constant 30464 : i32
        %max3A_1388 = vector.broadcast %max3A_1387 : i32 to vector<16xi32>
        %max3A_1389 = arith.maxsi %shift_right_logical3A_1386, %max3A_1388 : vector<16xi32>
        %min3A_1390 = arith.constant 32511 : i32
        %min3A_1391 = vector.broadcast %min3A_1390 : i32 to vector<16xi32>
        %min3A_1392 = arith.minsi %max3A_1389, %min3A_1391 : vector<16xi32>
        %jit3A_1393 = arith.constant 6400 : i32
        %jit3A_1394 = arith.constant -20224 : i32
        %broadcast_in_dim3A_1395 = vector.broadcast %jit3A_1393 : i32 to vector<16xi32>
        %broadcast_in_dim3A_1396 = vector.broadcast %jit3A_1394 : i32 to vector<16xi32>
        %select_n3A_1397 = arith.select %eq3A_1380, %broadcast_in_dim3A_1395, %broadcast_in_dim3A_1396 : vector<16xi1>, vector<16xi32>
        %add3A_1398 = arith.addi %min3A_1392, %select_n3A_1397 : vector<16xi32>
        tpu.vector_store_idx %arg19[%add3A_1398], %broadcast_in_dim3A_5 {add = true} : memref<53248xf32, #tpu.memory_space<vmem>>[vector<16xi32>], vector<16xf32>,
        %mul3A_1399 = arith.mulf %exp3A_1245, %div3A_1266 : vector<16xf32>
        %eq3A_1400 = arith.constant 6 : i32
        %eq3A_1401 = vector.broadcast %eq3A_1400 : i32 to vector<16xi32>
        %eq3A_1402 = arith.cmpi eq, %get3A_1160, %eq3A_1401 : vector<16xi32>
        %sub3A_1403 = arith.constant 1.000000e+00 : f32
        %sub3A_1404 = vector.broadcast %sub3A_1403 : f32 to vector<16xf32>
        %sub3A_1405 = arith.subf %sub3A_1404, %mul3A_1399 : vector<16xf32>
        %select_n3A_1406 = arith.select %eq3A_1402, %sub3A_1405, %mul3A_1399 : vector<16xi1>, vector<16xf32>
        %bitcast3A_1407 = vector.bitcast %select_n3A_1406 : vector<16xf32> to vector<16xi32>
        %shift_right_logical3A_1408 = arith.shrui %bitcast3A_1407, %broadcast_in_dim3A_7 : vector<16xi32>
        %max3A_1409 = arith.constant 30464 : i32
        %max3A_1410 = vector.broadcast %max3A_1409 : i32 to vector<16xi32>
        %max3A_1411 = arith.maxsi %shift_right_logical3A_1408, %max3A_1410 : vector<16xi32>
        %min3A_1412 = arith.constant 32511 : i32
        %min3A_1413 = vector.broadcast %min3A_1412 : i32 to vector<16xi32>
        %min3A_1414 = arith.minsi %max3A_1411, %min3A_1413 : vector<16xi32>
        %jit3A_1415 = arith.constant 8448 : i32
        %jit3A_1416 = arith.constant -18176 : i32
        %broadcast_in_dim3A_1417 = vector.broadcast %jit3A_1415 : i32 to vector<16xi32>
        %broadcast_in_dim3A_1418 = vector.broadcast %jit3A_1416 : i32 to vector<16xi32>
        %select_n3A_1419 = arith.select %eq3A_1402, %broadcast_in_dim3A_1417, %broadcast_in_dim3A_1418 : vector<16xi1>, vector<16xi32>
        %add3A_1420 = arith.addi %min3A_1414, %select_n3A_1419 : vector<16xi32>
        tpu.vector_store_idx %arg19[%add3A_1420], %broadcast_in_dim3A_5 {add = true} : memref<53248xf32, #tpu.memory_space<vmem>>[vector<16xi32>], vector<16xf32>,
        %mul3A_1421 = arith.mulf %exp3A_1246, %div3A_1266 : vector<16xf32>
        %eq3A_1422 = arith.constant 7 : i32
        %eq3A_1423 = vector.broadcast %eq3A_1422 : i32 to vector<16xi32>
        %eq3A_1424 = arith.cmpi eq, %get3A_1160, %eq3A_1423 : vector<16xi32>
        %sub3A_1425 = arith.constant 1.000000e+00 : f32
        %sub3A_1426 = vector.broadcast %sub3A_1425 : f32 to vector<16xf32>
        %sub3A_1427 = arith.subf %sub3A_1426, %mul3A_1421 : vector<16xf32>
        %select_n3A_1428 = arith.select %eq3A_1424, %sub3A_1427, %mul3A_1421 : vector<16xi1>, vector<16xf32>
        %bitcast3A_1429 = vector.bitcast %select_n3A_1428 : vector<16xf32> to vector<16xi32>
        %shift_right_logical3A_1430 = arith.shrui %bitcast3A_1429, %broadcast_in_dim3A_7 : vector<16xi32>
        %max3A_1431 = arith.constant 30464 : i32
        %max3A_1432 = vector.broadcast %max3A_1431 : i32 to vector<16xi32>
        %max3A_1433 = arith.maxsi %shift_right_logical3A_1430, %max3A_1432 : vector<16xi32>
        %min3A_1434 = arith.constant 32511 : i32
        %min3A_1435 = vector.broadcast %min3A_1434 : i32 to vector<16xi32>
        %min3A_1436 = arith.minsi %max3A_1433, %min3A_1435 : vector<16xi32>
        %jit3A_1437 = arith.constant 10496 : i32
        %jit3A_1438 = arith.constant -16128 : i32
        %broadcast_in_dim3A_1439 = vector.broadcast %jit3A_1437 : i32 to vector<16xi32>
        %broadcast_in_dim3A_1440 = vector.broadcast %jit3A_1438 : i32 to vector<16xi32>
        %select_n3A_1441 = arith.select %eq3A_1424, %broadcast_in_dim3A_1439, %broadcast_in_dim3A_1440 : vector<16xi1>, vector<16xi32>
        %add3A_1442 = arith.addi %min3A_1436, %select_n3A_1441 : vector<16xi32>
        tpu.vector_store_idx %arg19[%add3A_1442], %broadcast_in_dim3A_5 {add = true} : memref<53248xf32, #tpu.memory_space<vmem>>[vector<16xi32>], vector<16xf32>,
        %mul3A_1443 = arith.mulf %exp3A_1247, %div3A_1266 : vector<16xf32>
        %eq3A_1444 = arith.constant 8 : i32
        %eq3A_1445 = vector.broadcast %eq3A_1444 : i32 to vector<16xi32>
        %eq3A_1446 = arith.cmpi eq, %get3A_1160, %eq3A_1445 : vector<16xi32>
        %sub3A_1447 = arith.constant 1.000000e+00 : f32
        %sub3A_1448 = vector.broadcast %sub3A_1447 : f32 to vector<16xf32>
        %sub3A_1449 = arith.subf %sub3A_1448, %mul3A_1443 : vector<16xf32>
        %select_n3A_1450 = arith.select %eq3A_1446, %sub3A_1449, %mul3A_1443 : vector<16xi1>, vector<16xf32>
        %bitcast3A_1451 = vector.bitcast %select_n3A_1450 : vector<16xf32> to vector<16xi32>
        %shift_right_logical3A_1452 = arith.shrui %bitcast3A_1451, %broadcast_in_dim3A_7 : vector<16xi32>
        %max3A_1453 = arith.constant 30464 : i32
        %max3A_1454 = vector.broadcast %max3A_1453 : i32 to vector<16xi32>
        %max3A_1455 = arith.maxsi %shift_right_logical3A_1452, %max3A_1454 : vector<16xi32>
        %min3A_1456 = arith.constant 32511 : i32
        %min3A_1457 = vector.broadcast %min3A_1456 : i32 to vector<16xi32>
        %min3A_1458 = arith.minsi %max3A_1455, %min3A_1457 : vector<16xi32>
        %jit3A_1459 = arith.constant 12544 : i32
        %jit3A_1460 = arith.constant -14080 : i32
        %broadcast_in_dim3A_1461 = vector.broadcast %jit3A_1459 : i32 to vector<16xi32>
        %broadcast_in_dim3A_1462 = vector.broadcast %jit3A_1460 : i32 to vector<16xi32>
        %select_n3A_1463 = arith.select %eq3A_1446, %broadcast_in_dim3A_1461, %broadcast_in_dim3A_1462 : vector<16xi1>, vector<16xi32>
        %add3A_1464 = arith.addi %min3A_1458, %select_n3A_1463 : vector<16xi32>
        tpu.vector_store_idx %arg19[%add3A_1464], %broadcast_in_dim3A_5 {add = true} : memref<53248xf32, #tpu.memory_space<vmem>>[vector<16xi32>], vector<16xf32>,
        %mul3A_1465 = arith.mulf %exp3A_1248, %div3A_1266 : vector<16xf32>
        %eq3A_1466 = arith.constant 9 : i32
        %eq3A_1467 = vector.broadcast %eq3A_1466 : i32 to vector<16xi32>
        %eq3A_1468 = arith.cmpi eq, %get3A_1160, %eq3A_1467 : vector<16xi32>
        %sub3A_1469 = arith.constant 1.000000e+00 : f32
        %sub3A_1470 = vector.broadcast %sub3A_1469 : f32 to vector<16xf32>
        %sub3A_1471 = arith.subf %sub3A_1470, %mul3A_1465 : vector<16xf32>
        %select_n3A_1472 = arith.select %eq3A_1468, %sub3A_1471, %mul3A_1465 : vector<16xi1>, vector<16xf32>
        %bitcast3A_1473 = vector.bitcast %select_n3A_1472 : vector<16xf32> to vector<16xi32>
        %shift_right_logical3A_1474 = arith.shrui %bitcast3A_1473, %broadcast_in_dim3A_7 : vector<16xi32>
        %max3A_1475 = arith.constant 30464 : i32
        %max3A_1476 = vector.broadcast %max3A_1475 : i32 to vector<16xi32>
        %max3A_1477 = arith.maxsi %shift_right_logical3A_1474, %max3A_1476 : vector<16xi32>
        %min3A_1478 = arith.constant 32511 : i32
        %min3A_1479 = vector.broadcast %min3A_1478 : i32 to vector<16xi32>
        %min3A_1480 = arith.minsi %max3A_1477, %min3A_1479 : vector<16xi32>
        %jit3A_1481 = arith.constant 14592 : i32
        %jit3A_1482 = arith.constant -12032 : i32
        %broadcast_in_dim3A_1483 = vector.broadcast %jit3A_1481 : i32 to vector<16xi32>
        %broadcast_in_dim3A_1484 = vector.broadcast %jit3A_1482 : i32 to vector<16xi32>
        %select_n3A_1485 = arith.select %eq3A_1468, %broadcast_in_dim3A_1483, %broadcast_in_dim3A_1484 : vector<16xi1>, vector<16xi32>
        %add3A_1486 = arith.addi %min3A_1480, %select_n3A_1485 : vector<16xi32>
        tpu.vector_store_idx %arg19[%add3A_1486], %broadcast_in_dim3A_5 {add = true} : memref<53248xf32, #tpu.memory_space<vmem>>[vector<16xi32>], vector<16xf32>,
        %mul3A_1487 = arith.mulf %exp3A_1249, %div3A_1266 : vector<16xf32>
        %eq3A_1488 = arith.constant 10 : i32
        %eq3A_1489 = vector.broadcast %eq3A_1488 : i32 to vector<16xi32>
        %eq3A_1490 = arith.cmpi eq, %get3A_1160, %eq3A_1489 : vector<16xi32>
        %sub3A_1491 = arith.constant 1.000000e+00 : f32
        %sub3A_1492 = vector.broadcast %sub3A_1491 : f32 to vector<16xf32>
        %sub3A_1493 = arith.subf %sub3A_1492, %mul3A_1487 : vector<16xf32>
        %select_n3A_1494 = arith.select %eq3A_1490, %sub3A_1493, %mul3A_1487 : vector<16xi1>, vector<16xf32>
        %bitcast3A_1495 = vector.bitcast %select_n3A_1494 : vector<16xf32> to vector<16xi32>
        %shift_right_logical3A_1496 = arith.shrui %bitcast3A_1495, %broadcast_in_dim3A_7 : vector<16xi32>
        %max3A_1497 = arith.constant 30464 : i32
        %max3A_1498 = vector.broadcast %max3A_1497 : i32 to vector<16xi32>
        %max3A_1499 = arith.maxsi %shift_right_logical3A_1496, %max3A_1498 : vector<16xi32>
        %min3A_1500 = arith.constant 32511 : i32
        %min3A_1501 = vector.broadcast %min3A_1500 : i32 to vector<16xi32>
        %min3A_1502 = arith.minsi %max3A_1499, %min3A_1501 : vector<16xi32>
        %jit3A_1503 = arith.constant 16640 : i32
        %jit3A_1504 = arith.constant -9984 : i32
        %broadcast_in_dim3A_1505 = vector.broadcast %jit3A_1503 : i32 to vector<16xi32>
        %broadcast_in_dim3A_1506 = vector.broadcast %jit3A_1504 : i32 to vector<16xi32>
        %select_n3A_1507 = arith.select %eq3A_1490, %broadcast_in_dim3A_1505, %broadcast_in_dim3A_1506 : vector<16xi1>, vector<16xi32>
        %add3A_1508 = arith.addi %min3A_1502, %select_n3A_1507 : vector<16xi32>
        tpu.vector_store_idx %arg19[%add3A_1508], %broadcast_in_dim3A_5 {add = true} : memref<53248xf32, #tpu.memory_space<vmem>>[vector<16xi32>], vector<16xf32>,
        %mul3A_1509 = arith.mulf %exp3A_1250, %div3A_1266 : vector<16xf32>
        %eq3A_1510 = arith.constant 11 : i32
        %eq3A_1511 = vector.broadcast %eq3A_1510 : i32 to vector<16xi32>
        %eq3A_1512 = arith.cmpi eq, %get3A_1160, %eq3A_1511 : vector<16xi32>
        %sub3A_1513 = arith.constant 1.000000e+00 : f32
        %sub3A_1514 = vector.broadcast %sub3A_1513 : f32 to vector<16xf32>
        %sub3A_1515 = arith.subf %sub3A_1514, %mul3A_1509 : vector<16xf32>
        %select_n3A_1516 = arith.select %eq3A_1512, %sub3A_1515, %mul3A_1509 : vector<16xi1>, vector<16xf32>
        %bitcast3A_1517 = vector.bitcast %select_n3A_1516 : vector<16xf32> to vector<16xi32>
        %shift_right_logical3A_1518 = arith.shrui %bitcast3A_1517, %broadcast_in_dim3A_7 : vector<16xi32>
        %max3A_1519 = arith.constant 30464 : i32
        %max3A_1520 = vector.broadcast %max3A_1519 : i32 to vector<16xi32>
        %max3A_1521 = arith.maxsi %shift_right_logical3A_1518, %max3A_1520 : vector<16xi32>
        %min3A_1522 = arith.constant 32511 : i32
        %min3A_1523 = vector.broadcast %min3A_1522 : i32 to vector<16xi32>
        %min3A_1524 = arith.minsi %max3A_1521, %min3A_1523 : vector<16xi32>
        %jit3A_1525 = arith.constant 18688 : i32
        %jit3A_1526 = arith.constant -7936 : i32
        %broadcast_in_dim3A_1527 = vector.broadcast %jit3A_1525 : i32 to vector<16xi32>
        %broadcast_in_dim3A_1528 = vector.broadcast %jit3A_1526 : i32 to vector<16xi32>
        %select_n3A_1529 = arith.select %eq3A_1512, %broadcast_in_dim3A_1527, %broadcast_in_dim3A_1528 : vector<16xi1>, vector<16xi32>
        %add3A_1530 = arith.addi %min3A_1524, %select_n3A_1529 : vector<16xi32>
        tpu.vector_store_idx %arg19[%add3A_1530], %broadcast_in_dim3A_5 {add = true} : memref<53248xf32, #tpu.memory_space<vmem>>[vector<16xi32>], vector<16xf32>,
        %mul3A_1531 = arith.mulf %exp3A_1251, %div3A_1266 : vector<16xf32>
        %eq3A_1532 = arith.constant 12 : i32
        %eq3A_1533 = vector.broadcast %eq3A_1532 : i32 to vector<16xi32>
        %eq3A_1534 = arith.cmpi eq, %get3A_1160, %eq3A_1533 : vector<16xi32>
        %sub3A_1535 = arith.constant 1.000000e+00 : f32
        %sub3A_1536 = vector.broadcast %sub3A_1535 : f32 to vector<16xf32>
        %sub3A_1537 = arith.subf %sub3A_1536, %mul3A_1531 : vector<16xf32>
        %select_n3A_1538 = arith.select %eq3A_1534, %sub3A_1537, %mul3A_1531 : vector<16xi1>, vector<16xf32>
        %bitcast3A_1539 = vector.bitcast %select_n3A_1538 : vector<16xf32> to vector<16xi32>
        %shift_right_logical3A_1540 = arith.shrui %bitcast3A_1539, %broadcast_in_dim3A_7 : vector<16xi32>
        %max3A_1541 = arith.constant 30464 : i32
        %max3A_1542 = vector.broadcast %max3A_1541 : i32 to vector<16xi32>
        %max3A_1543 = arith.maxsi %shift_right_logical3A_1540, %max3A_1542 : vector<16xi32>
        %min3A_1544 = arith.constant 32511 : i32
        %min3A_1545 = vector.broadcast %min3A_1544 : i32 to vector<16xi32>
        %min3A_1546 = arith.minsi %max3A_1543, %min3A_1545 : vector<16xi32>
        %jit3A_1547 = arith.constant 20736 : i32
        %jit3A_1548 = arith.constant -5888 : i32
        %broadcast_in_dim3A_1549 = vector.broadcast %jit3A_1547 : i32 to vector<16xi32>
        %broadcast_in_dim3A_1550 = vector.broadcast %jit3A_1548 : i32 to vector<16xi32>
        %select_n3A_1551 = arith.select %eq3A_1534, %broadcast_in_dim3A_1549, %broadcast_in_dim3A_1550 : vector<16xi1>, vector<16xi32>
        %add3A_1552 = arith.addi %min3A_1546, %select_n3A_1551 : vector<16xi32>
        tpu.vector_store_idx %arg19[%add3A_1552], %broadcast_in_dim3A_5 {add = true} : memref<53248xf32, #tpu.memory_space<vmem>>[vector<16xi32>], vector<16xf32>,
        %scan3A_1553 = arith.constant 3 : i32
        %scan3A_1554 = arith.addi %scan3A_353, %scan3A_1553 : i32
        %mul3A_1555 = arith.constant 1 : i32
        %mul3A_1556 = arith.muli %scan3A_1554, %mul3A_1555 : i32
        %add3A_1557 = arith.constant 0 : i32
        %add3A_1558 = arith.addi %add3A_1557, %mul3A_1556 : i32
        %mul3A_1559 = arith.constant 16 : i32
        %mul3A_1560 = arith.muli %add3A_1558, %mul3A_1559 : i32
        %add3A_1561 = arith.constant 2048 : i32
        %add3A_1562 = arith.addi %add3A_1561, %mul3A_1560 : i32
        %get3A_1563 = arith.index_cast %add3A_1562 : i32 to index
        %get3A_1564 = tpu.vector_load %arg18[%get3A_1563] {strides = array<i32>} : memref<4096xi32, #tpu.memory_space<vmem>>, vector<16xi32>,
        %mul3A_1565 = arith.constant 16 : i32
        %mul3A_1566 = arith.muli %add3A_1558, %mul3A_1565 : i32
        %add3A_1567 = arith.constant 26624 : i32
        %add3A_1568 = arith.addi %add3A_1567, %mul3A_1566 : i32
        %get3A_1569 = arith.index_cast %add3A_1568 : i32 to index
        %get3A_1570 = tpu.vector_load %arg17[%get3A_1569] {strides = array<i32>} : memref<53248xf32, #tpu.memory_space<vmem>>, vector<16xf32>,
        %mul3A_1571 = arith.constant 16 : i32
        %mul3A_1572 = arith.muli %add3A_1558, %mul3A_1571 : i32
        %add3A_1573 = arith.constant 28672 : i32
        %add3A_1574 = arith.addi %add3A_1573, %mul3A_1572 : i32
        %get3A_1575 = arith.index_cast %add3A_1574 : i32 to index
        %get3A_1576 = tpu.vector_load %arg17[%get3A_1575] {strides = array<i32>} : memref<53248xf32, #tpu.memory_space<vmem>>, vector<16xf32>,
        %mul3A_1577 = arith.constant 16 : i32
        %mul3A_1578 = arith.muli %add3A_1558, %mul3A_1577 : i32
        %add3A_1579 = arith.constant 30720 : i32
        %add3A_1580 = arith.addi %add3A_1579, %mul3A_1578 : i32
        %get3A_1581 = arith.index_cast %add3A_1580 : i32 to index
        %get3A_1582 = tpu.vector_load %arg17[%get3A_1581] {strides = array<i32>} : memref<53248xf32, #tpu.memory_space<vmem>>, vector<16xf32>,
        %mul3A_1583 = arith.constant 16 : i32
        %mul3A_1584 = arith.muli %add3A_1558, %mul3A_1583 : i32
        %add3A_1585 = arith.constant 32768 : i32
        %add3A_1586 = arith.addi %add3A_1585, %mul3A_1584 : i32
        %get3A_1587 = arith.index_cast %add3A_1586 : i32 to index
        %get3A_1588 = tpu.vector_load %arg17[%get3A_1587] {strides = array<i32>} : memref<53248xf32, #tpu.memory_space<vmem>>, vector<16xf32>,
        %mul3A_1589 = arith.constant 16 : i32
        %mul3A_1590 = arith.muli %add3A_1558, %mul3A_1589 : i32
        %add3A_1591 = arith.constant 34816 : i32
        %add3A_1592 = arith.addi %add3A_1591, %mul3A_1590 : i32
        %get3A_1593 = arith.index_cast %add3A_1592 : i32 to index
        %get3A_1594 = tpu.vector_load %arg17[%get3A_1593] {strides = array<i32>} : memref<53248xf32, #tpu.memory_space<vmem>>, vector<16xf32>,
        %mul3A_1595 = arith.constant 16 : i32
        %mul3A_1596 = arith.muli %add3A_1558, %mul3A_1595 : i32
        %add3A_1597 = arith.constant 36864 : i32
        %add3A_1598 = arith.addi %add3A_1597, %mul3A_1596 : i32
        %get3A_1599 = arith.index_cast %add3A_1598 : i32 to index
        %get3A_1600 = tpu.vector_load %arg17[%get3A_1599] {strides = array<i32>} : memref<53248xf32, #tpu.memory_space<vmem>>, vector<16xf32>,
        %mul3A_1601 = arith.constant 16 : i32
        %mul3A_1602 = arith.muli %add3A_1558, %mul3A_1601 : i32
        %add3A_1603 = arith.constant 38912 : i32
        %add3A_1604 = arith.addi %add3A_1603, %mul3A_1602 : i32
        %get3A_1605 = arith.index_cast %add3A_1604 : i32 to index
        %get3A_1606 = tpu.vector_load %arg17[%get3A_1605] {strides = array<i32>} : memref<53248xf32, #tpu.memory_space<vmem>>, vector<16xf32>,
        %mul3A_1607 = arith.constant 16 : i32
        %mul3A_1608 = arith.muli %add3A_1558, %mul3A_1607 : i32
        %add3A_1609 = arith.constant 40960 : i32
        %add3A_1610 = arith.addi %add3A_1609, %mul3A_1608 : i32
        %get3A_1611 = arith.index_cast %add3A_1610 : i32 to index
        %get3A_1612 = tpu.vector_load %arg17[%get3A_1611] {strides = array<i32>} : memref<53248xf32, #tpu.memory_space<vmem>>, vector<16xf32>,
        %mul3A_1613 = arith.constant 16 : i32
        %mul3A_1614 = arith.muli %add3A_1558, %mul3A_1613 : i32
        %add3A_1615 = arith.constant 43008 : i32
        %add3A_1616 = arith.addi %add3A_1615, %mul3A_1614 : i32
        %get3A_1617 = arith.index_cast %add3A_1616 : i32 to index
        %get3A_1618 = tpu.vector_load %arg17[%get3A_1617] {strides = array<i32>} : memref<53248xf32, #tpu.memory_space<vmem>>, vector<16xf32>,
        %mul3A_1619 = arith.constant 16 : i32
        %mul3A_1620 = arith.muli %add3A_1558, %mul3A_1619 : i32
        %add3A_1621 = arith.constant 45056 : i32
        %add3A_1622 = arith.addi %add3A_1621, %mul3A_1620 : i32
        %get3A_1623 = arith.index_cast %add3A_1622 : i32 to index
        %get3A_1624 = tpu.vector_load %arg17[%get3A_1623] {strides = array<i32>} : memref<53248xf32, #tpu.memory_space<vmem>>, vector<16xf32>,
        %mul3A_1625 = arith.constant 16 : i32
        %mul3A_1626 = arith.muli %add3A_1558, %mul3A_1625 : i32
        %add3A_1627 = arith.constant 47104 : i32
        %add3A_1628 = arith.addi %add3A_1627, %mul3A_1626 : i32
        %get3A_1629 = arith.index_cast %add3A_1628 : i32 to index
        %get3A_1630 = tpu.vector_load %arg17[%get3A_1629] {strides = array<i32>} : memref<53248xf32, #tpu.memory_space<vmem>>, vector<16xf32>,
        %mul3A_1631 = arith.constant 16 : i32
        %mul3A_1632 = arith.muli %add3A_1558, %mul3A_1631 : i32
        %add3A_1633 = arith.constant 49152 : i32
        %add3A_1634 = arith.addi %add3A_1633, %mul3A_1632 : i32
        %get3A_1635 = arith.index_cast %add3A_1634 : i32 to index
        %get3A_1636 = tpu.vector_load %arg17[%get3A_1635] {strides = array<i32>} : memref<53248xf32, #tpu.memory_space<vmem>>, vector<16xf32>,
        %mul3A_1637 = arith.constant 16 : i32
        %mul3A_1638 = arith.muli %add3A_1558, %mul3A_1637 : i32
        %add3A_1639 = arith.constant 51200 : i32
        %add3A_1640 = arith.addi %add3A_1639, %mul3A_1638 : i32
        %get3A_1641 = arith.index_cast %add3A_1640 : i32 to index
        %get3A_1642 = tpu.vector_load %arg17[%get3A_1641] {strides = array<i32>} : memref<53248xf32, #tpu.memory_space<vmem>>, vector<16xf32>,
        %exp3A_1643 = math.exp %get3A_1570 : vector<16xf32>
        %exp3A_1644 = math.exp %get3A_1576 : vector<16xf32>
        %exp3A_1645 = math.exp %get3A_1582 : vector<16xf32>
        %exp3A_1646 = math.exp %get3A_1588 : vector<16xf32>
        %exp3A_1647 = math.exp %get3A_1594 : vector<16xf32>
        %exp3A_1648 = math.exp %get3A_1600 : vector<16xf32>
        %exp3A_1649 = math.exp %get3A_1606 : vector<16xf32>
        %exp3A_1650 = math.exp %get3A_1612 : vector<16xf32>
        %exp3A_1651 = math.exp %get3A_1618 : vector<16xf32>
        %exp3A_1652 = math.exp %get3A_1624 : vector<16xf32>
        %exp3A_1653 = math.exp %get3A_1630 : vector<16xf32>
        %exp3A_1654 = math.exp %get3A_1636 : vector<16xf32>
        %exp3A_1655 = math.exp %get3A_1642 : vector<16xf32>
        %add3A_1656 = arith.addf %exp3A_1643, %exp3A_1644 : vector<16xf32>
        %add3A_1657 = arith.addf %exp3A_1645, %exp3A_1646 : vector<16xf32>
        %add3A_1658 = arith.addf %exp3A_1647, %exp3A_1648 : vector<16xf32>
        %add3A_1659 = arith.addf %exp3A_1649, %exp3A_1650 : vector<16xf32>
        %add3A_1660 = arith.addf %exp3A_1651, %exp3A_1652 : vector<16xf32>
        %add3A_1661 = arith.addf %exp3A_1653, %exp3A_1654 : vector<16xf32>
        %add3A_1662 = arith.addf %add3A_1656, %add3A_1657 : vector<16xf32>
        %add3A_1663 = arith.addf %add3A_1658, %add3A_1659 : vector<16xf32>
        %add3A_1664 = arith.addf %add3A_1660, %add3A_1661 : vector<16xf32>
        %add3A_1665 = arith.addf %add3A_1662, %add3A_1663 : vector<16xf32>
        %add3A_1666 = arith.addf %add3A_1664, %exp3A_1655 : vector<16xf32>
        %add3A_1667 = arith.addf %add3A_1665, %add3A_1666 : vector<16xf32>
        %div3A_1668 = arith.constant 1.000000e+00 : f32
        %div3A_1669 = vector.broadcast %div3A_1668 : f32 to vector<16xf32>
        %div3A_1670 = arith.divf %div3A_1669, %add3A_1667 : vector<16xf32>
        %mul3A_1671 = arith.mulf %exp3A_1643, %div3A_1670 : vector<16xf32>
        %eq3A_1672 = arith.constant 0 : i32
        %eq3A_1673 = vector.broadcast %eq3A_1672 : i32 to vector<16xi32>
        %eq3A_1674 = arith.cmpi eq, %get3A_1564, %eq3A_1673 : vector<16xi32>
        %sub3A_1675 = arith.constant 1.000000e+00 : f32
        %sub3A_1676 = vector.broadcast %sub3A_1675 : f32 to vector<16xf32>
        %sub3A_1677 = arith.subf %sub3A_1676, %mul3A_1671 : vector<16xf32>
        %select_n3A_1678 = arith.select %eq3A_1674, %sub3A_1677, %mul3A_1671 : vector<16xi1>, vector<16xf32>
        %bitcast3A_1679 = vector.bitcast %select_n3A_1678 : vector<16xf32> to vector<16xi32>
        %shift_right_logical3A_1680 = arith.shrui %bitcast3A_1679, %broadcast_in_dim3A_7 : vector<16xi32>
        %max3A_1681 = arith.constant 30464 : i32
        %max3A_1682 = vector.broadcast %max3A_1681 : i32 to vector<16xi32>
        %max3A_1683 = arith.maxsi %shift_right_logical3A_1680, %max3A_1682 : vector<16xi32>
        %min3A_1684 = arith.constant 32511 : i32
        %min3A_1685 = vector.broadcast %min3A_1684 : i32 to vector<16xi32>
        %min3A_1686 = arith.minsi %max3A_1683, %min3A_1685 : vector<16xi32>
        %jit3A_1687 = arith.constant -3840 : i32
        %jit3A_1688 = arith.constant -30464 : i32
        %broadcast_in_dim3A_1689 = vector.broadcast %jit3A_1687 : i32 to vector<16xi32>
        %broadcast_in_dim3A_1690 = vector.broadcast %jit3A_1688 : i32 to vector<16xi32>
        %select_n3A_1691 = arith.select %eq3A_1674, %broadcast_in_dim3A_1689, %broadcast_in_dim3A_1690 : vector<16xi1>, vector<16xi32>
        %add3A_1692 = arith.addi %min3A_1686, %select_n3A_1691 : vector<16xi32>
        tpu.vector_store_idx %arg19[%add3A_1692], %broadcast_in_dim3A_5 {add = true} : memref<53248xf32, #tpu.memory_space<vmem>>[vector<16xi32>], vector<16xf32>,
        %mul3A_1693 = arith.mulf %exp3A_1644, %div3A_1670 : vector<16xf32>
        %eq3A_1694 = arith.constant 1 : i32
        %eq3A_1695 = vector.broadcast %eq3A_1694 : i32 to vector<16xi32>
        %eq3A_1696 = arith.cmpi eq, %get3A_1564, %eq3A_1695 : vector<16xi32>
        %sub3A_1697 = arith.constant 1.000000e+00 : f32
        %sub3A_1698 = vector.broadcast %sub3A_1697 : f32 to vector<16xf32>
        %sub3A_1699 = arith.subf %sub3A_1698, %mul3A_1693 : vector<16xf32>
        %select_n3A_1700 = arith.select %eq3A_1696, %sub3A_1699, %mul3A_1693 : vector<16xi1>, vector<16xf32>
        %bitcast3A_1701 = vector.bitcast %select_n3A_1700 : vector<16xf32> to vector<16xi32>
        %shift_right_logical3A_1702 = arith.shrui %bitcast3A_1701, %broadcast_in_dim3A_7 : vector<16xi32>
        %max3A_1703 = arith.constant 30464 : i32
        %max3A_1704 = vector.broadcast %max3A_1703 : i32 to vector<16xi32>
        %max3A_1705 = arith.maxsi %shift_right_logical3A_1702, %max3A_1704 : vector<16xi32>
        %min3A_1706 = arith.constant 32511 : i32
        %min3A_1707 = vector.broadcast %min3A_1706 : i32 to vector<16xi32>
        %min3A_1708 = arith.minsi %max3A_1705, %min3A_1707 : vector<16xi32>
        %jit3A_1709 = arith.constant -1792 : i32
        %jit3A_1710 = arith.constant -28416 : i32
        %broadcast_in_dim3A_1711 = vector.broadcast %jit3A_1709 : i32 to vector<16xi32>
        %broadcast_in_dim3A_1712 = vector.broadcast %jit3A_1710 : i32 to vector<16xi32>
        %select_n3A_1713 = arith.select %eq3A_1696, %broadcast_in_dim3A_1711, %broadcast_in_dim3A_1712 : vector<16xi1>, vector<16xi32>
        %add3A_1714 = arith.addi %min3A_1708, %select_n3A_1713 : vector<16xi32>
        tpu.vector_store_idx %arg19[%add3A_1714], %broadcast_in_dim3A_5 {add = true} : memref<53248xf32, #tpu.memory_space<vmem>>[vector<16xi32>], vector<16xf32>,
        %mul3A_1715 = arith.mulf %exp3A_1645, %div3A_1670 : vector<16xf32>
        %eq3A_1716 = arith.constant 2 : i32
        %eq3A_1717 = vector.broadcast %eq3A_1716 : i32 to vector<16xi32>
        %eq3A_1718 = arith.cmpi eq, %get3A_1564, %eq3A_1717 : vector<16xi32>
        %sub3A_1719 = arith.constant 1.000000e+00 : f32
        %sub3A_1720 = vector.broadcast %sub3A_1719 : f32 to vector<16xf32>
        %sub3A_1721 = arith.subf %sub3A_1720, %mul3A_1715 : vector<16xf32>
        %select_n3A_1722 = arith.select %eq3A_1718, %sub3A_1721, %mul3A_1715 : vector<16xi1>, vector<16xf32>
        %bitcast3A_1723 = vector.bitcast %select_n3A_1722 : vector<16xf32> to vector<16xi32>
        %shift_right_logical3A_1724 = arith.shrui %bitcast3A_1723, %broadcast_in_dim3A_7 : vector<16xi32>
        %max3A_1725 = arith.constant 30464 : i32
        %max3A_1726 = vector.broadcast %max3A_1725 : i32 to vector<16xi32>
        %max3A_1727 = arith.maxsi %shift_right_logical3A_1724, %max3A_1726 : vector<16xi32>
        %min3A_1728 = arith.constant 32511 : i32
        %min3A_1729 = vector.broadcast %min3A_1728 : i32 to vector<16xi32>
        %min3A_1730 = arith.minsi %max3A_1727, %min3A_1729 : vector<16xi32>
        %jit3A_1731 = arith.constant 256 : i32
        %jit3A_1732 = arith.constant -26368 : i32
        %broadcast_in_dim3A_1733 = vector.broadcast %jit3A_1731 : i32 to vector<16xi32>
        %broadcast_in_dim3A_1734 = vector.broadcast %jit3A_1732 : i32 to vector<16xi32>
        %select_n3A_1735 = arith.select %eq3A_1718, %broadcast_in_dim3A_1733, %broadcast_in_dim3A_1734 : vector<16xi1>, vector<16xi32>
        %add3A_1736 = arith.addi %min3A_1730, %select_n3A_1735 : vector<16xi32>
        tpu.vector_store_idx %arg19[%add3A_1736], %broadcast_in_dim3A_5 {add = true} : memref<53248xf32, #tpu.memory_space<vmem>>[vector<16xi32>], vector<16xf32>,
        %mul3A_1737 = arith.mulf %exp3A_1646, %div3A_1670 : vector<16xf32>
        %eq3A_1738 = arith.constant 3 : i32
        %eq3A_1739 = vector.broadcast %eq3A_1738 : i32 to vector<16xi32>
        %eq3A_1740 = arith.cmpi eq, %get3A_1564, %eq3A_1739 : vector<16xi32>
        %sub3A_1741 = arith.constant 1.000000e+00 : f32
        %sub3A_1742 = vector.broadcast %sub3A_1741 : f32 to vector<16xf32>
        %sub3A_1743 = arith.subf %sub3A_1742, %mul3A_1737 : vector<16xf32>
        %select_n3A_1744 = arith.select %eq3A_1740, %sub3A_1743, %mul3A_1737 : vector<16xi1>, vector<16xf32>
        %bitcast3A_1745 = vector.bitcast %select_n3A_1744 : vector<16xf32> to vector<16xi32>
        %shift_right_logical3A_1746 = arith.shrui %bitcast3A_1745, %broadcast_in_dim3A_7 : vector<16xi32>
        %max3A_1747 = arith.constant 30464 : i32
        %max3A_1748 = vector.broadcast %max3A_1747 : i32 to vector<16xi32>
        %max3A_1749 = arith.maxsi %shift_right_logical3A_1746, %max3A_1748 : vector<16xi32>
        %min3A_1750 = arith.constant 32511 : i32
        %min3A_1751 = vector.broadcast %min3A_1750 : i32 to vector<16xi32>
        %min3A_1752 = arith.minsi %max3A_1749, %min3A_1751 : vector<16xi32>
        %jit3A_1753 = arith.constant 2304 : i32
        %jit3A_1754 = arith.constant -24320 : i32
        %broadcast_in_dim3A_1755 = vector.broadcast %jit3A_1753 : i32 to vector<16xi32>
        %broadcast_in_dim3A_1756 = vector.broadcast %jit3A_1754 : i32 to vector<16xi32>
        %select_n3A_1757 = arith.select %eq3A_1740, %broadcast_in_dim3A_1755, %broadcast_in_dim3A_1756 : vector<16xi1>, vector<16xi32>
        %add3A_1758 = arith.addi %min3A_1752, %select_n3A_1757 : vector<16xi32>
        tpu.vector_store_idx %arg19[%add3A_1758], %broadcast_in_dim3A_5 {add = true} : memref<53248xf32, #tpu.memory_space<vmem>>[vector<16xi32>], vector<16xf32>,
        %mul3A_1759 = arith.mulf %exp3A_1647, %div3A_1670 : vector<16xf32>
        %eq3A_1760 = arith.constant 4 : i32
        %eq3A_1761 = vector.broadcast %eq3A_1760 : i32 to vector<16xi32>
        %eq3A_1762 = arith.cmpi eq, %get3A_1564, %eq3A_1761 : vector<16xi32>
        %sub3A_1763 = arith.constant 1.000000e+00 : f32
        %sub3A_1764 = vector.broadcast %sub3A_1763 : f32 to vector<16xf32>
        %sub3A_1765 = arith.subf %sub3A_1764, %mul3A_1759 : vector<16xf32>
        %select_n3A_1766 = arith.select %eq3A_1762, %sub3A_1765, %mul3A_1759 : vector<16xi1>, vector<16xf32>
        %bitcast3A_1767 = vector.bitcast %select_n3A_1766 : vector<16xf32> to vector<16xi32>
        %shift_right_logical3A_1768 = arith.shrui %bitcast3A_1767, %broadcast_in_dim3A_7 : vector<16xi32>
        %max3A_1769 = arith.constant 30464 : i32
        %max3A_1770 = vector.broadcast %max3A_1769 : i32 to vector<16xi32>
        %max3A_1771 = arith.maxsi %shift_right_logical3A_1768, %max3A_1770 : vector<16xi32>
        %min3A_1772 = arith.constant 32511 : i32
        %min3A_1773 = vector.broadcast %min3A_1772 : i32 to vector<16xi32>
        %min3A_1774 = arith.minsi %max3A_1771, %min3A_1773 : vector<16xi32>
        %jit3A_1775 = arith.constant 4352 : i32
        %jit3A_1776 = arith.constant -22272 : i32
        %broadcast_in_dim3A_1777 = vector.broadcast %jit3A_1775 : i32 to vector<16xi32>
        %broadcast_in_dim3A_1778 = vector.broadcast %jit3A_1776 : i32 to vector<16xi32>
        %select_n3A_1779 = arith.select %eq3A_1762, %broadcast_in_dim3A_1777, %broadcast_in_dim3A_1778 : vector<16xi1>, vector<16xi32>
        %add3A_1780 = arith.addi %min3A_1774, %select_n3A_1779 : vector<16xi32>
        tpu.vector_store_idx %arg19[%add3A_1780], %broadcast_in_dim3A_5 {add = true} : memref<53248xf32, #tpu.memory_space<vmem>>[vector<16xi32>], vector<16xf32>,
        %mul3A_1781 = arith.mulf %exp3A_1648, %div3A_1670 : vector<16xf32>
        %eq3A_1782 = arith.constant 5 : i32
        %eq3A_1783 = vector.broadcast %eq3A_1782 : i32 to vector<16xi32>
        %eq3A_1784 = arith.cmpi eq, %get3A_1564, %eq3A_1783 : vector<16xi32>
        %sub3A_1785 = arith.constant 1.000000e+00 : f32
        %sub3A_1786 = vector.broadcast %sub3A_1785 : f32 to vector<16xf32>
        %sub3A_1787 = arith.subf %sub3A_1786, %mul3A_1781 : vector<16xf32>
        %select_n3A_1788 = arith.select %eq3A_1784, %sub3A_1787, %mul3A_1781 : vector<16xi1>, vector<16xf32>
        %bitcast3A_1789 = vector.bitcast %select_n3A_1788 : vector<16xf32> to vector<16xi32>
        %shift_right_logical3A_1790 = arith.shrui %bitcast3A_1789, %broadcast_in_dim3A_7 : vector<16xi32>
        %max3A_1791 = arith.constant 30464 : i32
        %max3A_1792 = vector.broadcast %max3A_1791 : i32 to vector<16xi32>
        %max3A_1793 = arith.maxsi %shift_right_logical3A_1790, %max3A_1792 : vector<16xi32>
        %min3A_1794 = arith.constant 32511 : i32
        %min3A_1795 = vector.broadcast %min3A_1794 : i32 to vector<16xi32>
        %min3A_1796 = arith.minsi %max3A_1793, %min3A_1795 : vector<16xi32>
        %jit3A_1797 = arith.constant 6400 : i32
        %jit3A_1798 = arith.constant -20224 : i32
        %broadcast_in_dim3A_1799 = vector.broadcast %jit3A_1797 : i32 to vector<16xi32>
        %broadcast_in_dim3A_1800 = vector.broadcast %jit3A_1798 : i32 to vector<16xi32>
        %select_n3A_1801 = arith.select %eq3A_1784, %broadcast_in_dim3A_1799, %broadcast_in_dim3A_1800 : vector<16xi1>, vector<16xi32>
        %add3A_1802 = arith.addi %min3A_1796, %select_n3A_1801 : vector<16xi32>
        tpu.vector_store_idx %arg19[%add3A_1802], %broadcast_in_dim3A_5 {add = true} : memref<53248xf32, #tpu.memory_space<vmem>>[vector<16xi32>], vector<16xf32>,
        %mul3A_1803 = arith.mulf %exp3A_1649, %div3A_1670 : vector<16xf32>
        %eq3A_1804 = arith.constant 6 : i32
        %eq3A_1805 = vector.broadcast %eq3A_1804 : i32 to vector<16xi32>
        %eq3A_1806 = arith.cmpi eq, %get3A_1564, %eq3A_1805 : vector<16xi32>
        %sub3A_1807 = arith.constant 1.000000e+00 : f32
        %sub3A_1808 = vector.broadcast %sub3A_1807 : f32 to vector<16xf32>
        %sub3A_1809 = arith.subf %sub3A_1808, %mul3A_1803 : vector<16xf32>
        %select_n3A_1810 = arith.select %eq3A_1806, %sub3A_1809, %mul3A_1803 : vector<16xi1>, vector<16xf32>
        %bitcast3A_1811 = vector.bitcast %select_n3A_1810 : vector<16xf32> to vector<16xi32>
        %shift_right_logical3A_1812 = arith.shrui %bitcast3A_1811, %broadcast_in_dim3A_7 : vector<16xi32>
        %max3A_1813 = arith.constant 30464 : i32
        %max3A_1814 = vector.broadcast %max3A_1813 : i32 to vector<16xi32>
        %max3A_1815 = arith.maxsi %shift_right_logical3A_1812, %max3A_1814 : vector<16xi32>
        %min3A_1816 = arith.constant 32511 : i32
        %min3A_1817 = vector.broadcast %min3A_1816 : i32 to vector<16xi32>
        %min3A_1818 = arith.minsi %max3A_1815, %min3A_1817 : vector<16xi32>
        %jit3A_1819 = arith.constant 8448 : i32
        %jit3A_1820 = arith.constant -18176 : i32
        %broadcast_in_dim3A_1821 = vector.broadcast %jit3A_1819 : i32 to vector<16xi32>
        %broadcast_in_dim3A_1822 = vector.broadcast %jit3A_1820 : i32 to vector<16xi32>
        %select_n3A_1823 = arith.select %eq3A_1806, %broadcast_in_dim3A_1821, %broadcast_in_dim3A_1822 : vector<16xi1>, vector<16xi32>
        %add3A_1824 = arith.addi %min3A_1818, %select_n3A_1823 : vector<16xi32>
        tpu.vector_store_idx %arg19[%add3A_1824], %broadcast_in_dim3A_5 {add = true} : memref<53248xf32, #tpu.memory_space<vmem>>[vector<16xi32>], vector<16xf32>,
        %mul3A_1825 = arith.mulf %exp3A_1650, %div3A_1670 : vector<16xf32>
        %eq3A_1826 = arith.constant 7 : i32
        %eq3A_1827 = vector.broadcast %eq3A_1826 : i32 to vector<16xi32>
        %eq3A_1828 = arith.cmpi eq, %get3A_1564, %eq3A_1827 : vector<16xi32>
        %sub3A_1829 = arith.constant 1.000000e+00 : f32
        %sub3A_1830 = vector.broadcast %sub3A_1829 : f32 to vector<16xf32>
        %sub3A_1831 = arith.subf %sub3A_1830, %mul3A_1825 : vector<16xf32>
        %select_n3A_1832 = arith.select %eq3A_1828, %sub3A_1831, %mul3A_1825 : vector<16xi1>, vector<16xf32>
        %bitcast3A_1833 = vector.bitcast %select_n3A_1832 : vector<16xf32> to vector<16xi32>
        %shift_right_logical3A_1834 = arith.shrui %bitcast3A_1833, %broadcast_in_dim3A_7 : vector<16xi32>
        %max3A_1835 = arith.constant 30464 : i32
        %max3A_1836 = vector.broadcast %max3A_1835 : i32 to vector<16xi32>
        %max3A_1837 = arith.maxsi %shift_right_logical3A_1834, %max3A_1836 : vector<16xi32>
        %min3A_1838 = arith.constant 32511 : i32
        %min3A_1839 = vector.broadcast %min3A_1838 : i32 to vector<16xi32>
        %min3A_1840 = arith.minsi %max3A_1837, %min3A_1839 : vector<16xi32>
        %jit3A_1841 = arith.constant 10496 : i32
        %jit3A_1842 = arith.constant -16128 : i32
        %broadcast_in_dim3A_1843 = vector.broadcast %jit3A_1841 : i32 to vector<16xi32>
        %broadcast_in_dim3A_1844 = vector.broadcast %jit3A_1842 : i32 to vector<16xi32>
        %select_n3A_1845 = arith.select %eq3A_1828, %broadcast_in_dim3A_1843, %broadcast_in_dim3A_1844 : vector<16xi1>, vector<16xi32>
        %add3A_1846 = arith.addi %min3A_1840, %select_n3A_1845 : vector<16xi32>
        tpu.vector_store_idx %arg19[%add3A_1846], %broadcast_in_dim3A_5 {add = true} : memref<53248xf32, #tpu.memory_space<vmem>>[vector<16xi32>], vector<16xf32>,
        %mul3A_1847 = arith.mulf %exp3A_1651, %div3A_1670 : vector<16xf32>
        %eq3A_1848 = arith.constant 8 : i32
        %eq3A_1849 = vector.broadcast %eq3A_1848 : i32 to vector<16xi32>
        %eq3A_1850 = arith.cmpi eq, %get3A_1564, %eq3A_1849 : vector<16xi32>
        %sub3A_1851 = arith.constant 1.000000e+00 : f32
        %sub3A_1852 = vector.broadcast %sub3A_1851 : f32 to vector<16xf32>
        %sub3A_1853 = arith.subf %sub3A_1852, %mul3A_1847 : vector<16xf32>
        %select_n3A_1854 = arith.select %eq3A_1850, %sub3A_1853, %mul3A_1847 : vector<16xi1>, vector<16xf32>
        %bitcast3A_1855 = vector.bitcast %select_n3A_1854 : vector<16xf32> to vector<16xi32>
        %shift_right_logical3A_1856 = arith.shrui %bitcast3A_1855, %broadcast_in_dim3A_7 : vector<16xi32>
        %max3A_1857 = arith.constant 30464 : i32
        %max3A_1858 = vector.broadcast %max3A_1857 : i32 to vector<16xi32>
        %max3A_1859 = arith.maxsi %shift_right_logical3A_1856, %max3A_1858 : vector<16xi32>
        %min3A_1860 = arith.constant 32511 : i32
        %min3A_1861 = vector.broadcast %min3A_1860 : i32 to vector<16xi32>
        %min3A_1862 = arith.minsi %max3A_1859, %min3A_1861 : vector<16xi32>
        %jit3A_1863 = arith.constant 12544 : i32
        %jit3A_1864 = arith.constant -14080 : i32
        %broadcast_in_dim3A_1865 = vector.broadcast %jit3A_1863 : i32 to vector<16xi32>
        %broadcast_in_dim3A_1866 = vector.broadcast %jit3A_1864 : i32 to vector<16xi32>
        %select_n3A_1867 = arith.select %eq3A_1850, %broadcast_in_dim3A_1865, %broadcast_in_dim3A_1866 : vector<16xi1>, vector<16xi32>
        %add3A_1868 = arith.addi %min3A_1862, %select_n3A_1867 : vector<16xi32>
        tpu.vector_store_idx %arg19[%add3A_1868], %broadcast_in_dim3A_5 {add = true} : memref<53248xf32, #tpu.memory_space<vmem>>[vector<16xi32>], vector<16xf32>,
        %mul3A_1869 = arith.mulf %exp3A_1652, %div3A_1670 : vector<16xf32>
        %eq3A_1870 = arith.constant 9 : i32
        %eq3A_1871 = vector.broadcast %eq3A_1870 : i32 to vector<16xi32>
        %eq3A_1872 = arith.cmpi eq, %get3A_1564, %eq3A_1871 : vector<16xi32>
        %sub3A_1873 = arith.constant 1.000000e+00 : f32
        %sub3A_1874 = vector.broadcast %sub3A_1873 : f32 to vector<16xf32>
        %sub3A_1875 = arith.subf %sub3A_1874, %mul3A_1869 : vector<16xf32>
        %select_n3A_1876 = arith.select %eq3A_1872, %sub3A_1875, %mul3A_1869 : vector<16xi1>, vector<16xf32>
        %bitcast3A_1877 = vector.bitcast %select_n3A_1876 : vector<16xf32> to vector<16xi32>
        %shift_right_logical3A_1878 = arith.shrui %bitcast3A_1877, %broadcast_in_dim3A_7 : vector<16xi32>
        %max3A_1879 = arith.constant 30464 : i32
        %max3A_1880 = vector.broadcast %max3A_1879 : i32 to vector<16xi32>
        %max3A_1881 = arith.maxsi %shift_right_logical3A_1878, %max3A_1880 : vector<16xi32>
        %min3A_1882 = arith.constant 32511 : i32
        %min3A_1883 = vector.broadcast %min3A_1882 : i32 to vector<16xi32>
        %min3A_1884 = arith.minsi %max3A_1881, %min3A_1883 : vector<16xi32>
        %jit3A_1885 = arith.constant 14592 : i32
        %jit3A_1886 = arith.constant -12032 : i32
        %broadcast_in_dim3A_1887 = vector.broadcast %jit3A_1885 : i32 to vector<16xi32>
        %broadcast_in_dim3A_1888 = vector.broadcast %jit3A_1886 : i32 to vector<16xi32>
        %select_n3A_1889 = arith.select %eq3A_1872, %broadcast_in_dim3A_1887, %broadcast_in_dim3A_1888 : vector<16xi1>, vector<16xi32>
        %add3A_1890 = arith.addi %min3A_1884, %select_n3A_1889 : vector<16xi32>
        tpu.vector_store_idx %arg19[%add3A_1890], %broadcast_in_dim3A_5 {add = true} : memref<53248xf32, #tpu.memory_space<vmem>>[vector<16xi32>], vector<16xf32>,
        %mul3A_1891 = arith.mulf %exp3A_1653, %div3A_1670 : vector<16xf32>
        %eq3A_1892 = arith.constant 10 : i32
        %eq3A_1893 = vector.broadcast %eq3A_1892 : i32 to vector<16xi32>
        %eq3A_1894 = arith.cmpi eq, %get3A_1564, %eq3A_1893 : vector<16xi32>
        %sub3A_1895 = arith.constant 1.000000e+00 : f32
        %sub3A_1896 = vector.broadcast %sub3A_1895 : f32 to vector<16xf32>
        %sub3A_1897 = arith.subf %sub3A_1896, %mul3A_1891 : vector<16xf32>
        %select_n3A_1898 = arith.select %eq3A_1894, %sub3A_1897, %mul3A_1891 : vector<16xi1>, vector<16xf32>
        %bitcast3A_1899 = vector.bitcast %select_n3A_1898 : vector<16xf32> to vector<16xi32>
        %shift_right_logical3A_1900 = arith.shrui %bitcast3A_1899, %broadcast_in_dim3A_7 : vector<16xi32>
        %max3A_1901 = arith.constant 30464 : i32
        %max3A_1902 = vector.broadcast %max3A_1901 : i32 to vector<16xi32>
        %max3A_1903 = arith.maxsi %shift_right_logical3A_1900, %max3A_1902 : vector<16xi32>
        %min3A_1904 = arith.constant 32511 : i32
        %min3A_1905 = vector.broadcast %min3A_1904 : i32 to vector<16xi32>
        %min3A_1906 = arith.minsi %max3A_1903, %min3A_1905 : vector<16xi32>
        %jit3A_1907 = arith.constant 16640 : i32
        %jit3A_1908 = arith.constant -9984 : i32
        %broadcast_in_dim3A_1909 = vector.broadcast %jit3A_1907 : i32 to vector<16xi32>
        %broadcast_in_dim3A_1910 = vector.broadcast %jit3A_1908 : i32 to vector<16xi32>
        %select_n3A_1911 = arith.select %eq3A_1894, %broadcast_in_dim3A_1909, %broadcast_in_dim3A_1910 : vector<16xi1>, vector<16xi32>
        %add3A_1912 = arith.addi %min3A_1906, %select_n3A_1911 : vector<16xi32>
        tpu.vector_store_idx %arg19[%add3A_1912], %broadcast_in_dim3A_5 {add = true} : memref<53248xf32, #tpu.memory_space<vmem>>[vector<16xi32>], vector<16xf32>,
        %mul3A_1913 = arith.mulf %exp3A_1654, %div3A_1670 : vector<16xf32>
        %eq3A_1914 = arith.constant 11 : i32
        %eq3A_1915 = vector.broadcast %eq3A_1914 : i32 to vector<16xi32>
        %eq3A_1916 = arith.cmpi eq, %get3A_1564, %eq3A_1915 : vector<16xi32>
        %sub3A_1917 = arith.constant 1.000000e+00 : f32
        %sub3A_1918 = vector.broadcast %sub3A_1917 : f32 to vector<16xf32>
        %sub3A_1919 = arith.subf %sub3A_1918, %mul3A_1913 : vector<16xf32>
        %select_n3A_1920 = arith.select %eq3A_1916, %sub3A_1919, %mul3A_1913 : vector<16xi1>, vector<16xf32>
        %bitcast3A_1921 = vector.bitcast %select_n3A_1920 : vector<16xf32> to vector<16xi32>
        %shift_right_logical3A_1922 = arith.shrui %bitcast3A_1921, %broadcast_in_dim3A_7 : vector<16xi32>
        %max3A_1923 = arith.constant 30464 : i32
        %max3A_1924 = vector.broadcast %max3A_1923 : i32 to vector<16xi32>
        %max3A_1925 = arith.maxsi %shift_right_logical3A_1922, %max3A_1924 : vector<16xi32>
        %min3A_1926 = arith.constant 32511 : i32
        %min3A_1927 = vector.broadcast %min3A_1926 : i32 to vector<16xi32>
        %min3A_1928 = arith.minsi %max3A_1925, %min3A_1927 : vector<16xi32>
        %jit3A_1929 = arith.constant 18688 : i32
        %jit3A_1930 = arith.constant -7936 : i32
        %broadcast_in_dim3A_1931 = vector.broadcast %jit3A_1929 : i32 to vector<16xi32>
        %broadcast_in_dim3A_1932 = vector.broadcast %jit3A_1930 : i32 to vector<16xi32>
        %select_n3A_1933 = arith.select %eq3A_1916, %broadcast_in_dim3A_1931, %broadcast_in_dim3A_1932 : vector<16xi1>, vector<16xi32>
        %add3A_1934 = arith.addi %min3A_1928, %select_n3A_1933 : vector<16xi32>
        tpu.vector_store_idx %arg19[%add3A_1934], %broadcast_in_dim3A_5 {add = true} : memref<53248xf32, #tpu.memory_space<vmem>>[vector<16xi32>], vector<16xf32>,
        %mul3A_1935 = arith.mulf %exp3A_1655, %div3A_1670 : vector<16xf32>
        %eq3A_1936 = arith.constant 12 : i32
        %eq3A_1937 = vector.broadcast %eq3A_1936 : i32 to vector<16xi32>
        %eq3A_1938 = arith.cmpi eq, %get3A_1564, %eq3A_1937 : vector<16xi32>
        %sub3A_1939 = arith.constant 1.000000e+00 : f32
        %sub3A_1940 = vector.broadcast %sub3A_1939 : f32 to vector<16xf32>
        %sub3A_1941 = arith.subf %sub3A_1940, %mul3A_1935 : vector<16xf32>
        %select_n3A_1942 = arith.select %eq3A_1938, %sub3A_1941, %mul3A_1935 : vector<16xi1>, vector<16xf32>
        %bitcast3A_1943 = vector.bitcast %select_n3A_1942 : vector<16xf32> to vector<16xi32>
        %shift_right_logical3A_1944 = arith.shrui %bitcast3A_1943, %broadcast_in_dim3A_7 : vector<16xi32>
        %max3A_1945 = arith.constant 30464 : i32
        %max3A_1946 = vector.broadcast %max3A_1945 : i32 to vector<16xi32>
        %max3A_1947 = arith.maxsi %shift_right_logical3A_1944, %max3A_1946 : vector<16xi32>
        %min3A_1948 = arith.constant 32511 : i32
        %min3A_1949 = vector.broadcast %min3A_1948 : i32 to vector<16xi32>
        %min3A_1950 = arith.minsi %max3A_1947, %min3A_1949 : vector<16xi32>
        %jit3A_1951 = arith.constant 20736 : i32
        %jit3A_1952 = arith.constant -5888 : i32
        %broadcast_in_dim3A_1953 = vector.broadcast %jit3A_1951 : i32 to vector<16xi32>
        %broadcast_in_dim3A_1954 = vector.broadcast %jit3A_1952 : i32 to vector<16xi32>
        %select_n3A_1955 = arith.select %eq3A_1938, %broadcast_in_dim3A_1953, %broadcast_in_dim3A_1954 : vector<16xi1>, vector<16xi32>
        %add3A_1956 = arith.addi %min3A_1950, %select_n3A_1955 : vector<16xi32>
        tpu.vector_store_idx %arg19[%add3A_1956], %broadcast_in_dim3A_5 {add = true} : memref<53248xf32, #tpu.memory_space<vmem>>[vector<16xi32>], vector<16xf32>,
      }
      %scan3A_352 = arith.constant 128 : i32
    }
    %scan3A_101 = arith.constant 8 : i32
    "tpu.region"() ({
      %run_scoped3A = tpu.sem_alloc : memref<!tpu.dma_semaphore, #tpu.memory_space<semaphore_mem>>
      %dma_start3A_102 = arith.constant 0 : i32
      %dma_start3A_103 = tpu.memref_slice %arg16[%add3A, %dma_start3A_102] : memref<32x53248xf32, #tpu.memory_space<hbm>> -> memref<1x53248xf32, #tpu.memory_space<hbm>>
      %dma_start3A_104 = tpu.memref_squeeze %dma_start3A_103 : memref<1x53248xf32, #tpu.memory_space<hbm>> -> memref<53248xf32, #tpu.memory_space<hbm>>
      %dma_start3A_105 = arith.constant 0 : i32
      %dma_start3A_106 = tpu.memref_slice %arg16[%add3A, %dma_start3A_105] : memref<32x53248xf32, #tpu.memory_space<hbm>> -> memref<1x53248xf32, #tpu.memory_space<hbm>>
      %dma_start3A_107 = tpu.memref_squeeze %dma_start3A_106 : memref<1x53248xf32, #tpu.memory_space<hbm>> -> memref<53248xf32, #tpu.memory_space<hbm>>
      tpu.enqueue_dma source(%arg19 : memref<53248xf32, #tpu.memory_space<vmem>>) target(%dma_start3A_107 : memref<53248xf32, #tpu.memory_space<hbm>>) target_semaphore(%run_scoped3A : memref<!tpu.dma_semaphore, #tpu.memory_space<semaphore_mem>>)
      %dma_wait3A = arith.constant 0 : i32
      %dma_wait3A_108 = tpu.memref_slice %arg16[%add3A, %dma_wait3A] : memref<32x53248xf32, #tpu.memory_space<hbm>> -> memref<1x53248xf32, #tpu.memory_space<hbm>>
      %dma_wait3A_109 = tpu.memref_squeeze %dma_wait3A_108 : memref<1x53248xf32, #tpu.memory_space<hbm>> -> memref<53248xf32, #tpu.memory_space<hbm>>
      %dma_wait3A_110 = arith.constant 0 : i32
      %dma_wait3A_111 = tpu.memref_slice %arg16[%add3A, %dma_wait3A_110] : memref<32x53248xf32, #tpu.memory_space<hbm>> -> memref<1x53248xf32, #tpu.memory_space<hbm>>
      %dma_wait3A_112 = tpu.memref_squeeze %dma_wait3A_111 : memref<1x53248xf32, #tpu.memory_space<hbm>> -> memref<53248xf32, #tpu.memory_space<hbm>>
      tpu.wait_dma2 semaphore(%run_scoped3A : memref<!tpu.dma_semaphore, #tpu.memory_space<semaphore_mem>>) src(%arg19 : memref<53248xf32, #tpu.memory_space<vmem>>) dst(%dma_wait3A_112 : memref<53248xf32, #tpu.memory_space<hbm>>)
      tpu.yield
    }) : () -> ()
    return
  }
}

module attributes {stable_mosaic.version = 14 : i64} {
  func.func @_finish_body(%arg0: memref<32x2x13x2048xf32, #tpu.memory_space<vmem>>, %arg1: memref<1x1xf32, #tpu.memory_space<vmem>>) attributes {dimension_semantics = [], scalar_prefetch = 0 : i64, scratch_operands = 0 : i64, tpu.core_type = #tpu.core_type<tc>} {
    %get3A = arith.constant 0 : index
    %get3A_0 = arith.constant 0 : index
    %get3A_1 = arith.constant 0 : index
    %get3A_2 = arith.constant 0 : index
    %get3A_3 = vector.load %arg0[%get3A, %get3A_0, %get3A_1, %get3A_2] : memref<32x2x13x2048xf32, #tpu.memory_space<vmem>>, vector<32x2x13x2048xf32>
    %reduce_sum3A = arith.constant dense<0.000000e+00> : vector<2x13x2048xf32>
    %reduce_sum3A_4 = vector.multi_reduction <add>, %get3A_3, %reduce_sum3A [0] : vector<32x2x13x2048xf32> to vector<2x13x2048xf32>
    %slice3A = vector.extract_strided_slice %reduce_sum3A_4 {offsets = [1, 0, 0], sizes = [1, 13, 2048], strides = [1, 1, 1]} : vector<2x13x2048xf32> to vector<1x13x2048xf32>
    %squeeze3A = vector.shape_cast %slice3A : vector<1x13x2048xf32> to vector<13x2048xf32>
    %slice3A_5 = vector.extract_strided_slice %reduce_sum3A_4 {offsets = [0, 0, 0], sizes = [1, 13, 2048], strides = [1, 1, 1]} : vector<2x13x2048xf32> to vector<1x13x2048xf32>
    %squeeze3A_6 = vector.shape_cast %slice3A_5 : vector<1x13x2048xf32> to vector<13x2048xf32>
    %add3A = arith.addf %squeeze3A_6, %squeeze3A : vector<13x2048xf32>
    %iota3A = tpu.iota {dimensions = array<i32: 0>} : vector<2048x2048xi32>
    %iota3A_7 = tpu.iota {dimensions = array<i32: 1>} : vector<2048x2048xi32>
    %gt3A = arith.cmpi sgt, %iota3A, %iota3A_7 : vector<2048x2048xi32>
    %convert_element_type3A = arith.extui %gt3A : vector<2048x2048xi1> to vector<2048x2048xi32>
    %convert_element_type3A_8 = arith.sitofp %convert_element_type3A : vector<2048x2048xi32> to vector<2048x2048xf32>
    %dot_general3A = arith.constant dense<0.000000e+00> : vector<13x2048xf32>
    %dot_general3A_9 = tpu.matmul %add3A, %convert_element_type3A_8, %dot_general3A {dimension_numbers = #tpu.dot_dimension_numbers<[1], [0], [0], [1], [0, 0, 1, 1], [], []>, precision = #tpu.contract_precision<fp32>, transpose_lhs_hint = false} : vector<13x2048xf32>, vector<2048x2048xf32>, vector<13x2048xf32> -> vector<13x2048xf32>
    %dot_general3A_10 = arith.constant dense<0.000000e+00> : vector<13x2048xf32>
    %dot_general3A_11 = tpu.matmul %squeeze3A, %convert_element_type3A_8, %dot_general3A_10 {dimension_numbers = #tpu.dot_dimension_numbers<[1], [0], [0], [1], [0, 0, 1, 1], [], []>, precision = #tpu.contract_precision<fp32>, transpose_lhs_hint = false} : vector<13x2048xf32>, vector<2048x2048xf32>, vector<13x2048xf32> -> vector<13x2048xf32>
    %reduce_sum3A_12 = arith.constant dense<0.000000e+00> : vector<13xf32>
    %reduce_sum3A_13 = vector.multi_reduction <add>, %squeeze3A, %reduce_sum3A_12 [1] : vector<13x2048xf32> to vector<13xf32>
    %broadcast_in_dim3A = vector.shape_cast %reduce_sum3A_13 : vector<13xf32> to vector<13x1xf32>
    %add3A_14 = arith.addf %dot_general3A_9, %add3A : vector<13x2048xf32>
    %add3A_15 = arith.addf %dot_general3A_11, %squeeze3A : vector<13x2048xf32>
    %add3A_16 = vector.broadcast %broadcast_in_dim3A : vector<13x1xf32> to vector<13x2048xf32>
    %add3A_17 = arith.addf %add3A_16, %add3A_14 : vector<13x2048xf32>
    %sub3A = arith.subf %add3A_17, %add3A_15 : vector<13x2048xf32>
    %gt3A_18 = arith.constant 0.000000e+00 : f32
    %gt3A_19 = vector.broadcast %gt3A_18 : f32 to vector<13x2048xf32>
    %gt3A_20 = arith.cmpf ogt, %sub3A, %gt3A_19 : vector<13x2048xf32>
    %sub3A_21 = vector.broadcast %broadcast_in_dim3A : vector<13x1xf32> to vector<13x2048xf32>
    %sub3A_22 = arith.subf %sub3A_21, %add3A_15 : vector<13x2048xf32>
    %gt3A_23 = arith.constant 0.000000e+00 : f32
    %gt3A_24 = vector.broadcast %gt3A_23 : f32 to vector<13x2048xf32>
    %gt3A_25 = arith.cmpf ogt, %sub3A, %gt3A_24 : vector<13x2048xf32>
    %jit3A = arith.constant 1.000000e+00 : f32
    %broadcast_in_dim3A_26 = vector.broadcast %jit3A : f32 to vector<13x2048xf32>
    %select_n3A = arith.select %gt3A_25, %sub3A, %broadcast_in_dim3A_26 : vector<13x2048xi1>, vector<13x2048xf32>
    %div3A = arith.divf %sub3A_22, %select_n3A : vector<13x2048xf32>
    %sub3A_27 = arith.constant 1.000000e+00 : f32
    %sub3A_28 = vector.broadcast %sub3A_27 : f32 to vector<13x2048xf32>
    %sub3A_29 = arith.subf %sub3A_28, %div3A : vector<13x2048xf32>
    %jit3A_30 = arith.constant 0.000000e+00 : f32
    %broadcast_in_dim3A_31 = vector.broadcast %jit3A_30 : f32 to vector<13x2048xf32>
    %select_n3A_32 = arith.select %gt3A_20, %sub3A_29, %broadcast_in_dim3A_31 : vector<13x2048xi1>, vector<13x2048xf32>
    %add3A_33 = vector.broadcast %broadcast_in_dim3A : vector<13x1xf32> to vector<13x2048xf32>
    %add3A_34 = arith.addf %add3A_33, %dot_general3A_9 : vector<13x2048xf32>
    %sub3A_35 = arith.subf %add3A_34, %dot_general3A_11 : vector<13x2048xf32>
    %gt3A_36 = arith.constant 0.000000e+00 : f32
    %gt3A_37 = vector.broadcast %gt3A_36 : f32 to vector<13x2048xf32>
    %gt3A_38 = arith.cmpf ogt, %sub3A_35, %gt3A_37 : vector<13x2048xf32>
    %sub3A_39 = vector.broadcast %broadcast_in_dim3A : vector<13x1xf32> to vector<13x2048xf32>
    %sub3A_40 = arith.subf %sub3A_39, %dot_general3A_11 : vector<13x2048xf32>
    %gt3A_41 = arith.constant 0.000000e+00 : f32
    %gt3A_42 = vector.broadcast %gt3A_41 : f32 to vector<13x2048xf32>
    %gt3A_43 = arith.cmpf ogt, %sub3A_35, %gt3A_42 : vector<13x2048xf32>
    %jit3A_44 = arith.constant 1.000000e+00 : f32
    %broadcast_in_dim3A_45 = vector.broadcast %jit3A_44 : f32 to vector<13x2048xf32>
    %select_n3A_46 = arith.select %gt3A_43, %sub3A_35, %broadcast_in_dim3A_45 : vector<13x2048xi1>, vector<13x2048xf32>
    %div3A_47 = arith.divf %sub3A_40, %select_n3A_46 : vector<13x2048xf32>
    %sub3A_48 = arith.constant 1.000000e+00 : f32
    %sub3A_49 = vector.broadcast %sub3A_48 : f32 to vector<13x2048xf32>
    %sub3A_50 = arith.subf %sub3A_49, %div3A_47 : vector<13x2048xf32>
    %jit3A_51 = arith.constant 0.000000e+00 : f32
    %broadcast_in_dim3A_52 = vector.broadcast %jit3A_51 : f32 to vector<13x2048xf32>
    %select_n3A_53 = arith.select %gt3A_38, %sub3A_50, %broadcast_in_dim3A_52 : vector<13x2048xi1>, vector<13x2048xf32>
    %sub3A_54 = arith.subf %select_n3A_32, %select_n3A_53 : vector<13x2048xf32>
    %iota3A_55 = tpu.iota {dimensions = array<i32: 1>} : vector<1x2048xi32>
    %add3A_56 = arith.constant 30464 : i32
    %add3A_57 = vector.broadcast %add3A_56 : i32 to vector<1x2048xi32>
    %add3A_58 = arith.addi %iota3A_55, %add3A_57 : vector<1x2048xi32>
    %and3A = arith.constant 255 : i32
    %and3A_59 = vector.broadcast %and3A : i32 to vector<1x2048xi32>
    %and3A_60 = arith.andi %add3A_58, %and3A_59 : vector<1x2048xi32>
    %convert_element_type3A_61 = arith.sitofp %and3A_60 : vector<1x2048xi32> to vector<1x2048xf32>
    %shift_right_arithmetic3A = arith.constant 8 : i32
    %shift_right_arithmetic3A_62 = vector.broadcast %shift_right_arithmetic3A : i32 to vector<1x2048xi32>
    %shift_right_arithmetic3A_63 = arith.shrsi %add3A_58, %shift_right_arithmetic3A_62 : vector<1x2048xi32>
    %sub3A_64 = arith.constant 127 : i32
    %sub3A_65 = vector.broadcast %sub3A_64 : i32 to vector<1x2048xi32>
    %sub3A_66 = arith.subi %shift_right_arithmetic3A_63, %sub3A_65 : vector<1x2048xi32>
    %convert_element_type3A_67 = arith.sitofp %sub3A_66 : vector<1x2048xi32> to vector<1x2048xf32>
    %exp23A = math.exp2 %convert_element_type3A_67 : vector<1x2048xf32>
    %add3A_68 = arith.constant 5.000000e-01 : f32
    %add3A_69 = vector.broadcast %add3A_68 : f32 to vector<1x2048xf32>
    %add3A_70 = arith.addf %convert_element_type3A_61, %add3A_69 : vector<1x2048xf32>
    %mul3A = arith.constant 3.906250e-03 : f32
    %mul3A_71 = vector.broadcast %mul3A : f32 to vector<1x2048xf32>
    %mul3A_72 = arith.mulf %add3A_70, %mul3A_71 : vector<1x2048xf32>
    %add3A_73 = arith.constant 1.000000e+00 : f32
    %add3A_74 = vector.broadcast %add3A_73 : f32 to vector<1x2048xf32>
    %add3A_75 = arith.addf %add3A_74, %mul3A_72 : vector<1x2048xf32>
    %mul3A_76 = arith.mulf %exp23A, %add3A_75 : vector<1x2048xf32>
    %eq3A = arith.constant 0 : i32
    %eq3A_77 = vector.broadcast %eq3A : i32 to vector<1x2048xi32>
    %eq3A_78 = arith.cmpi eq, %iota3A_55, %eq3A_77 : vector<1x2048xi32>
    %jit3A_79 = arith.constant 0.001953125 : f32
    %broadcast_in_dim3A_80 = vector.broadcast %jit3A_79 : f32 to vector<1x2048xf32>
    %select_n3A_81 = arith.select %eq3A_78, %broadcast_in_dim3A_80, %mul3A_76 : vector<1x2048xi1>, vector<1x2048xf32>
    %mul3A_82 = vector.broadcast %select_n3A_81 : vector<1x2048xf32> to vector<13x2048xf32>
    %mul3A_83 = arith.mulf %mul3A_82, %sub3A_54 : vector<13x2048xf32>
    %reduce_sum3A_84 = arith.constant dense<0.000000e+00> : vector<13xf32>
    %reduce_sum3A_85 = vector.multi_reduction <add>, %mul3A_83, %reduce_sum3A_84 [1] : vector<13x2048xf32> to vector<13xf32>
    %squeeze3A_86 = vector.shape_cast %broadcast_in_dim3A : vector<13x1xf32> to vector<13xf32>
    %gt3A_87 = arith.constant 0.000000e+00 : f32
    %gt3A_88 = vector.broadcast %gt3A_87 : f32 to vector<13xf32>
    %gt3A_89 = arith.cmpf ogt, %squeeze3A_86, %gt3A_88 : vector<13xf32>
    %convert_element_type3A_90 = arith.extui %gt3A_89 : vector<13xi1> to vector<13xi32>
    %convert_element_type3A_91 = arith.sitofp %convert_element_type3A_90 : vector<13xi32> to vector<13xf32>
    %reduce_sum3A_92 = vector.shape_cast %convert_element_type3A_91 : vector<13xf32> to vector<1x13xf32>
    %reduce_sum3A_93 = arith.constant dense<0.000000e+00> : vector<1xf32>
    %reduce_sum3A_94 = vector.multi_reduction <add>, %reduce_sum3A_92, %reduce_sum3A_93 [1] : vector<1x13xf32> to vector<1xf32>
    %reduce_sum3A_95 = vector.shape_cast %reduce_sum3A_94 : vector<1xf32> to vector<1x1xf32>
    %reduce_sum3A_96 = vector.extract %reduce_sum3A_95[0, 0] : f32 from vector<1x1xf32>
    %jit3A_97 = arith.constant 0.000000e+00 : f32
    %broadcast_in_dim3A_98 = vector.broadcast %jit3A_97 : f32 to vector<13xf32>
    %select_n3A_99 = arith.select %gt3A_89, %reduce_sum3A_85, %broadcast_in_dim3A_98 : vector<13xi1>, vector<13xf32>
    %reduce_sum3A_100 = vector.shape_cast %select_n3A_99 : vector<13xf32> to vector<1x13xf32>
    %reduce_sum3A_101 = arith.constant dense<0.000000e+00> : vector<1xf32>
    %reduce_sum3A_102 = vector.multi_reduction <add>, %reduce_sum3A_100, %reduce_sum3A_101 [1] : vector<1x13xf32> to vector<1xf32>
    %reduce_sum3A_103 = vector.shape_cast %reduce_sum3A_102 : vector<1xf32> to vector<1x1xf32>
    %reduce_sum3A_104 = vector.extract %reduce_sum3A_103[0, 0] : f32 from vector<1x1xf32>
    %gt3A_105 = arith.constant 0.000000e+00 : f32
    %gt3A_106 = arith.cmpf ogt, %reduce_sum3A_96, %gt3A_105 : f32
    %max3A = arith.constant 1.000000e+00 : f32
    %max3A_107 = arith.maximumf %reduce_sum3A_96, %max3A : f32
    %div3A_108 = arith.divf %reduce_sum3A_104, %max3A_107 : f32
    %jit3A_109 = arith.constant 0.000000e+00 : f32
    %select_n3A_110 = arith.select %gt3A_106, %div3A_108, %jit3A_109 : f32
    %reshape3A = vector.broadcast %select_n3A_110 : f32 to vector<1x1xf32>
    %swap3A = arith.constant 0 : index
    %swap3A_111 = arith.constant 0 : index
    %swap3A_112 = vector.load %arg1[%swap3A, %swap3A_111] : memref<1x1xf32, #tpu.memory_space<vmem>>, vector<1x1xf32>
    tpu.vector_store %arg1[%swap3A, %swap3A_111], %reshape3A {strides = array<i32>} : memref<1x1xf32, #tpu.memory_space<vmem>>, vector<1x1xf32>,
    return
  }
}

</mosaic_0001>

<sc_bundles>
// kernel: kernel.4.cloned.1.call-start
scs
__scs_entry_jumppad:
0x0: {  	(pc) =	sbr.rel $0x88, $3  }
0x1: {  	(tag) =	ssettag $0x0;
	lr =	simm.s32 $0x1  }
0x2: {  	[smem:$0x3F9F] =	sst lr;
	_ =	strace $0xD0000000  }
0x3: {  	_ = 	snop  }
0x4: {  	_ = 	snop  }
0x5: {  	_ = 	snop  }
0x6: {  	_ = 	snop  }
0x7: {  	_ = 	snop  }
__scs_overlays_trampoline_lowered:
0x8: {  	[smem:$0x3FAE] =	sst s0  }
0x9: {  	[smem:$0x3FAF] =	sst s1  }
0xa: {  	[smem:$0x3FB0] =	sst s2  }
0xb: {  	[smem:$0x3FB1] =	sst s3  }
0xc: {  	[smem:$0x3FB2] =	sst s4  }
0xd: {  	[smem:$0x3FB3] =	sst s5  }
0xe: {  	[smem:$0x3FB4] =	sst s6  }
0xf: {  	[smem:$0x3FB5] =	sst s7  }
0x10: {  	[smem:$0x3FB6] =	sst s8  }
0x11: {  	[smem:$0x3FB7] =	sst s9;
	s0 =	simm.s32 @!p0 $0x0  }
0x12: {  	s1 =	sld [smem:$0x3F9D];
	s0 =	simm.s32 @p0 $0x1  }
0x13: {  	[smem:$0x3FB8] =	sst s0;
	s0 =	simm.s32 @!p1 $0x0  }
0x14: {  	s2 =	sld [smem:$0x3F9C];
	s0 =	simm.s32 @p1 $0x1  }
0x15: {  	[smem:$0x3FB9] =	sst s0;
	s0 =	simm.s32 @!p2 $0x0  }
0x16: {  	s3 =	sld [smem:$0x3FDB];
	s0 =	simm.s32 @p2 $0x1  }
0x17: {  	s4 =	simm.s32 $0x1BF5;
	[smem:$0x3FBB] =	sst s0  }
0x18: {  	s0 =	sld [smem:$0x3F9E];
	_ =	swait.ge [sflag:s4], $0x0  }
0x19: {  	s7 =	sld [smem:$0x3F9F]  }
0x1a: {  	s8 =	sadd.s32 $0xFFFFE003, lr  }
0x1b: {  	s9 =	sadd.s32 $0xFFFFFEF7, lr;
	s5 =	simm.s32 $0xFFFFFFFF;
	p2 =	slt.u32 s8, $0xFFFFF086  }
0x1c: {  	p1 =	slt.u32 s9, $0xF7A;
	s5 =	simm.s32 @!p2 $0x0  }
0x1d: {  	s5 =	simm.s32 @p1 $0x1;
	p0 =	seq.s32 s7, s2  }
0x1e: {  	s7 =	smul.u32 @!p0 $0xF7A, s2;
	p2 =	seq.s32 @!p0 s5, $0x0  }
0x1f: {  	s9 =	smul.u32 $0xF7A, s1;
	s8 =	simm.s32 @!p0 $0x1BF5;
	p2 =	por !p2, p0  }
0x20: {  	[sflag:s8] =	ssyncset.s32 @!p0 $0xFFFFF086;
	s6 =	sadd.s32 @!p0 s3, s7;
	s7 =	simm.s32 @!p0 $0x108  }
0x21: {  	s3 =	sadd.s32 s3, s9;
	s6 =	sadd.s32 @!p0 $0x88, s6;
	s7 =	simm.s32 @p2 $0x1082  }
0x22: {  	[simem:s7], [sflag:s8] =	dma.local @!p0 [hbm:s6], $0xF7A  }
0x23: {  	s9 =	sor.u32 $0xD0000000, s2;
	s6 =	simm.s32 $0x108;
	_ =	swait.ge @!p0 [sflag:s8], $0x0  }
0x24: {  	s3 =	sadd.s32 $0x88, s3;
	s6 =	simm.s32 @!p1 $0x1082;
	[sflag:s4] =	ssyncset.s32 $0xFFFFF086  }
0x25: {  	[simem:s6], [sflag:s4] =	dma.local [hbm:s3], $0xF7A  }
0x26: {  	[smem:$0x3F9F] =	sst s1;
	(tag) =	ssettag s2;
	_ =	strace s9  }
0x27: {  	s1 =	sld [smem:$0x3FAF]  }
0x28: {  	s2 =	sld [smem:$0x3FB0]  }
0x29: {  	s4 =	sld [smem:$0x3FB2]  }
0x2a: {  	p0 =	seq.s32 s5, $0x0;
	s5 =	sld [smem:$0x3FB3]  }
0x2b: {  	s6 =	sld [smem:$0x3FB4]  }
0x2c: {  	s7 =	sld [smem:$0x3FB5]  }
0x2d: {  	s3 =	simm.s32 $0x108;
	s8 =	sld [smem:$0x3FB6]  }
0x2e: {  	s3 =	simm.s32 @!p0 $0x1082;
	s9 =	sld [smem:$0x3FB7]  }
0x2f: {  	lr =	sadd.s32 s0, s3;
	s0 =	sld [smem:$0x3FAE]  }
0x30: {  	s3 =	sld [smem:$0x3FB1]  }
0x31: {  	[smem:$0x3FBA] =	sst s10  }
0x32: {  	s10 =	sld [smem:$0x3FB8];
	_ =	sdelay $0x3  }
0x33: {  	p0 =	seq.s32 s10, $0x1;
	s10 =	sld [smem:$0x3FBA];
	_ =	sdelay $0x3  }
0x34: {  	[smem:$0x3FBA] =	sst s10  }
0x35: {  	s10 =	sld [smem:$0x3FB9];
	_ =	sdelay $0x3  }
0x36: {  	p1 =	seq.s32 s10, $0x1;
	s10 =	sld [smem:$0x3FBA];
	_ =	sdelay $0x3  }
0x37: {  	[smem:$0x3FBA] =	sst s10  }
0x38: {  	s10 =	sld [smem:$0x3FBB]  }
0x39: {  	_ = 	snop;
	(pc) =	sbr.ind lr, $3  }
0x3a: {  	_ = 	snop  }
0x3b: {  	_ = 	snop  }
0x3c: {  	p2 =	seq.s32 s10, $0x1;
	s10 =	sld [smem:$0x3FBA]  }
0x3d: {  	_ =	shalt  }
0x3e: {  	_ =	shalt  }
0x3f: {  	_ =	shalt  }
0x40: {  	_ =	shalt  }
0x41: {  	_ =	shalt  }
0x42: {  	_ =	shalt  }
0x43: {  	_ =	shalt  }
0x44: {  	_ =	shalt  }
0x45: {  	_ =	shalt  }
0x46: {  	_ =	shalt  }
0x47: {  	_ =	shalt  }
0x48: {  	_ =	shalt  }
0x49: {  	_ =	shalt  }
0x4a: {  	_ =	shalt  }
0x4b: {  	_ =	shalt  }
0x4c: {  	_ =	shalt  }
0x4d: {  	_ =	shalt  }
0x4e: {  	_ =	shalt  }
0x4f: {  	_ =	shalt  }
0x50: {  	_ =	shalt  }
0x51: {  	_ =	shalt  }
0x52: {  	_ =	shalt  }
0x53: {  	_ =	shalt  }
0x54: {  	_ =	shalt  }
0x55: {  	_ =	shalt  }
0x56: {  	_ =	shalt  }
0x57: {  	_ =	shalt  }
0x58: {  	_ =	shalt  }
0x59: {  	_ =	shalt  }
0x5a: {  	_ =	shalt  }
0x5b: {  	_ =	shalt  }
0x5c: {  	_ =	shalt  }
0x5d: {  	_ =	shalt  }
0x5e: {  	_ =	shalt  }
0x5f: {  	_ =	shalt  }
0x60: {  	_ =	shalt  }
0x61: {  	_ =	shalt  }
0x62: {  	_ =	shalt  }
0x63: {  	_ =	shalt  }
0x64: {  	_ =	shalt  }
0x65: {  	_ =	shalt  }
0x66: {  	_ =	shalt  }
0x67: {  	_ =	shalt  }
0x68: {  	_ =	shalt  }
0x69: {  	_ =	shalt  }
0x6a: {  	_ =	shalt  }
0x6b: {  	_ =	shalt  }
0x6c: {  	_ =	shalt  }
0x6d: {  	_ =	shalt  }
0x6e: {  	_ =	shalt  }
0x6f: {  	_ =	shalt  }
0x70: {  	_ =	shalt  }
0x71: {  	_ =	shalt  }
0x72: {  	_ =	shalt  }
0x73: {  	_ =	shalt  }
0x74: {  	_ =	shalt  }
0x75: {  	_ =	shalt  }
0x76: {  	_ =	shalt  }
0x77: {  	_ =	shalt  }
0x78: {  	_ =	shalt  }
0x79: {  	_ =	shalt  }
0x7a: {  	_ =	shalt  }
0x7b: {  	_ =	shalt  }
0x7c: {  	_ =	shalt  }
0x7d: {  	_ =	shalt  }
0x7e: {  	_ =	shalt  }
0x7f: {  	_ =	shalt  }
0x80: {  	_ =	shalt  }
0x81: {  	_ =	shalt  }
0x82: {  	_ =	shalt  }
0x83: {  	_ =	shalt  }
0x84: {  	_ =	shalt  }
0x85: {  	_ =	shalt  }
0x86: {  	_ =	shalt  }
0x87: {  	_ =	shalt  }
.Lfunc_end0:
.L_simem_size_0:
called_computation_lowered:
.L_overlay_start_0:
0x88: {  	s2 =	sld [smem:$0x3FD9]  }
0x89: {  	s3 =	sld [smem:$0x3FFE];
	_ =	sdelay $0x1  }
0x8a: {  	s1 =	srdreg.scid  }
0x8b: {  	s0 =	sand.u32 $0x1, s1  }
0x8c: {  	s17 =	sshll.u32 s0, $0xA;
	s2 =	sadd.s32 s3, s2  }
0x8d: {  	s2 =	sadd.s32 s2, s17  }
0x8e: {  	[smem:$0x3FC6] =	sst s2  }
0x8f: {  	_ = 	snop  }
0x90: {  	s2 =	sld [smem:$0x3FC8];
	(tm) =	ssettm $0x1  }
0x91: {  	s18 =	sld [smem:$0x3FFB];
	_ =	sdelay $0x3  }
0x92: {  	_ =	strace s18  }
0x93: {  	s3 =	sld [smem:$0x3FFC];
	_ =	sdelay $0x3  }
0x94: {  	_ =	strace s3  }
0x95: {  	s3 =	sld [smem:$0x3FFD];
	_ =	sdelay $0x3  }
0x96: {  	_ =	strace s3  }
0x97: {  	_ =	strace $0x8FFFFFFF  }
0x98: {  	s19 =	sld [smem:$0x3FDB];
	_ =	sdelay $0x1  }
0x99: {  	s4 =	simm.s32 $_scs_section_size  }
0x9a: {  	s5 =	simm.s32 $_size__tile_overlayer_lowered;
	s6 =	simm.s32 $_tile_overlayer_lowered  }
0x9b: {  	s22 =	simm.s32 $0x1BFF;
	s21 =	sshll.u32 s6, $0x1;
	s3 =	sadd.s32 s4, s19  }
0x9c: {  	s7 =	simm.s32 $0x0;
	s20 =	sshll.u32 s5, $0x1;
	s5 =	sadd.s32 s21, s3  }
0x9d: {  	[timem:s7], [sflag:s22] =	dma.local [hbm:s5], s20  }
0x9e: {  	_ =	swait.ge [sflag:s22], s20  }
0x9f: {  	s4 =	ssub.s32 $0x0, s20;
	[sflag:s22] =	ssyncset.done $0x0  }
0xa0: {  	[sflag:s22] =	ssyncadd.s32 s4;
	_ =	sdelay $0x1  }
0xa1: {  	s23 =	simm.s32 $0x1B8B  }
0xa2: {  	_ =	swait.ge [sflag:s23], $0x1  }
0xa3: {  	[sflag:s23] =	ssyncset.done $0x0  }
0xa4: {  	s25 =	simm.s32 $0x1B8E;
	s24 =	sld [smem:$0x3FFE];
	[sflag:s23] =	ssyncadd.s32 $0xFFFFFFFF  }
0xa5: {  	s26 =	simm.s32 $execute0_lowered;
	[smem:$0x3FD2] =	sst s25  }
0xa6: {  	s5 =	sshll.u32 s26, $0x1;
	_ =	strace $0x80000046;
	[dreg:$0x1] =	wrdreg $0xFFFFFFFF  }
0xa7: {  	s28 =	simm.s32 $_size_execute0_lowered;
	s3 =	sadd.s32 s3, s5;
	[dreg:$0x0] =	wrdreg $0x0  }
0xa8: {  	s5 =	sshll.u32 s28, $0x1;
	[dreg:$0x2] =	wrdreg s3  }
0xa9: {  	[dreg:$0x3] =	wrdreg s5  }
0xaa: {  	[dreg:$0x4] =	wrdreg $0xC0  }
0xab: {  	_ =	task [dreg:s7], $0x5FFFF  }
0xac: {  	[dreg:$0x1] =	wrdreg $0xFFFFFFFF  }
0xad: {  	[dreg:$0x0] =	wrdreg $0x60  }
0xae: {  	[dreg:$0x2] =	wrdreg s24  }
0xaf: {  	[dreg:$0x3] =	wrdreg s2  }
0xb0: {  	[dreg:$0x4] =	wrdreg $0x9  }
0xb1: {  	_ =	task.clear_ibuf [dreg:s7], $0x5FFFF;
	_ =	strace $0x90000046  }
0xb2: {  	s29 =	simm.s32 $0x9;
	_ =	strace $0x80000048  }
0xb3: {  	_ =	swait.ge [sflag:s29], $0x1  }
0xb4: {  	[sflag:s29] =	ssyncadd.s32 $0xFFFFFFFF  }
0xb5: {  	_ =	strace $0x90000048  }
0xb6: {  	_ =	sfence  }
0xb7: {  	s30 =	sld [smem:$0x0];
	_ =	sdelay $0x2  }
0xb8: {  	s31 =	sshll.u32 s1, $0xD;
	s1 =	sshrl.u32 s1, $0x2  }
0xb9: {  	s3 =	sand.u32 $0x4000, s31;
	s1 =	sadd.s32 s1, s30  }
0xba: {  	s0 =	sor.u32 s3, s0;
	s1 =	sshll.u32 s1, $0x11  }
0xbb: {  	s0 =	sor.u32 s1, s0  }
0xbc: {  	s0 =	sadd.s32 $0x8F2B, s0  }
0xbd: {  	[sflag:s0] =	ssyncadd.remote.s32 $0x1  }
0xbe: {  	_ =	sfence.sel $0xFFFF  }
0xbf: {  	[dreg:$0x0] =	wrdreg $0xFFFFFFFF;
	(pc) =	sbr.abs _section_cstart, $3  }
0xc0: {  	[dreg:$0x1] =	wrdreg $0xFFFFFFFF  }
0xc1: {  	_ =	task.clear_ibuf [dreg:s7], $0x2FFFF;
	_ =	strace $0x9FFFFFFF  }
0xc2: {  	(tm) =	ssettm $0x7FFFFFFF  }
0xc3: {  	_ =	shalt  }
tec
execute0_lowered:
.L_overlay_start_1:
0x0: {  	(tag) =	ssettag $0x1  }
0x1: {  	s0 =	rddreg [dreg:$0x0]  }
0x2: {  	s1 =	rddreg [dreg:$0x1];
	s23 =	simm.s32 $0x0  }
0x3: {  	s2 =	srdreg.scid;
	[smem:$0x7FF] =	sst s23;
	s3 =	sadd.s32 $0x180600, s0  }
0x4: {  	s12 =	stileid.u32;
	s4 =	sadd.s32 $0x160600, s0;
	s5 =	sadd.s32 $0x140600, s0  }
0x5: {  	s7 =	sadd.s32 $0x120600, s0;
	s2 =	sand.u32 $0x1, s2;
	s6 =	sshll.u32 s12, $0x1  }
0x6: {  	s8 =	sadd.s32 $0x100600, s0;
	s6 =	sor.u32 s2, s6;
	s2 =	ssub.s32 $0x2, s2  }
0x7: {  	s9 =	sadd.s32 $0xE0600, s0;
	s10 =	sadd.s32 $0xC0600, s0;
	s18 =	sshrl.u32 s2, $0x1  }
0x8: {  	s11 =	sadd.s32 $0xA0600, s0;
	s2 =	ssub.s32 s2, s18;
	s18 =	sshll.u32 s6, $0xC  }
0x9: {  	s13 =	sshrl.u32 s12, $0x2;
	s12 =	sadd.s32 $0x80600, s0;
	s28 =	sadd.s32 s3, s18  }
0xa: {  	_ =	strace $0x80000047;
	s29 =	sadd.s32 s4, s18;
	[dreg:$0x4] =	wrdreg s28  }
0xb: {  	s14 =	sadd.s32 $0x40600, s0;
	s30 =	sadd.s32 s5, s18;
	[dreg:$0x5] =	wrdreg s29  }
0xc: {  	s16 =	smul.u32 $0x68000, s13;
	s31 =	sadd.s32 s7, s18;
	[dreg:$0x6] =	wrdreg s30  }
0xd: {  	s13 =	sadd.s32 $0x60600, s0;
	s19 =	sadd.s32 s8, s18;
	[dreg:$0x7] =	wrdreg s31  }
0xe: {  	s15 =	sshll.u32 s6, $0x7;
	s20 =	sadd.s32 s9, s18;
	[dreg:$0x8] =	wrdreg s19  }
0xf: {  	s17 =	sand.u32 $0x380, s15;
	s21 =	sadd.s32 s10, s18;
	[dreg:$0x9] =	wrdreg s20  }
0x10: {  	s15 =	sadd.s32 $0x20600, s0;
	s22 =	sadd.s32 s11, s18;
	[dreg:$0xa] =	wrdreg s21  }
0x11: {  	s17 =	sor.u32 s16, s17;
	s24 =	sadd.s32 s12, s18;
	[dreg:$0xb] =	wrdreg s22  }
0x12: {  	s16 =	sadd.s32 $0x600, s0;
	s25 =	sadd.s32 s13, s18;
	[dreg:$0xc] =	wrdreg s24  }
0x13: {  	s26 =	sadd.s32 s14, s18;
	s17 =	sshrl.u32 s17, $0x3;
	[dreg:$0xd] =	wrdreg s25  }
0x14: {  	[dreg:$0xe] =	wrdreg s26;
	s28 =	sadd.s32 s15, s18;
	s29 =	sadd.s32 s16, s18  }
0x15: {  	s30 =	sadd.s32 s1, s18;
	s31 =	smax.u32 s2, $0x1;
	s20 =	simm.s32 $0x1  }
0x16: {  	v0 =	vimm.f32 $0.0e+00;
	v1 =	vimm.f32 $1.000000000e+00;
	v2 =	vimm.s32 $0xFFFF8900;
	s18 =	simm.s32 $0xC800;
	s2 =	simm.s32 $0xD800;
	[dreg:$0xf] =	wrdreg s28  }
0x17: {  	v3 =	vimm.s32 $0x1100;
	v4 =	vimm.s32 $0xFFFF9900;
	v5 =	vimm.s32 $0xFFFFA100;
	s21 =	simm.s32 $0xE000;
	s22 =	simm.s32 $0x2;
	[dreg:$0x10] =	wrdreg s29  }
0x18: {  	v6 =	vimm.s32 $0xFFFFA900;
	v7 =	vimm.s32 $0xFFFFB100;
	v8 =	vimm.s32 $0xFFFFB900;
	s0 =	sadd.s32 s17, s0;
	s17 =	sshll.u32 s6, $0xF;
	[dreg:$0x11] =	wrdreg s30  }
0x19: {  	v9 =	vimm.s32 $0xFFFFC100;
	v10 =	vimm.s32 $0xFFFFC900;
	v11 =	vimm.s32 $0xFFFFD100;
	[dreg:$0x13] =	wrdreg s31;
	s6 =	simm.s32 $0xC000;
	s0 =	sadd.s32 $0x1A0600, s0  }
0x1a: {  	v12 =	vimm.s32 $0xFFFFD900;
	v13 =	vimm.s32 $0xFFFFE100;
	v14 =	vimm.s32 $0xFFFFE900;
	s19 =	sor.u32 $0x1000, s17;
	[dreg:$0x12] =	wrdreg s0;
	s0 =	simm.s32 $0xB800  }
.LBB2_1:
0x1b: {  	[dreg:$0x3] =	wrdreg s23;
	s23 =	simm.s32 $0xE040  }
0x1c: {  	[tilespmem:s23+$0xFFFFFFC0] =	vst v0  }
0x1d: {  	[tilespmem:s23+$0x30] =	vst v0  }
0x1e: {  	[tilespmem:s23+$0x20] =	vst v0  }
0x1f: {  	[tilespmem:s23+$0x10] =	vst v0  }
0x20: {  	[tilespmem:s23+$0x0] =	vst v0  }
0x21: {  	[tilespmem:s23+$0xFFFFFFF0] =	vst v0  }
0x22: {  	s24 =	simm.s32 $0x0;
	[tilespmem:s23+$0xFFFFFFE0] =	vst v0  }
.LBB2_2:
0x23: {  	s24 =	sadd.s32 $0x8, s24;
	[tilespmem:s23+$0xFFFFFFD0] =	vst v0;
	s23 =	sadd.s32 $0x80, s23  }
0x24: {  	[tilespmem:s23+$0xFFFFFFC0] =	vst v0;
	p0 =	slt.u32 s24, $0xCF8  }
0x25: {  	[tilespmem:s23+$0x30] =	vst v0  }
.Ltmp0:
0x26: {  	[tilespmem:s23+$0x20] =	vst v0;
	(pc) =	sbr.rel @p0 .LBB2_2-.Ltmp0, $4  }
0x27: {  	[tilespmem:s23+$0x10] =	vst v0  }
0x28: {  	[tilespmem:s23+$0x0] =	vst v0  }
0x29: {  	[tilespmem:s23+$0xFFFFFFF0] =	vst v0  }
0x2a: {  	[tilespmem:s23+$0xFFFFFFE0] =	vst v0  }
0x2b: {  	[tilespmem:s23+$0xFFFFFFD0] =	vst v0;
	s23 =	simm.s32 $0x0;
	s24 =	rddreg [dreg:$0x4]  }
0x2c: {  	[tilespmem:s23], [sflag:$0x1] =	stream.linear.gather [hbm4b:s24+s23], $0x800, $0x38;
	[tilespmem:$0x1B000] =	vst v63  }
0x2d: {  	s31 =	rddreg [dreg:$0x5];
	s25 =	simm.s32 $0x800  }
0x2e: {  	[tilespmem:s25], [sflag:$0x1] =	stream.linear.gather [hbm4b:s31+s23], $0x800, $0x38;
	[tilespmem:$0x1B000] =	vst v63  }
0x2f: {  	s26 =	simm.s32 $0x1000;
	s25 =	rddreg [dreg:$0x6]  }
0x30: {  	[tilespmem:s26], [sflag:$0x1] =	stream.linear.gather [hbm4b:s25+s23], $0x800, $0x38;
	[tilespmem:$0x1B000] =	vst v63  }
0x31: {  	s28 =	rddreg [dreg:$0x7];
	s29 =	simm.s32 $0x1800  }
0x32: {  	[tilespmem:s29], [sflag:$0x1] =	stream.linear.gather [hbm4b:s28+s23], $0x800, $0x38;
	[tilespmem:$0x1B000] =	vst v63  }
0x33: {  	s30 =	rddreg [dreg:$0x8];
	s31 =	simm.s32 $0x2000  }
0x34: {  	[tilespmem:s31], [sflag:$0x1] =	stream.linear.gather [hbm4b:s30+s23], $0x800, $0x38;
	[tilespmem:$0x1B000] =	vst v63  }
0x35: {  	s25 =	rddreg [dreg:$0x9];
	s26 =	simm.s32 $0x2800  }
0x36: {  	[tilespmem:s26], [sflag:$0x1] =	stream.linear.gather [hbm4b:s25+s23], $0x800, $0x38;
	[tilespmem:$0x1B000] =	vst v63  }
0x37: {  	s28 =	rddreg [dreg:$0xa];
	s29 =	simm.s32 $0x3000  }
0x38: {  	[tilespmem:s29], [sflag:$0x1] =	stream.linear.gather [hbm4b:s28+s23], $0x800, $0x38;
	[tilespmem:$0x1B000] =	vst v63  }
0x39: {  	s30 =	rddreg [dreg:$0xb];
	s31 =	simm.s32 $0x3800  }
0x3a: {  	[tilespmem:s31], [sflag:$0x1] =	stream.linear.gather [hbm4b:s30+s23], $0x800, $0x38;
	[tilespmem:$0x1B000] =	vst v63  }
0x3b: {  	s25 =	rddreg [dreg:$0xc];
	s26 =	simm.s32 $0x4000  }
0x3c: {  	[tilespmem:s26], [sflag:$0x1] =	stream.linear.gather [hbm4b:s25+s23], $0x800, $0x38;
	[tilespmem:$0x1B000] =	vst v63  }
0x3d: {  	s28 =	rddreg [dreg:$0xd];
	s29 =	simm.s32 $0x4800  }
0x3e: {  	[tilespmem:s29], [sflag:$0x1] =	stream.linear.gather [hbm4b:s28+s23], $0x800, $0x38;
	[tilespmem:$0x1B000] =	vst v63  }
0x3f: {  	s30 =	rddreg [dreg:$0xe];
	s31 =	simm.s32 $0x5000  }
0x40: {  	[tilespmem:s31], [sflag:$0x1] =	stream.linear.gather [hbm4b:s30+s23], $0x800, $0x38;
	[tilespmem:$0x1B000] =	vst v63  }
0x41: {  	s25 =	rddreg [dreg:$0xf];
	s26 =	simm.s32 $0x5800  }
0x42: {  	[tilespmem:s26], [sflag:$0x1] =	stream.linear.gather [hbm4b:s25+s23], $0x800, $0x38;
	[tilespmem:$0x1B000] =	vst v63  }
0x43: {  	s28 =	rddreg [dreg:$0x10];
	s29 =	simm.s32 $0x6000  }
0x44: {  	[tilespmem:s29], [sflag:$0x1] =	stream.linear.gather [hbm4b:s28+s23], $0x800, $0x38;
	[tilespmem:$0x1B000] =	vst v63  }
0x45: {  	s24 =	simm.s32 $0x0;
	s30 =	rddreg [dreg:$0x11];
	s31 =	simm.s32 $0xD000  }
0x46: {  	[tilespmem:s31], [sflag:$0x1] =	stream.linear.gather [hbm4b:s30+s23], $0x800, $0x38;
	[tilespmem:$0x1B000] =	vst v63  }
.LBB2_4:
0x47: {  	_ =	swait.ge [sflag:s20], $0x800  }
0x48: {  	[sflag:s20] =	ssyncset.done $0x0  }
0x49: {  	[sflag:s20] =	ssyncadd.s32 $0xFFFFF800  }
0x4a: {  	_ =	swait.ge [sflag:s20], $0x800  }
0x4b: {  	[sflag:s20] =	ssyncset.done $0x0  }
0x4c: {  	[sflag:s20] =	ssyncadd.s32 $0xFFFFF800  }
0x4d: {  	_ =	swait.ge [sflag:s20], $0x800  }
0x4e: {  	[sflag:s20] =	ssyncset.done $0x0  }
0x4f: {  	[sflag:s20] =	ssyncadd.s32 $0xFFFFF800  }
0x50: {  	_ =	swait.ge [sflag:s20], $0x800  }
0x51: {  	[sflag:s20] =	ssyncset.done $0x0  }
0x52: {  	[sflag:s20] =	ssyncadd.s32 $0xFFFFF800  }
0x53: {  	_ =	swait.ge [sflag:s20], $0x800  }
0x54: {  	[sflag:s20] =	ssyncset.done $0x0  }
0x55: {  	[sflag:s20] =	ssyncadd.s32 $0xFFFFF800  }
0x56: {  	_ =	swait.ge [sflag:s20], $0x800  }
0x57: {  	[sflag:s20] =	ssyncset.done $0x0  }
0x58: {  	[sflag:s20] =	ssyncadd.s32 $0xFFFFF800  }
0x59: {  	_ =	swait.ge [sflag:s20], $0x800  }
0x5a: {  	[sflag:s20] =	ssyncset.done $0x0  }
0x5b: {  	[sflag:s20] =	ssyncadd.s32 $0xFFFFF800  }
0x5c: {  	_ =	swait.ge [sflag:s20], $0x800  }
0x5d: {  	[sflag:s20] =	ssyncset.done $0x0  }
0x5e: {  	[sflag:s20] =	ssyncadd.s32 $0xFFFFF800  }
0x5f: {  	_ =	swait.ge [sflag:s20], $0x800  }
0x60: {  	[sflag:s20] =	ssyncset.done $0x0  }
0x61: {  	[sflag:s20] =	ssyncadd.s32 $0xFFFFF800  }
0x62: {  	_ =	swait.ge [sflag:s20], $0x800  }
0x63: {  	[sflag:s20] =	ssyncset.done $0x0  }
0x64: {  	[sflag:s20] =	ssyncadd.s32 $0xFFFFF800  }
0x65: {  	_ =	swait.ge [sflag:s20], $0x800  }
0x66: {  	[sflag:s20] =	ssyncset.done $0x0  }
0x67: {  	[sflag:s20] =	ssyncadd.s32 $0xFFFFF800  }
0x68: {  	_ =	swait.ge [sflag:s20], $0x800  }
0x69: {  	[sflag:s20] =	ssyncset.done $0x0  }
0x6a: {  	[sflag:s20] =	ssyncadd.s32 $0xFFFFF800  }
0x6b: {  	_ =	swait.ge [sflag:s20], $0x800  }
0x6c: {  	s25 =	sshll.u32 s24, $0xC;
	[sflag:s20] =	ssyncset.done $0x0  }
0x6d: {  	s26 =	sor.u32 s25, s17;
	[sflag:s20] =	ssyncadd.s32 $0xFFFFF800  }
0x6e: {  	s26 =	sshrl.u32 s26, $0x3;
	_ =	swait.ge [sflag:s20], $0x800  }
0x6f: {  	s26 =	sor.u32 $0x100, s26;
	[sflag:s20] =	ssyncset.done $0x0  }
0x70: {  	s29 =	simm.s32 $0x6800;
	s28 =	sadd.s32 s3, s26;
	[sflag:s20] =	ssyncadd.s32 $0xFFFFF800  }
0x71: {  	[tilespmem:s29], [sflag:$0x2] =	stream.linear.gather [hbm4b:s28+s23], $0x800, $0x38;
	[tilespmem:$0x1B000] =	vst v63  }
0x72: {  	s28 =	sadd.s32 s4, s26;
	s29 =	simm.s32 $0x7000  }
0x73: {  	[tilespmem:s29], [sflag:$0x2] =	stream.linear.gather [hbm4b:s28+s23], $0x800, $0x38;
	[tilespmem:$0x1B000] =	vst v63  }
0x74: {  	s28 =	sadd.s32 s5, s26;
	s29 =	simm.s32 $0x7800  }
0x75: {  	[tilespmem:s29], [sflag:$0x2] =	stream.linear.gather [hbm4b:s28+s23], $0x800, $0x38;
	[tilespmem:$0x1B000] =	vst v63  }
0x76: {  	s28 =	sadd.s32 s7, s26;
	s29 =	simm.s32 $0x8000  }
0x77: {  	[tilespmem:s29], [sflag:$0x2] =	stream.linear.gather [hbm4b:s28+s23], $0x800, $0x38;
	[tilespmem:$0x1B000] =	vst v63  }
0x78: {  	s28 =	sadd.s32 s8, s26;
	s29 =	simm.s32 $0x8800  }
0x79: {  	[tilespmem:s29], [sflag:$0x2] =	stream.linear.gather [hbm4b:s28+s23], $0x800, $0x38;
	[tilespmem:$0x1B000] =	vst v63  }
0x7a: {  	s28 =	sadd.s32 s9, s26;
	s29 =	simm.s32 $0x9000  }
0x7b: {  	[tilespmem:s29], [sflag:$0x2] =	stream.linear.gather [hbm4b:s28+s23], $0x800, $0x38;
	[tilespmem:$0x1B000] =	vst v63  }
0x7c: {  	s28 =	sadd.s32 s10, s26;
	s29 =	simm.s32 $0x9800  }
0x7d: {  	[tilespmem:s29], [sflag:$0x2] =	stream.linear.gather [hbm4b:s28+s23], $0x800, $0x38;
	[tilespmem:$0x1B000] =	vst v63  }
0x7e: {  	s28 =	sadd.s32 s11, s26;
	s29 =	simm.s32 $0xA000  }
0x7f: {  	[tilespmem:s29], [sflag:$0x2] =	stream.linear.gather [hbm4b:s28+s23], $0x800, $0x38;
	[tilespmem:$0x1B000] =	vst v63  }
0x80: {  	s28 =	sadd.s32 s12, s26;
	s29 =	simm.s32 $0xA800  }
0x81: {  	[tilespmem:s29], [sflag:$0x2] =	stream.linear.gather [hbm4b:s28+s23], $0x800, $0x38;
	[tilespmem:$0x1B000] =	vst v63  }
0x82: {  	s28 =	sadd.s32 s13, s26;
	s29 =	simm.s32 $0xB000  }
0x83: {  	[tilespmem:s29], [sflag:$0x2] =	stream.linear.gather [hbm4b:s28+s23], $0x800, $0x38;
	[tilespmem:$0x1B000] =	vst v63  }
0x84: {  	s28 =	sadd.s32 s14, s26  }
0x85: {  	[tilespmem:s0], [sflag:$0x2] =	stream.linear.gather [hbm4b:s28+s23], $0x800, $0x38;
	[tilespmem:$0x1B000] =	vst v63  }
0x86: {  	s28 =	sadd.s32 s15, s26  }
0x87: {  	[tilespmem:s6], [sflag:$0x2] =	stream.linear.gather [hbm4b:s28+s23], $0x800, $0x38;
	[tilespmem:$0x1B000] =	vst v63  }
0x88: {  	s28 =	sadd.s32 s16, s26  }
0x89: {  	[tilespmem:s18], [sflag:$0x2] =	stream.linear.gather [hbm4b:s28+s23], $0x800, $0x38;
	[tilespmem:$0x1B000] =	vst v63  }
0x8a: {  	s26 =	sadd.s32 s1, s26  }
0x8b: {  	[tilespmem:s2], [sflag:$0x2] =	stream.linear.gather [hbm4b:s26+s23], $0x800, $0x38;
	[tilespmem:$0x1B000] =	vst v63  }
0x8c: {  	s29 =	simm.s32 $0x0;
	s28 =	simm.s32 $0x0;
	s26 =	simm.s32 $0xFFFFFFFC  }
.LBB2_5:
0x8d: {  	s30 =	sshra.s32 s29, $0x2  }
0x8e: {  	s31 =	sand.u32 $0x7C0, s28;
	v15 =	vld [tilespmem:s30+$0x0]  }
0x8f: {  	v16 =	vld [tilespmem:s31+$0x800]  }
0x90: {  	v17 =	vld [tilespmem:s31+$0x1000]  }
0x91: {  	v18 =	vld [tilespmem:s31+$0x1800]  }
0x92: {  	v19 =	vld [tilespmem:s31+$0x2000]  }
0x93: {  	v20 =	vld [tilespmem:s31+$0x2800];
	v15 =	vmul.f32 $1.442695020e+00, v15  }
0x94: {  	v21 =	vld [tilespmem:s31+$0x3000];
	v16 =	vmul.f32 $1.442695020e+00, v16  }
0x95: {  	v22 =	vld [tilespmem:s31+$0x3800];
	(erf) = vpow2.f32 v15;
	v15 =	vmul.f32 $1.442695020e+00, v17  }
0x96: {  	v39 =	vld [tilespmem:s31+$0x4000];
	v40 =	vmul.f32 $1.442695020e+00, v18;
	(erf) = vpow2.f32 v16  }
0x97: {  	v41 =	vld [tilespmem:s31+$0x4800];
	(erf) = vpow2.f32 v15;
	v15 =	vmul.f32 $1.442695020e+00, v19  }
0x98: {  	v42 =	vld [tilespmem:s31+$0x5000];
	v43 =	vmul.f32 $1.442695020e+00, v20;
	(erf) = vpow2.f32 v40  }
0x99: {  	(erf) = vpow2.f32 v15;
	v15 =	vmul.f32 $1.442695020e+00, v21  }
0x9a: {  	v44 =	vld [tilespmem:s31+$0x5800];
	v45 =	vmul.f32 $1.442695020e+00, v22;
	(erf) = vpow2.f32 v43  }
0x9b: {  	(erf) = vpow2.f32 v15;
	v15 =	vmul.f32 $1.442695020e+00, v39  }
0x9c: {  	v46 =	vmul.f32 $1.442695020e+00, v41;
	(erf) = vpow2.f32 v45  }
0x9d: {  	(erf) = vpow2.f32 v15;
	v15 =	vmul.f32 $1.442695020e+00, v42  }
0x9e: {  	v47 =	vld [tilespmem:s31+$0x6000]  }
0x9f: {  	v49 =	vmul.f32 $1.442695020e+00, v44;
	v48 =	vpop (erf);
	(erf) = vpow2.f32 v46  }
0xa0: {  	v50 =	vpop (erf);
	(erf) = vpow2.f32 v15  }
0xa1: {  	v15 =	vpop (erf);
	(erf) = vpow2.f32 v49  }
0xa2: {  	v51 =	vpop (erf)  }
0xa3: {  	v17 =	vmul.f32 $1.442695020e+00, v47;
	v52 =	vpop (erf)  }
0xa4: {  	v53 =	vpop (erf)  }
0xa5: {  	v54 =	vpop (erf);
	(erf) = vpow2.f32 v17  }
0xa6: {  	v55 =	vpop (erf)  }
0xa7: {  	v23 =	vpop (erf)  }
0xa8: {  	v24 =	vpop (erf)  }
0xa9: {  	v26 =	vadd.f32 v50, v48;
	v27 =	vadd.f32 v51, v15;
	v25 =	vpop (erf)  }
0xaa: {  	v29 =	vadd.f32 v53, v52;
	v30 =	vadd.f32 v55, v54;
	v28 =	vpop (erf)  }
0xab: {  	v31 =	vadd.f32 v24, v23;
	v32 =	vadd.f32 v28, v25  }
0xac: {  	v26 =	vadd.f32 v27, v26  }
0xad: {  	v56 =	vadd.f32 v30, v29;
	v57 =	vadd.f32 v32, v31  }
0xae: {  	v58 =	vpop (erf)  }
0xaf: {  	v26 =	vadd.f32 v56, v26;
	v59 =	vadd.f32 v57, v58;
	_ =	sdelay $0x1  }
0xb0: {  	v26 =	vadd.f32 v59, v26;
	_ =	sdelay $0x1  }
0xb1: {  	(erf) = vrcp.f32 v26;
	v26 =	vld [tilespmem:s30+$0xD000];
	_ =	sdelay $0x4  }
0xb2: {  	vm0 =	veq.s32 v26, $0x0;
	vm1 =	veq.s32 v26, $0x1  }
0xb3: {  	vm14 =	veq.s32 v26, $0x2;
	vm15 =	veq.s32 v26, $0x3;
	vm4 =	veq.s32 v26, $0x4  }
0xb4: {  	vm5 =	veq.s32 v26, $0x5;
	vm6 =	veq.s32 v26, $0x6;
	vm7 =	veq.s32 v26, $0x7  }
0xb5: {  	vm8 =	veq.s32 v26, $0x8;
	vm9 =	veq.s32 v26, $0x9;
	vm10 =	veq.s32 v26, $0xA  }
0xb6: {  	vm11 =	veq.s32 v26, $0xB;
	vm12 =	veq.s32 v26, $0xC;
	v63 =	vsel vm0, $0xFFFFF100, v2  }
0xb7: {  	v36 =	vsel vm1, $0x7900, v3;
	v40 =	vsel vm14, $0x100, v4;
	v42 =	vsel vm15, $0x900, v5;
	v60 =	vpop (erf)  }
0xb8: {  	v44 =	vsel vm4, $0x1100, v6;
	v18 =	vmul.f32 v60, v48;
	v19 =	vmul.f32 v60, v50  }
0xb9: {  	v46 =	vsel vm5, $0x1900, v7;
	v15 =	vmul.f32 v60, v15;
	v16 =	vmul.f32 v60, v51  }
0xba: {  	v49 =	vsel vm6, $0x2100, v8;
	v20 =	vmul.f32 v60, v52;
	v21 =	vmul.f32 v60, v53  }
0xbb: {  	v56 =	vsel vm9, $0x3900, v11;
	v22 =	vmul.f32 v60, v54;
	v17 =	vmul.f32 v60, v55  }
0xbc: {  	v23 =	vmul.f32 v60, v23;
	v24 =	vmul.f32 v60, v24;
	v61 =	vsub.f32 $1.000000000e+00, v18  }
0xbd: {  	v52 =	vsel vm7, $0x2900, v9;
	v62 =	vsub.f32 $1.000000000e+00, v19;
	v37 =	vsub.f32 $1.000000000e+00, v15  }
0xbe: {  	v25 =	vmul.f32 v60, v25;
	v39 =	vsub.f32 $1.000000000e+00, v16;
	v41 =	vsub.f32 $1.000000000e+00, v20  }
0xbf: {  	v54 =	vsel vm8, $0x3100, v10;
	v43 =	vsub.f32 $1.000000000e+00, v21;
	v45 =	vsub.f32 $1.000000000e+00, v22  }
0xc0: {  	v28 =	vmul.f32 v60, v28;
	v48 =	vsub.f32 $1.000000000e+00, v17;
	v51 =	vsub.f32 $1.000000000e+00, v23  }
0xc1: {  	v27 =	vmul.f32 v60, v58;
	v53 =	vsub.f32 $1.000000000e+00, v24;
	v55 =	vsub.f32 $1.000000000e+00, v25  }
0xc2: {  	v59 =	vsub.f32 $1.000000000e+00, v28;
	v18 =	vsel vm0, v61, v18;
	v19 =	vsel vm1, v62, v19  }
0xc3: {  	v15 =	vsel vm14, v37, v15;
	v16 =	vsel vm15, v39, v16;
	v20 =	vsel vm4, v41, v20  }
0xc4: {  	v21 =	vsel vm5, v43, v21;
	v22 =	vsel vm6, v45, v22;
	v17 =	vsel vm7, v48, v17  }
0xc5: {  	v23 =	vsel vm8, v51, v23;
	v24 =	vsel vm9, v53, v24;
	v25 =	vsel vm10, v55, v25  }
0xc6: {  	v61 =	vsub.f32 $1.000000000e+00, v27;
	v18 =	vshrl.u32 v18, $0xF;
	v19 =	vshrl.u32 v19, $0xF  }
0xc7: {  	v15 =	vshrl.u32 v15, $0xF;
	v16 =	vshrl.u32 v16, $0xF;
	v20 =	vshrl.u32 v20, $0xF  }
0xc8: {  	v21 =	vshrl.u32 v21, $0xF;
	v22 =	vshrl.u32 v22, $0xF;
	v17 =	vshrl.u32 v17, $0xF  }
0xc9: {  	v23 =	vshrl.u32 v23, $0xF;
	v24 =	vshrl.u32 v24, $0xF;
	v58 =	vshrl.u32 v25, $0xF  }
0xca: {  	v25 =	vsel vm11, v59, v28;
	v18 =	vmax.u32 v18, $0x7700;
	v19 =	vmax.u32 v19, $0x7700  }
0xcb: {  	v15 =	vmax.u32 v15, $0x7700;
	v16 =	vmax.u32 v16, $0x7700;
	v20 =	vmax.u32 v20, $0x7700  }
0xcc: {  	v21 =	vmax.u32 v21, $0x7700;
	v22 =	vmax.u32 v22, $0x7700;
	v17 =	vmax.u32 v17, $0x7700  }
0xcd: {  	v23 =	vmax.u32 v23, $0x7700;
	v24 =	vmax.u32 v24, $0x7700;
	v60 =	vmax.u32 v58, $0x7700  }
0xce: {  	v18 =	vmin.u32 v18, $0x7EFF;
	v19 =	vmin.u32 v19, $0x7EFF;
	v15 =	vmin.u32 v15, $0x7EFF  }
0xcf: {  	v16 =	vmin.u32 v16, $0x7EFF;
	v20 =	vmin.u32 v20, $0x7EFF;
	v31 =	vadd.s32 v36, v19  }
0xd0: {  	v18 =	vadd.s32 v63, v18;
	v19 =	vand.u32 $0x7F, v19;
	v38 =	vand.u32 $0x7F80, v31  }
0xd1: {  	v21 =	vmin.u32 v21, $0x7EFF;
	v22 =	vmin.u32 v22, $0x7EFF;
	v19 =	vor.u32 v19, v38  }
0xd2: {  	v17 =	vmin.u32 v17, $0x7EFF;
	v23 =	vmin.u32 v23, $0x7EFF;
	v15 =	vadd.s32 v40, v15  }
0xd3: {  	v16 =	vadd.s32 v42, v16;
	v20 =	vadd.s32 v44, v20;
	v31 =	vadd.s32 v46, v21  }
0xd4: {  	v21 =	vand.u32 $0x7F, v21;
	v47 =	vand.u32 $0xFFFFBF80, v31;
	v31 =	vadd.s32 v49, v22  }
0xd5: {  	v22 =	vand.u32 $0x7F, v22;
	v21 =	vor.u32 v21, v47;
	v50 =	vand.u32 $0xFFFFBF80, v31;
	[tilespmem:v18+s21+$0x0] =	vst.idx.add.f32.msk $0xffff, v1  }
0xd6: {  	v24 =	vmin.u32 v24, $0x7EFF;
	v17 =	vadd.s32 v52, v17;
	v22 =	vor.u32 v22, v50;
	[tilespmem:v19+s21+$0x0] =	vst.idx.add.f32.msk $0xffff, v1  }
0xd7: {  	v62 =	vmin.u32 v60, $0x7EFF;
	v23 =	vadd.s32 v54, v23;
	v57 =	vadd.s32 v56, v24;
	[tilespmem:v15+s21+$0x0] =	vst.idx.add.f32.msk $0xffff, v1  }
0xd8: {  	v63 =	vshrl.u32 v25, $0xF;
	v24 =	vsel vm12, v61, v27;
	v27 =	vsel vm11, $0x4900, v13;
	[tilespmem:v16+s21+$0x0] =	vst.idx.add.f32.msk $0xffff, v1  }
0xd9: {  	v25 =	vmax.u32 v63, $0x7700;
	v26 =	vshrl.u32 v24, $0xF;
	v15 =	vsel vm10, $0x4100, v12;
	[tilespmem:v20+s21+$0x0] =	vst.idx.add.f32.msk $0xffff, v1  }
0xda: {  	v19 =	vmax.u32 v26, $0x7700;
	v15 =	vadd.s32 v15, v62;
	v16 =	vmin.u32 v25, $0x7EFF;
	[tilespmem:v21+s21+$0x0] =	vst.idx.add.f32.msk $0xffff, v1  }
0xdb: {  	v28 =	vsel vm12, $0x5100, v14;
	v19 =	vmin.u32 v19, $0x7EFF;
	v16 =	vadd.s32 v27, v16;
	[tilespmem:v22+s21+$0x0] =	vst.idx.add.f32.msk $0xffff, v1  }
0xdc: {  	v29 =	vadd.s32 v28, v19;
	[tilespmem:v17+s21+$0x0] =	vst.idx.add.f32.msk $0xffff, v1  }
0xdd: {  	[tilespmem:v23+s21+$0x0] =	vst.idx.add.f32.msk $0xffff, v1  }
0xde: {  	[tilespmem:v57+s21+$0x0] =	vst.idx.add.f32.msk $0xffff, v1  }
0xdf: {  	[tilespmem:v15+s21+$0x0] =	vst.idx.add.f32.msk $0xffff, v1  }
0xe0: {  	[tilespmem:v16+s21+$0x0] =	vst.idx.add.f32.msk $0xffff, v1  }
0xe1: {  	[tilespmem:v29+s21+$0x0] =	vst.idx.add.f32.msk $0xffff, v1  }
0xe2: {  	v15 =	vld [tilespmem:s30+$0x10]  }
0xe3: {  	v16 =	vld [tilespmem:s30+$0x810]  }
0xe4: {  	v17 =	vld [tilespmem:s30+$0x1010]  }
0xe5: {  	v18 =	vld [tilespmem:s30+$0x1810]  }
0xe6: {  	v30 =	vld [tilespmem:s30+$0x2010]  }
0xe7: {  	v31 =	vld [tilespmem:s30+$0x2810];
	v15 =	vmul.f32 $1.442695020e+00, v15  }
0xe8: {  	v21 =	vld [tilespmem:s30+$0x3010];
	v16 =	vmul.f32 $1.442695020e+00, v16  }
0xe9: {  	v22 =	vld [tilespmem:s30+$0x3810];
	(erf) = vpow2.f32 v15;
	v15 =	vmul.f32 $1.442695020e+00, v17  }
0xea: {  	v32 =	vld [tilespmem:s30+$0x4010];
	v33 =	vmul.f32 $1.442695020e+00, v18;
	(erf) = vpow2.f32 v16  }
0xeb: {  	v34 =	vld [tilespmem:s30+$0x4810];
	(erf) = vpow2.f32 v15;
	v15 =	vmul.f32 $1.442695020e+00, v30  }
0xec: {  	v35 =	vld [tilespmem:s30+$0x5010];
	v36 =	vmul.f32 $1.442695020e+00, v31;
	(erf) = vpow2.f32 v33  }
0xed: {  	(erf) = vpow2.f32 v15;
	v15 =	vmul.f32 $1.442695020e+00, v21  }
0xee: {  	v37 =	vld [tilespmem:s30+$0x5810];
	v38 =	vmul.f32 $1.442695020e+00, v22;
	(erf) = vpow2.f32 v36  }
0xef: {  	(erf) = vpow2.f32 v15;
	v15 =	vmul.f32 $1.442695020e+00, v32  }
0xf0: {  	v39 =	vmul.f32 $1.442695020e+00, v34;
	(erf) = vpow2.f32 v38  }
0xf1: {  	(erf) = vpow2.f32 v15;
	v15 =	vmul.f32 $1.442695020e+00, v35  }
0xf2: {  	v40 =	vld [tilespmem:s30+$0x6010]  }
0xf3: {  	v42 =	vmul.f32 $1.442695020e+00, v37;
	v41 =	vpop (erf);
	(erf) = vpow2.f32 v39  }
0xf4: {  	v43 =	vpop (erf);
	(erf) = vpow2.f32 v15  }
0xf5: {  	v15 =	vpop (erf);
	(erf) = vpow2.f32 v42  }
0xf6: {  	v44 =	vpop (erf)  }
0xf7: {  	v17 =	vmul.f32 $1.442695020e+00, v40;
	v45 =	vpop (erf)  }
0xf8: {  	v46 =	vpop (erf)  }
0xf9: {  	(erf) = vpow2.f32 v17;
	v47 =	vpop (erf)  }
0xfa: {  	v48 =	vpop (erf)  }
0xfb: {  	v49 =	vpop (erf)  }
0xfc: {  	v24 =	vpop (erf)  }
0xfd: {  	v50 =	vadd.f32 v43, v41;
	v51 =	vadd.f32 v44, v15;
	v25 =	vpop (erf)  }
0xfe: {  	v52 =	vadd.f32 v46, v45;
	v53 =	vadd.f32 v48, v47;
	v28 =	vpop (erf)  }
0xff: {  	v54 =	vadd.f32 v24, v49;
	v55 =	vadd.f32 v28, v25  }
0x100: {  	v26 =	vadd.f32 v51, v50  }
0x101: {  	v56 =	vadd.f32 v53, v52;
	v57 =	vadd.f32 v55, v54  }
0x102: {  	v58 =	vpop (erf)  }
0x103: {  	v26 =	vadd.f32 v56, v26;
	v59 =	vadd.f32 v57, v58;
	_ =	sdelay $0x1  }
0x104: {  	v26 =	vadd.f32 v59, v26;
	_ =	sdelay $0x1  }
0x105: {  	(erf) = vrcp.f32 v26;
	v26 =	vld [tilespmem:s30+$0xD010];
	_ =	sdelay $0x4  }
0x106: {  	vm13 =	veq.s32 v26, $0x0;
	vm14 =	veq.s32 v26, $0x1  }
0x107: {  	vm15 =	veq.s32 v26, $0x2;
	vm4 =	veq.s32 v26, $0x3;
	vm5 =	veq.s32 v26, $0x4  }
0x108: {  	vm6 =	veq.s32 v26, $0x5;
	vm7 =	veq.s32 v26, $0x6;
	vm8 =	veq.s32 v26, $0x7  }
0x109: {  	vm9 =	veq.s32 v26, $0x8;
	vm10 =	veq.s32 v26, $0x9;
	vm11 =	veq.s32 v26, $0xA  }
0x10a: {  	vm12 =	veq.s32 v26, $0xB;
	v63 =	vsel vm13, $0xFFFFF100, v2;
	v35 =	vsel vm14, $0x7900, v3;
	v60 =	vpop (erf)  }
0x10b: {  	v39 =	vsel vm15, $0x100, v4;
	v51 =	vsel vm8, $0x2900, v9;
	v18 =	vmul.f32 v60, v41  }
0x10c: {  	v53 =	vsel vm9, $0x3100, v10;
	v19 =	vmul.f32 v60, v43;
	v15 =	vmul.f32 v60, v15  }
0x10d: {  	v55 =	vsel vm10, $0x3900, v11;
	v16 =	vmul.f32 v60, v44;
	v20 =	vmul.f32 v60, v45  }
0x10e: {  	v21 =	vmul.f32 v60, v46;
	v41 =	vsel vm4, $0x900, v5;
	v22 =	vmul.f32 v60, v47  }
0x10f: {  	v43 =	vsel vm5, $0x1100, v6;
	v45 =	vsel vm6, $0x1900, v7;
	v17 =	vmul.f32 v60, v48  }
0x110: {  	v23 =	vmul.f32 v60, v49;
	v61 =	vsub.f32 $1.000000000e+00, v18;
	v62 =	vsub.f32 $1.000000000e+00, v19  }
0x111: {  	v24 =	vmul.f32 v60, v24;
	v36 =	vsub.f32 $1.000000000e+00, v15;
	v38 =	vsub.f32 $1.000000000e+00, v16  }
0x112: {  	v25 =	vmul.f32 v60, v25;
	v40 =	vsub.f32 $1.000000000e+00, v20;
	v42 =	vsub.f32 $1.000000000e+00, v21  }
0x113: {  	v28 =	vmul.f32 v60, v28;
	v44 =	vsub.f32 $1.000000000e+00, v22;
	v47 =	vsub.f32 $1.000000000e+00, v17  }
0x114: {  	v27 =	vmul.f32 v60, v58;
	v50 =	vsub.f32 $1.000000000e+00, v23;
	v52 =	vsub.f32 $1.000000000e+00, v24  }
0x115: {  	v48 =	vsel vm7, $0x2100, v8;
	v54 =	vsub.f32 $1.000000000e+00, v25;
	v58 =	vsub.f32 $1.000000000e+00, v28  }
0x116: {  	v60 =	vsub.f32 $1.000000000e+00, v27;
	v18 =	vsel vm13, v61, v18;
	v19 =	vsel vm14, v62, v19  }
0x117: {  	v15 =	vsel vm15, v36, v15;
	v16 =	vsel vm4, v38, v16;
	v20 =	vsel vm5, v40, v20  }
0x118: {  	v21 =	vsel vm6, v42, v21;
	v22 =	vsel vm7, v44, v22;
	v17 =	vsel vm8, v47, v17  }
0x119: {  	v23 =	vsel vm9, v50, v23;
	v24 =	vsel vm10, v52, v24;
	v25 =	vsel vm11, v54, v25  }
0x11a: {  	vm13 =	veq.s32 v26, $0xC;
	v18 =	vshrl.u32 v18, $0xF;
	v19 =	vshrl.u32 v19, $0xF  }
0x11b: {  	v15 =	vshrl.u32 v15, $0xF;
	v16 =	vshrl.u32 v16, $0xF;
	v20 =	vshrl.u32 v20, $0xF  }
0x11c: {  	v21 =	vshrl.u32 v21, $0xF;
	v22 =	vshrl.u32 v22, $0xF;
	v17 =	vshrl.u32 v17, $0xF  }
0x11d: {  	v23 =	vshrl.u32 v23, $0xF;
	v24 =	vshrl.u32 v24, $0xF;
	v57 =	vshrl.u32 v25, $0xF  }
0x11e: {  	v25 =	vsel vm12, v58, v28;
	v18 =	vmax.u32 v18, $0x7700;
	v19 =	vmax.u32 v19, $0x7700  }
0x11f: {  	v15 =	vmax.u32 v15, $0x7700;
	v16 =	vmax.u32 v16, $0x7700;
	v20 =	vmax.u32 v20, $0x7700  }
0x120: {  	v21 =	vmax.u32 v21, $0x7700;
	v22 =	vmax.u32 v22, $0x7700;
	v17 =	vmax.u32 v17, $0x7700  }
0x121: {  	v23 =	vmax.u32 v23, $0x7700;
	v24 =	vmax.u32 v24, $0x7700;
	v59 =	vmax.u32 v57, $0x7700  }
0x122: {  	v62 =	vshrl.u32 v25, $0xF;
	v25 =	vsel vm12, $0x4900, v13;
	v19 =	vmin.u32 v19, $0x7EFF  }
0x123: {  	v18 =	vmin.u32 v18, $0x7EFF;
	v15 =	vmin.u32 v15, $0x7EFF;
	v31 =	vadd.s32 v35, v19  }
0x124: {  	v18 =	vadd.s32 v63, v18;
	v19 =	vand.u32 $0x7F, v19;
	v37 =	vand.u32 $0x7F80, v31  }
0x125: {  	v16 =	vmin.u32 v16, $0x7EFF;
	v20 =	vmin.u32 v20, $0x7EFF;
	v19 =	vor.u32 v19, v37  }
0x126: {  	v21 =	vmin.u32 v21, $0x7EFF;
	v22 =	vmin.u32 v22, $0x7EFF;
	v15 =	vadd.s32 v39, v15  }
0x127: {  	v16 =	vadd.s32 v41, v16;
	v20 =	vadd.s32 v43, v20;
	v31 =	vadd.s32 v45, v21  }
0x128: {  	v21 =	vand.u32 $0x7F, v21;
	v46 =	vand.u32 $0xFFFFBF80, v31;
	v31 =	vadd.s32 v48, v22  }
0x129: {  	v22 =	vand.u32 $0x7F, v22;
	v21 =	vor.u32 v21, v46;
	v49 =	vand.u32 $0xFFFFBF80, v31;
	[tilespmem:v18+s21+$0x0] =	vst.idx.add.f32.msk $0xffff, v1  }
0x12a: {  	v17 =	vmin.u32 v17, $0x7EFF;
	v23 =	vmin.u32 v23, $0x7EFF;
	v22 =	vor.u32 v22, v49;
	[tilespmem:v19+s21+$0x0] =	vst.idx.add.f32.msk $0xffff, v1  }
0x12b: {  	v24 =	vmin.u32 v24, $0x7EFF;
	v17 =	vadd.s32 v51, v17;
	v23 =	vadd.s32 v53, v23;
	[tilespmem:v15+s21+$0x0] =	vst.idx.add.f32.msk $0xffff, v1  }
0x12c: {  	v61 =	vmin.u32 v59, $0x7EFF;
	v56 =	vadd.s32 v55, v24;
	v24 =	vsel vm13, v60, v27;
	[tilespmem:v16+s21+$0x0] =	vst.idx.add.f32.msk $0xffff, v1  }
0x12d: {  	v63 =	vmax.u32 v62, $0x7700;
	v24 =	vshrl.u32 v24, $0xF;
	v15 =	vsel vm11, $0x4100, v12;
	[tilespmem:v20+s21+$0x0] =	vst.idx.add.f32.msk $0xffff, v1  }
0x12e: {  	v19 =	vmax.u32 v24, $0x7700;
	v15 =	vadd.s32 v15, v61;
	v16 =	vmin.u32 v63, $0x7EFF;
	[tilespmem:v21+s21+$0x0] =	vst.idx.add.f32.msk $0xffff, v1  }
0x12f: {  	v26 =	vsel vm13, $0x5100, v14;
	v19 =	vmin.u32 v19, $0x7EFF;
	v16 =	vadd.s32 v25, v16;
	[tilespmem:v22+s21+$0x0] =	vst.idx.add.f32.msk $0xffff, v1  }
0x130: {  	v27 =	vadd.s32 v26, v19;
	[tilespmem:v17+s21+$0x0] =	vst.idx.add.f32.msk $0xffff, v1  }
0x131: {  	[tilespmem:v23+s21+$0x0] =	vst.idx.add.f32.msk $0xffff, v1  }
0x132: {  	[tilespmem:v56+s21+$0x0] =	vst.idx.add.f32.msk $0xffff, v1  }
0x133: {  	[tilespmem:v15+s21+$0x0] =	vst.idx.add.f32.msk $0xffff, v1  }
0x134: {  	[tilespmem:v16+s21+$0x0] =	vst.idx.add.f32.msk $0xffff, v1  }
0x135: {  	[tilespmem:v27+s21+$0x0] =	vst.idx.add.f32.msk $0xffff, v1  }
0x136: {  	v15 =	vld [tilespmem:s30+$0x20]  }
0x137: {  	v16 =	vld [tilespmem:s30+$0x820]  }
0x138: {  	v17 =	vld [tilespmem:s30+$0x1020]  }
0x139: {  	v18 =	vld [tilespmem:s30+$0x1820]  }
0x13a: {  	v28 =	vld [tilespmem:s30+$0x2020]  }
0x13b: {  	v29 =	vld [tilespmem:s30+$0x2820];
	v15 =	vmul.f32 $1.442695020e+00, v15  }
0x13c: {  	v21 =	vld [tilespmem:s30+$0x3020];
	v16 =	vmul.f32 $1.442695020e+00, v16  }
0x13d: {  	v22 =	vld [tilespmem:s30+$0x3820];
	(erf) = vpow2.f32 v15;
	v15 =	vmul.f32 $1.442695020e+00, v17  }
0x13e: {  	v30 =	vld [tilespmem:s30+$0x4020];
	v31 =	vmul.f32 $1.442695020e+00, v18;
	(erf) = vpow2.f32 v16  }
0x13f: {  	v32 =	vld [tilespmem:s30+$0x4820];
	(erf) = vpow2.f32 v15;
	v15 =	vmul.f32 $1.442695020e+00, v28  }
0x140: {  	v33 =	vld [tilespmem:s30+$0x5020];
	v34 =	vmul.f32 $1.442695020e+00, v29;
	(erf) = vpow2.f32 v31  }
0x141: {  	(erf) = vpow2.f32 v15;
	v15 =	vmul.f32 $1.442695020e+00, v21  }
0x142: {  	v35 =	vld [tilespmem:s30+$0x5820];
	v36 =	vmul.f32 $1.442695020e+00, v22;
	(erf) = vpow2.f32 v34  }
0x143: {  	(erf) = vpow2.f32 v15;
	v15 =	vmul.f32 $1.442695020e+00, v30  }
0x144: {  	v37 =	vmul.f32 $1.442695020e+00, v32;
	(erf) = vpow2.f32 v36  }
0x145: {  	(erf) = vpow2.f32 v15;
	v15 =	vmul.f32 $1.442695020e+00, v33  }
0x146: {  	v38 =	vld [tilespmem:s30+$0x6020]  }
0x147: {  	v40 =	vmul.f32 $1.442695020e+00, v35;
	v39 =	vpop (erf);
	(erf) = vpow2.f32 v37  }
0x148: {  	v41 =	vpop (erf);
	(erf) = vpow2.f32 v15  }
0x149: {  	v15 =	vpop (erf);
	(erf) = vpow2.f32 v40  }
0x14a: {  	v42 =	vpop (erf)  }
0x14b: {  	v17 =	vmul.f32 $1.442695020e+00, v38;
	v43 =	vpop (erf)  }
0x14c: {  	v44 =	vpop (erf)  }
0x14d: {  	v45 =	vpop (erf);
	(erf) = vpow2.f32 v17  }
0x14e: {  	v46 =	vpop (erf)  }
0x14f: {  	v47 =	vpop (erf)  }
0x150: {  	v24 =	vpop (erf)  }
0x151: {  	v48 =	vadd.f32 v41, v39;
	v49 =	vadd.f32 v42, v15;
	v25 =	vpop (erf)  }
0x152: {  	v50 =	vadd.f32 v44, v43;
	v51 =	vadd.f32 v46, v45;
	v28 =	vpop (erf)  }
0x153: {  	v52 =	vadd.f32 v24, v47;
	v53 =	vadd.f32 v28, v25  }
0x154: {  	v26 =	vadd.f32 v49, v48  }
0x155: {  	v54 =	vadd.f32 v51, v50;
	v55 =	vadd.f32 v53, v52  }
0x156: {  	v56 =	vpop (erf)  }
0x157: {  	v26 =	vadd.f32 v54, v26;
	v57 =	vadd.f32 v55, v56;
	_ =	sdelay $0x1  }
0x158: {  	v26 =	vadd.f32 v57, v26;
	_ =	sdelay $0x1  }
0x159: {  	(erf) = vrcp.f32 v26;
	v26 =	vld [tilespmem:s30+$0xD020];
	_ =	sdelay $0x4  }
0x15a: {  	vm14 =	veq.s32 v26, $0x0;
	vm15 =	veq.s32 v26, $0x1  }
0x15b: {  	vm4 =	veq.s32 v26, $0x2;
	vm5 =	veq.s32 v26, $0x3;
	vm6 =	veq.s32 v26, $0x4  }
0x15c: {  	vm7 =	veq.s32 v26, $0x5;
	vm8 =	veq.s32 v26, $0x6;
	vm9 =	veq.s32 v26, $0x7  }
0x15d: {  	vm10 =	veq.s32 v26, $0x8;
	vm11 =	veq.s32 v26, $0x9;
	vm12 =	veq.s32 v26, $0xA  }
0x15e: {  	vm13 =	veq.s32 v26, $0xB;
	v61 =	vsel vm14, $0xFFFFF100, v2;
	v62 =	vsel vm15, $0x7900, v3;
	v58 =	vpop (erf)  }
0x15f: {  	v37 =	vsel vm4, $0x100, v4;
	v49 =	vsel vm9, $0x2900, v9;
	v18 =	vmul.f32 v58, v39  }
0x160: {  	v51 =	vsel vm10, $0x3100, v10;
	v19 =	vmul.f32 v58, v41;
	v15 =	vmul.f32 v58, v15  }
0x161: {  	v53 =	vsel vm11, $0x3900, v11;
	v16 =	vmul.f32 v58, v42;
	v20 =	vmul.f32 v58, v43  }
0x162: {  	v21 =	vmul.f32 v58, v44;
	v39 =	vsel vm5, $0x900, v5;
	v22 =	vmul.f32 v58, v45  }
0x163: {  	v41 =	vsel vm6, $0x1100, v6;
	v43 =	vsel vm7, $0x1900, v7;
	v17 =	vmul.f32 v58, v46  }
0x164: {  	v23 =	vmul.f32 v58, v47;
	v59 =	vsub.f32 $1.000000000e+00, v18;
	v60 =	vsub.f32 $1.000000000e+00, v19  }
0x165: {  	v24 =	vmul.f32 v58, v24;
	v63 =	vsub.f32 $1.000000000e+00, v15;
	v36 =	vsub.f32 $1.000000000e+00, v16  }
0x166: {  	v25 =	vmul.f32 v58, v25;
	v38 =	vsub.f32 $1.000000000e+00, v20;
	v40 =	vsub.f32 $1.000000000e+00, v21  }
0x167: {  	v28 =	vmul.f32 v58, v28;
	v42 =	vsub.f32 $1.000000000e+00, v22;
	v45 =	vsub.f32 $1.000000000e+00, v17  }
0x168: {  	v27 =	vmul.f32 v58, v56;
	v48 =	vsub.f32 $1.000000000e+00, v23;
	v50 =	vsub.f32 $1.000000000e+00, v24  }
0x169: {  	v46 =	vsel vm8, $0x2100, v8;
	v52 =	vsub.f32 $1.000000000e+00, v25;
	v56 =	vsub.f32 $1.000000000e+00, v28  }
0x16a: {  	v58 =	vsub.f32 $1.000000000e+00, v27;
	v18 =	vsel vm14, v59, v18;
	v19 =	vsel vm15, v60, v19  }
0x16b: {  	v15 =	vsel vm4, v63, v15;
	v16 =	vsel vm5, v36, v16;
	v20 =	vsel vm6, v38, v20  }
0x16c: {  	v21 =	vsel vm7, v40, v21;
	v22 =	vsel vm8, v42, v22;
	v17 =	vsel vm9, v45, v17  }
0x16d: {  	v23 =	vsel vm10, v48, v23;
	v24 =	vsel vm11, v50, v24;
	v25 =	vsel vm12, v52, v25  }
0x16e: {  	vm14 =	veq.s32 v26, $0xC;
	v63 =	vsel vm13, $0x4900, v13;
	v18 =	vshrl.u32 v18, $0xF  }
0x16f: {  	v19 =	vshrl.u32 v19, $0xF;
	v15 =	vshrl.u32 v15, $0xF;
	v16 =	vshrl.u32 v16, $0xF  }
0x170: {  	v20 =	vshrl.u32 v20, $0xF;
	v21 =	vshrl.u32 v21, $0xF;
	v22 =	vshrl.u32 v22, $0xF  }
0x171: {  	v17 =	vshrl.u32 v17, $0xF;
	v23 =	vshrl.u32 v23, $0xF;
	v24 =	vshrl.u32 v24, $0xF  }
0x172: {  	v55 =	vshrl.u32 v25, $0xF;
	v25 =	vsel vm13, v56, v28;
	v18 =	vmax.u32 v18, $0x7700  }
0x173: {  	v19 =	vmax.u32 v19, $0x7700;
	v15 =	vmax.u32 v15, $0x7700;
	v16 =	vmax.u32 v16, $0x7700  }
0x174: {  	v20 =	vmax.u32 v20, $0x7700;
	v21 =	vmax.u32 v21, $0x7700;
	v22 =	vmax.u32 v22, $0x7700  }
0x175: {  	v17 =	vmax.u32 v17, $0x7700;
	v23 =	vmax.u32 v23, $0x7700;
	v24 =	vmax.u32 v24, $0x7700  }
0x176: {  	v57 =	vmax.u32 v55, $0x7700;
	v60 =	vshrl.u32 v25, $0xF;
	v19 =	vmin.u32 v19, $0x7EFF  }
0x177: {  	v18 =	vmin.u32 v18, $0x7EFF;
	v15 =	vmin.u32 v15, $0x7EFF;
	v31 =	vadd.s32 v62, v19  }
0x178: {  	v18 =	vadd.s32 v61, v18;
	v19 =	vand.u32 $0x7F, v19;
	v35 =	vand.u32 $0x7F80, v31  }
0x179: {  	v16 =	vmin.u32 v16, $0x7EFF;
	v20 =	vmin.u32 v20, $0x7EFF;
	v19 =	vor.u32 v19, v35  }
0x17a: {  	v21 =	vmin.u32 v21, $0x7EFF;
	v22 =	vmin.u32 v22, $0x7EFF;
	v15 =	vadd.s32 v37, v15  }
0x17b: {  	v16 =	vadd.s32 v39, v16;
	v20 =	vadd.s32 v41, v20;
	v31 =	vadd.s32 v43, v21  }
0x17c: {  	v21 =	vand.u32 $0x7F, v21;
	v44 =	vand.u32 $0xFFFFBF80, v31;
	v31 =	vadd.s32 v46, v22  }
0x17d: {  	v22 =	vand.u32 $0x7F, v22;
	v21 =	vor.u32 v21, v44;
	v47 =	vand.u32 $0xFFFFBF80, v31;
	[tilespmem:v18+s21+$0x0] =	vst.idx.add.f32.msk $0xffff, v1  }
0x17e: {  	v17 =	vmin.u32 v17, $0x7EFF;
	v23 =	vmin.u32 v23, $0x7EFF;
	v22 =	vor.u32 v22, v47;
	[tilespmem:v19+s21+$0x0] =	vst.idx.add.f32.msk $0xffff, v1  }
0x17f: {  	v24 =	vmin.u32 v24, $0x7EFF;
	v17 =	vadd.s32 v49, v17;
	v23 =	vadd.s32 v51, v23;
	[tilespmem:v15+s21+$0x0] =	vst.idx.add.f32.msk $0xffff, v1  }
0x180: {  	v59 =	vmin.u32 v57, $0x7EFF;
	v54 =	vadd.s32 v53, v24;
	v24 =	vsel vm14, v58, v27;
	[tilespmem:v16+s21+$0x0] =	vst.idx.add.f32.msk $0xffff, v1  }
0x181: {  	v61 =	vmax.u32 v60, $0x7700;
	v62 =	vshrl.u32 v24, $0xF;
	v15 =	vsel vm12, $0x4100, v12;
	[tilespmem:v20+s21+$0x0] =	vst.idx.add.f32.msk $0xffff, v1  }
0x182: {  	v19 =	vmax.u32 v62, $0x7700;
	v15 =	vadd.s32 v15, v59;
	v16 =	vmin.u32 v61, $0x7EFF;
	[tilespmem:v21+s21+$0x0] =	vst.idx.add.f32.msk $0xffff, v1  }
0x183: {  	v24 =	vsel vm14, $0x5100, v14;
	v19 =	vmin.u32 v19, $0x7EFF;
	v16 =	vadd.s32 v63, v16;
	[tilespmem:v22+s21+$0x0] =	vst.idx.add.f32.msk $0xffff, v1  }
0x184: {  	v25 =	vadd.s32 v24, v19;
	[tilespmem:v17+s21+$0x0] =	vst.idx.add.f32.msk $0xffff, v1  }
0x185: {  	[tilespmem:v23+s21+$0x0] =	vst.idx.add.f32.msk $0xffff, v1  }
0x186: {  	[tilespmem:v54+s21+$0x0] =	vst.idx.add.f32.msk $0xffff, v1  }
0x187: {  	[tilespmem:v15+s21+$0x0] =	vst.idx.add.f32.msk $0xffff, v1  }
0x188: {  	[tilespmem:v16+s21+$0x0] =	vst.idx.add.f32.msk $0xffff, v1  }
0x189: {  	[tilespmem:v25+s21+$0x0] =	vst.idx.add.f32.msk $0xffff, v1  }
0x18a: {  	v15 =	vld [tilespmem:s30+$0x30]  }
0x18b: {  	v16 =	vld [tilespmem:s30+$0x830]  }
0x18c: {  	v17 =	vld [tilespmem:s30+$0x1030]  }
0x18d: {  	v18 =	vld [tilespmem:s30+$0x1830]  }
0x18e: {  	v26 =	vld [tilespmem:s30+$0x2030]  }
0x18f: {  	v27 =	vld [tilespmem:s30+$0x2830];
	v15 =	vmul.f32 $1.442695020e+00, v15  }
0x190: {  	v21 =	vld [tilespmem:s30+$0x3030];
	v16 =	vmul.f32 $1.442695020e+00, v16  }
0x191: {  	v22 =	vld [tilespmem:s30+$0x3830];
	(erf) = vpow2.f32 v15;
	v15 =	vmul.f32 $1.442695020e+00, v17  }
0x192: {  	v28 =	vld [tilespmem:s30+$0x4030];
	v29 =	vmul.f32 $1.442695020e+00, v18;
	(erf) = vpow2.f32 v16  }
0x193: {  	v30 =	vld [tilespmem:s30+$0x4830];
	(erf) = vpow2.f32 v15;
	v15 =	vmul.f32 $1.442695020e+00, v26  }
0x194: {  	v31 =	vld [tilespmem:s30+$0x5030];
	v32 =	vmul.f32 $1.442695020e+00, v27;
	(erf) = vpow2.f32 v29  }
0x195: {  	(erf) = vpow2.f32 v15;
	v15 =	vmul.f32 $1.442695020e+00, v21  }
0x196: {  	v33 =	vld [tilespmem:s30+$0x5830];
	v34 =	vmul.f32 $1.442695020e+00, v22;
	(erf) = vpow2.f32 v32  }
0x197: {  	(erf) = vpow2.f32 v15;
	v15 =	vmul.f32 $1.442695020e+00, v28  }
0x198: {  	v35 =	vmul.f32 $1.442695020e+00, v30;
	(erf) = vpow2.f32 v34  }
0x199: {  	(erf) = vpow2.f32 v15;
	v15 =	vmul.f32 $1.442695020e+00, v31  }
0x19a: {  	v36 =	vld [tilespmem:s30+$0x6030]  }
0x19b: {  	v38 =	vmul.f32 $1.442695020e+00, v33;
	v37 =	vpop (erf);
	(erf) = vpow2.f32 v35  }
0x19c: {  	v39 =	vpop (erf);
	(erf) = vpow2.f32 v15  }
0x19d: {  	v15 =	vpop (erf);
	(erf) = vpow2.f32 v38  }
0x19e: {  	v40 =	vpop (erf)  }
0x19f: {  	v17 =	vmul.f32 $1.442695020e+00, v36;
	v41 =	vpop (erf)  }
0x1a0: {  	v42 =	vpop (erf)  }
0x1a1: {  	(erf) = vpow2.f32 v17;
	v43 =	vpop (erf)  }
0x1a2: {  	v44 =	vpop (erf)  }
0x1a3: {  	v23 =	vpop (erf)  }
0x1a4: {  	v24 =	vpop (erf)  }
0x1a5: {  	v45 =	vadd.f32 v39, v37;
	v46 =	vadd.f32 v40, v15;
	v25 =	vpop (erf)  }
0x1a6: {  	v47 =	vadd.f32 v42, v41;
	v48 =	vadd.f32 v44, v43;
	v28 =	vpop (erf)  }
0x1a7: {  	v49 =	vadd.f32 v24, v23;
	v50 =	vadd.f32 v28, v25  }
0x1a8: {  	v26 =	vadd.f32 v46, v45  }
0x1a9: {  	v51 =	vadd.f32 v48, v47;
	v52 =	vadd.f32 v50, v49  }
0x1aa: {  	v53 =	vpop (erf)  }
0x1ab: {  	v26 =	vadd.f32 v51, v26;
	v54 =	vadd.f32 v52, v53;
	_ =	sdelay $0x1  }
0x1ac: {  	v26 =	vadd.f32 v54, v26;
	_ =	sdelay $0x1  }
0x1ad: {  	(erf) = vrcp.f32 v26;
	v26 =	vld [tilespmem:s30+$0xD030];
	_ =	sdelay $0x4  }
0x1ae: {  	vm15 =	veq.s32 v26, $0x0;
	vm4 =	veq.s32 v26, $0x1  }
0x1af: {  	vm5 =	veq.s32 v26, $0x2;
	vm6 =	veq.s32 v26, $0x3;
	vm7 =	veq.s32 v26, $0x4  }
0x1b0: {  	vm8 =	veq.s32 v26, $0x5;
	vm9 =	veq.s32 v26, $0x6;
	vm10 =	veq.s32 v26, $0x7  }
0x1b1: {  	vm11 =	veq.s32 v26, $0x8;
	vm12 =	veq.s32 v26, $0x9;
	vm13 =	veq.s32 v26, $0xA  }
0x1b2: {  	vm14 =	veq.s32 v26, $0xB;
	v58 =	vsel vm15, $0xFFFFF100, v2;
	v59 =	vsel vm4, $0x7900, v3;
	v55 =	vpop (erf)  }
0x1b3: {  	v63 =	vsel vm5, $0x100, v4;
	v36 =	vsel vm6, $0x900, v5;
	v18 =	vmul.f32 v55, v37  }
0x1b4: {  	v47 =	vsel vm10, $0x2900, v9;
	v19 =	vmul.f32 v55, v39;
	v15 =	vmul.f32 v55, v15  }
0x1b5: {  	v49 =	vsel vm11, $0x3100, v10;
	v16 =	vmul.f32 v55, v40;
	v20 =	vmul.f32 v55, v41  }
0x1b6: {  	v51 =	vsel vm12, $0x3900, v11;
	v21 =	vmul.f32 v55, v42;
	v22 =	vmul.f32 v55, v43  }
0x1b7: {  	v39 =	vsel vm7, $0x1100, v6;
	v41 =	vsel vm8, $0x1900, v7;
	v43 =	vsel vm9, $0x2100, v8  }
0x1b8: {  	v17 =	vmul.f32 v55, v44;
	v23 =	vmul.f32 v55, v23;
	v56 =	vsub.f32 $1.000000000e+00, v18  }
0x1b9: {  	v24 =	vmul.f32 v55, v24;
	v57 =	vsub.f32 $1.000000000e+00, v19;
	v60 =	vsub.f32 $1.000000000e+00, v15  }
0x1ba: {  	v25 =	vmul.f32 v55, v25;
	v62 =	vsub.f32 $1.000000000e+00, v16;
	v37 =	vsub.f32 $1.000000000e+00, v20  }
0x1bb: {  	v28 =	vmul.f32 v55, v28;
	v38 =	vsub.f32 $1.000000000e+00, v21;
	v40 =	vsub.f32 $1.000000000e+00, v22  }
0x1bc: {  	v27 =	vmul.f32 v55, v53;
	v45 =	vsub.f32 $1.000000000e+00, v17;
	v46 =	vsub.f32 $1.000000000e+00, v23  }
0x1bd: {  	v55 =	vsel vm13, $0x4100, v12;
	v48 =	vsub.f32 $1.000000000e+00, v24;
	v50 =	vsub.f32 $1.000000000e+00, v25  }
0x1be: {  	v54 =	vsub.f32 $1.000000000e+00, v28;
	v18 =	vsel vm15, v56, v18;
	v19 =	vsel vm4, v57, v19  }
0x1bf: {  	v15 =	vsel vm5, v60, v15;
	v16 =	vsel vm6, v62, v16;
	v20 =	vsel vm7, v37, v20  }
0x1c0: {  	v21 =	vsel vm8, v38, v21;
	v22 =	vsel vm9, v40, v22;
	v17 =	vsel vm10, v45, v17  }
0x1c1: {  	v23 =	vsel vm11, v46, v23;
	v24 =	vsel vm12, v48, v24;
	v25 =	vsel vm13, v50, v25  }
0x1c2: {  	v56 =	vsub.f32 $1.000000000e+00, v27;
	v57 =	vsel vm14, $0x4900, v13;
	vm15 =	veq.s32 v26, $0xC  }
0x1c3: {  	v18 =	vshrl.u32 v18, $0xF;
	v19 =	vshrl.u32 v19, $0xF;
	v15 =	vshrl.u32 v15, $0xF  }
0x1c4: {  	v16 =	vshrl.u32 v16, $0xF;
	v21 =	vshrl.u32 v21, $0xF;
	v20 =	vshrl.u32 v20, $0xF  }
0x1c5: {  	v22 =	vshrl.u32 v22, $0xF;
	v17 =	vshrl.u32 v17, $0xF;
	v23 =	vshrl.u32 v23, $0xF  }
0x1c6: {  	v24 =	vshrl.u32 v24, $0xF;
	v18 =	vmax.u32 v18, $0x7700;
	v19 =	vmax.u32 v19, $0x7700  }
0x1c7: {  	v15 =	vmax.u32 v15, $0x7700;
	v16 =	vmax.u32 v16, $0x7700;
	v21 =	vmax.u32 v21, $0x7700  }
0x1c8: {  	v20 =	vmax.u32 v20, $0x7700;
	v22 =	vmax.u32 v22, $0x7700;
	v17 =	vmax.u32 v17, $0x7700  }
0x1c9: {  	v23 =	vmax.u32 v23, $0x7700;
	v24 =	vmax.u32 v24, $0x7700;
	v18 =	vmin.u32 v18, $0x7EFF  }
0x1ca: {  	v19 =	vmin.u32 v19, $0x7EFF;
	v15 =	vmin.u32 v15, $0x7EFF;
	v16 =	vmin.u32 v16, $0x7EFF  }
0x1cb: {  	v21 =	vmin.u32 v21, $0x7EFF;
	v20 =	vmin.u32 v20, $0x7EFF;
	v31 =	vadd.s32 v59, v19  }
0x1cc: {  	v18 =	vadd.s32 v58, v18;
	v19 =	vand.u32 $0x7F, v19;
	v61 =	vand.u32 $0x7F80, v31  }
0x1cd: {  	v22 =	vmin.u32 v22, $0x7EFF;
	v17 =	vmin.u32 v17, $0x7EFF;
	v19 =	vor.u32 v19, v61  }
0x1ce: {  	v23 =	vmin.u32 v23, $0x7EFF;
	v15 =	vadd.s32 v63, v15;
	v16 =	vadd.s32 v36, v16  }
0x1cf: {  	v42 =	vadd.s32 v41, v21;
	v20 =	vadd.s32 v39, v20;
	v44 =	vadd.s32 v43, v22  }
0x1d0: {  	v21 =	vand.u32 $0x7F, v21;
	v22 =	vand.u32 $0x7F, v22;
	v29 =	vand.u32 $0xFFFFBF80, v42  }
0x1d1: {  	v17 =	vadd.s32 v47, v17;
	v31 =	vand.u32 $0xFFFFBF80, v44;
	v21 =	vor.u32 v21, v29;
	[tilespmem:v18+s21+$0x0] =	vst.idx.add.f32.msk $0xffff, v1  }
0x1d2: {  	v24 =	vmin.u32 v24, $0x7EFF;
	v23 =	vadd.s32 v49, v23;
	v22 =	vor.u32 v22, v31;
	[tilespmem:v19+s21+$0x0] =	vst.idx.add.f32.msk $0xffff, v1  }
0x1d3: {  	v53 =	vshrl.u32 v25, $0xF;
	v52 =	vadd.s32 v51, v24;
	[tilespmem:v15+s21+$0x0] =	vst.idx.add.f32.msk $0xffff, v1;
	v15 =	vsel vm14, v54, v28  }
0x1d4: {  	v58 =	vmax.u32 v53, $0x7700;
	v59 =	vsel vm15, v56, v27;
	[tilespmem:v16+s21+$0x0] =	vst.idx.add.f32.msk $0xffff, v1;
	v15 =	vshrl.u32 v15, $0xF  }
0x1d5: {  	v60 =	vshrl.u32 v59, $0xF;
	v16 =	vmin.u32 v58, $0x7EFF;
	[tilespmem:v20+s21+$0x0] =	vst.idx.add.f32.msk $0xffff, v1;
	v15 =	vmax.u32 v15, $0x7700  }
0x1d6: {  	v61 =	vmax.u32 v60, $0x7700;
	v16 =	vadd.s32 v55, v16;
	[tilespmem:v21+s21+$0x0] =	vst.idx.add.f32.msk $0xffff, v1;
	v15 =	vmin.u32 v15, $0x7EFF  }
0x1d7: {  	s26 =	sadd.s32 $0x4, s26;
	v62 =	vsel vm15, $0x5100, v14;
	v19 =	vmin.u32 v61, $0x7EFF;
	[tilespmem:v22+s21+$0x0] =	vst.idx.add.f32.msk $0xffff, v1;
	v15 =	vadd.s32 v57, v15  }
0x1d8: {  	p0 =	slt.u32 s26, $0x7C;
	v63 =	vadd.s32 v62, v19;
	[tilespmem:v17+s21+$0x0] =	vst.idx.add.f32.msk $0xffff, v1  }
.Ltmp1:
0x1d9: {  	[tilespmem:v23+s21+$0x0] =	vst.idx.add.f32.msk $0xffff, v1;
	(pc) =	sbr.rel @p0 .LBB2_5-.Ltmp1, $4  }
0x1da: {  	[tilespmem:v52+s21+$0x0] =	vst.idx.add.f32.msk $0xffff, v1  }
0x1db: {  	[tilespmem:v16+s21+$0x0] =	vst.idx.add.f32.msk $0xffff, v1  }
0x1dc: {  	[tilespmem:v15+s21+$0x0] =	vst.idx.add.f32.msk $0xffff, v1  }
0x1dd: {  	s29 =	sadd.s32 $0x100, s29;
	s28 =	sadd.s32 $0x40, s28;
	[tilespmem:v63+s21+$0x0] =	vst.idx.add.f32.msk $0xffff, v1  }
0x1de: {  	_ =	swait.ge [sflag:s22], $0x800  }
0x1df: {  	[sflag:s22] =	ssyncset.done $0x0  }
0x1e0: {  	[sflag:s22] =	ssyncadd.s32 $0xFFFFF800  }
0x1e1: {  	_ =	swait.ge [sflag:s22], $0x800  }
0x1e2: {  	[sflag:s22] =	ssyncset.done $0x0  }
0x1e3: {  	[sflag:s22] =	ssyncadd.s32 $0xFFFFF800  }
0x1e4: {  	_ =	swait.ge [sflag:s22], $0x800  }
0x1e5: {  	[sflag:s22] =	ssyncset.done $0x0  }
0x1e6: {  	[sflag:s22] =	ssyncadd.s32 $0xFFFFF800  }
0x1e7: {  	_ =	swait.ge [sflag:s22], $0x800  }
0x1e8: {  	[sflag:s22] =	ssyncset.done $0x0  }
0x1e9: {  	[sflag:s22] =	ssyncadd.s32 $0xFFFFF800  }
0x1ea: {  	_ =	swait.ge [sflag:s22], $0x800  }
0x1eb: {  	[sflag:s22] =	ssyncset.done $0x0  }
0x1ec: {  	[sflag:s22] =	ssyncadd.s32 $0xFFFFF800  }
0x1ed: {  	_ =	swait.ge [sflag:s22], $0x800  }
0x1ee: {  	[sflag:s22] =	ssyncset.done $0x0  }
0x1ef: {  	[sflag:s22] =	ssyncadd.s32 $0xFFFFF800  }
0x1f0: {  	_ =	swait.ge [sflag:s22], $0x800  }
0x1f1: {  	[sflag:s22] =	ssyncset.done $0x0  }
0x1f2: {  	[sflag:s22] =	ssyncadd.s32 $0xFFFFF800  }
0x1f3: {  	_ =	swait.ge [sflag:s22], $0x800  }
0x1f4: {  	[sflag:s22] =	ssyncset.done $0x0  }
0x1f5: {  	[sflag:s22] =	ssyncadd.s32 $0xFFFFF800  }
0x1f6: {  	_ =	swait.ge [sflag:s22], $0x800  }
0x1f7: {  	[sflag:s22] =	ssyncset.done $0x0  }
0x1f8: {  	[sflag:s22] =	ssyncadd.s32 $0xFFFFF800  }
0x1f9: {  	_ =	swait.ge [sflag:s22], $0x800  }
0x1fa: {  	[sflag:s22] =	ssyncset.done $0x0  }
0x1fb: {  	[sflag:s22] =	ssyncadd.s32 $0xFFFFF800  }
0x1fc: {  	_ =	swait.ge [sflag:s22], $0x800  }
0x1fd: {  	[sflag:s22] =	ssyncset.done $0x0  }
0x1fe: {  	[sflag:s22] =	ssyncadd.s32 $0xFFFFF800  }
0x1ff: {  	_ =	swait.ge [sflag:s22], $0x800  }
0x200: {  	[sflag:s22] =	ssyncset.done $0x0  }
0x201: {  	[sflag:s22] =	ssyncadd.s32 $0xFFFFF800  }
0x202: {  	_ =	swait.ge [sflag:s22], $0x800  }
0x203: {  	[sflag:s22] =	ssyncset.done $0x0  }
0x204: {  	p0 =	seq.s32 s24, $0x7;
	[sflag:s22] =	ssyncadd.s32 $0xFFFFF800  }
0x205: {  	s25 =	sadd.s32 @!p0 s25, s19;
	_ =	swait.ge [sflag:s22], $0x800  }
0x206: {  	s25 =	sshrl.u32 @!p0 s25, $0x3;
	[sflag:s22] =	ssyncset.done $0x0  }
0x207: {  	s28 =	simm.s32 @!p0 $0x0;
	s26 =	sadd.s32 @!p0 s3, s25;
	[sflag:s22] =	ssyncadd.s32 $0xFFFFF800  }
0x208: {  	[tilespmem:s28], [sflag:$0x1] =	stream.linear.gather @!p0 [hbm4b:s26+s28], $0x800, $0x38;
	[tilespmem:$0x1B000] =	vst v63  }
0x209: {  	s29 =	simm.s32 @!p0 $0x800;
	s26 =	sadd.s32 @!p0 s4, s25  }
0x20a: {  	[tilespmem:s29], [sflag:$0x1] =	stream.linear.gather @!p0 [hbm4b:s26+s28], $0x800, $0x38;
	[tilespmem:$0x1B000] =	vst v63  }
0x20b: {  	s26 =	sadd.s32 @!p0 s5, s25;
	s29 =	simm.s32 @!p0 $0x1000  }
0x20c: {  	[tilespmem:s29], [sflag:$0x1] =	stream.linear.gather @!p0 [hbm4b:s26+s28], $0x800, $0x38;
	[tilespmem:$0x1B000] =	vst v63  }
0x20d: {  	s26 =	sadd.s32 @!p0 s7, s25;
	s29 =	simm.s32 @!p0 $0x1800  }
0x20e: {  	[tilespmem:s29], [sflag:$0x1] =	stream.linear.gather @!p0 [hbm4b:s26+s28], $0x800, $0x38;
	[tilespmem:$0x1B000] =	vst v63  }
0x20f: {  	s26 =	sadd.s32 @!p0 s8, s25;
	s29 =	simm.s32 @!p0 $0x2000  }
0x210: {  	[tilespmem:s29], [sflag:$0x1] =	stream.linear.gather @!p0 [hbm4b:s26+s28], $0x800, $0x38;
	[tilespmem:$0x1B000] =	vst v63  }
0x211: {  	s26 =	sadd.s32 @!p0 s9, s25;
	s29 =	simm.s32 @!p0 $0x2800  }
0x212: {  	[tilespmem:s29], [sflag:$0x1] =	stream.linear.gather @!p0 [hbm4b:s26+s28], $0x800, $0x38;
	[tilespmem:$0x1B000] =	vst v63  }
0x213: {  	s26 =	sadd.s32 @!p0 s10, s25;
	s29 =	simm.s32 @!p0 $0x3000  }
0x214: {  	[tilespmem:s29], [sflag:$0x1] =	stream.linear.gather @!p0 [hbm4b:s26+s28], $0x800, $0x38;
	[tilespmem:$0x1B000] =	vst v63  }
0x215: {  	s26 =	sadd.s32 @!p0 s11, s25;
	s29 =	simm.s32 @!p0 $0x3800  }
0x216: {  	[tilespmem:s29], [sflag:$0x1] =	stream.linear.gather @!p0 [hbm4b:s26+s28], $0x800, $0x38;
	[tilespmem:$0x1B000] =	vst v63  }
0x217: {  	s26 =	sadd.s32 @!p0 s12, s25;
	s29 =	simm.s32 @!p0 $0x4000  }
0x218: {  	[tilespmem:s29], [sflag:$0x1] =	stream.linear.gather @!p0 [hbm4b:s26+s28], $0x800, $0x38;
	[tilespmem:$0x1B000] =	vst v63  }
0x219: {  	s26 =	sadd.s32 @!p0 s13, s25;
	s29 =	simm.s32 @!p0 $0x4800  }
0x21a: {  	[tilespmem:s29], [sflag:$0x1] =	stream.linear.gather @!p0 [hbm4b:s26+s28], $0x800, $0x38;
	[tilespmem:$0x1B000] =	vst v63  }
0x21b: {  	s26 =	sadd.s32 @!p0 s14, s25;
	s29 =	simm.s32 @!p0 $0x5000  }
0x21c: {  	[tilespmem:s29], [sflag:$0x1] =	stream.linear.gather @!p0 [hbm4b:s26+s28], $0x800, $0x38;
	[tilespmem:$0x1B000] =	vst v63  }
0x21d: {  	s26 =	sadd.s32 @!p0 s15, s25;
	s29 =	simm.s32 @!p0 $0x5800  }
0x21e: {  	[tilespmem:s29], [sflag:$0x1] =	stream.linear.gather @!p0 [hbm4b:s26+s28], $0x800, $0x38;
	[tilespmem:$0x1B000] =	vst v63  }
0x21f: {  	s26 =	sadd.s32 @!p0 s16, s25;
	s29 =	simm.s32 @!p0 $0x6000  }
0x220: {  	[tilespmem:s29], [sflag:$0x1] =	stream.linear.gather @!p0 [hbm4b:s26+s28], $0x800, $0x38;
	[tilespmem:$0x1B000] =	vst v63  }
0x221: {  	s25 =	sadd.s32 @!p0 s1, s25;
	s26 =	simm.s32 @!p0 $0xD000  }
0x222: {  	[tilespmem:s26], [sflag:$0x1] =	stream.linear.gather @!p0 [hbm4b:s25+s28], $0x800, $0x38;
	[tilespmem:$0x1B000] =	vst v63  }
0x223: {  	s25 =	simm.s32 $0xFFFFFFFC;
	s26 =	simm.s32 $0x0;
	s28 =	simm.s32 $0x0  }
.LBB2_7:
0x224: {  	s29 =	sand.u32 $0x7C0, s28  }
0x225: {  	v15 =	vld [tilespmem:s29+$0x6800]  }
0x226: {  	v16 =	vld [tilespmem:s29+$0x7000]  }
0x227: {  	v17 =	vld [tilespmem:s29+$0x7800]  }
0x228: {  	v18 =	vld [tilespmem:s29+$0x8000]  }
0x229: {  	v19 =	vld [tilespmem:s29+$0x8800]  }
0x22a: {  	v20 =	vld [tilespmem:s29+$0x9000];
	v15 =	vmul.f32 $1.442695020e+00, v15  }
0x22b: {  	v21 =	vld [tilespmem:s29+$0x9800];
	v16 =	vmul.f32 $1.442695020e+00, v16  }
0x22c: {  	v22 =	vld [tilespmem:s29+$0xA000];
	(erf) = vpow2.f32 v15;
	v15 =	vmul.f32 $1.442695020e+00, v17  }
0x22d: {  	v39 =	vld [tilespmem:s29+$0xA800];
	v40 =	vmul.f32 $1.442695020e+00, v18;
	(erf) = vpow2.f32 v16  }
0x22e: {  	v41 =	vld [tilespmem:s29+$0xB000];
	(erf) = vpow2.f32 v15;
	v15 =	vmul.f32 $1.442695020e+00, v19  }
0x22f: {  	v42 =	vld [tilespmem:s29+$0xB800];
	v43 =	vmul.f32 $1.442695020e+00, v20;
	(erf) = vpow2.f32 v40  }
0x230: {  	(erf) = vpow2.f32 v15;
	v15 =	vmul.f32 $1.442695020e+00, v21  }
0x231: {  	v44 =	vld [tilespmem:s29+$0xC000];
	v45 =	vmul.f32 $1.442695020e+00, v22;
	(erf) = vpow2.f32 v43  }
0x232: {  	(erf) = vpow2.f32 v15;
	v15 =	vmul.f32 $1.442695020e+00, v39  }
0x233: {  	v46 =	vmul.f32 $1.442695020e+00, v41;
	(erf) = vpow2.f32 v45  }
0x234: {  	(erf) = vpow2.f32 v15;
	v15 =	vmul.f32 $1.442695020e+00, v42  }
0x235: {  	v47 =	vld [tilespmem:s29+$0xC800]  }
0x236: {  	v49 =	vmul.f32 $1.442695020e+00, v44;
	v48 =	vpop (erf);
	(erf) = vpow2.f32 v46  }
0x237: {  	v50 =	vpop (erf);
	(erf) = vpow2.f32 v15  }
0x238: {  	v15 =	vpop (erf);
	(erf) = vpow2.f32 v49  }
0x239: {  	v51 =	vpop (erf)  }
0x23a: {  	v17 =	vmul.f32 $1.442695020e+00, v47;
	v52 =	vpop (erf)  }
0x23b: {  	v53 =	vpop (erf)  }
0x23c: {  	v54 =	vpop (erf);
	(erf) = vpow2.f32 v17  }
0x23d: {  	v55 =	vpop (erf)  }
0x23e: {  	v23 =	vpop (erf)  }
0x23f: {  	v24 =	vpop (erf)  }
0x240: {  	v26 =	vadd.f32 v50, v48;
	v27 =	vadd.f32 v51, v15;
	v25 =	vpop (erf)  }
0x241: {  	v29 =	vadd.f32 v53, v52;
	v30 =	vadd.f32 v55, v54;
	v28 =	vpop (erf)  }
0x242: {  	v31 =	vadd.f32 v24, v23;
	v32 =	vadd.f32 v28, v25  }
0x243: {  	v26 =	vadd.f32 v27, v26  }
0x244: {  	v56 =	vadd.f32 v30, v29;
	v57 =	vadd.f32 v32, v31  }
0x245: {  	v58 =	vpop (erf)  }
0x246: {  	v26 =	vadd.f32 v56, v26;
	v59 =	vadd.f32 v57, v58;
	_ =	sdelay $0x1  }
0x247: {  	v26 =	vadd.f32 v59, v26;
	_ =	sdelay $0x1  }
0x248: {  	(erf) = vrcp.f32 v26;
	v26 =	vld [tilespmem:s29+$0xD800];
	_ =	sdelay $0x4  }
0x249: {  	vm0 =	veq.s32 v26, $0x0;
	vm1 =	veq.s32 v26, $0x1  }
0x24a: {  	vm14 =	veq.s32 v26, $0x2;
	vm15 =	veq.s32 v26, $0x3;
	vm4 =	veq.s32 v26, $0x4  }
0x24b: {  	vm5 =	veq.s32 v26, $0x5;
	vm6 =	veq.s32 v26, $0x6;
	vm7 =	veq.s32 v26, $0x7  }
0x24c: {  	vm8 =	veq.s32 v26, $0x8;
	vm9 =	veq.s32 v26, $0x9;
	vm10 =	veq.s32 v26, $0xA  }
0x24d: {  	vm11 =	veq.s32 v26, $0xB;
	vm12 =	veq.s32 v26, $0xC;
	v63 =	vsel vm0, $0xFFFFF100, v2  }
0x24e: {  	v36 =	vsel vm1, $0x7900, v3;
	v40 =	vsel vm14, $0x100, v4;
	v42 =	vsel vm15, $0x900, v5;
	v60 =	vpop (erf)  }
0x24f: {  	v44 =	vsel vm4, $0x1100, v6;
	v18 =	vmul.f32 v60, v48;
	v19 =	vmul.f32 v60, v50  }
0x250: {  	v46 =	vsel vm5, $0x1900, v7;
	v15 =	vmul.f32 v60, v15;
	v16 =	vmul.f32 v60, v51  }
0x251: {  	v49 =	vsel vm6, $0x2100, v8;
	v20 =	vmul.f32 v60, v52;
	v21 =	vmul.f32 v60, v53  }
0x252: {  	v56 =	vsel vm9, $0x3900, v11;
	v22 =	vmul.f32 v60, v54;
	v17 =	vmul.f32 v60, v55  }
0x253: {  	v23 =	vmul.f32 v60, v23;
	v24 =	vmul.f32 v60, v24;
	v61 =	vsub.f32 $1.000000000e+00, v18  }
0x254: {  	v52 =	vsel vm7, $0x2900, v9;
	v62 =	vsub.f32 $1.000000000e+00, v19;
	v37 =	vsub.f32 $1.000000000e+00, v15  }
0x255: {  	v25 =	vmul.f32 v60, v25;
	v39 =	vsub.f32 $1.000000000e+00, v16;
	v41 =	vsub.f32 $1.000000000e+00, v20  }
0x256: {  	v54 =	vsel vm8, $0x3100, v10;
	v43 =	vsub.f32 $1.000000000e+00, v21;
	v45 =	vsub.f32 $1.000000000e+00, v22  }
0x257: {  	v28 =	vmul.f32 v60, v28;
	v48 =	vsub.f32 $1.000000000e+00, v17;
	v51 =	vsub.f32 $1.000000000e+00, v23  }
0x258: {  	v27 =	vmul.f32 v60, v58;
	v53 =	vsub.f32 $1.000000000e+00, v24;
	v55 =	vsub.f32 $1.000000000e+00, v25  }
0x259: {  	v59 =	vsub.f32 $1.000000000e+00, v28;
	v18 =	vsel vm0, v61, v18;
	v19 =	vsel vm1, v62, v19  }
0x25a: {  	v15 =	vsel vm14, v37, v15;
	v16 =	vsel vm15, v39, v16;
	v20 =	vsel vm4, v41, v20  }
0x25b: {  	v21 =	vsel vm5, v43, v21;
	v22 =	vsel vm6, v45, v22;
	v17 =	vsel vm7, v48, v17  }
0x25c: {  	v23 =	vsel vm8, v51, v23;
	v24 =	vsel vm9, v53, v24;
	v25 =	vsel vm10, v55, v25  }
0x25d: {  	v61 =	vsub.f32 $1.000000000e+00, v27;
	v18 =	vshrl.u32 v18, $0xF;
	v19 =	vshrl.u32 v19, $0xF  }
0x25e: {  	v15 =	vshrl.u32 v15, $0xF;
	v16 =	vshrl.u32 v16, $0xF;
	v20 =	vshrl.u32 v20, $0xF  }
0x25f: {  	v21 =	vshrl.u32 v21, $0xF;
	v22 =	vshrl.u32 v22, $0xF;
	v17 =	vshrl.u32 v17, $0xF  }
0x260: {  	v23 =	vshrl.u32 v23, $0xF;
	v24 =	vshrl.u32 v24, $0xF;
	v58 =	vshrl.u32 v25, $0xF  }
0x261: {  	v25 =	vsel vm11, v59, v28;
	v18 =	vmax.u32 v18, $0x7700;
	v19 =	vmax.u32 v19, $0x7700  }
0x262: {  	v15 =	vmax.u32 v15, $0x7700;
	v16 =	vmax.u32 v16, $0x7700;
	v20 =	vmax.u32 v20, $0x7700  }
0x263: {  	v21 =	vmax.u32 v21, $0x7700;
	v22 =	vmax.u32 v22, $0x7700;
	v17 =	vmax.u32 v17, $0x7700  }
0x264: {  	v23 =	vmax.u32 v23, $0x7700;
	v24 =	vmax.u32 v24, $0x7700;
	v60 =	vmax.u32 v58, $0x7700  }
0x265: {  	v18 =	vmin.u32 v18, $0x7EFF;
	v19 =	vmin.u32 v19, $0x7EFF;
	v15 =	vmin.u32 v15, $0x7EFF  }
0x266: {  	v16 =	vmin.u32 v16, $0x7EFF;
	v20 =	vmin.u32 v20, $0x7EFF;
	v31 =	vadd.s32 v36, v19  }
0x267: {  	v18 =	vadd.s32 v63, v18;
	v19 =	vand.u32 $0x7F, v19;
	v38 =	vand.u32 $0x7F80, v31  }
0x268: {  	v21 =	vmin.u32 v21, $0x7EFF;
	v22 =	vmin.u32 v22, $0x7EFF;
	v19 =	vor.u32 v19, v38  }
0x269: {  	v17 =	vmin.u32 v17, $0x7EFF;
	v23 =	vmin.u32 v23, $0x7EFF;
	v15 =	vadd.s32 v40, v15  }
0x26a: {  	v16 =	vadd.s32 v42, v16;
	v20 =	vadd.s32 v44, v20;
	v31 =	vadd.s32 v46, v21  }
0x26b: {  	v21 =	vand.u32 $0x7F, v21;
	v47 =	vand.u32 $0xFFFFBF80, v31;
	v31 =	vadd.s32 v49, v22  }
0x26c: {  	v22 =	vand.u32 $0x7F, v22;
	v21 =	vor.u32 v21, v47;
	v50 =	vand.u32 $0xFFFFBF80, v31;
	[tilespmem:v18+s21+$0x0] =	vst.idx.add.f32.msk $0xffff, v1  }
0x26d: {  	v24 =	vmin.u32 v24, $0x7EFF;
	v17 =	vadd.s32 v52, v17;
	v22 =	vor.u32 v22, v50;
	[tilespmem:v19+s21+$0x0] =	vst.idx.add.f32.msk $0xffff, v1  }
0x26e: {  	v62 =	vmin.u32 v60, $0x7EFF;
	v23 =	vadd.s32 v54, v23;
	v57 =	vadd.s32 v56, v24;
	[tilespmem:v15+s21+$0x0] =	vst.idx.add.f32.msk $0xffff, v1  }
0x26f: {  	v63 =	vshrl.u32 v25, $0xF;
	v24 =	vsel vm12, v61, v27;
	v27 =	vsel vm11, $0x4900, v13;
	[tilespmem:v16+s21+$0x0] =	vst.idx.add.f32.msk $0xffff, v1  }
0x270: {  	v25 =	vmax.u32 v63, $0x7700;
	v26 =	vshrl.u32 v24, $0xF;
	v15 =	vsel vm10, $0x4100, v12;
	[tilespmem:v20+s21+$0x0] =	vst.idx.add.f32.msk $0xffff, v1  }
0x271: {  	v19 =	vmax.u32 v26, $0x7700;
	v15 =	vadd.s32 v15, v62;
	v16 =	vmin.u32 v25, $0x7EFF;
	[tilespmem:v21+s21+$0x0] =	vst.idx.add.f32.msk $0xffff, v1  }
0x272: {  	v28 =	vsel vm12, $0x5100, v14;
	v19 =	vmin.u32 v19, $0x7EFF;
	v16 =	vadd.s32 v27, v16;
	[tilespmem:v22+s21+$0x0] =	vst.idx.add.f32.msk $0xffff, v1  }
0x273: {  	v29 =	vadd.s32 v28, v19;
	[tilespmem:v17+s21+$0x0] =	vst.idx.add.f32.msk $0xffff, v1  }
0x274: {  	[tilespmem:v23+s21+$0x0] =	vst.idx.add.f32.msk $0xffff, v1  }
0x275: {  	[tilespmem:v57+s21+$0x0] =	vst.idx.add.f32.msk $0xffff, v1  }
0x276: {  	[tilespmem:v15+s21+$0x0] =	vst.idx.add.f32.msk $0xffff, v1  }
0x277: {  	[tilespmem:v16+s21+$0x0] =	vst.idx.add.f32.msk $0xffff, v1  }
0x278: {  	s31 =	sshra.s32 s26, $0x2;
	[tilespmem:v29+s21+$0x0] =	vst.idx.add.f32.msk $0xffff, v1  }
0x279: {  	v15 =	vld [tilespmem:s31+$0x6810]  }
0x27a: {  	v16 =	vld [tilespmem:s31+$0x7010]  }
0x27b: {  	v17 =	vld [tilespmem:s31+$0x7810]  }
0x27c: {  	v18 =	vld [tilespmem:s31+$0x8010]  }
0x27d: {  	v30 =	vld [tilespmem:s31+$0x8810]  }
0x27e: {  	v31 =	vld [tilespmem:s31+$0x9010];
	v15 =	vmul.f32 $1.442695020e+00, v15  }
0x27f: {  	v21 =	vld [tilespmem:s31+$0x9810];
	v16 =	vmul.f32 $1.442695020e+00, v16  }
0x280: {  	v22 =	vld [tilespmem:s31+$0xA010];
	(erf) = vpow2.f32 v15;
	v15 =	vmul.f32 $1.442695020e+00, v17  }
0x281: {  	v32 =	vld [tilespmem:s31+$0xA810];
	v33 =	vmul.f32 $1.442695020e+00, v18;
	(erf) = vpow2.f32 v16  }
0x282: {  	v34 =	vld [tilespmem:s31+$0xB010];
	(erf) = vpow2.f32 v15;
	v15 =	vmul.f32 $1.442695020e+00, v30  }
0x283: {  	v35 =	vld [tilespmem:s31+$0xB810];
	v36 =	vmul.f32 $1.442695020e+00, v31;
	(erf) = vpow2.f32 v33  }
0x284: {  	(erf) = vpow2.f32 v15;
	v15 =	vmul.f32 $1.442695020e+00, v21  }
0x285: {  	v37 =	vld [tilespmem:s31+$0xC010];
	v38 =	vmul.f32 $1.442695020e+00, v22;
	(erf) = vpow2.f32 v36  }
0x286: {  	(erf) = vpow2.f32 v15;
	v15 =	vmul.f32 $1.442695020e+00, v32  }
0x287: {  	v39 =	vmul.f32 $1.442695020e+00, v34;
	(erf) = vpow2.f32 v38  }
0x288: {  	(erf) = vpow2.f32 v15;
	v15 =	vmul.f32 $1.442695020e+00, v35  }
0x289: {  	v40 =	vld [tilespmem:s31+$0xC810]  }
0x28a: {  	v42 =	vmul.f32 $1.442695020e+00, v37;
	v41 =	vpop (erf);
	(erf) = vpow2.f32 v39  }
0x28b: {  	v43 =	vpop (erf);
	(erf) = vpow2.f32 v15  }
0x28c: {  	v15 =	vpop (erf);
	(erf) = vpow2.f32 v42  }
0x28d: {  	v44 =	vpop (erf)  }
0x28e: {  	v17 =	vmul.f32 $1.442695020e+00, v40;
	v45 =	vpop (erf)  }
0x28f: {  	v46 =	vpop (erf)  }
0x290: {  	(erf) = vpow2.f32 v17;
	v47 =	vpop (erf)  }
0x291: {  	v48 =	vpop (erf)  }
0x292: {  	v49 =	vpop (erf)  }
0x293: {  	v24 =	vpop (erf)  }
0x294: {  	v50 =	vadd.f32 v43, v41;
	v51 =	vadd.f32 v44, v15;
	v25 =	vpop (erf)  }
0x295: {  	v52 =	vadd.f32 v46, v45;
	v53 =	vadd.f32 v48, v47;
	v28 =	vpop (erf)  }
0x296: {  	v54 =	vadd.f32 v24, v49;
	v55 =	vadd.f32 v28, v25  }
0x297: {  	v26 =	vadd.f32 v51, v50  }
0x298: {  	v56 =	vadd.f32 v53, v52;
	v57 =	vadd.f32 v55, v54  }
0x299: {  	v58 =	vpop (erf)  }
0x29a: {  	v26 =	vadd.f32 v56, v26;
	v59 =	vadd.f32 v57, v58;
	_ =	sdelay $0x1  }
0x29b: {  	v26 =	vadd.f32 v59, v26;
	_ =	sdelay $0x1  }
0x29c: {  	(erf) = vrcp.f32 v26;
	v26 =	vld [tilespmem:s31+$0xD810];
	_ =	sdelay $0x4  }
0x29d: {  	vm13 =	veq.s32 v26, $0x0;
	vm14 =	veq.s32 v26, $0x1  }
0x29e: {  	vm15 =	veq.s32 v26, $0x2;
	vm4 =	veq.s32 v26, $0x3;
	vm5 =	veq.s32 v26, $0x4  }
0x29f: {  	vm6 =	veq.s32 v26, $0x5;
	vm7 =	veq.s32 v26, $0x6;
	vm8 =	veq.s32 v26, $0x7  }
0x2a0: {  	vm9 =	veq.s32 v26, $0x8;
	vm10 =	veq.s32 v26, $0x9;
	vm11 =	veq.s32 v26, $0xA  }
0x2a1: {  	vm12 =	veq.s32 v26, $0xB;
	v63 =	vsel vm13, $0xFFFFF100, v2;
	v35 =	vsel vm14, $0x7900, v3;
	v60 =	vpop (erf)  }
0x2a2: {  	v39 =	vsel vm15, $0x100, v4;
	v51 =	vsel vm8, $0x2900, v9;
	v18 =	vmul.f32 v60, v41  }
0x2a3: {  	v53 =	vsel vm9, $0x3100, v10;
	v19 =	vmul.f32 v60, v43;
	v15 =	vmul.f32 v60, v15  }
0x2a4: {  	v55 =	vsel vm10, $0x3900, v11;
	v16 =	vmul.f32 v60, v44;
	v20 =	vmul.f32 v60, v45  }
0x2a5: {  	v21 =	vmul.f32 v60, v46;
	v41 =	vsel vm4, $0x900, v5;
	v22 =	vmul.f32 v60, v47  }
0x2a6: {  	v43 =	vsel vm5, $0x1100, v6;
	v45 =	vsel vm6, $0x1900, v7;
	v17 =	vmul.f32 v60, v48  }
0x2a7: {  	v23 =	vmul.f32 v60, v49;
	v61 =	vsub.f32 $1.000000000e+00, v18;
	v62 =	vsub.f32 $1.000000000e+00, v19  }
0x2a8: {  	v24 =	vmul.f32 v60, v24;
	v36 =	vsub.f32 $1.000000000e+00, v15;
	v38 =	vsub.f32 $1.000000000e+00, v16  }
0x2a9: {  	v25 =	vmul.f32 v60, v25;
	v40 =	vsub.f32 $1.000000000e+00, v20;
	v42 =	vsub.f32 $1.000000000e+00, v21  }
0x2aa: {  	v28 =	vmul.f32 v60, v28;
	v44 =	vsub.f32 $1.000000000e+00, v22;
	v47 =	vsub.f32 $1.000000000e+00, v17  }
0x2ab: {  	v27 =	vmul.f32 v60, v58;
	v50 =	vsub.f32 $1.000000000e+00, v23;
	v52 =	vsub.f32 $1.000000000e+00, v24  }
0x2ac: {  	v48 =	vsel vm7, $0x2100, v8;
	v54 =	vsub.f32 $1.000000000e+00, v25;
	v58 =	vsub.f32 $1.000000000e+00, v28  }
0x2ad: {  	v60 =	vsub.f32 $1.000000000e+00, v27;
	v18 =	vsel vm13, v61, v18;
	v19 =	vsel vm14, v62, v19  }
0x2ae: {  	v15 =	vsel vm15, v36, v15;
	v16 =	vsel vm4, v38, v16;
	v20 =	vsel vm5, v40, v20  }
0x2af: {  	v21 =	vsel vm6, v42, v21;
	v22 =	vsel vm7, v44, v22;
	v17 =	vsel vm8, v47, v17  }
0x2b0: {  	v23 =	vsel vm9, v50, v23;
	v24 =	vsel vm10, v52, v24;
	v25 =	vsel vm11, v54, v25  }
0x2b1: {  	vm13 =	veq.s32 v26, $0xC;
	v18 =	vshrl.u32 v18, $0xF;
	v19 =	vshrl.u32 v19, $0xF  }
0x2b2: {  	v15 =	vshrl.u32 v15, $0xF;
	v16 =	vshrl.u32 v16, $0xF;
	v20 =	vshrl.u32 v20, $0xF  }
0x2b3: {  	v21 =	vshrl.u32 v21, $0xF;
	v22 =	vshrl.u32 v22, $0xF;
	v17 =	vshrl.u32 v17, $0xF  }
0x2b4: {  	v23 =	vshrl.u32 v23, $0xF;
	v24 =	vshrl.u32 v24, $0xF;
	v57 =	vshrl.u32 v25, $0xF  }
0x2b5: {  	v25 =	vsel vm12, v58, v28;
	v18 =	vmax.u32 v18, $0x7700;
	v19 =	vmax.u32 v19, $0x7700  }
0x2b6: {  	v15 =	vmax.u32 v15, $0x7700;
	v16 =	vmax.u32 v16, $0x7700;
	v20 =	vmax.u32 v20, $0x7700  }
0x2b7: {  	v21 =	vmax.u32 v21, $0x7700;
	v22 =	vmax.u32 v22, $0x7700;
	v17 =	vmax.u32 v17, $0x7700  }
0x2b8: {  	v23 =	vmax.u32 v23, $0x7700;
	v24 =	vmax.u32 v24, $0x7700;
	v59 =	vmax.u32 v57, $0x7700  }
0x2b9: {  	v62 =	vshrl.u32 v25, $0xF;
	v25 =	vsel vm12, $0x4900, v13;
	v19 =	vmin.u32 v19, $0x7EFF  }
0x2ba: {  	v18 =	vmin.u32 v18, $0x7EFF;
	v15 =	vmin.u32 v15, $0x7EFF;
	v31 =	vadd.s32 v35, v19  }
0x2bb: {  	v18 =	vadd.s32 v63, v18;
	v19 =	vand.u32 $0x7F, v19;
	v37 =	vand.u32 $0x7F80, v31  }
0x2bc: {  	v16 =	vmin.u32 v16, $0x7EFF;
	v20 =	vmin.u32 v20, $0x7EFF;
	v19 =	vor.u32 v19, v37  }
0x2bd: {  	v21 =	vmin.u32 v21, $0x7EFF;
	v22 =	vmin.u32 v22, $0x7EFF;
	v15 =	vadd.s32 v39, v15  }
0x2be: {  	v16 =	vadd.s32 v41, v16;
	v20 =	vadd.s32 v43, v20;
	v31 =	vadd.s32 v45, v21  }
0x2bf: {  	v21 =	vand.u32 $0x7F, v21;
	v46 =	vand.u32 $0xFFFFBF80, v31;
	v31 =	vadd.s32 v48, v22  }
0x2c0: {  	v22 =	vand.u32 $0x7F, v22;
	v21 =	vor.u32 v21, v46;
	v49 =	vand.u32 $0xFFFFBF80, v31;
	[tilespmem:v18+s21+$0x0] =	vst.idx.add.f32.msk $0xffff, v1  }
0x2c1: {  	v17 =	vmin.u32 v17, $0x7EFF;
	v23 =	vmin.u32 v23, $0x7EFF;
	v22 =	vor.u32 v22, v49;
	[tilespmem:v19+s21+$0x0] =	vst.idx.add.f32.msk $0xffff, v1  }
0x2c2: {  	v24 =	vmin.u32 v24, $0x7EFF;
	v17 =	vadd.s32 v51, v17;
	v23 =	vadd.s32 v53, v23;
	[tilespmem:v15+s21+$0x0] =	vst.idx.add.f32.msk $0xffff, v1  }
0x2c3: {  	v61 =	vmin.u32 v59, $0x7EFF;
	v56 =	vadd.s32 v55, v24;
	v24 =	vsel vm13, v60, v27;
	[tilespmem:v16+s21+$0x0] =	vst.idx.add.f32.msk $0xffff, v1  }
0x2c4: {  	v63 =	vmax.u32 v62, $0x7700;
	v24 =	vshrl.u32 v24, $0xF;
	v15 =	vsel vm11, $0x4100, v12;
	[tilespmem:v20+s21+$0x0] =	vst.idx.add.f32.msk $0xffff, v1  }
0x2c5: {  	v19 =	vmax.u32 v24, $0x7700;
	v15 =	vadd.s32 v15, v61;
	v16 =	vmin.u32 v63, $0x7EFF;
	[tilespmem:v21+s21+$0x0] =	vst.idx.add.f32.msk $0xffff, v1  }
0x2c6: {  	v26 =	vsel vm13, $0x5100, v14;
	v19 =	vmin.u32 v19, $0x7EFF;
	v16 =	vadd.s32 v25, v16;
	[tilespmem:v22+s21+$0x0] =	vst.idx.add.f32.msk $0xffff, v1  }
0x2c7: {  	v27 =	vadd.s32 v26, v19;
	[tilespmem:v17+s21+$0x0] =	vst.idx.add.f32.msk $0xffff, v1  }
0x2c8: {  	[tilespmem:v23+s21+$0x0] =	vst.idx.add.f32.msk $0xffff, v1  }
0x2c9: {  	[tilespmem:v56+s21+$0x0] =	vst.idx.add.f32.msk $0xffff, v1  }
0x2ca: {  	[tilespmem:v15+s21+$0x0] =	vst.idx.add.f32.msk $0xffff, v1  }
0x2cb: {  	[tilespmem:v16+s21+$0x0] =	vst.idx.add.f32.msk $0xffff, v1  }
0x2cc: {  	[tilespmem:v27+s21+$0x0] =	vst.idx.add.f32.msk $0xffff, v1  }
0x2cd: {  	v15 =	vld [tilespmem:s31+$0x6820]  }
0x2ce: {  	v16 =	vld [tilespmem:s31+$0x7020]  }
0x2cf: {  	v17 =	vld [tilespmem:s31+$0x7820]  }
0x2d0: {  	v18 =	vld [tilespmem:s31+$0x8020]  }
0x2d1: {  	v28 =	vld [tilespmem:s31+$0x8820]  }
0x2d2: {  	v29 =	vld [tilespmem:s31+$0x9020];
	v15 =	vmul.f32 $1.442695020e+00, v15  }
0x2d3: {  	v21 =	vld [tilespmem:s31+$0x9820];
	v16 =	vmul.f32 $1.442695020e+00, v16  }
0x2d4: {  	v22 =	vld [tilespmem:s31+$0xA020];
	(erf) = vpow2.f32 v15;
	v15 =	vmul.f32 $1.442695020e+00, v17  }
0x2d5: {  	v30 =	vld [tilespmem:s31+$0xA820];
	v31 =	vmul.f32 $1.442695020e+00, v18;
	(erf) = vpow2.f32 v16  }
0x2d6: {  	v32 =	vld [tilespmem:s31+$0xB020];
	(erf) = vpow2.f32 v15;
	v15 =	vmul.f32 $1.442695020e+00, v28  }
0x2d7: {  	v33 =	vld [tilespmem:s31+$0xB820];
	v34 =	vmul.f32 $1.442695020e+00, v29;
	(erf) = vpow2.f32 v31  }
0x2d8: {  	(erf) = vpow2.f32 v15;
	v15 =	vmul.f32 $1.442695020e+00, v21  }
0x2d9: {  	v35 =	vld [tilespmem:s31+$0xC020];
	v36 =	vmul.f32 $1.442695020e+00, v22;
	(erf) = vpow2.f32 v34  }
0x2da: {  	(erf) = vpow2.f32 v15;
	v15 =	vmul.f32 $1.442695020e+00, v30  }
0x2db: {  	v37 =	vmul.f32 $1.442695020e+00, v32;
	(erf) = vpow2.f32 v36  }
0x2dc: {  	(erf) = vpow2.f32 v15;
	v15 =	vmul.f32 $1.442695020e+00, v33  }
0x2dd: {  	v38 =	vld [tilespmem:s31+$0xC820]  }
0x2de: {  	v40 =	vmul.f32 $1.442695020e+00, v35;
	v39 =	vpop (erf);
	(erf) = vpow2.f32 v37  }
0x2df: {  	v41 =	vpop (erf);
	(erf) = vpow2.f32 v15  }
0x2e0: {  	v15 =	vpop (erf);
	(erf) = vpow2.f32 v40  }
0x2e1: {  	v42 =	vpop (erf)  }
0x2e2: {  	v17 =	vmul.f32 $1.442695020e+00, v38;
	v43 =	vpop (erf)  }
0x2e3: {  	v44 =	vpop (erf)  }
0x2e4: {  	v45 =	vpop (erf);
	(erf) = vpow2.f32 v17  }
0x2e5: {  	v46 =	vpop (erf)  }
0x2e6: {  	v47 =	vpop (erf)  }
0x2e7: {  	v24 =	vpop (erf)  }
0x2e8: {  	v48 =	vadd.f32 v41, v39;
	v49 =	vadd.f32 v42, v15;
	v25 =	vpop (erf)  }
0x2e9: {  	v50 =	vadd.f32 v44, v43;
	v51 =	vadd.f32 v46, v45;
	v28 =	vpop (erf)  }
0x2ea: {  	v52 =	vadd.f32 v24, v47;
	v53 =	vadd.f32 v28, v25  }
0x2eb: {  	v26 =	vadd.f32 v49, v48  }
0x2ec: {  	v54 =	vadd.f32 v51, v50;
	v55 =	vadd.f32 v53, v52  }
0x2ed: {  	v56 =	vpop (erf)  }
0x2ee: {  	v26 =	vadd.f32 v54, v26;
	v57 =	vadd.f32 v55, v56;
	_ =	sdelay $0x1  }
0x2ef: {  	v26 =	vadd.f32 v57, v26;
	_ =	sdelay $0x1  }
0x2f0: {  	(erf) = vrcp.f32 v26;
	v26 =	vld [tilespmem:s31+$0xD820];
	_ =	sdelay $0x4  }
0x2f1: {  	vm14 =	veq.s32 v26, $0x0;
	vm15 =	veq.s32 v26, $0x1  }
0x2f2: {  	vm4 =	veq.s32 v26, $0x2;
	vm5 =	veq.s32 v26, $0x3;
	vm6 =	veq.s32 v26, $0x4  }
0x2f3: {  	vm7 =	veq.s32 v26, $0x5;
	vm8 =	veq.s32 v26, $0x6;
	vm9 =	veq.s32 v26, $0x7  }
0x2f4: {  	vm10 =	veq.s32 v26, $0x8;
	vm11 =	veq.s32 v26, $0x9;
	vm12 =	veq.s32 v26, $0xA  }
0x2f5: {  	vm13 =	veq.s32 v26, $0xB;
	v61 =	vsel vm14, $0xFFFFF100, v2;
	v62 =	vsel vm15, $0x7900, v3;
	v58 =	vpop (erf)  }
0x2f6: {  	v37 =	vsel vm4, $0x100, v4;
	v49 =	vsel vm9, $0x2900, v9;
	v18 =	vmul.f32 v58, v39  }
0x2f7: {  	v51 =	vsel vm10, $0x3100, v10;
	v19 =	vmul.f32 v58, v41;
	v15 =	vmul.f32 v58, v15  }
0x2f8: {  	v53 =	vsel vm11, $0x3900, v11;
	v16 =	vmul.f32 v58, v42;
	v20 =	vmul.f32 v58, v43  }
0x2f9: {  	v21 =	vmul.f32 v58, v44;
	v39 =	vsel vm5, $0x900, v5;
	v22 =	vmul.f32 v58, v45  }
0x2fa: {  	v41 =	vsel vm6, $0x1100, v6;
	v43 =	vsel vm7, $0x1900, v7;
	v17 =	vmul.f32 v58, v46  }
0x2fb: {  	v23 =	vmul.f32 v58, v47;
	v59 =	vsub.f32 $1.000000000e+00, v18;
	v60 =	vsub.f32 $1.000000000e+00, v19  }
0x2fc: {  	v24 =	vmul.f32 v58, v24;
	v63 =	vsub.f32 $1.000000000e+00, v15;
	v36 =	vsub.f32 $1.000000000e+00, v16  }
0x2fd: {  	v25 =	vmul.f32 v58, v25;
	v38 =	vsub.f32 $1.000000000e+00, v20;
	v40 =	vsub.f32 $1.000000000e+00, v21  }
0x2fe: {  	v28 =	vmul.f32 v58, v28;
	v42 =	vsub.f32 $1.000000000e+00, v22;
	v45 =	vsub.f32 $1.000000000e+00, v17  }
0x2ff: {  	v27 =	vmul.f32 v58, v56;
	v48 =	vsub.f32 $1.000000000e+00, v23;
	v50 =	vsub.f32 $1.000000000e+00, v24  }
0x300: {  	v46 =	vsel vm8, $0x2100, v8;
	v52 =	vsub.f32 $1.000000000e+00, v25;
	v56 =	vsub.f32 $1.000000000e+00, v28  }
0x301: {  	v58 =	vsub.f32 $1.000000000e+00, v27;
	v18 =	vsel vm14, v59, v18;
	v19 =	vsel vm15, v60, v19  }
0x302: {  	v15 =	vsel vm4, v63, v15;
	v16 =	vsel vm5, v36, v16;
	v20 =	vsel vm6, v38, v20  }
0x303: {  	v21 =	vsel vm7, v40, v21;
	v22 =	vsel vm8, v42, v22;
	v17 =	vsel vm9, v45, v17  }
0x304: {  	v23 =	vsel vm10, v48, v23;
	v24 =	vsel vm11, v50, v24;
	v25 =	vsel vm12, v52, v25  }
0x305: {  	vm14 =	veq.s32 v26, $0xC;
	v63 =	vsel vm13, $0x4900, v13;
	v18 =	vshrl.u32 v18, $0xF  }
0x306: {  	v19 =	vshrl.u32 v19, $0xF;
	v15 =	vshrl.u32 v15, $0xF;
	v16 =	vshrl.u32 v16, $0xF  }
0x307: {  	v20 =	vshrl.u32 v20, $0xF;
	v21 =	vshrl.u32 v21, $0xF;
	v22 =	vshrl.u32 v22, $0xF  }
0x308: {  	v17 =	vshrl.u32 v17, $0xF;
	v23 =	vshrl.u32 v23, $0xF;
	v24 =	vshrl.u32 v24, $0xF  }
0x309: {  	v55 =	vshrl.u32 v25, $0xF;
	v25 =	vsel vm13, v56, v28;
	v18 =	vmax.u32 v18, $0x7700  }
0x30a: {  	v19 =	vmax.u32 v19, $0x7700;
	v15 =	vmax.u32 v15, $0x7700;
	v16 =	vmax.u32 v16, $0x7700  }
0x30b: {  	v20 =	vmax.u32 v20, $0x7700;
	v21 =	vmax.u32 v21, $0x7700;
	v22 =	vmax.u32 v22, $0x7700  }
0x30c: {  	v17 =	vmax.u32 v17, $0x7700;
	v23 =	vmax.u32 v23, $0x7700;
	v24 =	vmax.u32 v24, $0x7700  }
0x30d: {  	v57 =	vmax.u32 v55, $0x7700;
	v60 =	vshrl.u32 v25, $0xF;
	v19 =	vmin.u32 v19, $0x7EFF  }
0x30e: {  	v18 =	vmin.u32 v18, $0x7EFF;
	v15 =	vmin.u32 v15, $0x7EFF;
	v31 =	vadd.s32 v62, v19  }
0x30f: {  	v18 =	vadd.s32 v61, v18;
	v19 =	vand.u32 $0x7F, v19;
	v35 =	vand.u32 $0x7F80, v31  }
0x310: {  	v16 =	vmin.u32 v16, $0x7EFF;
	v20 =	vmin.u32 v20, $0x7EFF;
	v19 =	vor.u32 v19, v35  }
0x311: {  	v21 =	vmin.u32 v21, $0x7EFF;
	v22 =	vmin.u32 v22, $0x7EFF;
	v15 =	vadd.s32 v37, v15  }
0x312: {  	v16 =	vadd.s32 v39, v16;
	v20 =	vadd.s32 v41, v20;
	v31 =	vadd.s32 v43, v21  }
0x313: {  	v21 =	vand.u32 $0x7F, v21;
	v44 =	vand.u32 $0xFFFFBF80, v31;
	v31 =	vadd.s32 v46, v22  }
0x314: {  	v22 =	vand.u32 $0x7F, v22;
	v21 =	vor.u32 v21, v44;
	v47 =	vand.u32 $0xFFFFBF80, v31;
	[tilespmem:v18+s21+$0x0] =	vst.idx.add.f32.msk $0xffff, v1  }
0x315: {  	v17 =	vmin.u32 v17, $0x7EFF;
	v23 =	vmin.u32 v23, $0x7EFF;
	v22 =	vor.u32 v22, v47;
	[tilespmem:v19+s21+$0x0] =	vst.idx.add.f32.msk $0xffff, v1  }
0x316: {  	v24 =	vmin.u32 v24, $0x7EFF;
	v17 =	vadd.s32 v49, v17;
	v23 =	vadd.s32 v51, v23;
	[tilespmem:v15+s21+$0x0] =	vst.idx.add.f32.msk $0xffff, v1  }
0x317: {  	v59 =	vmin.u32 v57, $0x7EFF;
	v54 =	vadd.s32 v53, v24;
	v24 =	vsel vm14, v58, v27;
	[tilespmem:v16+s21+$0x0] =	vst.idx.add.f32.msk $0xffff, v1  }
0x318: {  	v61 =	vmax.u32 v60, $0x7700;
	v62 =	vshrl.u32 v24, $0xF;
	v15 =	vsel vm12, $0x4100, v12;
	[tilespmem:v20+s21+$0x0] =	vst.idx.add.f32.msk $0xffff, v1  }
0x319: {  	v19 =	vmax.u32 v62, $0x7700;
	v15 =	vadd.s32 v15, v59;
	v16 =	vmin.u32 v61, $0x7EFF;
	[tilespmem:v21+s21+$0x0] =	vst.idx.add.f32.msk $0xffff, v1  }
0x31a: {  	v24 =	vsel vm14, $0x5100, v14;
	v19 =	vmin.u32 v19, $0x7EFF;
	v16 =	vadd.s32 v63, v16;
	[tilespmem:v22+s21+$0x0] =	vst.idx.add.f32.msk $0xffff, v1  }
0x31b: {  	v25 =	vadd.s32 v24, v19;
	[tilespmem:v17+s21+$0x0] =	vst.idx.add.f32.msk $0xffff, v1  }
0x31c: {  	[tilespmem:v23+s21+$0x0] =	vst.idx.add.f32.msk $0xffff, v1  }
0x31d: {  	[tilespmem:v54+s21+$0x0] =	vst.idx.add.f32.msk $0xffff, v1  }
0x31e: {  	[tilespmem:v15+s21+$0x0] =	vst.idx.add.f32.msk $0xffff, v1  }
0x31f: {  	[tilespmem:v16+s21+$0x0] =	vst.idx.add.f32.msk $0xffff, v1  }
0x320: {  	[tilespmem:v25+s21+$0x0] =	vst.idx.add.f32.msk $0xffff, v1  }
0x321: {  	v15 =	vld [tilespmem:s31+$0x6830]  }
0x322: {  	v16 =	vld [tilespmem:s31+$0x7030]  }
0x323: {  	v17 =	vld [tilespmem:s31+$0x7830]  }
0x324: {  	v18 =	vld [tilespmem:s31+$0x8030]  }
0x325: {  	v26 =	vld [tilespmem:s31+$0x8830]  }
0x326: {  	v27 =	vld [tilespmem:s31+$0x9030];
	v15 =	vmul.f32 $1.442695020e+00, v15  }
0x327: {  	v21 =	vld [tilespmem:s31+$0x9830];
	v16 =	vmul.f32 $1.442695020e+00, v16  }
0x328: {  	v22 =	vld [tilespmem:s31+$0xA030];
	(erf) = vpow2.f32 v15;
	v15 =	vmul.f32 $1.442695020e+00, v17  }
0x329: {  	v28 =	vld [tilespmem:s31+$0xA830];
	v29 =	vmul.f32 $1.442695020e+00, v18;
	(erf) = vpow2.f32 v16  }
0x32a: {  	v30 =	vld [tilespmem:s31+$0xB030];
	(erf) = vpow2.f32 v15;
	v15 =	vmul.f32 $1.442695020e+00, v26  }
0x32b: {  	v31 =	vld [tilespmem:s31+$0xB830];
	v32 =	vmul.f32 $1.442695020e+00, v27;
	(erf) = vpow2.f32 v29  }
0x32c: {  	(erf) = vpow2.f32 v15;
	v15 =	vmul.f32 $1.442695020e+00, v21  }
0x32d: {  	v33 =	vld [tilespmem:s31+$0xC030];
	v34 =	vmul.f32 $1.442695020e+00, v22;
	(erf) = vpow2.f32 v32  }
0x32e: {  	(erf) = vpow2.f32 v15;
	v15 =	vmul.f32 $1.442695020e+00, v28  }
0x32f: {  	v35 =	vmul.f32 $1.442695020e+00, v30;
	(erf) = vpow2.f32 v34  }
0x330: {  	(erf) = vpow2.f32 v15;
	v15 =	vmul.f32 $1.442695020e+00, v31  }
0x331: {  	v36 =	vld [tilespmem:s31+$0xC830]  }
0x332: {  	v38 =	vmul.f32 $1.442695020e+00, v33;
	v37 =	vpop (erf);
	(erf) = vpow2.f32 v35  }
0x333: {  	v39 =	vpop (erf);
	(erf) = vpow2.f32 v15  }
0x334: {  	v15 =	vpop (erf);
	(erf) = vpow2.f32 v38  }
0x335: {  	v40 =	vpop (erf)  }
0x336: {  	v17 =	vmul.f32 $1.442695020e+00, v36;
	v41 =	vpop (erf)  }
0x337: {  	v42 =	vpop (erf)  }
0x338: {  	(erf) = vpow2.f32 v17;
	v43 =	vpop (erf)  }
0x339: {  	v44 =	vpop (erf)  }
0x33a: {  	v23 =	vpop (erf)  }
0x33b: {  	v24 =	vpop (erf)  }
0x33c: {  	v45 =	vadd.f32 v39, v37;
	v46 =	vadd.f32 v40, v15;
	v25 =	vpop (erf)  }
0x33d: {  	v47 =	vadd.f32 v42, v41;
	v48 =	vadd.f32 v44, v43;
	v28 =	vpop (erf)  }
0x33e: {  	v49 =	vadd.f32 v24, v23;
	v50 =	vadd.f32 v28, v25  }
0x33f: {  	v26 =	vadd.f32 v46, v45  }
0x340: {  	v51 =	vadd.f32 v48, v47;
	v52 =	vadd.f32 v50, v49  }
0x341: {  	v53 =	vpop (erf)  }
0x342: {  	v26 =	vadd.f32 v51, v26;
	v54 =	vadd.f32 v52, v53;
	_ =	sdelay $0x1  }
0x343: {  	v26 =	vadd.f32 v54, v26;
	_ =	sdelay $0x1  }
0x344: {  	(erf) = vrcp.f32 v26;
	v26 =	vld [tilespmem:s31+$0xD830];
	_ =	sdelay $0x4  }
0x345: {  	vm15 =	veq.s32 v26, $0x0;
	vm4 =	veq.s32 v26, $0x1  }
0x346: {  	vm5 =	veq.s32 v26, $0x2;
	vm6 =	veq.s32 v26, $0x3;
	vm7 =	veq.s32 v26, $0x4  }
0x347: {  	vm8 =	veq.s32 v26, $0x5;
	vm9 =	veq.s32 v26, $0x6;
	vm10 =	veq.s32 v26, $0x7  }
0x348: {  	vm11 =	veq.s32 v26, $0x8;
	vm12 =	veq.s32 v26, $0x9;
	vm13 =	veq.s32 v26, $0xA  }
0x349: {  	vm14 =	veq.s32 v26, $0xB;
	v58 =	vsel vm15, $0xFFFFF100, v2;
	v59 =	vsel vm4, $0x7900, v3;
	v55 =	vpop (erf)  }
0x34a: {  	v63 =	vsel vm5, $0x100, v4;
	v36 =	vsel vm6, $0x900, v5;
	v18 =	vmul.f32 v55, v37  }
0x34b: {  	v47 =	vsel vm10, $0x2900, v9;
	v19 =	vmul.f32 v55, v39;
	v15 =	vmul.f32 v55, v15  }
0x34c: {  	v49 =	vsel vm11, $0x3100, v10;
	v16 =	vmul.f32 v55, v40;
	v20 =	vmul.f32 v55, v41  }
0x34d: {  	v51 =	vsel vm12, $0x3900, v11;
	v21 =	vmul.f32 v55, v42;
	v22 =	vmul.f32 v55, v43  }
0x34e: {  	v39 =	vsel vm7, $0x1100, v6;
	v41 =	vsel vm8, $0x1900, v7;
	v43 =	vsel vm9, $0x2100, v8  }
0x34f: {  	v17 =	vmul.f32 v55, v44;
	v23 =	vmul.f32 v55, v23;
	v56 =	vsub.f32 $1.000000000e+00, v18  }
0x350: {  	v24 =	vmul.f32 v55, v24;
	v57 =	vsub.f32 $1.000000000e+00, v19;
	v60 =	vsub.f32 $1.000000000e+00, v15  }
0x351: {  	v25 =	vmul.f32 v55, v25;
	v62 =	vsub.f32 $1.000000000e+00, v16;
	v37 =	vsub.f32 $1.000000000e+00, v20  }
0x352: {  	v28 =	vmul.f32 v55, v28;
	v38 =	vsub.f32 $1.000000000e+00, v21;
	v40 =	vsub.f32 $1.000000000e+00, v22  }
0x353: {  	v27 =	vmul.f32 v55, v53;
	v45 =	vsub.f32 $1.000000000e+00, v17;
	v46 =	vsub.f32 $1.000000000e+00, v23  }
0x354: {  	v55 =	vsel vm13, $0x4100, v12;
	v48 =	vsub.f32 $1.000000000e+00, v24;
	v50 =	vsub.f32 $1.000000000e+00, v25  }
0x355: {  	v54 =	vsub.f32 $1.000000000e+00, v28;
	v18 =	vsel vm15, v56, v18;
	v19 =	vsel vm4, v57, v19  }
0x356: {  	v15 =	vsel vm5, v60, v15;
	v16 =	vsel vm6, v62, v16;
	v20 =	vsel vm7, v37, v20  }
0x357: {  	v21 =	vsel vm8, v38, v21;
	v22 =	vsel vm9, v40, v22;
	v17 =	vsel vm10, v45, v17  }
0x358: {  	v23 =	vsel vm11, v46, v23;
	v24 =	vsel vm12, v48, v24;
	v25 =	vsel vm13, v50, v25  }
0x359: {  	v56 =	vsub.f32 $1.000000000e+00, v27;
	v57 =	vsel vm14, $0x4900, v13;
	vm15 =	veq.s32 v26, $0xC  }
0x35a: {  	v18 =	vshrl.u32 v18, $0xF;
	v19 =	vshrl.u32 v19, $0xF;
	v15 =	vshrl.u32 v15, $0xF  }
0x35b: {  	v16 =	vshrl.u32 v16, $0xF;
	v21 =	vshrl.u32 v21, $0xF;
	v20 =	vshrl.u32 v20, $0xF  }
0x35c: {  	v22 =	vshrl.u32 v22, $0xF;
	v17 =	vshrl.u32 v17, $0xF;
	v23 =	vshrl.u32 v23, $0xF  }
0x35d: {  	v24 =	vshrl.u32 v24, $0xF;
	v18 =	vmax.u32 v18, $0x7700;
	v19 =	vmax.u32 v19, $0x7700  }
0x35e: {  	v15 =	vmax.u32 v15, $0x7700;
	v16 =	vmax.u32 v16, $0x7700;
	v21 =	vmax.u32 v21, $0x7700  }
0x35f: {  	v20 =	vmax.u32 v20, $0x7700;
	v22 =	vmax.u32 v22, $0x7700;
	v17 =	vmax.u32 v17, $0x7700  }
0x360: {  	v23 =	vmax.u32 v23, $0x7700;
	v24 =	vmax.u32 v24, $0x7700;
	v18 =	vmin.u32 v18, $0x7EFF  }
0x361: {  	v19 =	vmin.u32 v19, $0x7EFF;
	v15 =	vmin.u32 v15, $0x7EFF;
	v16 =	vmin.u32 v16, $0x7EFF  }
0x362: {  	v21 =	vmin.u32 v21, $0x7EFF;
	v20 =	vmin.u32 v20, $0x7EFF;
	v31 =	vadd.s32 v59, v19  }
0x363: {  	v18 =	vadd.s32 v58, v18;
	v19 =	vand.u32 $0x7F, v19;
	v61 =	vand.u32 $0x7F80, v31  }
0x364: {  	v22 =	vmin.u32 v22, $0x7EFF;
	v17 =	vmin.u32 v17, $0x7EFF;
	v19 =	vor.u32 v19, v61  }
0x365: {  	v23 =	vmin.u32 v23, $0x7EFF;
	v15 =	vadd.s32 v63, v15;
	v16 =	vadd.s32 v36, v16  }
0x366: {  	v42 =	vadd.s32 v41, v21;
	v20 =	vadd.s32 v39, v20;
	v44 =	vadd.s32 v43, v22  }
0x367: {  	v21 =	vand.u32 $0x7F, v21;
	v22 =	vand.u32 $0x7F, v22;
	v29 =	vand.u32 $0xFFFFBF80, v42  }
0x368: {  	v17 =	vadd.s32 v47, v17;
	v31 =	vand.u32 $0xFFFFBF80, v44;
	v21 =	vor.u32 v21, v29;
	[tilespmem:v18+s21+$0x0] =	vst.idx.add.f32.msk $0xffff, v1  }
0x369: {  	v24 =	vmin.u32 v24, $0x7EFF;
	v23 =	vadd.s32 v49, v23;
	v22 =	vor.u32 v22, v31;
	[tilespmem:v19+s21+$0x0] =	vst.idx.add.f32.msk $0xffff, v1  }
0x36a: {  	v53 =	vshrl.u32 v25, $0xF;
	v52 =	vadd.s32 v51, v24;
	[tilespmem:v15+s21+$0x0] =	vst.idx.add.f32.msk $0xffff, v1;
	v15 =	vsel vm14, v54, v28  }
0x36b: {  	v58 =	vmax.u32 v53, $0x7700;
	v59 =	vsel vm15, v56, v27;
	[tilespmem:v16+s21+$0x0] =	vst.idx.add.f32.msk $0xffff, v1;
	v15 =	vshrl.u32 v15, $0xF  }
0x36c: {  	v60 =	vshrl.u32 v59, $0xF;
	v16 =	vmin.u32 v58, $0x7EFF;
	[tilespmem:v20+s21+$0x0] =	vst.idx.add.f32.msk $0xffff, v1;
	v15 =	vmax.u32 v15, $0x7700  }
0x36d: {  	v61 =	vmax.u32 v60, $0x7700;
	v16 =	vadd.s32 v55, v16;
	[tilespmem:v21+s21+$0x0] =	vst.idx.add.f32.msk $0xffff, v1;
	v15 =	vmin.u32 v15, $0x7EFF  }
0x36e: {  	s25 =	sadd.s32 $0x4, s25;
	v62 =	vsel vm15, $0x5100, v14;
	v19 =	vmin.u32 v61, $0x7EFF;
	[tilespmem:v22+s21+$0x0] =	vst.idx.add.f32.msk $0xffff, v1;
	v15 =	vadd.s32 v57, v15  }
0x36f: {  	p0 =	slt.u32 s25, $0x7C;
	v63 =	vadd.s32 v62, v19;
	[tilespmem:v17+s21+$0x0] =	vst.idx.add.f32.msk $0xffff, v1  }
.Ltmp2:
0x370: {  	[tilespmem:v23+s21+$0x0] =	vst.idx.add.f32.msk $0xffff, v1;
	(pc) =	sbr.rel @p0 .LBB2_7-.Ltmp2, $4  }
0x371: {  	[tilespmem:v52+s21+$0x0] =	vst.idx.add.f32.msk $0xffff, v1  }
0x372: {  	[tilespmem:v16+s21+$0x0] =	vst.idx.add.f32.msk $0xffff, v1  }
0x373: {  	[tilespmem:v15+s21+$0x0] =	vst.idx.add.f32.msk $0xffff, v1  }
0x374: {  	s28 =	sadd.s32 $0x40, s28;
	s26 =	sadd.s32 $0x100, s26;
	[tilespmem:v63+s21+$0x0] =	vst.idx.add.f32.msk $0xffff, v1  }
0x375: {  	s24 =	sadd.s32 $0x1, s24  }
0x376: {  	p0 =	sne.s32 s24, $0x8  }
.Ltmp3:
0x377: {  	_ = 	snop;
	(pc) =	sbr.rel @p0 .LBB2_4-.Ltmp3, $1  }
0x378: {  	_ =	sdelay $0x3  }
0x379: {  	s23 =	rddreg [dreg:$0x12]  }
0x37a: {  	s24 =	simm.s32 $0x80;
	s25 =	simm.s32 $0x400;
	s29 =	simm.s32 $0x3  }
0x37b: {  	[hbm4b:s23+s24] =	stream.strided.scatter [tilespmem:s21], [sflag:$0x3], $0xD000, s25, s24, $0x38;
	[tilespmem:$0x1B000] =	vst v63  }
0x37c: {  	_ =	swait.ge [sflag:s29], $0xD000  }
0x37d: {  	s30 =	rddreg [dreg:$0x3]  }
0x37e: {  	s31 =	rddreg [dreg:$0x13];
	s23 =	sadd.s32 $0x1, s30  }
0x37f: {  	p0 =	sne.s32 s23, s31  }
.Ltmp4:
0x380: {  	_ = 	snop;
	(pc) =	sbr.rel @p0 .LBB2_1-.Ltmp4, $3  }
0x381: {  	_ =	sdelay $0x1  }
0x382: {  	[sflag:s29] =	ssyncset.done $0x0  }
0x383: {  	[sflag:s29] =	ssyncadd.s32 $0xFFFF3000  }
0x384: {  	_ =	sfence.sel $0x180000  }
0x385: {  	[bflag:$0x0] =	sbarrier.arrive $0xFFFF  }
0x386: {  	_ =	strace $0x90000047  }
0x387: {  	s0 =	stileid.u32;
	[bflag:$0x2] =	sbarrier.arrive $0xFFFF  }
0x388: {  	p0 =	sne.s32 s0, $0x0;
	s0 =	rddreg [dreg:$0x2]  }
0x389: {  	s0 =	sadd.s32 @!p0 $0x100000, s0  }
0x38a: {  	[sflag:s0] =	ssyncadd.tile.s32 @!p0 $0x1;
	_ =	shalt  }
.Lfunc_end2:
_tile_overlayer_lowered:
.L_overlay_start_2:
0x38b: {  	(tag) =	ssettag $0x2  }
0x38c: {  	s0 =	rddreg [dreg:$0x0];
	s2 =	stileid.u32  }
0x38d: {  	s1 =	rddreg [dreg:$0x1];
	p0 =	sne.s32 s2, $0x0  }
0x38e: {  	s3 =	rddreg [dreg:$0x2];
	[bflag:$0x3] =	sbarrier.arrive $0xFFFF;
	s2 =	simm.s32 @!p0 $0x1C03  }
0x38f: {  	[timem:s3], [sflag:s2] =	dma.local @!p0 [hbm:s0], s1  }
0x390: {  	s0 =	simm.s32 @!p0 $0x3  }
0x391: {  	_ =	swait.ge @!p0 [sflag:s0], s1  }
0x392: {  	s1 =	ssub.s32 @!p0 $0x0, s1;
	[sflag:s0] =	ssyncset.done @!p0 $0x0  }
0x393: {  	[sflag:s0] =	ssyncadd.s32 @!p0 s1  }
0x394: {  	[bflag:$0x3] =	sbarrier.arrive $0xFFFF  }
0x395: {  	_ =	shalt  }

</sc_bundles>
